<compile_context>
chip_gen: v7x
topology: tpu7x:2x2x1
jax: 0.10.2.dev20260603
libtpu: 0.0.44.dev20260713+nightly
codegen_flags: <defaults>
</compile_context>

<pallas_src>
import jax
import jax.numpy as jnp
from jax import lax
from jax.experimental import pallas as pl
from jax.experimental.pallas import tpu as pltpu
from jax.experimental.pallas import tpu_sc as plsc

N_NODES = 10000
N_EDGES = 320000
D = 128
N_REL = 256

NC = 2
NS = 16
NW = NC * NS
EPW = N_EDGES // NW
CHUNK = 100
NCHUNK = EPW // CHUNK
NBATCH = 10
BCH = NCHUNK // NBATCH
HC = CHUNK // 2
ZCH = 80
RELPT = N_REL // NS
ROWS_BIG = 640
ROWS_LAST = N_NODES - (NS - 1) * ROWS_BIG


def _sc_body(x_hbm, src_hbm, dst_hbm, et_hbm, rel_hbm, out_hbm,
             srcb, etb, dstb, xbuf, rbuf, acc, negrel, semx, semsx, semr):
    c = lax.axis_index("c")
    s = lax.axis_index("s")
    w = c * NS + s

    def _zero_row(i, _):
        for k in range(D // 16):
            xbuf[0, i, pl.ds(k * 16, 16)] = jnp.zeros((16,), jnp.float32)
        return 0
    lax.fori_loop(0, ZCH, _zero_row, 0)
    zbuf = xbuf.at[0]

    @pl.when(s < NS - 1)
    def _():
        for k in range(ROWS_BIG // ZCH):
            off = pl.multiple_of(s * ROWS_BIG + k * ZCH, 8)
            pltpu.sync_copy(zbuf.at[pl.ds(0, ZCH)], acc.at[pl.ds(off, ZCH)])

    @pl.when(s == NS - 1)
    def _():
        for k in range(ROWS_LAST // ZCH):
            pltpu.sync_copy(
                zbuf.at[pl.ds(0, ZCH)],
                acc.at[pl.ds((NS - 1) * ROWS_BIG + k * ZCH, ZCH)])

    roff = pl.multiple_of(s * RELPT, 8)
    pltpu.sync_copy(rel_hbm.at[pl.ds(roff, RELPT)], negrel.at[pl.ds(roff, RELPT)])

    plsc.subcore_barrier()

    def _batch(b, _):
        pltpu.sync_copy(src_hbm.at[w, b], srcb)
        pltpu.sync_copy(dst_hbm.at[w, b], dstb)
        pltpu.sync_copy(et_hbm.at[w, b], etb)
        pltpu.async_copy(x_hbm.at[srcb.at[0]], xbuf.at[0], semx.at[0])

        def _chunk(jj, _):
            p = lax.rem(jj, 2)
            q = 1 - p

            for h in range(2):
                pltpu.async_copy(negrel.at[etb.at[jj, pl.ds(h * HC, HC)]],
                                 rbuf.at[h], semr.at[h])

            @pl.when(jj > 0)
            def _():
                pltpu.make_async_copy(xbuf.at[q], acc.at[dstb.at[jj - 1]],
                                      semsx.at[q]).wait()

            @pl.when(jj < BCH - 1)
            def _():
                pltpu.async_copy(x_hbm.at[srcb.at[jj + 1]], xbuf.at[q],
                                 semx.at[q])

            pltpu.make_async_copy(x_hbm.at[srcb.at[jj]], xbuf.at[p],
                                  semx.at[p]).wait()

            for h in range(2):
                pltpu.make_async_copy(negrel.at[etb.at[jj, pl.ds(h * HC, HC)]],
                                      rbuf.at[h], semr.at[h]).wait()

                for pp in range(2):
                    @pl.when(p == pp)
                    def _():
                        def _vrows(r, _):
                            for u in range(5):
                                rr = h * HC + r * 5 + u
                                for k in range(D // 16):
                                    sl = pl.ds(k * 16, 16)
                                    xbuf[pp, rr, sl] = (
                                        xbuf[pp, rr, sl]
                                        - rbuf[h, r * 5 + u, sl])
                            return 0
                        lax.fori_loop(0, HC // 5, _vrows, 0)

            pltpu.async_copy(xbuf.at[p], acc.at[dstb.at[jj]], semsx.at[p],
                             add=True)
            return 0
        lax.fori_loop(0, BCH, _chunk, 0)
        pltpu.make_async_copy(xbuf.at[(BCH - 1) % 2],
                              acc.at[dstb.at[BCH - 1]],
                              semsx.at[(BCH - 1) % 2]).wait()
        return 0
    lax.fori_loop(0, NBATCH, _batch, 0)

    plsc.subcore_barrier()

    @pl.when(s < NS - 1)
    def _():
        off = pl.multiple_of(s * ROWS_BIG, 8)
        pltpu.sync_copy(acc.at[pl.ds(off, ROWS_BIG)],
                        out_hbm.at[c, pl.ds(off, ROWS_BIG)])

    @pl.when(s == NS - 1)
    def _():
        off = (NS - 1) * ROWS_BIG
        pltpu.sync_copy(acc.at[pl.ds(off, ROWS_LAST)],
                        out_hbm.at[c, pl.ds(off, ROWS_LAST)])


_sc_agg = pl.kernel(
    _sc_body,
    mesh=plsc.VectorSubcoreMesh(core_axis_name="c", subcore_axis_name="s"),
    out_type=jax.ShapeDtypeStruct((NC, N_NODES, D), jnp.float32),
    scratch_types=[
        pltpu.VMEM((BCH, CHUNK), jnp.int32),
        pltpu.VMEM((BCH, CHUNK), jnp.int32),
        pltpu.VMEM((BCH, CHUNK), jnp.int32),
        pltpu.VMEM((2, CHUNK, D), jnp.float32),
        pltpu.VMEM((2, HC, D), jnp.float32),
        pltpu.VMEM_SHARED((N_NODES, D), jnp.float32),
        pltpu.VMEM_SHARED((N_REL, D), jnp.float32),
        pltpu.SemaphoreType.DMA((2,)),
        pltpu.SemaphoreType.DMA((2,)),
        pltpu.SemaphoreType.DMA((2,)),
    ],
)


BN = 2000


def _tc1_body(x_ref, rel_ref, ws_ref, wr_ref, b_ref, y0_ref, relout_ref):
    i = pl.program_id(0)
    dn = (((1,), (1,)), ((), ()))
    y0_ref[...] = lax.dot_general(x_ref[...], ws_ref[...], dn,
                                  preferred_element_type=jnp.float32) + b_ref[...]

    @pl.when(i == 0)
    def _():
        relout_ref[...] = lax.dot_general(rel_ref[...], wr_ref[...], dn,
                                          preferred_element_type=jnp.float32)


def _tc1(x, rel_emb, W_self, W_rel, bias2d):
    return pl.pallas_call(
        _tc1_body,
        grid=(N_NODES // BN,),
        in_specs=[
            pl.BlockSpec((BN, D), lambda i: (i, 0)),
            pl.BlockSpec((N_REL, D), lambda i: (0, 0)),
            pl.BlockSpec((D, D), lambda i: (0, 0)),
            pl.BlockSpec((D, D), lambda i: (0, 0)),
            pl.BlockSpec((1, D), lambda i: (0, 0)),
        ],
        out_specs=[
            pl.BlockSpec((BN, D), lambda i: (i, 0)),
            pl.BlockSpec((N_REL, D), lambda i: (0, 0)),
        ],
        out_shape=[
            jax.ShapeDtypeStruct((N_NODES, D), jnp.float32),
            jax.ShapeDtypeStruct((N_REL, D), jnp.float32),
        ],
    )(x, rel_emb, W_self, W_rel, bias2d)


def _tc2_body(y0_ref, part_ref, wf_ref, out_ref):
    dn = (((1,), (1,)), ((), ()))
    agg = part_ref[0] + part_ref[1]
    out_ref[...] = y0_ref[...] + lax.dot_general(
        agg, wf_ref[...], dn, preferred_element_type=jnp.float32)


def _tc2(y0, part, W_forward):
    return pl.pallas_call(
        _tc2_body,
        grid=(N_NODES // BN,),
        in_specs=[
            pl.BlockSpec((BN, D), lambda i: (i, 0)),
            pl.BlockSpec((NC, BN, D), lambda i: (0, i, 0)),
            pl.BlockSpec((D, D), lambda i: (0, 0)),
        ],
        out_specs=pl.BlockSpec((BN, D), lambda i: (i, 0)),
        out_shape=jax.ShapeDtypeStruct((N_NODES, D), jnp.float32),
    )(y0, part, W_forward)


def kernel(x, edge_index, edge_type, rel_emb, W_self, W_forward, W_rel, bias):
    e4 = (NW, NBATCH, BCH, CHUNK)
    y0, rel_out = _tc1(x, rel_emb, W_self, W_rel, bias.reshape(1, D))
    part = _sc_agg(x, edge_index[0].reshape(e4), edge_index[1].reshape(e4),
                   edge_type.reshape(e4), rel_emb)
    out = _tc2(y0, part, W_forward)
    return out, rel_out

# --- scband reference (transcript-rebuilt; emitter-appended) ---
"""Pipeline reference for scband-comp-gcnconv-18734647345720 (READ-ONLY COPY).

The authoritative reference and input builder live on the scoring server;
editing this copy changes nothing except your own understanding.
"""

import jax, jax.numpy as jnp
import numpy as np

N_NODES = 10000
N_EDGES = 320000
D = 128
N_REL = 256


def setup_inputs(seed: int = 0) -> dict:
    key = jax.random.key(seed)
    ks = jax.random.split(key, 8)
    x = jax.random.normal(ks[0], (N_NODES, D), dtype=jnp.float32)
    edge_index = jax.random.randint(ks[1], (2, N_EDGES), 0, N_NODES, dtype=jnp.int32)
    edge_type = jax.random.randint(ks[2], (N_EDGES,), 0, N_REL, dtype=jnp.int32)
    rel_emb = jax.random.normal(ks[3], (N_REL, D), dtype=jnp.float32)
    # Xavier-uniform-scale linear weights (out_channels, in_channels), no bias on linears
    s = float(np.sqrt(6.0 / (D + D)))
    W_self = jax.random.uniform(ks[4], (D, D), dtype=jnp.float32, minval=-s, maxval=s)
    W_forward = jax.random.uniform(ks[5], (D, D), dtype=jnp.float32, minval=-s, maxval=s)
    W_rel = jax.random.uniform(ks[6], (D, D), dtype=jnp.float32, minval=-s, maxval=s)
    bias = jnp.zeros((D,), dtype=jnp.float32)
    return {"x": x, "edge_index": edge_index, "edge_type": edge_type, "rel_emb": rel_emb,
            "W_self": W_self, "W_forward": W_forward, "W_rel": W_rel, "bias": bias}


def reference(x, edge_index, edge_type, rel_emb, W_self, W_forward, W_rel, bias):
    # out = W_self(x)
    out = x @ W_self.T
    # forward-mode chunked propagate (chunking is a memory optimization; math is one pass)
    src = edge_index[0]
    dst = edge_index[1]
    x_j = jnp.take(x, src, axis=0)            # gather src node features (E, D)
    rel = jnp.take(rel_emb, edge_type, axis=0)  # gather relation embeddings (E, D)
    msg = x_j - rel                            # comp_fn='sub'
    msg = msg @ W_forward.T                    # F.linear with W_forward.weight
    agg = jnp.zeros((x.shape[0], W_forward.shape[0]), dtype=x.dtype).at[dst].add(msg)  # scatter-add, aggr='add'
    out = out + agg + bias
    rel_emb_updated = rel_emb @ W_rel.T
    return (out, rel_emb_updated)

if __name__ == "__main__":
    import jax
    _d = setup_inputs()
    print(jax.jit(kernel)(*tuple(_d.values())))

</pallas_src>

<mosaic_0001>
#map = affine_map<(d0, d1) -> (0, 0)>
#map1 = affine_map<(d0, d1) -> (0, 0, 0, 0)>
#map2 = affine_map<(d0, d1) -> (0, 0, 0)>
module attributes {stable_mosaic.version = 14 : i64} {
  func.func @_sc_body(%arg0: i32, %arg1: i32, %arg2: memref<10000x128xf32, #tpu.memory_space<hbm>>, %arg3: memref<32x10x10x100xi32, #tpu.memory_space<hbm>>, %arg4: memref<32x10x10x100xi32, #tpu.memory_space<hbm>>, %arg5: memref<32x10x10x100xi32, #tpu.memory_space<hbm>>, %arg6: memref<256x128xf32, #tpu.memory_space<hbm>>, %arg7: memref<2x10000x128xf32, #tpu.memory_space<hbm>>, %arg8: memref<10x100xi32, #tpu.memory_space<vmem>>, %arg9: memref<10x100xi32, #tpu.memory_space<vmem>>, %arg10: memref<10x100xi32, #tpu.memory_space<vmem>>, %arg11: memref<2x100x128xf32, #tpu.memory_space<vmem>>, %arg12: memref<2x50x128xf32, #tpu.memory_space<vmem>>, %arg13: memref<10000x128xf32, #tpu.memory_space<vmem_shared>>, %arg14: memref<256x128xf32, #tpu.memory_space<vmem_shared>>, %arg15: memref<2x!tpu.dma_semaphore, #tpu.memory_space<semaphore_mem>>, %arg16: memref<2x!tpu.dma_semaphore, #tpu.memory_space<semaphore_mem>>, %arg17: memref<2x!tpu.dma_semaphore, #tpu.memory_space<semaphore_mem>>) attributes {dimension_semantics = [#tpu.dimension_semantics<core_parallel>, #tpu.dimension_semantics<subcore_parallel>], iteration_bounds = array<i64: 2, 16>, scalar_prefetch = 0 : i64, scratch_operands = 10 : i64, tpu.core_type = #tpu.core_type<sc_vector_subcore>, window_params = [{transform_indices = #map}, {transform_indices = #map1}, {transform_indices = #map1}, {transform_indices = #map1}, {transform_indices = #map}, {transform_indices = #map2}]} {
    %mul3A = arith.constant 16 : i32
    %mul3A_0 = arith.muli %arg0, %mul3A : i32
    %add3A = arith.addi %mul3A_0, %arg1 : i32
    %scan3A = arith.constant 0 : i32
    %scan3A_1 = arith.constant 0 : i32
    %scan3A_2 = arith.constant 80 : i32
    %scan3A_3 = arith.addi %scan3A_1, %scan3A_2 : i32
    %scan3A_4 = arith.constant 1 : i32
    %scan3A_5 = scf.for %scan3A_35 = %scan3A_1 to %scan3A_3 step %scan3A_4 iter_args(%scan3A_36 = %scan3A) -> (i32)  : i32 {
      %broadcast_in_dim3A = arith.constant 0.000000e+00 : f32
      %broadcast_in_dim3A_37 = vector.broadcast %broadcast_in_dim3A : f32 to vector<16xf32>
      %swap3A = arith.constant 0 : i32
      %swap3A_38 = arith.index_cast %swap3A : i32 to index
      %swap3A_39 = arith.index_cast %scan3A_35 : i32 to index
      %swap3A_40 = arith.constant 0 : index
      %swap3A_41 = tpu.vector_load %arg11[%swap3A_38, %swap3A_39, %swap3A_40] {strides = array<i32>} : memref<2x100x128xf32, #tpu.memory_space<vmem>>, vector<1x1x16xf32>,
      %swap3A_42 = vector.shape_cast %swap3A_41 : vector<1x1x16xf32> to vector<16xf32>
      %swap3A_43 = vector.shape_cast %broadcast_in_dim3A_37 : vector<16xf32> to vector<1x1x16xf32>
      tpu.vector_store %arg11[%swap3A_38, %swap3A_39, %swap3A_40], %swap3A_43 {strides = array<i32>} : memref<2x100x128xf32, #tpu.memory_space<vmem>>, vector<1x1x16xf32>,
      %broadcast_in_dim3A_44 = arith.constant 0.000000e+00 : f32
      %broadcast_in_dim3A_45 = vector.broadcast %broadcast_in_dim3A_44 : f32 to vector<16xf32>
      %swap3A_46 = arith.constant 0 : i32
      %swap3A_47 = arith.index_cast %swap3A_46 : i32 to index
      %swap3A_48 = arith.index_cast %scan3A_35 : i32 to index
      %swap3A_49 = arith.constant 16 : index
      %swap3A_50 = tpu.vector_load %arg11[%swap3A_47, %swap3A_48, %swap3A_49] {strides = array<i32>} : memref<2x100x128xf32, #tpu.memory_space<vmem>>, vector<1x1x16xf32>,
      %swap3A_51 = vector.shape_cast %swap3A_50 : vector<1x1x16xf32> to vector<16xf32>
      %swap3A_52 = vector.shape_cast %broadcast_in_dim3A_45 : vector<16xf32> to vector<1x1x16xf32>
      tpu.vector_store %arg11[%swap3A_47, %swap3A_48, %swap3A_49], %swap3A_52 {strides = array<i32>} : memref<2x100x128xf32, #tpu.memory_space<vmem>>, vector<1x1x16xf32>,
      %broadcast_in_dim3A_53 = arith.constant 0.000000e+00 : f32
      %broadcast_in_dim3A_54 = vector.broadcast %broadcast_in_dim3A_53 : f32 to vector<16xf32>
      %swap3A_55 = arith.constant 0 : i32
      %swap3A_56 = arith.index_cast %swap3A_55 : i32 to index
      %swap3A_57 = arith.index_cast %scan3A_35 : i32 to index
      %swap3A_58 = arith.constant 32 : index
      %swap3A_59 = tpu.vector_load %arg11[%swap3A_56, %swap3A_57, %swap3A_58] {strides = array<i32>} : memref<2x100x128xf32, #tpu.memory_space<vmem>>, vector<1x1x16xf32>,
      %swap3A_60 = vector.shape_cast %swap3A_59 : vector<1x1x16xf32> to vector<16xf32>
      %swap3A_61 = vector.shape_cast %broadcast_in_dim3A_54 : vector<16xf32> to vector<1x1x16xf32>
      tpu.vector_store %arg11[%swap3A_56, %swap3A_57, %swap3A_58], %swap3A_61 {strides = array<i32>} : memref<2x100x128xf32, #tpu.memory_space<vmem>>, vector<1x1x16xf32>,
      %broadcast_in_dim3A_62 = arith.constant 0.000000e+00 : f32
      %broadcast_in_dim3A_63 = vector.broadcast %broadcast_in_dim3A_62 : f32 to vector<16xf32>
      %swap3A_64 = arith.constant 0 : i32
      %swap3A_65 = arith.index_cast %swap3A_64 : i32 to index
      %swap3A_66 = arith.index_cast %scan3A_35 : i32 to index
      %swap3A_67 = arith.constant 48 : index
      %swap3A_68 = tpu.vector_load %arg11[%swap3A_65, %swap3A_66, %swap3A_67] {strides = array<i32>} : memref<2x100x128xf32, #tpu.memory_space<vmem>>, vector<1x1x16xf32>,
      %swap3A_69 = vector.shape_cast %swap3A_68 : vector<1x1x16xf32> to vector<16xf32>
      %swap3A_70 = vector.shape_cast %broadcast_in_dim3A_63 : vector<16xf32> to vector<1x1x16xf32>
      tpu.vector_store %arg11[%swap3A_65, %swap3A_66, %swap3A_67], %swap3A_70 {strides = array<i32>} : memref<2x100x128xf32, #tpu.memory_space<vmem>>, vector<1x1x16xf32>,
      %broadcast_in_dim3A_71 = arith.constant 0.000000e+00 : f32
      %broadcast_in_dim3A_72 = vector.broadcast %broadcast_in_dim3A_71 : f32 to vector<16xf32>
      %swap3A_73 = arith.constant 0 : i32
      %swap3A_74 = arith.index_cast %swap3A_73 : i32 to index
      %swap3A_75 = arith.index_cast %scan3A_35 : i32 to index
      %swap3A_76 = arith.constant 64 : index
      %swap3A_77 = tpu.vector_load %arg11[%swap3A_74, %swap3A_75, %swap3A_76] {strides = array<i32>} : memref<2x100x128xf32, #tpu.memory_space<vmem>>, vector<1x1x16xf32>,
      %swap3A_78 = vector.shape_cast %swap3A_77 : vector<1x1x16xf32> to vector<16xf32>
      %swap3A_79 = vector.shape_cast %broadcast_in_dim3A_72 : vector<16xf32> to vector<1x1x16xf32>
      tpu.vector_store %arg11[%swap3A_74, %swap3A_75, %swap3A_76], %swap3A_79 {strides = array<i32>} : memref<2x100x128xf32, #tpu.memory_space<vmem>>, vector<1x1x16xf32>,
      %broadcast_in_dim3A_80 = arith.constant 0.000000e+00 : f32
      %broadcast_in_dim3A_81 = vector.broadcast %broadcast_in_dim3A_80 : f32 to vector<16xf32>
      %swap3A_82 = arith.constant 0 : i32
      %swap3A_83 = arith.index_cast %swap3A_82 : i32 to index
      %swap3A_84 = arith.index_cast %scan3A_35 : i32 to index
      %swap3A_85 = arith.constant 80 : index
      %swap3A_86 = tpu.vector_load %arg11[%swap3A_83, %swap3A_84, %swap3A_85] {strides = array<i32>} : memref<2x100x128xf32, #tpu.memory_space<vmem>>, vector<1x1x16xf32>,
      %swap3A_87 = vector.shape_cast %swap3A_86 : vector<1x1x16xf32> to vector<16xf32>
      %swap3A_88 = vector.shape_cast %broadcast_in_dim3A_81 : vector<16xf32> to vector<1x1x16xf32>
      tpu.vector_store %arg11[%swap3A_83, %swap3A_84, %swap3A_85], %swap3A_88 {strides = array<i32>} : memref<2x100x128xf32, #tpu.memory_space<vmem>>, vector<1x1x16xf32>,
      %broadcast_in_dim3A_89 = arith.constant 0.000000e+00 : f32
      %broadcast_in_dim3A_90 = vector.broadcast %broadcast_in_dim3A_89 : f32 to vector<16xf32>
      %swap3A_91 = arith.constant 0 : i32
      %swap3A_92 = arith.index_cast %swap3A_91 : i32 to index
      %swap3A_93 = arith.index_cast %scan3A_35 : i32 to index
      %swap3A_94 = arith.constant 96 : index
      %swap3A_95 = tpu.vector_load %arg11[%swap3A_92, %swap3A_93, %swap3A_94] {strides = array<i32>} : memref<2x100x128xf32, #tpu.memory_space<vmem>>, vector<1x1x16xf32>,
      %swap3A_96 = vector.shape_cast %swap3A_95 : vector<1x1x16xf32> to vector<16xf32>
      %swap3A_97 = vector.shape_cast %broadcast_in_dim3A_90 : vector<16xf32> to vector<1x1x16xf32>
      tpu.vector_store %arg11[%swap3A_92, %swap3A_93, %swap3A_94], %swap3A_97 {strides = array<i32>} : memref<2x100x128xf32, #tpu.memory_space<vmem>>, vector<1x1x16xf32>,
      %broadcast_in_dim3A_98 = arith.constant 0.000000e+00 : f32
      %broadcast_in_dim3A_99 = vector.broadcast %broadcast_in_dim3A_98 : f32 to vector<16xf32>
      %swap3A_100 = arith.constant 0 : i32
      %swap3A_101 = arith.index_cast %swap3A_100 : i32 to index
      %swap3A_102 = arith.index_cast %scan3A_35 : i32 to index
      %swap3A_103 = arith.constant 112 : index
      %swap3A_104 = tpu.vector_load %arg11[%swap3A_101, %swap3A_102, %swap3A_103] {strides = array<i32>} : memref<2x100x128xf32, #tpu.memory_space<vmem>>, vector<1x1x16xf32>,
      %swap3A_105 = vector.shape_cast %swap3A_104 : vector<1x1x16xf32> to vector<16xf32>
      %swap3A_106 = vector.shape_cast %broadcast_in_dim3A_99 : vector<16xf32> to vector<1x1x16xf32>
      tpu.vector_store %arg11[%swap3A_101, %swap3A_102, %swap3A_103], %swap3A_106 {strides = array<i32>} : memref<2x100x128xf32, #tpu.memory_space<vmem>>, vector<1x1x16xf32>,
      %scan3A_107 = arith.constant 0 : i32
      scf.yield %scan3A_107 : i32
    }
    %scan3A_6 = arith.constant 80 : i32
    %lt3A = arith.constant 15 : i32
    %lt3A_7 = arith.cmpi slt, %arg1, %lt3A : i32
    %convert_element_type3A = arith.extui %lt3A_7 : i1 to i32
    %cond3A = arith.constant 0 : i32
    %cond3A_8 = arith.constant 0 : i32
    %cond3A_9 = arith.cmpi ne, %convert_element_type3A, %cond3A_8 : i32
    scf.if %cond3A_9 {
      %mul3A_35 = arith.constant 640 : i32
      %mul3A_36 = arith.muli %arg1, %mul3A_35 : i32
      %add3A_37 = arith.constant 0 : i32
      %add3A_38 = arith.addi %mul3A_36, %add3A_37 : i32
      %multiple_of3A_39 = tpu.assume_multiple %add3A_38, 8 : i32
      "tpu.region"() ({
        %run_scoped3A = tpu.sem_alloc : memref<!tpu.dma_semaphore, #tpu.memory_space<semaphore_mem>>
        %dma_start3A = arith.constant 0 : i32
        %dma_start3A_75 = arith.constant 0 : i32
        %dma_start3A_76 = tpu.memref_slice %arg11[%cond3A, %dma_start3A, %dma_start3A_75] : memref<2x100x128xf32, #tpu.memory_space<vmem>> -> memref<1x100x128xf32, #tpu.memory_space<vmem>>
        %dma_start3A_77 = tpu.memref_squeeze %dma_start3A_76 : memref<1x100x128xf32, #tpu.memory_space<vmem>> -> memref<100x128xf32, #tpu.memory_space<vmem>>
        %dma_start3A_78 = arith.constant 0 : i32
        %dma_start3A_79 = arith.constant 0 : i32
        %dma_start3A_80 = tpu.memref_slice %dma_start3A_77[%dma_start3A_78, %dma_start3A_79] : memref<100x128xf32, #tpu.memory_space<vmem>> -> memref<80x128xf32, #tpu.memory_space<vmem>>
        %dma_start3A_81 = arith.constant 0 : i32
        %dma_start3A_82 = tpu.memref_slice %arg13[%multiple_of3A_39, %dma_start3A_81] : memref<10000x128xf32, #tpu.memory_space<vmem_shared>> -> memref<80x128xf32, #tpu.memory_space<vmem_shared>>
        %dma_start3A_83 = arith.constant 0 : i32
        %dma_start3A_84 = tpu.memref_slice %arg13[%multiple_of3A_39, %dma_start3A_83] : memref<10000x128xf32, #tpu.memory_space<vmem_shared>> -> memref<80x128xf32, #tpu.memory_space<vmem_shared>>
        %dma_start3A_85 = arith.constant 0 : i32
        %dma_start3A_86 = arith.constant 0 : i32
        %dma_start3A_87 = tpu.memref_slice %arg11[%cond3A, %dma_start3A_85, %dma_start3A_86] : memref<2x100x128xf32, #tpu.memory_space<vmem>> -> memref<1x100x128xf32, #tpu.memory_space<vmem>>
        %dma_start3A_88 = tpu.memref_squeeze %dma_start3A_87 : memref<1x100x128xf32, #tpu.memory_space<vmem>> -> memref<100x128xf32, #tpu.memory_space<vmem>>
        %dma_start3A_89 = arith.constant 0 : i32
        %dma_start3A_90 = arith.constant 0 : i32
        %dma_start3A_91 = tpu.memref_slice %dma_start3A_88[%dma_start3A_89, %dma_start3A_90] : memref<100x128xf32, #tpu.memory_space<vmem>> -> memref<80x128xf32, #tpu.memory_space<vmem>>
        tpu.enqueue_dma source(%dma_start3A_91 : memref<80x128xf32, #tpu.memory_space<vmem>>) target(%dma_start3A_84 : memref<80x128xf32, #tpu.memory_space<vmem_shared>>) target_semaphore(%run_scoped3A : memref<!tpu.dma_semaphore, #tpu.memory_space<semaphore_mem>>)
        %dma_wait3A = arith.constant 0 : i32
        %dma_wait3A_92 = arith.constant 0 : i32
        %dma_wait3A_93 = tpu.memref_slice %arg11[%cond3A, %dma_wait3A, %dma_wait3A_92] : memref<2x100x128xf32, #tpu.memory_space<vmem>> -> memref<1x100x128xf32, #tpu.memory_space<vmem>>
        %dma_wait3A_94 = tpu.memref_squeeze %dma_wait3A_93 : memref<1x100x128xf32, #tpu.memory_space<vmem>> -> memref<100x128xf32, #tpu.memory_space<vmem>>
        %dma_wait3A_95 = arith.constant 0 : i32
        %dma_wait3A_96 = arith.constant 0 : i32
        %dma_wait3A_97 = tpu.memref_slice %dma_wait3A_94[%dma_wait3A_95, %dma_wait3A_96] : memref<100x128xf32, #tpu.memory_space<vmem>> -> memref<80x128xf32, #tpu.memory_space<vmem>>
        %dma_wait3A_98 = arith.constant 0 : i32
        %dma_wait3A_99 = tpu.memref_slice %arg13[%multiple_of3A_39, %dma_wait3A_98] : memref<10000x128xf32, #tpu.memory_space<vmem_shared>> -> memref<80x128xf32, #tpu.memory_space<vmem_shared>>
        %dma_wait3A_100 = arith.constant 0 : i32
        %dma_wait3A_101 = tpu.memref_slice %arg13[%multiple_of3A_39, %dma_wait3A_100] : memref<10000x128xf32, #tpu.memory_space<vmem_shared>> -> memref<80x128xf32, #tpu.memory_space<vmem_shared>>
        %dma_wait3A_102 = arith.constant 0 : i32
        %dma_wait3A_103 = arith.constant 0 : i32
        %dma_wait3A_104 = tpu.memref_slice %arg11[%cond3A, %dma_wait3A_102, %dma_wait3A_103] : memref<2x100x128xf32, #tpu.memory_space<vmem>> -> memref<1x100x128xf32, #tpu.memory_space<vmem>>
        %dma_wait3A_105 = tpu.memref_squeeze %dma_wait3A_104 : memref<1x100x128xf32, #tpu.memory_space<vmem>> -> memref<100x128xf32, #tpu.memory_space<vmem>>
        %dma_wait3A_106 = arith.constant 0 : i32
        %dma_wait3A_107 = arith.constant 0 : i32
        %dma_wait3A_108 = tpu.memref_slice %dma_wait3A_105[%dma_wait3A_106, %dma_wait3A_107] : memref<100x128xf32, #tpu.memory_space<vmem>> -> memref<80x128xf32, #tpu.memory_space<vmem>>
        tpu.wait_dma2 semaphore(%run_scoped3A : memref<!tpu.dma_semaphore, #tpu.memory_space<semaphore_mem>>) src(%dma_wait3A_108 : memref<80x128xf32, #tpu.memory_space<vmem>>) dst(%dma_wait3A_101 : memref<80x128xf32, #tpu.memory_space<vmem_shared>>)
        tpu.yield
      }) : () -> ()
      %mul3A_40 = arith.constant 640 : i32
      %mul3A_41 = arith.muli %arg1, %mul3A_40 : i32
      %add3A_42 = arith.constant 80 : i32
      %add3A_43 = arith.addi %mul3A_41, %add3A_42 : i32
      %multiple_of3A_44 = tpu.assume_multiple %add3A_43, 8 : i32
      "tpu.region"() ({
        %run_scoped3A = tpu.sem_alloc : memref<!tpu.dma_semaphore, #tpu.memory_space<semaphore_mem>>
        %dma_start3A = arith.constant 0 : i32
        %dma_start3A_75 = arith.constant 0 : i32
        %dma_start3A_76 = tpu.memref_slice %arg11[%cond3A, %dma_start3A, %dma_start3A_75] : memref<2x100x128xf32, #tpu.memory_space<vmem>> -> memref<1x100x128xf32, #tpu.memory_space<vmem>>
        %dma_start3A_77 = tpu.memref_squeeze %dma_start3A_76 : memref<1x100x128xf32, #tpu.memory_space<vmem>> -> memref<100x128xf32, #tpu.memory_space<vmem>>
        %dma_start3A_78 = arith.constant 0 : i32
        %dma_start3A_79 = arith.constant 0 : i32
        %dma_start3A_80 = tpu.memref_slice %dma_start3A_77[%dma_start3A_78, %dma_start3A_79] : memref<100x128xf32, #tpu.memory_space<vmem>> -> memref<80x128xf32, #tpu.memory_space<vmem>>
        %dma_start3A_81 = arith.constant 0 : i32
        %dma_start3A_82 = tpu.memref_slice %arg13[%multiple_of3A_44, %dma_start3A_81] : memref<10000x128xf32, #tpu.memory_space<vmem_shared>> -> memref<80x128xf32, #tpu.memory_space<vmem_shared>>
        %dma_start3A_83 = arith.constant 0 : i32
        %dma_start3A_84 = tpu.memref_slice %arg13[%multiple_of3A_44, %dma_start3A_83] : memref<10000x128xf32, #tpu.memory_space<vmem_shared>> -> memref<80x128xf32, #tpu.memory_space<vmem_shared>>
        %dma_start3A_85 = arith.constant 0 : i32
        %dma_start3A_86 = arith.constant 0 : i32
        %dma_start3A_87 = tpu.memref_slice %arg11[%cond3A, %dma_start3A_85, %dma_start3A_86] : memref<2x100x128xf32, #tpu.memory_space<vmem>> -> memref<1x100x128xf32, #tpu.memory_space<vmem>>
        %dma_start3A_88 = tpu.memref_squeeze %dma_start3A_87 : memref<1x100x128xf32, #tpu.memory_space<vmem>> -> memref<100x128xf32, #tpu.memory_space<vmem>>
        %dma_start3A_89 = arith.constant 0 : i32
        %dma_start3A_90 = arith.constant 0 : i32
        %dma_start3A_91 = tpu.memref_slice %dma_start3A_88[%dma_start3A_89, %dma_start3A_90] : memref<100x128xf32, #tpu.memory_space<vmem>> -> memref<80x128xf32, #tpu.memory_space<vmem>>
        tpu.enqueue_dma source(%dma_start3A_91 : memref<80x128xf32, #tpu.memory_space<vmem>>) target(%dma_start3A_84 : memref<80x128xf32, #tpu.memory_space<vmem_shared>>) target_semaphore(%run_scoped3A : memref<!tpu.dma_semaphore, #tpu.memory_space<semaphore_mem>>)
        %dma_wait3A = arith.constant 0 : i32
        %dma_wait3A_92 = arith.constant 0 : i32
        %dma_wait3A_93 = tpu.memref_slice %arg11[%cond3A, %dma_wait3A, %dma_wait3A_92] : memref<2x100x128xf32, #tpu.memory_space<vmem>> -> memref<1x100x128xf32, #tpu.memory_space<vmem>>
        %dma_wait3A_94 = tpu.memref_squeeze %dma_wait3A_93 : memref<1x100x128xf32, #tpu.memory_space<vmem>> -> memref<100x128xf32, #tpu.memory_space<vmem>>
        %dma_wait3A_95 = arith.constant 0 : i32
        %dma_wait3A_96 = arith.constant 0 : i32
        %dma_wait3A_97 = tpu.memref_slice %dma_wait3A_94[%dma_wait3A_95, %dma_wait3A_96] : memref<100x128xf32, #tpu.memory_space<vmem>> -> memref<80x128xf32, #tpu.memory_space<vmem>>
        %dma_wait3A_98 = arith.constant 0 : i32
        %dma_wait3A_99 = tpu.memref_slice %arg13[%multiple_of3A_44, %dma_wait3A_98] : memref<10000x128xf32, #tpu.memory_space<vmem_shared>> -> memref<80x128xf32, #tpu.memory_space<vmem_shared>>
        %dma_wait3A_100 = arith.constant 0 : i32
        %dma_wait3A_101 = tpu.memref_slice %arg13[%multiple_of3A_44, %dma_wait3A_100] : memref<10000x128xf32, #tpu.memory_space<vmem_shared>> -> memref<80x128xf32, #tpu.memory_space<vmem_shared>>
        %dma_wait3A_102 = arith.constant 0 : i32
        %dma_wait3A_103 = arith.constant 0 : i32
        %dma_wait3A_104 = tpu.memref_slice %arg11[%cond3A, %dma_wait3A_102, %dma_wait3A_103] : memref<2x100x128xf32, #tpu.memory_space<vmem>> -> memref<1x100x128xf32, #tpu.memory_space<vmem>>
        %dma_wait3A_105 = tpu.memref_squeeze %dma_wait3A_104 : memref<1x100x128xf32, #tpu.memory_space<vmem>> -> memref<100x128xf32, #tpu.memory_space<vmem>>
        %dma_wait3A_106 = arith.constant 0 : i32
        %dma_wait3A_107 = arith.constant 0 : i32
        %dma_wait3A_108 = tpu.memref_slice %dma_wait3A_105[%dma_wait3A_106, %dma_wait3A_107] : memref<100x128xf32, #tpu.memory_space<vmem>> -> memref<80x128xf32, #tpu.memory_space<vmem>>
        tpu.wait_dma2 semaphore(%run_scoped3A : memref<!tpu.dma_semaphore, #tpu.memory_space<semaphore_mem>>) src(%dma_wait3A_108 : memref<80x128xf32, #tpu.memory_space<vmem>>) dst(%dma_wait3A_101 : memref<80x128xf32, #tpu.memory_space<vmem_shared>>)
        tpu.yield
      }) : () -> ()
      %mul3A_45 = arith.constant 640 : i32
      %mul3A_46 = arith.muli %arg1, %mul3A_45 : i32
      %add3A_47 = arith.constant 160 : i32
      %add3A_48 = arith.addi %mul3A_46, %add3A_47 : i32
      %multiple_of3A_49 = tpu.assume_multiple %add3A_48, 8 : i32
      "tpu.region"() ({
        %run_scoped3A = tpu.sem_alloc : memref<!tpu.dma_semaphore, #tpu.memory_space<semaphore_mem>>
        %dma_start3A = arith.constant 0 : i32
        %dma_start3A_75 = arith.constant 0 : i32
        %dma_start3A_76 = tpu.memref_slice %arg11[%cond3A, %dma_start3A, %dma_start3A_75] : memref<2x100x128xf32, #tpu.memory_space<vmem>> -> memref<1x100x128xf32, #tpu.memory_space<vmem>>
        %dma_start3A_77 = tpu.memref_squeeze %dma_start3A_76 : memref<1x100x128xf32, #tpu.memory_space<vmem>> -> memref<100x128xf32, #tpu.memory_space<vmem>>
        %dma_start3A_78 = arith.constant 0 : i32
        %dma_start3A_79 = arith.constant 0 : i32
        %dma_start3A_80 = tpu.memref_slice %dma_start3A_77[%dma_start3A_78, %dma_start3A_79] : memref<100x128xf32, #tpu.memory_space<vmem>> -> memref<80x128xf32, #tpu.memory_space<vmem>>
        %dma_start3A_81 = arith.constant 0 : i32
        %dma_start3A_82 = tpu.memref_slice %arg13[%multiple_of3A_49, %dma_start3A_81] : memref<10000x128xf32, #tpu.memory_space<vmem_shared>> -> memref<80x128xf32, #tpu.memory_space<vmem_shared>>
        %dma_start3A_83 = arith.constant 0 : i32
        %dma_start3A_84 = tpu.memref_slice %arg13[%multiple_of3A_49, %dma_start3A_83] : memref<10000x128xf32, #tpu.memory_space<vmem_shared>> -> memref<80x128xf32, #tpu.memory_space<vmem_shared>>
        %dma_start3A_85 = arith.constant 0 : i32
        %dma_start3A_86 = arith.constant 0 : i32
        %dma_start3A_87 = tpu.memref_slice %arg11[%cond3A, %dma_start3A_85, %dma_start3A_86] : memref<2x100x128xf32, #tpu.memory_space<vmem>> -> memref<1x100x128xf32, #tpu.memory_space<vmem>>
        %dma_start3A_88 = tpu.memref_squeeze %dma_start3A_87 : memref<1x100x128xf32, #tpu.memory_space<vmem>> -> memref<100x128xf32, #tpu.memory_space<vmem>>
        %dma_start3A_89 = arith.constant 0 : i32
        %dma_start3A_90 = arith.constant 0 : i32
        %dma_start3A_91 = tpu.memref_slice %dma_start3A_88[%dma_start3A_89, %dma_start3A_90] : memref<100x128xf32, #tpu.memory_space<vmem>> -> memref<80x128xf32, #tpu.memory_space<vmem>>
        tpu.enqueue_dma source(%dma_start3A_91 : memref<80x128xf32, #tpu.memory_space<vmem>>) target(%dma_start3A_84 : memref<80x128xf32, #tpu.memory_space<vmem_shared>>) target_semaphore(%run_scoped3A : memref<!tpu.dma_semaphore, #tpu.memory_space<semaphore_mem>>)
        %dma_wait3A = arith.constant 0 : i32
        %dma_wait3A_92 = arith.constant 0 : i32
        %dma_wait3A_93 = tpu.memref_slice %arg11[%cond3A, %dma_wait3A, %dma_wait3A_92] : memref<2x100x128xf32, #tpu.memory_space<vmem>> -> memref<1x100x128xf32, #tpu.memory_space<vmem>>
        %dma_wait3A_94 = tpu.memref_squeeze %dma_wait3A_93 : memref<1x100x128xf32, #tpu.memory_space<vmem>> -> memref<100x128xf32, #tpu.memory_space<vmem>>
        %dma_wait3A_95 = arith.constant 0 : i32
        %dma_wait3A_96 = arith.constant 0 : i32
        %dma_wait3A_97 = tpu.memref_slice %dma_wait3A_94[%dma_wait3A_95, %dma_wait3A_96] : memref<100x128xf32, #tpu.memory_space<vmem>> -> memref<80x128xf32, #tpu.memory_space<vmem>>
        %dma_wait3A_98 = arith.constant 0 : i32
        %dma_wait3A_99 = tpu.memref_slice %arg13[%multiple_of3A_49, %dma_wait3A_98] : memref<10000x128xf32, #tpu.memory_space<vmem_shared>> -> memref<80x128xf32, #tpu.memory_space<vmem_shared>>
        %dma_wait3A_100 = arith.constant 0 : i32
        %dma_wait3A_101 = tpu.memref_slice %arg13[%multiple_of3A_49, %dma_wait3A_100] : memref<10000x128xf32, #tpu.memory_space<vmem_shared>> -> memref<80x128xf32, #tpu.memory_space<vmem_shared>>
        %dma_wait3A_102 = arith.constant 0 : i32
        %dma_wait3A_103 = arith.constant 0 : i32
        %dma_wait3A_104 = tpu.memref_slice %arg11[%cond3A, %dma_wait3A_102, %dma_wait3A_103] : memref<2x100x128xf32, #tpu.memory_space<vmem>> -> memref<1x100x128xf32, #tpu.memory_space<vmem>>
        %dma_wait3A_105 = tpu.memref_squeeze %dma_wait3A_104 : memref<1x100x128xf32, #tpu.memory_space<vmem>> -> memref<100x128xf32, #tpu.memory_space<vmem>>
        %dma_wait3A_106 = arith.constant 0 : i32
        %dma_wait3A_107 = arith.constant 0 : i32
        %dma_wait3A_108 = tpu.memref_slice %dma_wait3A_105[%dma_wait3A_106, %dma_wait3A_107] : memref<100x128xf32, #tpu.memory_space<vmem>> -> memref<80x128xf32, #tpu.memory_space<vmem>>
        tpu.wait_dma2 semaphore(%run_scoped3A : memref<!tpu.dma_semaphore, #tpu.memory_space<semaphore_mem>>) src(%dma_wait3A_108 : memref<80x128xf32, #tpu.memory_space<vmem>>) dst(%dma_wait3A_101 : memref<80x128xf32, #tpu.memory_space<vmem_shared>>)
        tpu.yield
      }) : () -> ()
      %mul3A_50 = arith.constant 640 : i32
      %mul3A_51 = arith.muli %arg1, %mul3A_50 : i32
      %add3A_52 = arith.constant 240 : i32
      %add3A_53 = arith.addi %mul3A_51, %add3A_52 : i32
      %multiple_of3A_54 = tpu.assume_multiple %add3A_53, 8 : i32
      "tpu.region"() ({
        %run_scoped3A = tpu.sem_alloc : memref<!tpu.dma_semaphore, #tpu.memory_space<semaphore_mem>>
        %dma_start3A = arith.constant 0 : i32
        %dma_start3A_75 = arith.constant 0 : i32
        %dma_start3A_76 = tpu.memref_slice %arg11[%cond3A, %dma_start3A, %dma_start3A_75] : memref<2x100x128xf32, #tpu.memory_space<vmem>> -> memref<1x100x128xf32, #tpu.memory_space<vmem>>
        %dma_start3A_77 = tpu.memref_squeeze %dma_start3A_76 : memref<1x100x128xf32, #tpu.memory_space<vmem>> -> memref<100x128xf32, #tpu.memory_space<vmem>>
        %dma_start3A_78 = arith.constant 0 : i32
        %dma_start3A_79 = arith.constant 0 : i32
        %dma_start3A_80 = tpu.memref_slice %dma_start3A_77[%dma_start3A_78, %dma_start3A_79] : memref<100x128xf32, #tpu.memory_space<vmem>> -> memref<80x128xf32, #tpu.memory_space<vmem>>
        %dma_start3A_81 = arith.constant 0 : i32
        %dma_start3A_82 = tpu.memref_slice %arg13[%multiple_of3A_54, %dma_start3A_81] : memref<10000x128xf32, #tpu.memory_space<vmem_shared>> -> memref<80x128xf32, #tpu.memory_space<vmem_shared>>
        %dma_start3A_83 = arith.constant 0 : i32
        %dma_start3A_84 = tpu.memref_slice %arg13[%multiple_of3A_54, %dma_start3A_83] : memref<10000x128xf32, #tpu.memory_space<vmem_shared>> -> memref<80x128xf32, #tpu.memory_space<vmem_shared>>
        %dma_start3A_85 = arith.constant 0 : i32
        %dma_start3A_86 = arith.constant 0 : i32
        %dma_start3A_87 = tpu.memref_slice %arg11[%cond3A, %dma_start3A_85, %dma_start3A_86] : memref<2x100x128xf32, #tpu.memory_space<vmem>> -> memref<1x100x128xf32, #tpu.memory_space<vmem>>
        %dma_start3A_88 = tpu.memref_squeeze %dma_start3A_87 : memref<1x100x128xf32, #tpu.memory_space<vmem>> -> memref<100x128xf32, #tpu.memory_space<vmem>>
        %dma_start3A_89 = arith.constant 0 : i32
        %dma_start3A_90 = arith.constant 0 : i32
        %dma_start3A_91 = tpu.memref_slice %dma_start3A_88[%dma_start3A_89, %dma_start3A_90] : memref<100x128xf32, #tpu.memory_space<vmem>> -> memref<80x128xf32, #tpu.memory_space<vmem>>
        tpu.enqueue_dma source(%dma_start3A_91 : memref<80x128xf32, #tpu.memory_space<vmem>>) target(%dma_start3A_84 : memref<80x128xf32, #tpu.memory_space<vmem_shared>>) target_semaphore(%run_scoped3A : memref<!tpu.dma_semaphore, #tpu.memory_space<semaphore_mem>>)
        %dma_wait3A = arith.constant 0 : i32
        %dma_wait3A_92 = arith.constant 0 : i32
        %dma_wait3A_93 = tpu.memref_slice %arg11[%cond3A, %dma_wait3A, %dma_wait3A_92] : memref<2x100x128xf32, #tpu.memory_space<vmem>> -> memref<1x100x128xf32, #tpu.memory_space<vmem>>
        %dma_wait3A_94 = tpu.memref_squeeze %dma_wait3A_93 : memref<1x100x128xf32, #tpu.memory_space<vmem>> -> memref<100x128xf32, #tpu.memory_space<vmem>>
        %dma_wait3A_95 = arith.constant 0 : i32
        %dma_wait3A_96 = arith.constant 0 : i32
        %dma_wait3A_97 = tpu.memref_slice %dma_wait3A_94[%dma_wait3A_95, %dma_wait3A_96] : memref<100x128xf32, #tpu.memory_space<vmem>> -> memref<80x128xf32, #tpu.memory_space<vmem>>
        %dma_wait3A_98 = arith.constant 0 : i32
        %dma_wait3A_99 = tpu.memref_slice %arg13[%multiple_of3A_54, %dma_wait3A_98] : memref<10000x128xf32, #tpu.memory_space<vmem_shared>> -> memref<80x128xf32, #tpu.memory_space<vmem_shared>>
        %dma_wait3A_100 = arith.constant 0 : i32
        %dma_wait3A_101 = tpu.memref_slice %arg13[%multiple_of3A_54, %dma_wait3A_100] : memref<10000x128xf32, #tpu.memory_space<vmem_shared>> -> memref<80x128xf32, #tpu.memory_space<vmem_shared>>
        %dma_wait3A_102 = arith.constant 0 : i32
        %dma_wait3A_103 = arith.constant 0 : i32
        %dma_wait3A_104 = tpu.memref_slice %arg11[%cond3A, %dma_wait3A_102, %dma_wait3A_103] : memref<2x100x128xf32, #tpu.memory_space<vmem>> -> memref<1x100x128xf32, #tpu.memory_space<vmem>>
        %dma_wait3A_105 = tpu.memref_squeeze %dma_wait3A_104 : memref<1x100x128xf32, #tpu.memory_space<vmem>> -> memref<100x128xf32, #tpu.memory_space<vmem>>
        %dma_wait3A_106 = arith.constant 0 : i32
        %dma_wait3A_107 = arith.constant 0 : i32
        %dma_wait3A_108 = tpu.memref_slice %dma_wait3A_105[%dma_wait3A_106, %dma_wait3A_107] : memref<100x128xf32, #tpu.memory_space<vmem>> -> memref<80x128xf32, #tpu.memory_space<vmem>>
        tpu.wait_dma2 semaphore(%run_scoped3A : memref<!tpu.dma_semaphore, #tpu.memory_space<semaphore_mem>>) src(%dma_wait3A_108 : memref<80x128xf32, #tpu.memory_space<vmem>>) dst(%dma_wait3A_101 : memref<80x128xf32, #tpu.memory_space<vmem_shared>>)
        tpu.yield
      }) : () -> ()
      %mul3A_55 = arith.constant 640 : i32
      %mul3A_56 = arith.muli %arg1, %mul3A_55 : i32
      %add3A_57 = arith.constant 320 : i32
      %add3A_58 = arith.addi %mul3A_56, %add3A_57 : i32
      %multiple_of3A_59 = tpu.assume_multiple %add3A_58, 8 : i32
      "tpu.region"() ({
        %run_scoped3A = tpu.sem_alloc : memref<!tpu.dma_semaphore, #tpu.memory_space<semaphore_mem>>
        %dma_start3A = arith.constant 0 : i32
        %dma_start3A_75 = arith.constant 0 : i32
        %dma_start3A_76 = tpu.memref_slice %arg11[%cond3A, %dma_start3A, %dma_start3A_75] : memref<2x100x128xf32, #tpu.memory_space<vmem>> -> memref<1x100x128xf32, #tpu.memory_space<vmem>>
        %dma_start3A_77 = tpu.memref_squeeze %dma_start3A_76 : memref<1x100x128xf32, #tpu.memory_space<vmem>> -> memref<100x128xf32, #tpu.memory_space<vmem>>
        %dma_start3A_78 = arith.constant 0 : i32
        %dma_start3A_79 = arith.constant 0 : i32
        %dma_start3A_80 = tpu.memref_slice %dma_start3A_77[%dma_start3A_78, %dma_start3A_79] : memref<100x128xf32, #tpu.memory_space<vmem>> -> memref<80x128xf32, #tpu.memory_space<vmem>>
        %dma_start3A_81 = arith.constant 0 : i32
        %dma_start3A_82 = tpu.memref_slice %arg13[%multiple_of3A_59, %dma_start3A_81] : memref<10000x128xf32, #tpu.memory_space<vmem_shared>> -> memref<80x128xf32, #tpu.memory_space<vmem_shared>>
        %dma_start3A_83 = arith.constant 0 : i32
        %dma_start3A_84 = tpu.memref_slice %arg13[%multiple_of3A_59, %dma_start3A_83] : memref<10000x128xf32, #tpu.memory_space<vmem_shared>> -> memref<80x128xf32, #tpu.memory_space<vmem_shared>>
        %dma_start3A_85 = arith.constant 0 : i32
        %dma_start3A_86 = arith.constant 0 : i32
        %dma_start3A_87 = tpu.memref_slice %arg11[%cond3A, %dma_start3A_85, %dma_start3A_86] : memref<2x100x128xf32, #tpu.memory_space<vmem>> -> memref<1x100x128xf32, #tpu.memory_space<vmem>>
        %dma_start3A_88 = tpu.memref_squeeze %dma_start3A_87 : memref<1x100x128xf32, #tpu.memory_space<vmem>> -> memref<100x128xf32, #tpu.memory_space<vmem>>
        %dma_start3A_89 = arith.constant 0 : i32
        %dma_start3A_90 = arith.constant 0 : i32
        %dma_start3A_91 = tpu.memref_slice %dma_start3A_88[%dma_start3A_89, %dma_start3A_90] : memref<100x128xf32, #tpu.memory_space<vmem>> -> memref<80x128xf32, #tpu.memory_space<vmem>>
        tpu.enqueue_dma source(%dma_start3A_91 : memref<80x128xf32, #tpu.memory_space<vmem>>) target(%dma_start3A_84 : memref<80x128xf32, #tpu.memory_space<vmem_shared>>) target_semaphore(%run_scoped3A : memref<!tpu.dma_semaphore, #tpu.memory_space<semaphore_mem>>)
        %dma_wait3A = arith.constant 0 : i32
        %dma_wait3A_92 = arith.constant 0 : i32
        %dma_wait3A_93 = tpu.memref_slice %arg11[%cond3A, %dma_wait3A, %dma_wait3A_92] : memref<2x100x128xf32, #tpu.memory_space<vmem>> -> memref<1x100x128xf32, #tpu.memory_space<vmem>>
        %dma_wait3A_94 = tpu.memref_squeeze %dma_wait3A_93 : memref<1x100x128xf32, #tpu.memory_space<vmem>> -> memref<100x128xf32, #tpu.memory_space<vmem>>
        %dma_wait3A_95 = arith.constant 0 : i32
        %dma_wait3A_96 = arith.constant 0 : i32
        %dma_wait3A_97 = tpu.memref_slice %dma_wait3A_94[%dma_wait3A_95, %dma_wait3A_96] : memref<100x128xf32, #tpu.memory_space<vmem>> -> memref<80x128xf32, #tpu.memory_space<vmem>>
        %dma_wait3A_98 = arith.constant 0 : i32
        %dma_wait3A_99 = tpu.memref_slice %arg13[%multiple_of3A_59, %dma_wait3A_98] : memref<10000x128xf32, #tpu.memory_space<vmem_shared>> -> memref<80x128xf32, #tpu.memory_space<vmem_shared>>
        %dma_wait3A_100 = arith.constant 0 : i32
        %dma_wait3A_101 = tpu.memref_slice %arg13[%multiple_of3A_59, %dma_wait3A_100] : memref<10000x128xf32, #tpu.memory_space<vmem_shared>> -> memref<80x128xf32, #tpu.memory_space<vmem_shared>>
        %dma_wait3A_102 = arith.constant 0 : i32
        %dma_wait3A_103 = arith.constant 0 : i32
        %dma_wait3A_104 = tpu.memref_slice %arg11[%cond3A, %dma_wait3A_102, %dma_wait3A_103] : memref<2x100x128xf32, #tpu.memory_space<vmem>> -> memref<1x100x128xf32, #tpu.memory_space<vmem>>
        %dma_wait3A_105 = tpu.memref_squeeze %dma_wait3A_104 : memref<1x100x128xf32, #tpu.memory_space<vmem>> -> memref<100x128xf32, #tpu.memory_space<vmem>>
        %dma_wait3A_106 = arith.constant 0 : i32
        %dma_wait3A_107 = arith.constant 0 : i32
        %dma_wait3A_108 = tpu.memref_slice %dma_wait3A_105[%dma_wait3A_106, %dma_wait3A_107] : memref<100x128xf32, #tpu.memory_space<vmem>> -> memref<80x128xf32, #tpu.memory_space<vmem>>
        tpu.wait_dma2 semaphore(%run_scoped3A : memref<!tpu.dma_semaphore, #tpu.memory_space<semaphore_mem>>) src(%dma_wait3A_108 : memref<80x128xf32, #tpu.memory_space<vmem>>) dst(%dma_wait3A_101 : memref<80x128xf32, #tpu.memory_space<vmem_shared>>)
        tpu.yield
      }) : () -> ()
      %mul3A_60 = arith.constant 640 : i32
      %mul3A_61 = arith.muli %arg1, %mul3A_60 : i32
      %add3A_62 = arith.constant 400 : i32
      %add3A_63 = arith.addi %mul3A_61, %add3A_62 : i32
      %multiple_of3A_64 = tpu.assume_multiple %add3A_63, 8 : i32
      "tpu.region"() ({
        %run_scoped3A = tpu.sem_alloc : memref<!tpu.dma_semaphore, #tpu.memory_space<semaphore_mem>>
        %dma_start3A = arith.constant 0 : i32
        %dma_start3A_75 = arith.constant 0 : i32
        %dma_start3A_76 = tpu.memref_slice %arg11[%cond3A, %dma_start3A, %dma_start3A_75] : memref<2x100x128xf32, #tpu.memory_space<vmem>> -> memref<1x100x128xf32, #tpu.memory_space<vmem>>
        %dma_start3A_77 = tpu.memref_squeeze %dma_start3A_76 : memref<1x100x128xf32, #tpu.memory_space<vmem>> -> memref<100x128xf32, #tpu.memory_space<vmem>>
        %dma_start3A_78 = arith.constant 0 : i32
        %dma_start3A_79 = arith.constant 0 : i32
        %dma_start3A_80 = tpu.memref_slice %dma_start3A_77[%dma_start3A_78, %dma_start3A_79] : memref<100x128xf32, #tpu.memory_space<vmem>> -> memref<80x128xf32, #tpu.memory_space<vmem>>
        %dma_start3A_81 = arith.constant 0 : i32
        %dma_start3A_82 = tpu.memref_slice %arg13[%multiple_of3A_64, %dma_start3A_81] : memref<10000x128xf32, #tpu.memory_space<vmem_shared>> -> memref<80x128xf32, #tpu.memory_space<vmem_shared>>
        %dma_start3A_83 = arith.constant 0 : i32
        %dma_start3A_84 = tpu.memref_slice %arg13[%multiple_of3A_64, %dma_start3A_83] : memref<10000x128xf32, #tpu.memory_space<vmem_shared>> -> memref<80x128xf32, #tpu.memory_space<vmem_shared>>
        %dma_start3A_85 = arith.constant 0 : i32
        %dma_start3A_86 = arith.constant 0 : i32
        %dma_start3A_87 = tpu.memref_slice %arg11[%cond3A, %dma_start3A_85, %dma_start3A_86] : memref<2x100x128xf32, #tpu.memory_space<vmem>> -> memref<1x100x128xf32, #tpu.memory_space<vmem>>
        %dma_start3A_88 = tpu.memref_squeeze %dma_start3A_87 : memref<1x100x128xf32, #tpu.memory_space<vmem>> -> memref<100x128xf32, #tpu.memory_space<vmem>>
        %dma_start3A_89 = arith.constant 0 : i32
        %dma_start3A_90 = arith.constant 0 : i32
        %dma_start3A_91 = tpu.memref_slice %dma_start3A_88[%dma_start3A_89, %dma_start3A_90] : memref<100x128xf32, #tpu.memory_space<vmem>> -> memref<80x128xf32, #tpu.memory_space<vmem>>
        tpu.enqueue_dma source(%dma_start3A_91 : memref<80x128xf32, #tpu.memory_space<vmem>>) target(%dma_start3A_84 : memref<80x128xf32, #tpu.memory_space<vmem_shared>>) target_semaphore(%run_scoped3A : memref<!tpu.dma_semaphore, #tpu.memory_space<semaphore_mem>>)
        %dma_wait3A = arith.constant 0 : i32
        %dma_wait3A_92 = arith.constant 0 : i32
        %dma_wait3A_93 = tpu.memref_slice %arg11[%cond3A, %dma_wait3A, %dma_wait3A_92] : memref<2x100x128xf32, #tpu.memory_space<vmem>> -> memref<1x100x128xf32, #tpu.memory_space<vmem>>
        %dma_wait3A_94 = tpu.memref_squeeze %dma_wait3A_93 : memref<1x100x128xf32, #tpu.memory_space<vmem>> -> memref<100x128xf32, #tpu.memory_space<vmem>>
        %dma_wait3A_95 = arith.constant 0 : i32
        %dma_wait3A_96 = arith.constant 0 : i32
        %dma_wait3A_97 = tpu.memref_slice %dma_wait3A_94[%dma_wait3A_95, %dma_wait3A_96] : memref<100x128xf32, #tpu.memory_space<vmem>> -> memref<80x128xf32, #tpu.memory_space<vmem>>
        %dma_wait3A_98 = arith.constant 0 : i32
        %dma_wait3A_99 = tpu.memref_slice %arg13[%multiple_of3A_64, %dma_wait3A_98] : memref<10000x128xf32, #tpu.memory_space<vmem_shared>> -> memref<80x128xf32, #tpu.memory_space<vmem_shared>>
        %dma_wait3A_100 = arith.constant 0 : i32
        %dma_wait3A_101 = tpu.memref_slice %arg13[%multiple_of3A_64, %dma_wait3A_100] : memref<10000x128xf32, #tpu.memory_space<vmem_shared>> -> memref<80x128xf32, #tpu.memory_space<vmem_shared>>
        %dma_wait3A_102 = arith.constant 0 : i32
        %dma_wait3A_103 = arith.constant 0 : i32
        %dma_wait3A_104 = tpu.memref_slice %arg11[%cond3A, %dma_wait3A_102, %dma_wait3A_103] : memref<2x100x128xf32, #tpu.memory_space<vmem>> -> memref<1x100x128xf32, #tpu.memory_space<vmem>>
        %dma_wait3A_105 = tpu.memref_squeeze %dma_wait3A_104 : memref<1x100x128xf32, #tpu.memory_space<vmem>> -> memref<100x128xf32, #tpu.memory_space<vmem>>
        %dma_wait3A_106 = arith.constant 0 : i32
        %dma_wait3A_107 = arith.constant 0 : i32
        %dma_wait3A_108 = tpu.memref_slice %dma_wait3A_105[%dma_wait3A_106, %dma_wait3A_107] : memref<100x128xf32, #tpu.memory_space<vmem>> -> memref<80x128xf32, #tpu.memory_space<vmem>>
        tpu.wait_dma2 semaphore(%run_scoped3A : memref<!tpu.dma_semaphore, #tpu.memory_space<semaphore_mem>>) src(%dma_wait3A_108 : memref<80x128xf32, #tpu.memory_space<vmem>>) dst(%dma_wait3A_101 : memref<80x128xf32, #tpu.memory_space<vmem_shared>>)
        tpu.yield
      }) : () -> ()
      %mul3A_65 = arith.constant 640 : i32
      %mul3A_66 = arith.muli %arg1, %mul3A_65 : i32
      %add3A_67 = arith.constant 480 : i32
      %add3A_68 = arith.addi %mul3A_66, %add3A_67 : i32
      %multiple_of3A_69 = tpu.assume_multiple %add3A_68, 8 : i32
      "tpu.region"() ({
        %run_scoped3A = tpu.sem_alloc : memref<!tpu.dma_semaphore, #tpu.memory_space<semaphore_mem>>
        %dma_start3A = arith.constant 0 : i32
        %dma_start3A_75 = arith.constant 0 : i32
        %dma_start3A_76 = tpu.memref_slice %arg11[%cond3A, %dma_start3A, %dma_start3A_75] : memref<2x100x128xf32, #tpu.memory_space<vmem>> -> memref<1x100x128xf32, #tpu.memory_space<vmem>>
        %dma_start3A_77 = tpu.memref_squeeze %dma_start3A_76 : memref<1x100x128xf32, #tpu.memory_space<vmem>> -> memref<100x128xf32, #tpu.memory_space<vmem>>
        %dma_start3A_78 = arith.constant 0 : i32
        %dma_start3A_79 = arith.constant 0 : i32
        %dma_start3A_80 = tpu.memref_slice %dma_start3A_77[%dma_start3A_78, %dma_start3A_79] : memref<100x128xf32, #tpu.memory_space<vmem>> -> memref<80x128xf32, #tpu.memory_space<vmem>>
        %dma_start3A_81 = arith.constant 0 : i32
        %dma_start3A_82 = tpu.memref_slice %arg13[%multiple_of3A_69, %dma_start3A_81] : memref<10000x128xf32, #tpu.memory_space<vmem_shared>> -> memref<80x128xf32, #tpu.memory_space<vmem_shared>>
        %dma_start3A_83 = arith.constant 0 : i32
        %dma_start3A_84 = tpu.memref_slice %arg13[%multiple_of3A_69, %dma_start3A_83] : memref<10000x128xf32, #tpu.memory_space<vmem_shared>> -> memref<80x128xf32, #tpu.memory_space<vmem_shared>>
        %dma_start3A_85 = arith.constant 0 : i32
        %dma_start3A_86 = arith.constant 0 : i32
        %dma_start3A_87 = tpu.memref_slice %arg11[%cond3A, %dma_start3A_85, %dma_start3A_86] : memref<2x100x128xf32, #tpu.memory_space<vmem>> -> memref<1x100x128xf32, #tpu.memory_space<vmem>>
        %dma_start3A_88 = tpu.memref_squeeze %dma_start3A_87 : memref<1x100x128xf32, #tpu.memory_space<vmem>> -> memref<100x128xf32, #tpu.memory_space<vmem>>
        %dma_start3A_89 = arith.constant 0 : i32
        %dma_start3A_90 = arith.constant 0 : i32
        %dma_start3A_91 = tpu.memref_slice %dma_start3A_88[%dma_start3A_89, %dma_start3A_90] : memref<100x128xf32, #tpu.memory_space<vmem>> -> memref<80x128xf32, #tpu.memory_space<vmem>>
        tpu.enqueue_dma source(%dma_start3A_91 : memref<80x128xf32, #tpu.memory_space<vmem>>) target(%dma_start3A_84 : memref<80x128xf32, #tpu.memory_space<vmem_shared>>) target_semaphore(%run_scoped3A : memref<!tpu.dma_semaphore, #tpu.memory_space<semaphore_mem>>)
        %dma_wait3A = arith.constant 0 : i32
        %dma_wait3A_92 = arith.constant 0 : i32
        %dma_wait3A_93 = tpu.memref_slice %arg11[%cond3A, %dma_wait3A, %dma_wait3A_92] : memref<2x100x128xf32, #tpu.memory_space<vmem>> -> memref<1x100x128xf32, #tpu.memory_space<vmem>>
        %dma_wait3A_94 = tpu.memref_squeeze %dma_wait3A_93 : memref<1x100x128xf32, #tpu.memory_space<vmem>> -> memref<100x128xf32, #tpu.memory_space<vmem>>
        %dma_wait3A_95 = arith.constant 0 : i32
        %dma_wait3A_96 = arith.constant 0 : i32
        %dma_wait3A_97 = tpu.memref_slice %dma_wait3A_94[%dma_wait3A_95, %dma_wait3A_96] : memref<100x128xf32, #tpu.memory_space<vmem>> -> memref<80x128xf32, #tpu.memory_space<vmem>>
        %dma_wait3A_98 = arith.constant 0 : i32
        %dma_wait3A_99 = tpu.memref_slice %arg13[%multiple_of3A_69, %dma_wait3A_98] : memref<10000x128xf32, #tpu.memory_space<vmem_shared>> -> memref<80x128xf32, #tpu.memory_space<vmem_shared>>
        %dma_wait3A_100 = arith.constant 0 : i32
        %dma_wait3A_101 = tpu.memref_slice %arg13[%multiple_of3A_69, %dma_wait3A_100] : memref<10000x128xf32, #tpu.memory_space<vmem_shared>> -> memref<80x128xf32, #tpu.memory_space<vmem_shared>>
        %dma_wait3A_102 = arith.constant 0 : i32
        %dma_wait3A_103 = arith.constant 0 : i32
        %dma_wait3A_104 = tpu.memref_slice %arg11[%cond3A, %dma_wait3A_102, %dma_wait3A_103] : memref<2x100x128xf32, #tpu.memory_space<vmem>> -> memref<1x100x128xf32, #tpu.memory_space<vmem>>
        %dma_wait3A_105 = tpu.memref_squeeze %dma_wait3A_104 : memref<1x100x128xf32, #tpu.memory_space<vmem>> -> memref<100x128xf32, #tpu.memory_space<vmem>>
        %dma_wait3A_106 = arith.constant 0 : i32
        %dma_wait3A_107 = arith.constant 0 : i32
        %dma_wait3A_108 = tpu.memref_slice %dma_wait3A_105[%dma_wait3A_106, %dma_wait3A_107] : memref<100x128xf32, #tpu.memory_space<vmem>> -> memref<80x128xf32, #tpu.memory_space<vmem>>
        tpu.wait_dma2 semaphore(%run_scoped3A : memref<!tpu.dma_semaphore, #tpu.memory_space<semaphore_mem>>) src(%dma_wait3A_108 : memref<80x128xf32, #tpu.memory_space<vmem>>) dst(%dma_wait3A_101 : memref<80x128xf32, #tpu.memory_space<vmem_shared>>)
        tpu.yield
      }) : () -> ()
      %mul3A_70 = arith.constant 640 : i32
      %mul3A_71 = arith.muli %arg1, %mul3A_70 : i32
      %add3A_72 = arith.constant 560 : i32
      %add3A_73 = arith.addi %mul3A_71, %add3A_72 : i32
      %multiple_of3A_74 = tpu.assume_multiple %add3A_73, 8 : i32
      "tpu.region"() ({
        %run_scoped3A = tpu.sem_alloc : memref<!tpu.dma_semaphore, #tpu.memory_space<semaphore_mem>>
        %dma_start3A = arith.constant 0 : i32
        %dma_start3A_75 = arith.constant 0 : i32
        %dma_start3A_76 = tpu.memref_slice %arg11[%cond3A, %dma_start3A, %dma_start3A_75] : memref<2x100x128xf32, #tpu.memory_space<vmem>> -> memref<1x100x128xf32, #tpu.memory_space<vmem>>
        %dma_start3A_77 = tpu.memref_squeeze %dma_start3A_76 : memref<1x100x128xf32, #tpu.memory_space<vmem>> -> memref<100x128xf32, #tpu.memory_space<vmem>>
        %dma_start3A_78 = arith.constant 0 : i32
        %dma_start3A_79 = arith.constant 0 : i32
        %dma_start3A_80 = tpu.memref_slice %dma_start3A_77[%dma_start3A_78, %dma_start3A_79] : memref<100x128xf32, #tpu.memory_space<vmem>> -> memref<80x128xf32, #tpu.memory_space<vmem>>
        %dma_start3A_81 = arith.constant 0 : i32
        %dma_start3A_82 = tpu.memref_slice %arg13[%multiple_of3A_74, %dma_start3A_81] : memref<10000x128xf32, #tpu.memory_space<vmem_shared>> -> memref<80x128xf32, #tpu.memory_space<vmem_shared>>
        %dma_start3A_83 = arith.constant 0 : i32
        %dma_start3A_84 = tpu.memref_slice %arg13[%multiple_of3A_74, %dma_start3A_83] : memref<10000x128xf32, #tpu.memory_space<vmem_shared>> -> memref<80x128xf32, #tpu.memory_space<vmem_shared>>
        %dma_start3A_85 = arith.constant 0 : i32
        %dma_start3A_86 = arith.constant 0 : i32
        %dma_start3A_87 = tpu.memref_slice %arg11[%cond3A, %dma_start3A_85, %dma_start3A_86] : memref<2x100x128xf32, #tpu.memory_space<vmem>> -> memref<1x100x128xf32, #tpu.memory_space<vmem>>
        %dma_start3A_88 = tpu.memref_squeeze %dma_start3A_87 : memref<1x100x128xf32, #tpu.memory_space<vmem>> -> memref<100x128xf32, #tpu.memory_space<vmem>>
        %dma_start3A_89 = arith.constant 0 : i32
        %dma_start3A_90 = arith.constant 0 : i32
        %dma_start3A_91 = tpu.memref_slice %dma_start3A_88[%dma_start3A_89, %dma_start3A_90] : memref<100x128xf32, #tpu.memory_space<vmem>> -> memref<80x128xf32, #tpu.memory_space<vmem>>
        tpu.enqueue_dma source(%dma_start3A_91 : memref<80x128xf32, #tpu.memory_space<vmem>>) target(%dma_start3A_84 : memref<80x128xf32, #tpu.memory_space<vmem_shared>>) target_semaphore(%run_scoped3A : memref<!tpu.dma_semaphore, #tpu.memory_space<semaphore_mem>>)
        %dma_wait3A = arith.constant 0 : i32
        %dma_wait3A_92 = arith.constant 0 : i32
        %dma_wait3A_93 = tpu.memref_slice %arg11[%cond3A, %dma_wait3A, %dma_wait3A_92] : memref<2x100x128xf32, #tpu.memory_space<vmem>> -> memref<1x100x128xf32, #tpu.memory_space<vmem>>
        %dma_wait3A_94 = tpu.memref_squeeze %dma_wait3A_93 : memref<1x100x128xf32, #tpu.memory_space<vmem>> -> memref<100x128xf32, #tpu.memory_space<vmem>>
        %dma_wait3A_95 = arith.constant 0 : i32
        %dma_wait3A_96 = arith.constant 0 : i32
        %dma_wait3A_97 = tpu.memref_slice %dma_wait3A_94[%dma_wait3A_95, %dma_wait3A_96] : memref<100x128xf32, #tpu.memory_space<vmem>> -> memref<80x128xf32, #tpu.memory_space<vmem>>
        %dma_wait3A_98 = arith.constant 0 : i32
        %dma_wait3A_99 = tpu.memref_slice %arg13[%multiple_of3A_74, %dma_wait3A_98] : memref<10000x128xf32, #tpu.memory_space<vmem_shared>> -> memref<80x128xf32, #tpu.memory_space<vmem_shared>>
        %dma_wait3A_100 = arith.constant 0 : i32
        %dma_wait3A_101 = tpu.memref_slice %arg13[%multiple_of3A_74, %dma_wait3A_100] : memref<10000x128xf32, #tpu.memory_space<vmem_shared>> -> memref<80x128xf32, #tpu.memory_space<vmem_shared>>
        %dma_wait3A_102 = arith.constant 0 : i32
        %dma_wait3A_103 = arith.constant 0 : i32
        %dma_wait3A_104 = tpu.memref_slice %arg11[%cond3A, %dma_wait3A_102, %dma_wait3A_103] : memref<2x100x128xf32, #tpu.memory_space<vmem>> -> memref<1x100x128xf32, #tpu.memory_space<vmem>>
        %dma_wait3A_105 = tpu.memref_squeeze %dma_wait3A_104 : memref<1x100x128xf32, #tpu.memory_space<vmem>> -> memref<100x128xf32, #tpu.memory_space<vmem>>
        %dma_wait3A_106 = arith.constant 0 : i32
        %dma_wait3A_107 = arith.constant 0 : i32
        %dma_wait3A_108 = tpu.memref_slice %dma_wait3A_105[%dma_wait3A_106, %dma_wait3A_107] : memref<100x128xf32, #tpu.memory_space<vmem>> -> memref<80x128xf32, #tpu.memory_space<vmem>>
        tpu.wait_dma2 semaphore(%run_scoped3A : memref<!tpu.dma_semaphore, #tpu.memory_space<semaphore_mem>>) src(%dma_wait3A_108 : memref<80x128xf32, #tpu.memory_space<vmem>>) dst(%dma_wait3A_101 : memref<80x128xf32, #tpu.memory_space<vmem_shared>>)
        tpu.yield
      }) : () -> ()
    } else {
    }
    %eq3A = arith.constant 15 : i32
    %eq3A_10 = arith.cmpi eq, %arg1, %eq3A : i32
    %convert_element_type3A_11 = arith.extui %eq3A_10 : i1 to i32
    %cond3A_12 = arith.constant 0 : i32
    %cond3A_13 = arith.constant 0 : i32
    %cond3A_14 = arith.cmpi ne, %convert_element_type3A_11, %cond3A_13 : i32
    scf.if %cond3A_14 {
      "tpu.region"() ({
        %run_scoped3A = tpu.sem_alloc : memref<!tpu.dma_semaphore, #tpu.memory_space<semaphore_mem>>
        %dma_start3A = arith.constant 0 : i32
        %dma_start3A_35 = arith.constant 0 : i32
        %dma_start3A_36 = tpu.memref_slice %arg11[%cond3A_12, %dma_start3A, %dma_start3A_35] : memref<2x100x128xf32, #tpu.memory_space<vmem>> -> memref<1x100x128xf32, #tpu.memory_space<vmem>>
        %dma_start3A_37 = tpu.memref_squeeze %dma_start3A_36 : memref<1x100x128xf32, #tpu.memory_space<vmem>> -> memref<100x128xf32, #tpu.memory_space<vmem>>
        %dma_start3A_38 = arith.constant 0 : i32
        %dma_start3A_39 = arith.constant 0 : i32
        %dma_start3A_40 = tpu.memref_slice %dma_start3A_37[%dma_start3A_38, %dma_start3A_39] : memref<100x128xf32, #tpu.memory_space<vmem>> -> memref<80x128xf32, #tpu.memory_space<vmem>>
        %dma_start3A_41 = arith.constant 9600 : i32
        %dma_start3A_42 = arith.constant 0 : i32
        %dma_start3A_43 = tpu.memref_slice %arg13[%dma_start3A_41, %dma_start3A_42] : memref<10000x128xf32, #tpu.memory_space<vmem_shared>> -> memref<80x128xf32, #tpu.memory_space<vmem_shared>>
        %dma_start3A_44 = arith.constant 9600 : i32
        %dma_start3A_45 = arith.constant 0 : i32
        %dma_start3A_46 = tpu.memref_slice %arg13[%dma_start3A_44, %dma_start3A_45] : memref<10000x128xf32, #tpu.memory_space<vmem_shared>> -> memref<80x128xf32, #tpu.memory_space<vmem_shared>>
        %dma_start3A_47 = arith.constant 0 : i32
        %dma_start3A_48 = arith.constant 0 : i32
        %dma_start3A_49 = tpu.memref_slice %arg11[%cond3A_12, %dma_start3A_47, %dma_start3A_48] : memref<2x100x128xf32, #tpu.memory_space<vmem>> -> memref<1x100x128xf32, #tpu.memory_space<vmem>>
        %dma_start3A_50 = tpu.memref_squeeze %dma_start3A_49 : memref<1x100x128xf32, #tpu.memory_space<vmem>> -> memref<100x128xf32, #tpu.memory_space<vmem>>
        %dma_start3A_51 = arith.constant 0 : i32
        %dma_start3A_52 = arith.constant 0 : i32
        %dma_start3A_53 = tpu.memref_slice %dma_start3A_50[%dma_start3A_51, %dma_start3A_52] : memref<100x128xf32, #tpu.memory_space<vmem>> -> memref<80x128xf32, #tpu.memory_space<vmem>>
        tpu.enqueue_dma source(%dma_start3A_53 : memref<80x128xf32, #tpu.memory_space<vmem>>) target(%dma_start3A_46 : memref<80x128xf32, #tpu.memory_space<vmem_shared>>) target_semaphore(%run_scoped3A : memref<!tpu.dma_semaphore, #tpu.memory_space<semaphore_mem>>)
        %dma_wait3A = arith.constant 0 : i32
        %dma_wait3A_54 = arith.constant 0 : i32
        %dma_wait3A_55 = tpu.memref_slice %arg11[%cond3A_12, %dma_wait3A, %dma_wait3A_54] : memref<2x100x128xf32, #tpu.memory_space<vmem>> -> memref<1x100x128xf32, #tpu.memory_space<vmem>>
        %dma_wait3A_56 = tpu.memref_squeeze %dma_wait3A_55 : memref<1x100x128xf32, #tpu.memory_space<vmem>> -> memref<100x128xf32, #tpu.memory_space<vmem>>
        %dma_wait3A_57 = arith.constant 0 : i32
        %dma_wait3A_58 = arith.constant 0 : i32
        %dma_wait3A_59 = tpu.memref_slice %dma_wait3A_56[%dma_wait3A_57, %dma_wait3A_58] : memref<100x128xf32, #tpu.memory_space<vmem>> -> memref<80x128xf32, #tpu.memory_space<vmem>>
        %dma_wait3A_60 = arith.constant 9600 : i32
        %dma_wait3A_61 = arith.constant 0 : i32
        %dma_wait3A_62 = tpu.memref_slice %arg13[%dma_wait3A_60, %dma_wait3A_61] : memref<10000x128xf32, #tpu.memory_space<vmem_shared>> -> memref<80x128xf32, #tpu.memory_space<vmem_shared>>
        %dma_wait3A_63 = arith.constant 9600 : i32
        %dma_wait3A_64 = arith.constant 0 : i32
        %dma_wait3A_65 = tpu.memref_slice %arg13[%dma_wait3A_63, %dma_wait3A_64] : memref<10000x128xf32, #tpu.memory_space<vmem_shared>> -> memref<80x128xf32, #tpu.memory_space<vmem_shared>>
        %dma_wait3A_66 = arith.constant 0 : i32
        %dma_wait3A_67 = arith.constant 0 : i32
        %dma_wait3A_68 = tpu.memref_slice %arg11[%cond3A_12, %dma_wait3A_66, %dma_wait3A_67] : memref<2x100x128xf32, #tpu.memory_space<vmem>> -> memref<1x100x128xf32, #tpu.memory_space<vmem>>
        %dma_wait3A_69 = tpu.memref_squeeze %dma_wait3A_68 : memref<1x100x128xf32, #tpu.memory_space<vmem>> -> memref<100x128xf32, #tpu.memory_space<vmem>>
        %dma_wait3A_70 = arith.constant 0 : i32
        %dma_wait3A_71 = arith.constant 0 : i32
        %dma_wait3A_72 = tpu.memref_slice %dma_wait3A_69[%dma_wait3A_70, %dma_wait3A_71] : memref<100x128xf32, #tpu.memory_space<vmem>> -> memref<80x128xf32, #tpu.memory_space<vmem>>
        tpu.wait_dma2 semaphore(%run_scoped3A : memref<!tpu.dma_semaphore, #tpu.memory_space<semaphore_mem>>) src(%dma_wait3A_72 : memref<80x128xf32, #tpu.memory_space<vmem>>) dst(%dma_wait3A_65 : memref<80x128xf32, #tpu.memory_space<vmem_shared>>)
        tpu.yield
      }) : () -> ()
      "tpu.region"() ({
        %run_scoped3A = tpu.sem_alloc : memref<!tpu.dma_semaphore, #tpu.memory_space<semaphore_mem>>
        %dma_start3A = arith.constant 0 : i32
        %dma_start3A_35 = arith.constant 0 : i32
        %dma_start3A_36 = tpu.memref_slice %arg11[%cond3A_12, %dma_start3A, %dma_start3A_35] : memref<2x100x128xf32, #tpu.memory_space<vmem>> -> memref<1x100x128xf32, #tpu.memory_space<vmem>>
        %dma_start3A_37 = tpu.memref_squeeze %dma_start3A_36 : memref<1x100x128xf32, #tpu.memory_space<vmem>> -> memref<100x128xf32, #tpu.memory_space<vmem>>
        %dma_start3A_38 = arith.constant 0 : i32
        %dma_start3A_39 = arith.constant 0 : i32
        %dma_start3A_40 = tpu.memref_slice %dma_start3A_37[%dma_start3A_38, %dma_start3A_39] : memref<100x128xf32, #tpu.memory_space<vmem>> -> memref<80x128xf32, #tpu.memory_space<vmem>>
        %dma_start3A_41 = arith.constant 9680 : i32
        %dma_start3A_42 = arith.constant 0 : i32
        %dma_start3A_43 = tpu.memref_slice %arg13[%dma_start3A_41, %dma_start3A_42] : memref<10000x128xf32, #tpu.memory_space<vmem_shared>> -> memref<80x128xf32, #tpu.memory_space<vmem_shared>>
        %dma_start3A_44 = arith.constant 9680 : i32
        %dma_start3A_45 = arith.constant 0 : i32
        %dma_start3A_46 = tpu.memref_slice %arg13[%dma_start3A_44, %dma_start3A_45] : memref<10000x128xf32, #tpu.memory_space<vmem_shared>> -> memref<80x128xf32, #tpu.memory_space<vmem_shared>>
        %dma_start3A_47 = arith.constant 0 : i32
        %dma_start3A_48 = arith.constant 0 : i32
        %dma_start3A_49 = tpu.memref_slice %arg11[%cond3A_12, %dma_start3A_47, %dma_start3A_48] : memref<2x100x128xf32, #tpu.memory_space<vmem>> -> memref<1x100x128xf32, #tpu.memory_space<vmem>>
        %dma_start3A_50 = tpu.memref_squeeze %dma_start3A_49 : memref<1x100x128xf32, #tpu.memory_space<vmem>> -> memref<100x128xf32, #tpu.memory_space<vmem>>
        %dma_start3A_51 = arith.constant 0 : i32
        %dma_start3A_52 = arith.constant 0 : i32
        %dma_start3A_53 = tpu.memref_slice %dma_start3A_50[%dma_start3A_51, %dma_start3A_52] : memref<100x128xf32, #tpu.memory_space<vmem>> -> memref<80x128xf32, #tpu.memory_space<vmem>>
        tpu.enqueue_dma source(%dma_start3A_53 : memref<80x128xf32, #tpu.memory_space<vmem>>) target(%dma_start3A_46 : memref<80x128xf32, #tpu.memory_space<vmem_shared>>) target_semaphore(%run_scoped3A : memref<!tpu.dma_semaphore, #tpu.memory_space<semaphore_mem>>)
        %dma_wait3A = arith.constant 0 : i32
        %dma_wait3A_54 = arith.constant 0 : i32
        %dma_wait3A_55 = tpu.memref_slice %arg11[%cond3A_12, %dma_wait3A, %dma_wait3A_54] : memref<2x100x128xf32, #tpu.memory_space<vmem>> -> memref<1x100x128xf32, #tpu.memory_space<vmem>>
        %dma_wait3A_56 = tpu.memref_squeeze %dma_wait3A_55 : memref<1x100x128xf32, #tpu.memory_space<vmem>> -> memref<100x128xf32, #tpu.memory_space<vmem>>
        %dma_wait3A_57 = arith.constant 0 : i32
        %dma_wait3A_58 = arith.constant 0 : i32
        %dma_wait3A_59 = tpu.memref_slice %dma_wait3A_56[%dma_wait3A_57, %dma_wait3A_58] : memref<100x128xf32, #tpu.memory_space<vmem>> -> memref<80x128xf32, #tpu.memory_space<vmem>>
        %dma_wait3A_60 = arith.constant 9680 : i32
        %dma_wait3A_61 = arith.constant 0 : i32
        %dma_wait3A_62 = tpu.memref_slice %arg13[%dma_wait3A_60, %dma_wait3A_61] : memref<10000x128xf32, #tpu.memory_space<vmem_shared>> -> memref<80x128xf32, #tpu.memory_space<vmem_shared>>
        %dma_wait3A_63 = arith.constant 9680 : i32
        %dma_wait3A_64 = arith.constant 0 : i32
        %dma_wait3A_65 = tpu.memref_slice %arg13[%dma_wait3A_63, %dma_wait3A_64] : memref<10000x128xf32, #tpu.memory_space<vmem_shared>> -> memref<80x128xf32, #tpu.memory_space<vmem_shared>>
        %dma_wait3A_66 = arith.constant 0 : i32
        %dma_wait3A_67 = arith.constant 0 : i32
        %dma_wait3A_68 = tpu.memref_slice %arg11[%cond3A_12, %dma_wait3A_66, %dma_wait3A_67] : memref<2x100x128xf32, #tpu.memory_space<vmem>> -> memref<1x100x128xf32, #tpu.memory_space<vmem>>
        %dma_wait3A_69 = tpu.memref_squeeze %dma_wait3A_68 : memref<1x100x128xf32, #tpu.memory_space<vmem>> -> memref<100x128xf32, #tpu.memory_space<vmem>>
        %dma_wait3A_70 = arith.constant 0 : i32
        %dma_wait3A_71 = arith.constant 0 : i32
        %dma_wait3A_72 = tpu.memref_slice %dma_wait3A_69[%dma_wait3A_70, %dma_wait3A_71] : memref<100x128xf32, #tpu.memory_space<vmem>> -> memref<80x128xf32, #tpu.memory_space<vmem>>
        tpu.wait_dma2 semaphore(%run_scoped3A : memref<!tpu.dma_semaphore, #tpu.memory_space<semaphore_mem>>) src(%dma_wait3A_72 : memref<80x128xf32, #tpu.memory_space<vmem>>) dst(%dma_wait3A_65 : memref<80x128xf32, #tpu.memory_space<vmem_shared>>)
        tpu.yield
      }) : () -> ()
      "tpu.region"() ({
        %run_scoped3A = tpu.sem_alloc : memref<!tpu.dma_semaphore, #tpu.memory_space<semaphore_mem>>
        %dma_start3A = arith.constant 0 : i32
        %dma_start3A_35 = arith.constant 0 : i32
        %dma_start3A_36 = tpu.memref_slice %arg11[%cond3A_12, %dma_start3A, %dma_start3A_35] : memref<2x100x128xf32, #tpu.memory_space<vmem>> -> memref<1x100x128xf32, #tpu.memory_space<vmem>>
        %dma_start3A_37 = tpu.memref_squeeze %dma_start3A_36 : memref<1x100x128xf32, #tpu.memory_space<vmem>> -> memref<100x128xf32, #tpu.memory_space<vmem>>
        %dma_start3A_38 = arith.constant 0 : i32
        %dma_start3A_39 = arith.constant 0 : i32
        %dma_start3A_40 = tpu.memref_slice %dma_start3A_37[%dma_start3A_38, %dma_start3A_39] : memref<100x128xf32, #tpu.memory_space<vmem>> -> memref<80x128xf32, #tpu.memory_space<vmem>>
        %dma_start3A_41 = arith.constant 9760 : i32
        %dma_start3A_42 = arith.constant 0 : i32
        %dma_start3A_43 = tpu.memref_slice %arg13[%dma_start3A_41, %dma_start3A_42] : memref<10000x128xf32, #tpu.memory_space<vmem_shared>> -> memref<80x128xf32, #tpu.memory_space<vmem_shared>>
        %dma_start3A_44 = arith.constant 9760 : i32
        %dma_start3A_45 = arith.constant 0 : i32
        %dma_start3A_46 = tpu.memref_slice %arg13[%dma_start3A_44, %dma_start3A_45] : memref<10000x128xf32, #tpu.memory_space<vmem_shared>> -> memref<80x128xf32, #tpu.memory_space<vmem_shared>>
        %dma_start3A_47 = arith.constant 0 : i32
        %dma_start3A_48 = arith.constant 0 : i32
        %dma_start3A_49 = tpu.memref_slice %arg11[%cond3A_12, %dma_start3A_47, %dma_start3A_48] : memref<2x100x128xf32, #tpu.memory_space<vmem>> -> memref<1x100x128xf32, #tpu.memory_space<vmem>>
        %dma_start3A_50 = tpu.memref_squeeze %dma_start3A_49 : memref<1x100x128xf32, #tpu.memory_space<vmem>> -> memref<100x128xf32, #tpu.memory_space<vmem>>
        %dma_start3A_51 = arith.constant 0 : i32
        %dma_start3A_52 = arith.constant 0 : i32
        %dma_start3A_53 = tpu.memref_slice %dma_start3A_50[%dma_start3A_51, %dma_start3A_52] : memref<100x128xf32, #tpu.memory_space<vmem>> -> memref<80x128xf32, #tpu.memory_space<vmem>>
        tpu.enqueue_dma source(%dma_start3A_53 : memref<80x128xf32, #tpu.memory_space<vmem>>) target(%dma_start3A_46 : memref<80x128xf32, #tpu.memory_space<vmem_shared>>) target_semaphore(%run_scoped3A : memref<!tpu.dma_semaphore, #tpu.memory_space<semaphore_mem>>)
        %dma_wait3A = arith.constant 0 : i32
        %dma_wait3A_54 = arith.constant 0 : i32
        %dma_wait3A_55 = tpu.memref_slice %arg11[%cond3A_12, %dma_wait3A, %dma_wait3A_54] : memref<2x100x128xf32, #tpu.memory_space<vmem>> -> memref<1x100x128xf32, #tpu.memory_space<vmem>>
        %dma_wait3A_56 = tpu.memref_squeeze %dma_wait3A_55 : memref<1x100x128xf32, #tpu.memory_space<vmem>> -> memref<100x128xf32, #tpu.memory_space<vmem>>
        %dma_wait3A_57 = arith.constant 0 : i32
        %dma_wait3A_58 = arith.constant 0 : i32
        %dma_wait3A_59 = tpu.memref_slice %dma_wait3A_56[%dma_wait3A_57, %dma_wait3A_58] : memref<100x128xf32, #tpu.memory_space<vmem>> -> memref<80x128xf32, #tpu.memory_space<vmem>>
        %dma_wait3A_60 = arith.constant 9760 : i32
        %dma_wait3A_61 = arith.constant 0 : i32
        %dma_wait3A_62 = tpu.memref_slice %arg13[%dma_wait3A_60, %dma_wait3A_61] : memref<10000x128xf32, #tpu.memory_space<vmem_shared>> -> memref<80x128xf32, #tpu.memory_space<vmem_shared>>
        %dma_wait3A_63 = arith.constant 9760 : i32
        %dma_wait3A_64 = arith.constant 0 : i32
        %dma_wait3A_65 = tpu.memref_slice %arg13[%dma_wait3A_63, %dma_wait3A_64] : memref<10000x128xf32, #tpu.memory_space<vmem_shared>> -> memref<80x128xf32, #tpu.memory_space<vmem_shared>>
        %dma_wait3A_66 = arith.constant 0 : i32
        %dma_wait3A_67 = arith.constant 0 : i32
        %dma_wait3A_68 = tpu.memref_slice %arg11[%cond3A_12, %dma_wait3A_66, %dma_wait3A_67] : memref<2x100x128xf32, #tpu.memory_space<vmem>> -> memref<1x100x128xf32, #tpu.memory_space<vmem>>
        %dma_wait3A_69 = tpu.memref_squeeze %dma_wait3A_68 : memref<1x100x128xf32, #tpu.memory_space<vmem>> -> memref<100x128xf32, #tpu.memory_space<vmem>>
        %dma_wait3A_70 = arith.constant 0 : i32
        %dma_wait3A_71 = arith.constant 0 : i32
        %dma_wait3A_72 = tpu.memref_slice %dma_wait3A_69[%dma_wait3A_70, %dma_wait3A_71] : memref<100x128xf32, #tpu.memory_space<vmem>> -> memref<80x128xf32, #tpu.memory_space<vmem>>
        tpu.wait_dma2 semaphore(%run_scoped3A : memref<!tpu.dma_semaphore, #tpu.memory_space<semaphore_mem>>) src(%dma_wait3A_72 : memref<80x128xf32, #tpu.memory_space<vmem>>) dst(%dma_wait3A_65 : memref<80x128xf32, #tpu.memory_space<vmem_shared>>)
        tpu.yield
      }) : () -> ()
      "tpu.region"() ({
        %run_scoped3A = tpu.sem_alloc : memref<!tpu.dma_semaphore, #tpu.memory_space<semaphore_mem>>
        %dma_start3A = arith.constant 0 : i32
        %dma_start3A_35 = arith.constant 0 : i32
        %dma_start3A_36 = tpu.memref_slice %arg11[%cond3A_12, %dma_start3A, %dma_start3A_35] : memref<2x100x128xf32, #tpu.memory_space<vmem>> -> memref<1x100x128xf32, #tpu.memory_space<vmem>>
        %dma_start3A_37 = tpu.memref_squeeze %dma_start3A_36 : memref<1x100x128xf32, #tpu.memory_space<vmem>> -> memref<100x128xf32, #tpu.memory_space<vmem>>
        %dma_start3A_38 = arith.constant 0 : i32
        %dma_start3A_39 = arith.constant 0 : i32
        %dma_start3A_40 = tpu.memref_slice %dma_start3A_37[%dma_start3A_38, %dma_start3A_39] : memref<100x128xf32, #tpu.memory_space<vmem>> -> memref<80x128xf32, #tpu.memory_space<vmem>>
        %dma_start3A_41 = arith.constant 9840 : i32
        %dma_start3A_42 = arith.constant 0 : i32
        %dma_start3A_43 = tpu.memref_slice %arg13[%dma_start3A_41, %dma_start3A_42] : memref<10000x128xf32, #tpu.memory_space<vmem_shared>> -> memref<80x128xf32, #tpu.memory_space<vmem_shared>>
        %dma_start3A_44 = arith.constant 9840 : i32
        %dma_start3A_45 = arith.constant 0 : i32
        %dma_start3A_46 = tpu.memref_slice %arg13[%dma_start3A_44, %dma_start3A_45] : memref<10000x128xf32, #tpu.memory_space<vmem_shared>> -> memref<80x128xf32, #tpu.memory_space<vmem_shared>>
        %dma_start3A_47 = arith.constant 0 : i32
        %dma_start3A_48 = arith.constant 0 : i32
        %dma_start3A_49 = tpu.memref_slice %arg11[%cond3A_12, %dma_start3A_47, %dma_start3A_48] : memref<2x100x128xf32, #tpu.memory_space<vmem>> -> memref<1x100x128xf32, #tpu.memory_space<vmem>>
        %dma_start3A_50 = tpu.memref_squeeze %dma_start3A_49 : memref<1x100x128xf32, #tpu.memory_space<vmem>> -> memref<100x128xf32, #tpu.memory_space<vmem>>
        %dma_start3A_51 = arith.constant 0 : i32
        %dma_start3A_52 = arith.constant 0 : i32
        %dma_start3A_53 = tpu.memref_slice %dma_start3A_50[%dma_start3A_51, %dma_start3A_52] : memref<100x128xf32, #tpu.memory_space<vmem>> -> memref<80x128xf32, #tpu.memory_space<vmem>>
        tpu.enqueue_dma source(%dma_start3A_53 : memref<80x128xf32, #tpu.memory_space<vmem>>) target(%dma_start3A_46 : memref<80x128xf32, #tpu.memory_space<vmem_shared>>) target_semaphore(%run_scoped3A : memref<!tpu.dma_semaphore, #tpu.memory_space<semaphore_mem>>)
        %dma_wait3A = arith.constant 0 : i32
        %dma_wait3A_54 = arith.constant 0 : i32
        %dma_wait3A_55 = tpu.memref_slice %arg11[%cond3A_12, %dma_wait3A, %dma_wait3A_54] : memref<2x100x128xf32, #tpu.memory_space<vmem>> -> memref<1x100x128xf32, #tpu.memory_space<vmem>>
        %dma_wait3A_56 = tpu.memref_squeeze %dma_wait3A_55 : memref<1x100x128xf32, #tpu.memory_space<vmem>> -> memref<100x128xf32, #tpu.memory_space<vmem>>
        %dma_wait3A_57 = arith.constant 0 : i32
        %dma_wait3A_58 = arith.constant 0 : i32
        %dma_wait3A_59 = tpu.memref_slice %dma_wait3A_56[%dma_wait3A_57, %dma_wait3A_58] : memref<100x128xf32, #tpu.memory_space<vmem>> -> memref<80x128xf32, #tpu.memory_space<vmem>>
        %dma_wait3A_60 = arith.constant 9840 : i32
        %dma_wait3A_61 = arith.constant 0 : i32
        %dma_wait3A_62 = tpu.memref_slice %arg13[%dma_wait3A_60, %dma_wait3A_61] : memref<10000x128xf32, #tpu.memory_space<vmem_shared>> -> memref<80x128xf32, #tpu.memory_space<vmem_shared>>
        %dma_wait3A_63 = arith.constant 9840 : i32
        %dma_wait3A_64 = arith.constant 0 : i32
        %dma_wait3A_65 = tpu.memref_slice %arg13[%dma_wait3A_63, %dma_wait3A_64] : memref<10000x128xf32, #tpu.memory_space<vmem_shared>> -> memref<80x128xf32, #tpu.memory_space<vmem_shared>>
        %dma_wait3A_66 = arith.constant 0 : i32
        %dma_wait3A_67 = arith.constant 0 : i32
        %dma_wait3A_68 = tpu.memref_slice %arg11[%cond3A_12, %dma_wait3A_66, %dma_wait3A_67] : memref<2x100x128xf32, #tpu.memory_space<vmem>> -> memref<1x100x128xf32, #tpu.memory_space<vmem>>
        %dma_wait3A_69 = tpu.memref_squeeze %dma_wait3A_68 : memref<1x100x128xf32, #tpu.memory_space<vmem>> -> memref<100x128xf32, #tpu.memory_space<vmem>>
        %dma_wait3A_70 = arith.constant 0 : i32
        %dma_wait3A_71 = arith.constant 0 : i32
        %dma_wait3A_72 = tpu.memref_slice %dma_wait3A_69[%dma_wait3A_70, %dma_wait3A_71] : memref<100x128xf32, #tpu.memory_space<vmem>> -> memref<80x128xf32, #tpu.memory_space<vmem>>
        tpu.wait_dma2 semaphore(%run_scoped3A : memref<!tpu.dma_semaphore, #tpu.memory_space<semaphore_mem>>) src(%dma_wait3A_72 : memref<80x128xf32, #tpu.memory_space<vmem>>) dst(%dma_wait3A_65 : memref<80x128xf32, #tpu.memory_space<vmem_shared>>)
        tpu.yield
      }) : () -> ()
      "tpu.region"() ({
        %run_scoped3A = tpu.sem_alloc : memref<!tpu.dma_semaphore, #tpu.memory_space<semaphore_mem>>
        %dma_start3A = arith.constant 0 : i32
        %dma_start3A_35 = arith.constant 0 : i32
        %dma_start3A_36 = tpu.memref_slice %arg11[%cond3A_12, %dma_start3A, %dma_start3A_35] : memref<2x100x128xf32, #tpu.memory_space<vmem>> -> memref<1x100x128xf32, #tpu.memory_space<vmem>>
        %dma_start3A_37 = tpu.memref_squeeze %dma_start3A_36 : memref<1x100x128xf32, #tpu.memory_space<vmem>> -> memref<100x128xf32, #tpu.memory_space<vmem>>
        %dma_start3A_38 = arith.constant 0 : i32
        %dma_start3A_39 = arith.constant 0 : i32
        %dma_start3A_40 = tpu.memref_slice %dma_start3A_37[%dma_start3A_38, %dma_start3A_39] : memref<100x128xf32, #tpu.memory_space<vmem>> -> memref<80x128xf32, #tpu.memory_space<vmem>>
        %dma_start3A_41 = arith.constant 9920 : i32
        %dma_start3A_42 = arith.constant 0 : i32
        %dma_start3A_43 = tpu.memref_slice %arg13[%dma_start3A_41, %dma_start3A_42] : memref<10000x128xf32, #tpu.memory_space<vmem_shared>> -> memref<80x128xf32, #tpu.memory_space<vmem_shared>>
        %dma_start3A_44 = arith.constant 9920 : i32
        %dma_start3A_45 = arith.constant 0 : i32
        %dma_start3A_46 = tpu.memref_slice %arg13[%dma_start3A_44, %dma_start3A_45] : memref<10000x128xf32, #tpu.memory_space<vmem_shared>> -> memref<80x128xf32, #tpu.memory_space<vmem_shared>>
        %dma_start3A_47 = arith.constant 0 : i32
        %dma_start3A_48 = arith.constant 0 : i32
        %dma_start3A_49 = tpu.memref_slice %arg11[%cond3A_12, %dma_start3A_47, %dma_start3A_48] : memref<2x100x128xf32, #tpu.memory_space<vmem>> -> memref<1x100x128xf32, #tpu.memory_space<vmem>>
        %dma_start3A_50 = tpu.memref_squeeze %dma_start3A_49 : memref<1x100x128xf32, #tpu.memory_space<vmem>> -> memref<100x128xf32, #tpu.memory_space<vmem>>
        %dma_start3A_51 = arith.constant 0 : i32
        %dma_start3A_52 = arith.constant 0 : i32
        %dma_start3A_53 = tpu.memref_slice %dma_start3A_50[%dma_start3A_51, %dma_start3A_52] : memref<100x128xf32, #tpu.memory_space<vmem>> -> memref<80x128xf32, #tpu.memory_space<vmem>>
        tpu.enqueue_dma source(%dma_start3A_53 : memref<80x128xf32, #tpu.memory_space<vmem>>) target(%dma_start3A_46 : memref<80x128xf32, #tpu.memory_space<vmem_shared>>) target_semaphore(%run_scoped3A : memref<!tpu.dma_semaphore, #tpu.memory_space<semaphore_mem>>)
        %dma_wait3A = arith.constant 0 : i32
        %dma_wait3A_54 = arith.constant 0 : i32
        %dma_wait3A_55 = tpu.memref_slice %arg11[%cond3A_12, %dma_wait3A, %dma_wait3A_54] : memref<2x100x128xf32, #tpu.memory_space<vmem>> -> memref<1x100x128xf32, #tpu.memory_space<vmem>>
        %dma_wait3A_56 = tpu.memref_squeeze %dma_wait3A_55 : memref<1x100x128xf32, #tpu.memory_space<vmem>> -> memref<100x128xf32, #tpu.memory_space<vmem>>
        %dma_wait3A_57 = arith.constant 0 : i32
        %dma_wait3A_58 = arith.constant 0 : i32
        %dma_wait3A_59 = tpu.memref_slice %dma_wait3A_56[%dma_wait3A_57, %dma_wait3A_58] : memref<100x128xf32, #tpu.memory_space<vmem>> -> memref<80x128xf32, #tpu.memory_space<vmem>>
        %dma_wait3A_60 = arith.constant 9920 : i32
        %dma_wait3A_61 = arith.constant 0 : i32
        %dma_wait3A_62 = tpu.memref_slice %arg13[%dma_wait3A_60, %dma_wait3A_61] : memref<10000x128xf32, #tpu.memory_space<vmem_shared>> -> memref<80x128xf32, #tpu.memory_space<vmem_shared>>
        %dma_wait3A_63 = arith.constant 9920 : i32
        %dma_wait3A_64 = arith.constant 0 : i32
        %dma_wait3A_65 = tpu.memref_slice %arg13[%dma_wait3A_63, %dma_wait3A_64] : memref<10000x128xf32, #tpu.memory_space<vmem_shared>> -> memref<80x128xf32, #tpu.memory_space<vmem_shared>>
        %dma_wait3A_66 = arith.constant 0 : i32
        %dma_wait3A_67 = arith.constant 0 : i32
        %dma_wait3A_68 = tpu.memref_slice %arg11[%cond3A_12, %dma_wait3A_66, %dma_wait3A_67] : memref<2x100x128xf32, #tpu.memory_space<vmem>> -> memref<1x100x128xf32, #tpu.memory_space<vmem>>
        %dma_wait3A_69 = tpu.memref_squeeze %dma_wait3A_68 : memref<1x100x128xf32, #tpu.memory_space<vmem>> -> memref<100x128xf32, #tpu.memory_space<vmem>>
        %dma_wait3A_70 = arith.constant 0 : i32
        %dma_wait3A_71 = arith.constant 0 : i32
        %dma_wait3A_72 = tpu.memref_slice %dma_wait3A_69[%dma_wait3A_70, %dma_wait3A_71] : memref<100x128xf32, #tpu.memory_space<vmem>> -> memref<80x128xf32, #tpu.memory_space<vmem>>
        tpu.wait_dma2 semaphore(%run_scoped3A : memref<!tpu.dma_semaphore, #tpu.memory_space<semaphore_mem>>) src(%dma_wait3A_72 : memref<80x128xf32, #tpu.memory_space<vmem>>) dst(%dma_wait3A_65 : memref<80x128xf32, #tpu.memory_space<vmem_shared>>)
        tpu.yield
      }) : () -> ()
    } else {
    }
    %mul3A_15 = arith.constant 16 : i32
    %mul3A_16 = arith.muli %arg1, %mul3A_15 : i32
    %multiple_of3A = tpu.assume_multiple %mul3A_16, 8 : i32
    "tpu.region"() ({
      %run_scoped3A = tpu.sem_alloc : memref<!tpu.dma_semaphore, #tpu.memory_space<semaphore_mem>>
      %dma_start3A = arith.constant 0 : i32
      %dma_start3A_35 = tpu.memref_slice %arg14[%multiple_of3A, %dma_start3A] : memref<256x128xf32, #tpu.memory_space<vmem_shared>> -> memref<16x128xf32, #tpu.memory_space<vmem_shared>>
      %dma_start3A_36 = arith.constant 0 : i32
      %dma_start3A_37 = tpu.memref_slice %arg6[%multiple_of3A, %dma_start3A_36] : memref<256x128xf32, #tpu.memory_space<hbm>> -> memref<16x128xf32, #tpu.memory_space<hbm>>
      tpu.enqueue_dma source(%dma_start3A_37 : memref<16x128xf32, #tpu.memory_space<hbm>>) target(%dma_start3A_35 : memref<16x128xf32, #tpu.memory_space<vmem_shared>>) target_semaphore(%run_scoped3A : memref<!tpu.dma_semaphore, #tpu.memory_space<semaphore_mem>>)
      %dma_wait3A = arith.constant 0 : i32
      %dma_wait3A_38 = tpu.memref_slice %arg14[%multiple_of3A, %dma_wait3A] : memref<256x128xf32, #tpu.memory_space<vmem_shared>> -> memref<16x128xf32, #tpu.memory_space<vmem_shared>>
      %dma_wait3A_39 = arith.constant 0 : i32
      %dma_wait3A_40 = tpu.memref_slice %arg6[%multiple_of3A, %dma_wait3A_39] : memref<256x128xf32, #tpu.memory_space<hbm>> -> memref<16x128xf32, #tpu.memory_space<hbm>>
      tpu.wait_dma2 semaphore(%run_scoped3A : memref<!tpu.dma_semaphore, #tpu.memory_space<semaphore_mem>>) src(%dma_wait3A_40 : memref<16x128xf32, #tpu.memory_space<hbm>>) dst(%dma_wait3A_38 : memref<16x128xf32, #tpu.memory_space<vmem_shared>>)
      tpu.yield
    }) : () -> ()
    %barrier3A = arith.constant 0 : index
    tpu.barrier barrier_id(%barrier3A)
    %scan3A_17 = arith.constant 0 : i32
    %scan3A_18 = arith.constant 0 : i32
    %scan3A_19 = arith.constant 10 : i32
    %scan3A_20 = arith.addi %scan3A_18, %scan3A_19 : i32
    %scan3A_21 = arith.constant 1 : i32
    %scan3A_22 = scf.for %scan3A_35 = %scan3A_18 to %scan3A_20 step %scan3A_21 iter_args(%scan3A_36 = %scan3A_17) -> (i32)  : i32 {
      "tpu.region"() ({
        %run_scoped3A = tpu.sem_alloc : memref<!tpu.dma_semaphore, #tpu.memory_space<semaphore_mem>>
        %dma_start3A_73 = arith.constant 0 : i32
        %dma_start3A_74 = arith.constant 0 : i32
        %dma_start3A_75 = tpu.memref_slice %arg3[%add3A, %scan3A_35, %dma_start3A_73, %dma_start3A_74] : memref<32x10x10x100xi32, #tpu.memory_space<hbm>> -> memref<1x1x10x100xi32, #tpu.memory_space<hbm>>
        %dma_start3A_76 = tpu.memref_squeeze %dma_start3A_75 : memref<1x1x10x100xi32, #tpu.memory_space<hbm>> -> memref<10x100xi32, #tpu.memory_space<hbm>>
        %dma_start3A_77 = arith.constant 0 : i32
        %dma_start3A_78 = arith.constant 0 : i32
        %dma_start3A_79 = tpu.memref_slice %arg3[%add3A, %scan3A_35, %dma_start3A_77, %dma_start3A_78] : memref<32x10x10x100xi32, #tpu.memory_space<hbm>> -> memref<1x1x10x100xi32, #tpu.memory_space<hbm>>
        %dma_start3A_80 = tpu.memref_squeeze %dma_start3A_79 : memref<1x1x10x100xi32, #tpu.memory_space<hbm>> -> memref<10x100xi32, #tpu.memory_space<hbm>>
        tpu.enqueue_dma source(%dma_start3A_80 : memref<10x100xi32, #tpu.memory_space<hbm>>) target(%arg8 : memref<10x100xi32, #tpu.memory_space<vmem>>) target_semaphore(%run_scoped3A : memref<!tpu.dma_semaphore, #tpu.memory_space<semaphore_mem>>)
        %dma_wait3A_81 = arith.constant 0 : i32
        %dma_wait3A_82 = arith.constant 0 : i32
        %dma_wait3A_83 = tpu.memref_slice %arg3[%add3A, %scan3A_35, %dma_wait3A_81, %dma_wait3A_82] : memref<32x10x10x100xi32, #tpu.memory_space<hbm>> -> memref<1x1x10x100xi32, #tpu.memory_space<hbm>>
        %dma_wait3A_84 = tpu.memref_squeeze %dma_wait3A_83 : memref<1x1x10x100xi32, #tpu.memory_space<hbm>> -> memref<10x100xi32, #tpu.memory_space<hbm>>
        %dma_wait3A_85 = arith.constant 0 : i32
        %dma_wait3A_86 = arith.constant 0 : i32
        %dma_wait3A_87 = tpu.memref_slice %arg3[%add3A, %scan3A_35, %dma_wait3A_85, %dma_wait3A_86] : memref<32x10x10x100xi32, #tpu.memory_space<hbm>> -> memref<1x1x10x100xi32, #tpu.memory_space<hbm>>
        %dma_wait3A_88 = tpu.memref_squeeze %dma_wait3A_87 : memref<1x1x10x100xi32, #tpu.memory_space<hbm>> -> memref<10x100xi32, #tpu.memory_space<hbm>>
        tpu.wait_dma2 semaphore(%run_scoped3A : memref<!tpu.dma_semaphore, #tpu.memory_space<semaphore_mem>>) src(%dma_wait3A_88 : memref<10x100xi32, #tpu.memory_space<hbm>>) dst(%arg8 : memref<10x100xi32, #tpu.memory_space<vmem>>)
        tpu.yield
      }) : () -> ()
      "tpu.region"() ({
        %run_scoped3A = tpu.sem_alloc : memref<!tpu.dma_semaphore, #tpu.memory_space<semaphore_mem>>
        %dma_start3A_73 = arith.constant 0 : i32
        %dma_start3A_74 = arith.constant 0 : i32
        %dma_start3A_75 = tpu.memref_slice %arg4[%add3A, %scan3A_35, %dma_start3A_73, %dma_start3A_74] : memref<32x10x10x100xi32, #tpu.memory_space<hbm>> -> memref<1x1x10x100xi32, #tpu.memory_space<hbm>>
        %dma_start3A_76 = tpu.memref_squeeze %dma_start3A_75 : memref<1x1x10x100xi32, #tpu.memory_space<hbm>> -> memref<10x100xi32, #tpu.memory_space<hbm>>
        %dma_start3A_77 = arith.constant 0 : i32
        %dma_start3A_78 = arith.constant 0 : i32
        %dma_start3A_79 = tpu.memref_slice %arg4[%add3A, %scan3A_35, %dma_start3A_77, %dma_start3A_78] : memref<32x10x10x100xi32, #tpu.memory_space<hbm>> -> memref<1x1x10x100xi32, #tpu.memory_space<hbm>>
        %dma_start3A_80 = tpu.memref_squeeze %dma_start3A_79 : memref<1x1x10x100xi32, #tpu.memory_space<hbm>> -> memref<10x100xi32, #tpu.memory_space<hbm>>
        tpu.enqueue_dma source(%dma_start3A_80 : memref<10x100xi32, #tpu.memory_space<hbm>>) target(%arg10 : memref<10x100xi32, #tpu.memory_space<vmem>>) target_semaphore(%run_scoped3A : memref<!tpu.dma_semaphore, #tpu.memory_space<semaphore_mem>>)
        %dma_wait3A_81 = arith.constant 0 : i32
        %dma_wait3A_82 = arith.constant 0 : i32
        %dma_wait3A_83 = tpu.memref_slice %arg4[%add3A, %scan3A_35, %dma_wait3A_81, %dma_wait3A_82] : memref<32x10x10x100xi32, #tpu.memory_space<hbm>> -> memref<1x1x10x100xi32, #tpu.memory_space<hbm>>
        %dma_wait3A_84 = tpu.memref_squeeze %dma_wait3A_83 : memref<1x1x10x100xi32, #tpu.memory_space<hbm>> -> memref<10x100xi32, #tpu.memory_space<hbm>>
        %dma_wait3A_85 = arith.constant 0 : i32
        %dma_wait3A_86 = arith.constant 0 : i32
        %dma_wait3A_87 = tpu.memref_slice %arg4[%add3A, %scan3A_35, %dma_wait3A_85, %dma_wait3A_86] : memref<32x10x10x100xi32, #tpu.memory_space<hbm>> -> memref<1x1x10x100xi32, #tpu.memory_space<hbm>>
        %dma_wait3A_88 = tpu.memref_squeeze %dma_wait3A_87 : memref<1x1x10x100xi32, #tpu.memory_space<hbm>> -> memref<10x100xi32, #tpu.memory_space<hbm>>
        tpu.wait_dma2 semaphore(%run_scoped3A : memref<!tpu.dma_semaphore, #tpu.memory_space<semaphore_mem>>) src(%dma_wait3A_88 : memref<10x100xi32, #tpu.memory_space<hbm>>) dst(%arg10 : memref<10x100xi32, #tpu.memory_space<vmem>>)
        tpu.yield
      }) : () -> ()
      "tpu.region"() ({
        %run_scoped3A = tpu.sem_alloc : memref<!tpu.dma_semaphore, #tpu.memory_space<semaphore_mem>>
        %dma_start3A_73 = arith.constant 0 : i32
        %dma_start3A_74 = arith.constant 0 : i32
        %dma_start3A_75 = tpu.memref_slice %arg5[%add3A, %scan3A_35, %dma_start3A_73, %dma_start3A_74] : memref<32x10x10x100xi32, #tpu.memory_space<hbm>> -> memref<1x1x10x100xi32, #tpu.memory_space<hbm>>
        %dma_start3A_76 = tpu.memref_squeeze %dma_start3A_75 : memref<1x1x10x100xi32, #tpu.memory_space<hbm>> -> memref<10x100xi32, #tpu.memory_space<hbm>>
        %dma_start3A_77 = arith.constant 0 : i32
        %dma_start3A_78 = arith.constant 0 : i32
        %dma_start3A_79 = tpu.memref_slice %arg5[%add3A, %scan3A_35, %dma_start3A_77, %dma_start3A_78] : memref<32x10x10x100xi32, #tpu.memory_space<hbm>> -> memref<1x1x10x100xi32, #tpu.memory_space<hbm>>
        %dma_start3A_80 = tpu.memref_squeeze %dma_start3A_79 : memref<1x1x10x100xi32, #tpu.memory_space<hbm>> -> memref<10x100xi32, #tpu.memory_space<hbm>>
        tpu.enqueue_dma source(%dma_start3A_80 : memref<10x100xi32, #tpu.memory_space<hbm>>) target(%arg9 : memref<10x100xi32, #tpu.memory_space<vmem>>) target_semaphore(%run_scoped3A : memref<!tpu.dma_semaphore, #tpu.memory_space<semaphore_mem>>)
        %dma_wait3A_81 = arith.constant 0 : i32
        %dma_wait3A_82 = arith.constant 0 : i32
        %dma_wait3A_83 = tpu.memref_slice %arg5[%add3A, %scan3A_35, %dma_wait3A_81, %dma_wait3A_82] : memref<32x10x10x100xi32, #tpu.memory_space<hbm>> -> memref<1x1x10x100xi32, #tpu.memory_space<hbm>>
        %dma_wait3A_84 = tpu.memref_squeeze %dma_wait3A_83 : memref<1x1x10x100xi32, #tpu.memory_space<hbm>> -> memref<10x100xi32, #tpu.memory_space<hbm>>
        %dma_wait3A_85 = arith.constant 0 : i32
        %dma_wait3A_86 = arith.constant 0 : i32
        %dma_wait3A_87 = tpu.memref_slice %arg5[%add3A, %scan3A_35, %dma_wait3A_85, %dma_wait3A_86] : memref<32x10x10x100xi32, #tpu.memory_space<hbm>> -> memref<1x1x10x100xi32, #tpu.memory_space<hbm>>
        %dma_wait3A_88 = tpu.memref_squeeze %dma_wait3A_87 : memref<1x1x10x100xi32, #tpu.memory_space<hbm>> -> memref<10x100xi32, #tpu.memory_space<hbm>>
        tpu.wait_dma2 semaphore(%run_scoped3A : memref<!tpu.dma_semaphore, #tpu.memory_space<semaphore_mem>>) src(%dma_wait3A_88 : memref<10x100xi32, #tpu.memory_space<hbm>>) dst(%arg9 : memref<10x100xi32, #tpu.memory_space<vmem>>)
        tpu.yield
      }) : () -> ()
      %dma_start3A = arith.constant 0 : i32
      %dma_start3A_37 = arith.constant 0 : i32
      %dma_start3A_38 = arith.constant 0 : i32
      %dma_start3A_39 = arith.constant 0 : i32
      %dma_start3A_40 = arith.constant 0 : i32
      %dma_start3A_41 = tpu.memref_slice %arg11[%dma_start3A_37, %dma_start3A_39, %dma_start3A_40] : memref<2x100x128xf32, #tpu.memory_space<vmem>> -> memref<1x100x128xf32, #tpu.memory_space<vmem>>
      %dma_start3A_42 = tpu.memref_squeeze %dma_start3A_41 : memref<1x100x128xf32, #tpu.memory_space<vmem>> -> memref<100x128xf32, #tpu.memory_space<vmem>>
      %dma_start3A_43 = arith.constant 0 : i32
      %dma_start3A_44 = tpu.memref_slice %arg8[%dma_start3A, %dma_start3A_43] : memref<10x100xi32, #tpu.memory_space<vmem>> -> memref<1x100xi32, #tpu.memory_space<vmem>>
      %dma_start3A_45 = tpu.memref_squeeze %dma_start3A_44 : memref<1x100xi32, #tpu.memory_space<vmem>> -> memref<100xi32, #tpu.memory_space<vmem>>
      %dma_start3A_46 = arith.constant 0 : i32
      %dma_start3A_47 = arith.constant 0 : i32
      %dma_start3A_48 = tpu.memref_slice %arg2[%dma_start3A_46, %dma_start3A_47] : memref<10000x128xf32, #tpu.memory_space<hbm>> -> memref<10000x128xf32, #tpu.memory_space<hbm>>
      %dma_start3A_49 = tpu.memref_slice %arg15[%dma_start3A_38] : memref<2x!tpu.dma_semaphore, #tpu.memory_space<semaphore_mem>> -> memref<1x!tpu.dma_semaphore, #tpu.memory_space<semaphore_mem>>
      %dma_start3A_50 = tpu.memref_squeeze %dma_start3A_49 : memref<1x!tpu.dma_semaphore, #tpu.memory_space<semaphore_mem>> -> memref<!tpu.dma_semaphore, #tpu.memory_space<semaphore_mem>>
      tpu.enqueue_indirect_dma source(%dma_start3A_48 : memref<10000x128xf32, #tpu.memory_space<hbm>>) target(%dma_start3A_42 : memref<100x128xf32, #tpu.memory_space<vmem>>) offsets(%dma_start3A_45 : memref<100xi32, #tpu.memory_space<vmem>>) semaphore(%dma_start3A_50 : memref<!tpu.dma_semaphore, #tpu.memory_space<semaphore_mem>>)
      %scan3A_51 = arith.constant 0 : i32
      %scan3A_52 = arith.constant 0 : i32
      %scan3A_53 = arith.constant 10 : i32
      %scan3A_54 = arith.addi %scan3A_52, %scan3A_53 : i32
      %scan3A_55 = arith.constant 1 : i32
      %scan3A_56 = scf.for %scan3A_73 = %scan3A_52 to %scan3A_54 step %scan3A_55 iter_args(%scan3A_74 = %scan3A_51) -> (i32)  : i32 {
        %rem3A = arith.constant 2 : i32
        %rem3A_75 = arith.remsi %scan3A_73, %rem3A : i32
        %sub3A = arith.constant 1 : i32
        %sub3A_76 = arith.subi %sub3A, %rem3A_75 : i32
        %dma_start3A_77 = arith.constant 0 : i32
        %dma_start3A_78 = arith.constant 0 : i32
        %dma_start3A_79 = arith.constant 0 : i32
        %dma_start3A_80 = arith.constant 0 : i32
        %dma_start3A_81 = tpu.memref_slice %arg12[%dma_start3A_77, %dma_start3A_79, %dma_start3A_80] : memref<2x50x128xf32, #tpu.memory_space<vmem>> -> memref<1x50x128xf32, #tpu.memory_space<vmem>>
        %dma_start3A_82 = tpu.memref_squeeze %dma_start3A_81 : memref<1x50x128xf32, #tpu.memory_space<vmem>> -> memref<50x128xf32, #tpu.memory_space<vmem>>
        %dma_start3A_83 = arith.constant 0 : i32
        %dma_start3A_84 = tpu.memref_slice %arg9[%scan3A_73, %dma_start3A_83] : memref<10x100xi32, #tpu.memory_space<vmem>> -> memref<1x50xi32, #tpu.memory_space<vmem>>
        %dma_start3A_85 = tpu.memref_squeeze %dma_start3A_84 : memref<1x50xi32, #tpu.memory_space<vmem>> -> memref<50xi32, #tpu.memory_space<vmem>>
        %dma_start3A_86 = arith.constant 0 : i32
        %dma_start3A_87 = arith.constant 0 : i32
        %dma_start3A_88 = tpu.memref_slice %arg14[%dma_start3A_86, %dma_start3A_87] : memref<256x128xf32, #tpu.memory_space<vmem_shared>> -> memref<256x128xf32, #tpu.memory_space<vmem_shared>>
        %dma_start3A_89 = tpu.memref_slice %arg17[%dma_start3A_78] : memref<2x!tpu.dma_semaphore, #tpu.memory_space<semaphore_mem>> -> memref<1x!tpu.dma_semaphore, #tpu.memory_space<semaphore_mem>>
        %dma_start3A_90 = tpu.memref_squeeze %dma_start3A_89 : memref<1x!tpu.dma_semaphore, #tpu.memory_space<semaphore_mem>> -> memref<!tpu.dma_semaphore, #tpu.memory_space<semaphore_mem>>
        tpu.enqueue_indirect_dma source(%dma_start3A_88 : memref<256x128xf32, #tpu.memory_space<vmem_shared>>) target(%dma_start3A_82 : memref<50x128xf32, #tpu.memory_space<vmem>>) offsets(%dma_start3A_85 : memref<50xi32, #tpu.memory_space<vmem>>) semaphore(%dma_start3A_90 : memref<!tpu.dma_semaphore, #tpu.memory_space<semaphore_mem>>)
        %dma_start3A_91 = arith.constant 1 : i32
        %dma_start3A_92 = arith.constant 1 : i32
        %dma_start3A_93 = arith.constant 0 : i32
        %dma_start3A_94 = arith.constant 0 : i32
        %dma_start3A_95 = tpu.memref_slice %arg12[%dma_start3A_91, %dma_start3A_93, %dma_start3A_94] : memref<2x50x128xf32, #tpu.memory_space<vmem>> -> memref<1x50x128xf32, #tpu.memory_space<vmem>>
        %dma_start3A_96 = tpu.memref_squeeze %dma_start3A_95 : memref<1x50x128xf32, #tpu.memory_space<vmem>> -> memref<50x128xf32, #tpu.memory_space<vmem>>
        %dma_start3A_97 = arith.constant 50 : i32
        %dma_start3A_98 = tpu.memref_slice %arg9[%scan3A_73, %dma_start3A_97] : memref<10x100xi32, #tpu.memory_space<vmem>> -> memref<1x50xi32, #tpu.memory_space<vmem>>
        %dma_start3A_99 = tpu.memref_squeeze %dma_start3A_98 : memref<1x50xi32, #tpu.memory_space<vmem>> -> memref<50xi32, #tpu.memory_space<vmem>>
        %dma_start3A_100 = arith.constant 0 : i32
        %dma_start3A_101 = arith.constant 0 : i32
        %dma_start3A_102 = tpu.memref_slice %arg14[%dma_start3A_100, %dma_start3A_101] : memref<256x128xf32, #tpu.memory_space<vmem_shared>> -> memref<256x128xf32, #tpu.memory_space<vmem_shared>>
        %dma_start3A_103 = tpu.memref_slice %arg17[%dma_start3A_92] : memref<2x!tpu.dma_semaphore, #tpu.memory_space<semaphore_mem>> -> memref<1x!tpu.dma_semaphore, #tpu.memory_space<semaphore_mem>>
        %dma_start3A_104 = tpu.memref_squeeze %dma_start3A_103 : memref<1x!tpu.dma_semaphore, #tpu.memory_space<semaphore_mem>> -> memref<!tpu.dma_semaphore, #tpu.memory_space<semaphore_mem>>
        tpu.enqueue_indirect_dma source(%dma_start3A_102 : memref<256x128xf32, #tpu.memory_space<vmem_shared>>) target(%dma_start3A_96 : memref<50x128xf32, #tpu.memory_space<vmem>>) offsets(%dma_start3A_99 : memref<50xi32, #tpu.memory_space<vmem>>) semaphore(%dma_start3A_104 : memref<!tpu.dma_semaphore, #tpu.memory_space<semaphore_mem>>)
        %gt3A = arith.constant 0 : i32
        %gt3A_105 = arith.cmpi sgt, %scan3A_73, %gt3A : i32
        %convert_element_type3A_106 = arith.extui %gt3A_105 : i1 to i32
        %cond3A_107 = arith.constant 0 : i32
        %cond3A_108 = arith.cmpi ne, %convert_element_type3A_106, %cond3A_107 : i32
        scf.if %cond3A_108 {
          %sub3A_187 = arith.constant 1 : i32
          %sub3A_188 = arith.subi %scan3A_73, %sub3A_187 : i32
          %dma_wait3A_189 = arith.constant 0 : i32
          %dma_wait3A_190 = arith.constant 0 : i32
          %dma_wait3A_191 = tpu.memref_slice %arg11[%sub3A_76, %dma_wait3A_189, %dma_wait3A_190] : memref<2x100x128xf32, #tpu.memory_space<vmem>> -> memref<1x100x128xf32, #tpu.memory_space<vmem>>
          %dma_wait3A_192 = tpu.memref_squeeze %dma_wait3A_191 : memref<1x100x128xf32, #tpu.memory_space<vmem>> -> memref<100x128xf32, #tpu.memory_space<vmem>>
          %dma_wait3A_193 = arith.constant 0 : i32
          %dma_wait3A_194 = tpu.memref_slice %arg10[%sub3A_188, %dma_wait3A_193] : memref<10x100xi32, #tpu.memory_space<vmem>> -> memref<1x100xi32, #tpu.memory_space<vmem>>
          %dma_wait3A_195 = tpu.memref_squeeze %dma_wait3A_194 : memref<1x100xi32, #tpu.memory_space<vmem>> -> memref<100xi32, #tpu.memory_space<vmem>>
          %dma_wait3A_196 = arith.constant 0 : i32
          %dma_wait3A_197 = arith.constant 0 : i32
          %dma_wait3A_198 = tpu.memref_slice %arg13[%dma_wait3A_196, %dma_wait3A_197] : memref<10000x128xf32, #tpu.memory_space<vmem_shared>> -> memref<10000x128xf32, #tpu.memory_space<vmem_shared>>
          %dma_wait3A_199 = tpu.memref_slice %arg16[%sub3A_76] : memref<2x!tpu.dma_semaphore, #tpu.memory_space<semaphore_mem>> -> memref<1x!tpu.dma_semaphore, #tpu.memory_space<semaphore_mem>>
          %dma_wait3A_200 = tpu.memref_squeeze %dma_wait3A_199 : memref<1x!tpu.dma_semaphore, #tpu.memory_space<semaphore_mem>> -> memref<!tpu.dma_semaphore, #tpu.memory_space<semaphore_mem>>
          tpu.wait_indirect_dma semaphore(%dma_wait3A_200 : memref<!tpu.dma_semaphore, #tpu.memory_space<semaphore_mem>>) src(%dma_wait3A_192 : memref<100x128xf32, #tpu.memory_space<vmem>>) dst(%dma_wait3A_198 : memref<10000x128xf32, #tpu.memory_space<vmem_shared>>)
        } else {
        }
        %lt3A_109 = arith.constant 9 : i32
        %lt3A_110 = arith.cmpi slt, %scan3A_73, %lt3A_109 : i32
        %convert_element_type3A_111 = arith.extui %lt3A_110 : i1 to i32
        %cond3A_112 = arith.constant 0 : i32
        %cond3A_113 = arith.cmpi ne, %convert_element_type3A_111, %cond3A_112 : i32
        scf.if %cond3A_113 {
          %add3A_187 = arith.constant 1 : i32
          %add3A_188 = arith.addi %scan3A_73, %add3A_187 : i32
          %dma_start3A_189 = arith.constant 0 : i32
          %dma_start3A_190 = arith.constant 0 : i32
          %dma_start3A_191 = tpu.memref_slice %arg11[%sub3A_76, %dma_start3A_189, %dma_start3A_190] : memref<2x100x128xf32, #tpu.memory_space<vmem>> -> memref<1x100x128xf32, #tpu.memory_space<vmem>>
          %dma_start3A_192 = tpu.memref_squeeze %dma_start3A_191 : memref<1x100x128xf32, #tpu.memory_space<vmem>> -> memref<100x128xf32, #tpu.memory_space<vmem>>
          %dma_start3A_193 = arith.constant 0 : i32
          %dma_start3A_194 = tpu.memref_slice %arg8[%add3A_188, %dma_start3A_193] : memref<10x100xi32, #tpu.memory_space<vmem>> -> memref<1x100xi32, #tpu.memory_space<vmem>>
          %dma_start3A_195 = tpu.memref_squeeze %dma_start3A_194 : memref<1x100xi32, #tpu.memory_space<vmem>> -> memref<100xi32, #tpu.memory_space<vmem>>
          %dma_start3A_196 = arith.constant 0 : i32
          %dma_start3A_197 = arith.constant 0 : i32
          %dma_start3A_198 = tpu.memref_slice %arg2[%dma_start3A_196, %dma_start3A_197] : memref<10000x128xf32, #tpu.memory_space<hbm>> -> memref<10000x128xf32, #tpu.memory_space<hbm>>
          %dma_start3A_199 = tpu.memref_slice %arg15[%sub3A_76] : memref<2x!tpu.dma_semaphore, #tpu.memory_space<semaphore_mem>> -> memref<1x!tpu.dma_semaphore, #tpu.memory_space<semaphore_mem>>
          %dma_start3A_200 = tpu.memref_squeeze %dma_start3A_199 : memref<1x!tpu.dma_semaphore, #tpu.memory_space<semaphore_mem>> -> memref<!tpu.dma_semaphore, #tpu.memory_space<semaphore_mem>>
          tpu.enqueue_indirect_dma source(%dma_start3A_198 : memref<10000x128xf32, #tpu.memory_space<hbm>>) target(%dma_start3A_192 : memref<100x128xf32, #tpu.memory_space<vmem>>) offsets(%dma_start3A_195 : memref<100xi32, #tpu.memory_space<vmem>>) semaphore(%dma_start3A_200 : memref<!tpu.dma_semaphore, #tpu.memory_space<semaphore_mem>>)
        } else {
        }
        %dma_wait3A_114 = arith.constant 0 : i32
        %dma_wait3A_115 = arith.constant 0 : i32
        %dma_wait3A_116 = tpu.memref_slice %arg11[%rem3A_75, %dma_wait3A_114, %dma_wait3A_115] : memref<2x100x128xf32, #tpu.memory_space<vmem>> -> memref<1x100x128xf32, #tpu.memory_space<vmem>>
        %dma_wait3A_117 = tpu.memref_squeeze %dma_wait3A_116 : memref<1x100x128xf32, #tpu.memory_space<vmem>> -> memref<100x128xf32, #tpu.memory_space<vmem>>
        %dma_wait3A_118 = arith.constant 0 : i32
        %dma_wait3A_119 = tpu.memref_slice %arg8[%scan3A_73, %dma_wait3A_118] : memref<10x100xi32, #tpu.memory_space<vmem>> -> memref<1x100xi32, #tpu.memory_space<vmem>>
        %dma_wait3A_120 = tpu.memref_squeeze %dma_wait3A_119 : memref<1x100xi32, #tpu.memory_space<vmem>> -> memref<100xi32, #tpu.memory_space<vmem>>
        %dma_wait3A_121 = arith.constant 0 : i32
        %dma_wait3A_122 = arith.constant 0 : i32
        %dma_wait3A_123 = tpu.memref_slice %arg2[%dma_wait3A_121, %dma_wait3A_122] : memref<10000x128xf32, #tpu.memory_space<hbm>> -> memref<10000x128xf32, #tpu.memory_space<hbm>>
        %dma_wait3A_124 = tpu.memref_slice %arg15[%rem3A_75] : memref<2x!tpu.dma_semaphore, #tpu.memory_space<semaphore_mem>> -> memref<1x!tpu.dma_semaphore, #tpu.memory_space<semaphore_mem>>
        %dma_wait3A_125 = tpu.memref_squeeze %dma_wait3A_124 : memref<1x!tpu.dma_semaphore, #tpu.memory_space<semaphore_mem>> -> memref<!tpu.dma_semaphore, #tpu.memory_space<semaphore_mem>>
        tpu.wait_indirect_dma semaphore(%dma_wait3A_125 : memref<!tpu.dma_semaphore, #tpu.memory_space<semaphore_mem>>) src(%dma_wait3A_123 : memref<10000x128xf32, #tpu.memory_space<hbm>>) dst(%dma_wait3A_117 : memref<100x128xf32, #tpu.memory_space<vmem>>)
        %dma_wait3A_126 = arith.constant 0 : i32
        %dma_wait3A_127 = arith.constant 0 : i32
        %dma_wait3A_128 = arith.constant 0 : i32
        %dma_wait3A_129 = arith.constant 0 : i32
        %dma_wait3A_130 = tpu.memref_slice %arg12[%dma_wait3A_126, %dma_wait3A_128, %dma_wait3A_129] : memref<2x50x128xf32, #tpu.memory_space<vmem>> -> memref<1x50x128xf32, #tpu.memory_space<vmem>>
        %dma_wait3A_131 = tpu.memref_squeeze %dma_wait3A_130 : memref<1x50x128xf32, #tpu.memory_space<vmem>> -> memref<50x128xf32, #tpu.memory_space<vmem>>
        %dma_wait3A_132 = arith.constant 0 : i32
        %dma_wait3A_133 = tpu.memref_slice %arg9[%scan3A_73, %dma_wait3A_132] : memref<10x100xi32, #tpu.memory_space<vmem>> -> memref<1x50xi32, #tpu.memory_space<vmem>>
        %dma_wait3A_134 = tpu.memref_squeeze %dma_wait3A_133 : memref<1x50xi32, #tpu.memory_space<vmem>> -> memref<50xi32, #tpu.memory_space<vmem>>
        %dma_wait3A_135 = arith.constant 0 : i32
        %dma_wait3A_136 = arith.constant 0 : i32
        %dma_wait3A_137 = tpu.memref_slice %arg14[%dma_wait3A_135, %dma_wait3A_136] : memref<256x128xf32, #tpu.memory_space<vmem_shared>> -> memref<256x128xf32, #tpu.memory_space<vmem_shared>>
        %dma_wait3A_138 = tpu.memref_slice %arg17[%dma_wait3A_127] : memref<2x!tpu.dma_semaphore, #tpu.memory_space<semaphore_mem>> -> memref<1x!tpu.dma_semaphore, #tpu.memory_space<semaphore_mem>>
        %dma_wait3A_139 = tpu.memref_squeeze %dma_wait3A_138 : memref<1x!tpu.dma_semaphore, #tpu.memory_space<semaphore_mem>> -> memref<!tpu.dma_semaphore, #tpu.memory_space<semaphore_mem>>
        tpu.wait_indirect_dma semaphore(%dma_wait3A_139 : memref<!tpu.dma_semaphore, #tpu.memory_space<semaphore_mem>>) src(%dma_wait3A_137 : memref<256x128xf32, #tpu.memory_space<vmem_shared>>) dst(%dma_wait3A_131 : memref<50x128xf32, #tpu.memory_space<vmem>>)
        %eq3A_140 = arith.constant 0 : i32
        %eq3A_141 = arith.cmpi eq, %rem3A_75, %eq3A_140 : i32
        %convert_element_type3A_142 = arith.extui %eq3A_141 : i1 to i32
        %cond3A_143 = arith.constant 0 : i32
        %cond3A_144 = arith.cmpi ne, %convert_element_type3A_142, %cond3A_143 : i32
        scf.if %cond3A_144 {
          %scan3A_187 = arith.constant 0 : i32
          %scan3A_188 = arith.constant 0 : i32
          %scan3A_189 = arith.constant 10 : i32
          %scan3A_190 = arith.addi %scan3A_188, %scan3A_189 : i32
          %scan3A_191 = arith.constant 1 : i32
          %scan3A_192 = scf.for %scan3A_194 = %scan3A_188 to %scan3A_190 step %scan3A_191 iter_args(%scan3A_195 = %scan3A_187) -> (i32)  : i32 {
            %mul3A_196 = arith.constant 5 : i32
            %mul3A_197 = arith.muli %scan3A_194, %mul3A_196 : i32
            %add3A_198 = arith.constant 0 : i32
            %add3A_199 = arith.addi %add3A_198, %mul3A_197 : i32
            %add3A_200 = arith.constant 0 : i32
            %add3A_201 = arith.addi %add3A_199, %add3A_200 : i32
            %get3A = arith.constant 0 : i32
            %get3A_202 = arith.index_cast %get3A : i32 to index
            %get3A_203 = arith.index_cast %add3A_201 : i32 to index
            %get3A_204 = arith.constant 0 : index
            %get3A_205 = tpu.vector_load %arg11[%get3A_202, %get3A_203, %get3A_204] {strides = array<i32>} : memref<2x100x128xf32, #tpu.memory_space<vmem>>, vector<1x1x16xf32>,
            %get3A_206 = vector.shape_cast %get3A_205 : vector<1x1x16xf32> to vector<16xf32>
            %mul3A_207 = arith.constant 5 : i32
            %mul3A_208 = arith.muli %scan3A_194, %mul3A_207 : i32
            %add3A_209 = arith.constant 0 : i32
            %add3A_210 = arith.addi %mul3A_208, %add3A_209 : i32
            %get3A_211 = arith.constant 0 : i32
            %get3A_212 = arith.index_cast %get3A_211 : i32 to index
            %get3A_213 = arith.index_cast %add3A_210 : i32 to index
            %get3A_214 = arith.constant 0 : index
            %get3A_215 = tpu.vector_load %arg12[%get3A_212, %get3A_213, %get3A_214] {strides = array<i32>} : memref<2x50x128xf32, #tpu.memory_space<vmem>>, vector<1x1x16xf32>,
            %get3A_216 = vector.shape_cast %get3A_215 : vector<1x1x16xf32> to vector<16xf32>
            %sub3A_217 = arith.subf %get3A_206, %get3A_216 : vector<16xf32>
            %swap3A = arith.constant 0 : i32
            %swap3A_218 = arith.index_cast %swap3A : i32 to index
            %swap3A_219 = arith.index_cast %add3A_201 : i32 to index
            %swap3A_220 = arith.constant 0 : index
            %swap3A_221 = tpu.vector_load %arg11[%swap3A_218, %swap3A_219, %swap3A_220] {strides = array<i32>} : memref<2x100x128xf32, #tpu.memory_space<vmem>>, vector<1x1x16xf32>,
            %swap3A_222 = vector.shape_cast %swap3A_221 : vector<1x1x16xf32> to vector<16xf32>
            %swap3A_223 = vector.shape_cast %sub3A_217 : vector<16xf32> to vector<1x1x16xf32>
            tpu.vector_store %arg11[%swap3A_218, %swap3A_219, %swap3A_220], %swap3A_223 {strides = array<i32>} : memref<2x100x128xf32, #tpu.memory_space<vmem>>, vector<1x1x16xf32>,
            %get3A_224 = arith.constant 0 : i32
            %get3A_225 = arith.index_cast %get3A_224 : i32 to index
            %get3A_226 = arith.index_cast %add3A_201 : i32 to index
            %get3A_227 = arith.constant 16 : index
            %get3A_228 = tpu.vector_load %arg11[%get3A_225, %get3A_226, %get3A_227] {strides = array<i32>} : memref<2x100x128xf32, #tpu.memory_space<vmem>>, vector<1x1x16xf32>,
            %get3A_229 = vector.shape_cast %get3A_228 : vector<1x1x16xf32> to vector<16xf32>
            %mul3A_230 = arith.constant 5 : i32
            %mul3A_231 = arith.muli %scan3A_194, %mul3A_230 : i32
            %add3A_232 = arith.constant 0 : i32
            %add3A_233 = arith.addi %mul3A_231, %add3A_232 : i32
            %get3A_234 = arith.constant 0 : i32
            %get3A_235 = arith.index_cast %get3A_234 : i32 to index
            %get3A_236 = arith.index_cast %add3A_233 : i32 to index
            %get3A_237 = arith.constant 16 : index
            %get3A_238 = tpu.vector_load %arg12[%get3A_235, %get3A_236, %get3A_237] {strides = array<i32>} : memref<2x50x128xf32, #tpu.memory_space<vmem>>, vector<1x1x16xf32>,
            %get3A_239 = vector.shape_cast %get3A_238 : vector<1x1x16xf32> to vector<16xf32>
            %sub3A_240 = arith.subf %get3A_229, %get3A_239 : vector<16xf32>
            %swap3A_241 = arith.constant 0 : i32
            %swap3A_242 = arith.index_cast %swap3A_241 : i32 to index
            %swap3A_243 = arith.index_cast %add3A_201 : i32 to index
            %swap3A_244 = arith.constant 16 : index
            %swap3A_245 = tpu.vector_load %arg11[%swap3A_242, %swap3A_243, %swap3A_244] {strides = array<i32>} : memref<2x100x128xf32, #tpu.memory_space<vmem>>, vector<1x1x16xf32>,
            %swap3A_246 = vector.shape_cast %swap3A_245 : vector<1x1x16xf32> to vector<16xf32>
            %swap3A_247 = vector.shape_cast %sub3A_240 : vector<16xf32> to vector<1x1x16xf32>
            tpu.vector_store %arg11[%swap3A_242, %swap3A_243, %swap3A_244], %swap3A_247 {strides = array<i32>} : memref<2x100x128xf32, #tpu.memory_space<vmem>>, vector<1x1x16xf32>,
            %get3A_248 = arith.constant 0 : i32
            %get3A_249 = arith.index_cast %get3A_248 : i32 to index
            %get3A_250 = arith.index_cast %add3A_201 : i32 to index
            %get3A_251 = arith.constant 32 : index
            %get3A_252 = tpu.vector_load %arg11[%get3A_249, %get3A_250, %get3A_251] {strides = array<i32>} : memref<2x100x128xf32, #tpu.memory_space<vmem>>, vector<1x1x16xf32>,
            %get3A_253 = vector.shape_cast %get3A_252 : vector<1x1x16xf32> to vector<16xf32>
            %mul3A_254 = arith.constant 5 : i32
            %mul3A_255 = arith.muli %scan3A_194, %mul3A_254 : i32
            %add3A_256 = arith.constant 0 : i32
            %add3A_257 = arith.addi %mul3A_255, %add3A_256 : i32
            %get3A_258 = arith.constant 0 : i32
            %get3A_259 = arith.index_cast %get3A_258 : i32 to index
            %get3A_260 = arith.index_cast %add3A_257 : i32 to index
            %get3A_261 = arith.constant 32 : index
            %get3A_262 = tpu.vector_load %arg12[%get3A_259, %get3A_260, %get3A_261] {strides = array<i32>} : memref<2x50x128xf32, #tpu.memory_space<vmem>>, vector<1x1x16xf32>,
            %get3A_263 = vector.shape_cast %get3A_262 : vector<1x1x16xf32> to vector<16xf32>
            %sub3A_264 = arith.subf %get3A_253, %get3A_263 : vector<16xf32>
            %swap3A_265 = arith.constant 0 : i32
            %swap3A_266 = arith.index_cast %swap3A_265 : i32 to index
            %swap3A_267 = arith.index_cast %add3A_201 : i32 to index
            %swap3A_268 = arith.constant 32 : index
            %swap3A_269 = tpu.vector_load %arg11[%swap3A_266, %swap3A_267, %swap3A_268] {strides = array<i32>} : memref<2x100x128xf32, #tpu.memory_space<vmem>>, vector<1x1x16xf32>,
            %swap3A_270 = vector.shape_cast %swap3A_269 : vector<1x1x16xf32> to vector<16xf32>
            %swap3A_271 = vector.shape_cast %sub3A_264 : vector<16xf32> to vector<1x1x16xf32>
            tpu.vector_store %arg11[%swap3A_266, %swap3A_267, %swap3A_268], %swap3A_271 {strides = array<i32>} : memref<2x100x128xf32, #tpu.memory_space<vmem>>, vector<1x1x16xf32>,
            %get3A_272 = arith.constant 0 : i32
            %get3A_273 = arith.index_cast %get3A_272 : i32 to index
            %get3A_274 = arith.index_cast %add3A_201 : i32 to index
            %get3A_275 = arith.constant 48 : index
            %get3A_276 = tpu.vector_load %arg11[%get3A_273, %get3A_274, %get3A_275] {strides = array<i32>} : memref<2x100x128xf32, #tpu.memory_space<vmem>>, vector<1x1x16xf32>,
            %get3A_277 = vector.shape_cast %get3A_276 : vector<1x1x16xf32> to vector<16xf32>
            %mul3A_278 = arith.constant 5 : i32
            %mul3A_279 = arith.muli %scan3A_194, %mul3A_278 : i32
            %add3A_280 = arith.constant 0 : i32
            %add3A_281 = arith.addi %mul3A_279, %add3A_280 : i32
            %get3A_282 = arith.constant 0 : i32
            %get3A_283 = arith.index_cast %get3A_282 : i32 to index
            %get3A_284 = arith.index_cast %add3A_281 : i32 to index
            %get3A_285 = arith.constant 48 : index
            %get3A_286 = tpu.vector_load %arg12[%get3A_283, %get3A_284, %get3A_285] {strides = array<i32>} : memref<2x50x128xf32, #tpu.memory_space<vmem>>, vector<1x1x16xf32>,
            %get3A_287 = vector.shape_cast %get3A_286 : vector<1x1x16xf32> to vector<16xf32>
            %sub3A_288 = arith.subf %get3A_277, %get3A_287 : vector<16xf32>
            %swap3A_289 = arith.constant 0 : i32
            %swap3A_290 = arith.index_cast %swap3A_289 : i32 to index
            %swap3A_291 = arith.index_cast %add3A_201 : i32 to index
            %swap3A_292 = arith.constant 48 : index
            %swap3A_293 = tpu.vector_load %arg11[%swap3A_290, %swap3A_291, %swap3A_292] {strides = array<i32>} : memref<2x100x128xf32, #tpu.memory_space<vmem>>, vector<1x1x16xf32>,
            %swap3A_294 = vector.shape_cast %swap3A_293 : vector<1x1x16xf32> to vector<16xf32>
            %swap3A_295 = vector.shape_cast %sub3A_288 : vector<16xf32> to vector<1x1x16xf32>
            tpu.vector_store %arg11[%swap3A_290, %swap3A_291, %swap3A_292], %swap3A_295 {strides = array<i32>} : memref<2x100x128xf32, #tpu.memory_space<vmem>>, vector<1x1x16xf32>,
            %get3A_296 = arith.constant 0 : i32
            %get3A_297 = arith.index_cast %get3A_296 : i32 to index
            %get3A_298 = arith.index_cast %add3A_201 : i32 to index
            %get3A_299 = arith.constant 64 : index
            %get3A_300 = tpu.vector_load %arg11[%get3A_297, %get3A_298, %get3A_299] {strides = array<i32>} : memref<2x100x128xf32, #tpu.memory_space<vmem>>, vector<1x1x16xf32>,
            %get3A_301 = vector.shape_cast %get3A_300 : vector<1x1x16xf32> to vector<16xf32>
            %mul3A_302 = arith.constant 5 : i32
            %mul3A_303 = arith.muli %scan3A_194, %mul3A_302 : i32
            %add3A_304 = arith.constant 0 : i32
            %add3A_305 = arith.addi %mul3A_303, %add3A_304 : i32
            %get3A_306 = arith.constant 0 : i32
            %get3A_307 = arith.index_cast %get3A_306 : i32 to index
            %get3A_308 = arith.index_cast %add3A_305 : i32 to index
            %get3A_309 = arith.constant 64 : index
            %get3A_310 = tpu.vector_load %arg12[%get3A_307, %get3A_308, %get3A_309] {strides = array<i32>} : memref<2x50x128xf32, #tpu.memory_space<vmem>>, vector<1x1x16xf32>,
            %get3A_311 = vector.shape_cast %get3A_310 : vector<1x1x16xf32> to vector<16xf32>
            %sub3A_312 = arith.subf %get3A_301, %get3A_311 : vector<16xf32>
            %swap3A_313 = arith.constant 0 : i32
            %swap3A_314 = arith.index_cast %swap3A_313 : i32 to index
            %swap3A_315 = arith.index_cast %add3A_201 : i32 to index
            %swap3A_316 = arith.constant 64 : index
            %swap3A_317 = tpu.vector_load %arg11[%swap3A_314, %swap3A_315, %swap3A_316] {strides = array<i32>} : memref<2x100x128xf32, #tpu.memory_space<vmem>>, vector<1x1x16xf32>,
            %swap3A_318 = vector.shape_cast %swap3A_317 : vector<1x1x16xf32> to vector<16xf32>
            %swap3A_319 = vector.shape_cast %sub3A_312 : vector<16xf32> to vector<1x1x16xf32>
            tpu.vector_store %arg11[%swap3A_314, %swap3A_315, %swap3A_316], %swap3A_319 {strides = array<i32>} : memref<2x100x128xf32, #tpu.memory_space<vmem>>, vector<1x1x16xf32>,
            %get3A_320 = arith.constant 0 : i32
            %get3A_321 = arith.index_cast %get3A_320 : i32 to index
            %get3A_322 = arith.index_cast %add3A_201 : i32 to index
            %get3A_323 = arith.constant 80 : index
            %get3A_324 = tpu.vector_load %arg11[%get3A_321, %get3A_322, %get3A_323] {strides = array<i32>} : memref<2x100x128xf32, #tpu.memory_space<vmem>>, vector<1x1x16xf32>,
            %get3A_325 = vector.shape_cast %get3A_324 : vector<1x1x16xf32> to vector<16xf32>
            %mul3A_326 = arith.constant 5 : i32
            %mul3A_327 = arith.muli %scan3A_194, %mul3A_326 : i32
            %add3A_328 = arith.constant 0 : i32
            %add3A_329 = arith.addi %mul3A_327, %add3A_328 : i32
            %get3A_330 = arith.constant 0 : i32
            %get3A_331 = arith.index_cast %get3A_330 : i32 to index
            %get3A_332 = arith.index_cast %add3A_329 : i32 to index
            %get3A_333 = arith.constant 80 : index
            %get3A_334 = tpu.vector_load %arg12[%get3A_331, %get3A_332, %get3A_333] {strides = array<i32>} : memref<2x50x128xf32, #tpu.memory_space<vmem>>, vector<1x1x16xf32>,
            %get3A_335 = vector.shape_cast %get3A_334 : vector<1x1x16xf32> to vector<16xf32>
            %sub3A_336 = arith.subf %get3A_325, %get3A_335 : vector<16xf32>
            %swap3A_337 = arith.constant 0 : i32
            %swap3A_338 = arith.index_cast %swap3A_337 : i32 to index
            %swap3A_339 = arith.index_cast %add3A_201 : i32 to index
            %swap3A_340 = arith.constant 80 : index
            %swap3A_341 = tpu.vector_load %arg11[%swap3A_338, %swap3A_339, %swap3A_340] {strides = array<i32>} : memref<2x100x128xf32, #tpu.memory_space<vmem>>, vector<1x1x16xf32>,
            %swap3A_342 = vector.shape_cast %swap3A_341 : vector<1x1x16xf32> to vector<16xf32>
            %swap3A_343 = vector.shape_cast %sub3A_336 : vector<16xf32> to vector<1x1x16xf32>
            tpu.vector_store %arg11[%swap3A_338, %swap3A_339, %swap3A_340], %swap3A_343 {strides = array<i32>} : memref<2x100x128xf32, #tpu.memory_space<vmem>>, vector<1x1x16xf32>,
            %get3A_344 = arith.constant 0 : i32
            %get3A_345 = arith.index_cast %get3A_344 : i32 to index
            %get3A_346 = arith.index_cast %add3A_201 : i32 to index
            %get3A_347 = arith.constant 96 : index
            %get3A_348 = tpu.vector_load %arg11[%get3A_345, %get3A_346, %get3A_347] {strides = array<i32>} : memref<2x100x128xf32, #tpu.memory_space<vmem>>, vector<1x1x16xf32>,
            %get3A_349 = vector.shape_cast %get3A_348 : vector<1x1x16xf32> to vector<16xf32>
            %mul3A_350 = arith.constant 5 : i32
            %mul3A_351 = arith.muli %scan3A_194, %mul3A_350 : i32
            %add3A_352 = arith.constant 0 : i32
            %add3A_353 = arith.addi %mul3A_351, %add3A_352 : i32
            %get3A_354 = arith.constant 0 : i32
            %get3A_355 = arith.index_cast %get3A_354 : i32 to index
            %get3A_356 = arith.index_cast %add3A_353 : i32 to index
            %get3A_357 = arith.constant 96 : index
            %get3A_358 = tpu.vector_load %arg12[%get3A_355, %get3A_356, %get3A_357] {strides = array<i32>} : memref<2x50x128xf32, #tpu.memory_space<vmem>>, vector<1x1x16xf32>,
            %get3A_359 = vector.shape_cast %get3A_358 : vector<1x1x16xf32> to vector<16xf32>
            %sub3A_360 = arith.subf %get3A_349, %get3A_359 : vector<16xf32>
            %swap3A_361 = arith.constant 0 : i32
            %swap3A_362 = arith.index_cast %swap3A_361 : i32 to index
            %swap3A_363 = arith.index_cast %add3A_201 : i32 to index
            %swap3A_364 = arith.constant 96 : index
            %swap3A_365 = tpu.vector_load %arg11[%swap3A_362, %swap3A_363, %swap3A_364] {strides = array<i32>} : memref<2x100x128xf32, #tpu.memory_space<vmem>>, vector<1x1x16xf32>,
            %swap3A_366 = vector.shape_cast %swap3A_365 : vector<1x1x16xf32> to vector<16xf32>
            %swap3A_367 = vector.shape_cast %sub3A_360 : vector<16xf32> to vector<1x1x16xf32>
            tpu.vector_store %arg11[%swap3A_362, %swap3A_363, %swap3A_364], %swap3A_367 {strides = array<i32>} : memref<2x100x128xf32, #tpu.memory_space<vmem>>, vector<1x1x16xf32>,
            %get3A_368 = arith.constant 0 : i32
            %get3A_369 = arith.index_cast %get3A_368 : i32 to index
            %get3A_370 = arith.index_cast %add3A_201 : i32 to index
            %get3A_371 = arith.constant 112 : index
            %get3A_372 = tpu.vector_load %arg11[%get3A_369, %get3A_370, %get3A_371] {strides = array<i32>} : memref<2x100x128xf32, #tpu.memory_space<vmem>>, vector<1x1x16xf32>,
            %get3A_373 = vector.shape_cast %get3A_372 : vector<1x1x16xf32> to vector<16xf32>
            %mul3A_374 = arith.constant 5 : i32
            %mul3A_375 = arith.muli %scan3A_194, %mul3A_374 : i32
            %add3A_376 = arith.constant 0 : i32
            %add3A_377 = arith.addi %mul3A_375, %add3A_376 : i32
            %get3A_378 = arith.constant 0 : i32
            %get3A_379 = arith.index_cast %get3A_378 : i32 to index
            %get3A_380 = arith.index_cast %add3A_377 : i32 to index
            %get3A_381 = arith.constant 112 : index
            %get3A_382 = tpu.vector_load %arg12[%get3A_379, %get3A_380, %get3A_381] {strides = array<i32>} : memref<2x50x128xf32, #tpu.memory_space<vmem>>, vector<1x1x16xf32>,
            %get3A_383 = vector.shape_cast %get3A_382 : vector<1x1x16xf32> to vector<16xf32>
            %sub3A_384 = arith.subf %get3A_373, %get3A_383 : vector<16xf32>
            %swap3A_385 = arith.constant 0 : i32
            %swap3A_386 = arith.index_cast %swap3A_385 : i32 to index
            %swap3A_387 = arith.index_cast %add3A_201 : i32 to index
            %swap3A_388 = arith.constant 112 : index
            %swap3A_389 = tpu.vector_load %arg11[%swap3A_386, %swap3A_387, %swap3A_388] {strides = array<i32>} : memref<2x100x128xf32, #tpu.memory_space<vmem>>, vector<1x1x16xf32>,
            %swap3A_390 = vector.shape_cast %swap3A_389 : vector<1x1x16xf32> to vector<16xf32>
            %swap3A_391 = vector.shape_cast %sub3A_384 : vector<16xf32> to vector<1x1x16xf32>
            tpu.vector_store %arg11[%swap3A_386, %swap3A_387, %swap3A_388], %swap3A_391 {strides = array<i32>} : memref<2x100x128xf32, #tpu.memory_space<vmem>>, vector<1x1x16xf32>,
            %mul3A_392 = arith.constant 5 : i32
            %mul3A_393 = arith.muli %scan3A_194, %mul3A_392 : i32
            %add3A_394 = arith.constant 0 : i32
            %add3A_395 = arith.addi %add3A_394, %mul3A_393 : i32
            %add3A_396 = arith.constant 1 : i32
            %add3A_397 = arith.addi %add3A_395, %add3A_396 : i32
            %get3A_398 = arith.constant 0 : i32
            %get3A_399 = arith.index_cast %get3A_398 : i32 to index
            %get3A_400 = arith.index_cast %add3A_397 : i32 to index
            %get3A_401 = arith.constant 0 : index
            %get3A_402 = tpu.vector_load %arg11[%get3A_399, %get3A_400, %get3A_401] {strides = array<i32>} : memref<2x100x128xf32, #tpu.memory_space<vmem>>, vector<1x1x16xf32>,
            %get3A_403 = vector.shape_cast %get3A_402 : vector<1x1x16xf32> to vector<16xf32>
            %mul3A_404 = arith.constant 5 : i32
            %mul3A_405 = arith.muli %scan3A_194, %mul3A_404 : i32
            %add3A_406 = arith.constant 1 : i32
            %add3A_407 = arith.addi %mul3A_405, %add3A_406 : i32
            %get3A_408 = arith.constant 0 : i32
            %get3A_409 = arith.index_cast %get3A_408 : i32 to index
            %get3A_410 = arith.index_cast %add3A_407 : i32 to index
            %get3A_411 = arith.constant 0 : index
            %get3A_412 = tpu.vector_load %arg12[%get3A_409, %get3A_410, %get3A_411] {strides = array<i32>} : memref<2x50x128xf32, #tpu.memory_space<vmem>>, vector<1x1x16xf32>,
            %get3A_413 = vector.shape_cast %get3A_412 : vector<1x1x16xf32> to vector<16xf32>
            %sub3A_414 = arith.subf %get3A_403, %get3A_413 : vector<16xf32>
            %swap3A_415 = arith.constant 0 : i32
            %swap3A_416 = arith.index_cast %swap3A_415 : i32 to index
            %swap3A_417 = arith.index_cast %add3A_397 : i32 to index
            %swap3A_418 = arith.constant 0 : index
            %swap3A_419 = tpu.vector_load %arg11[%swap3A_416, %swap3A_417, %swap3A_418] {strides = array<i32>} : memref<2x100x128xf32, #tpu.memory_space<vmem>>, vector<1x1x16xf32>,
            %swap3A_420 = vector.shape_cast %swap3A_419 : vector<1x1x16xf32> to vector<16xf32>
            %swap3A_421 = vector.shape_cast %sub3A_414 : vector<16xf32> to vector<1x1x16xf32>
            tpu.vector_store %arg11[%swap3A_416, %swap3A_417, %swap3A_418], %swap3A_421 {strides = array<i32>} : memref<2x100x128xf32, #tpu.memory_space<vmem>>, vector<1x1x16xf32>,
            %get3A_422 = arith.constant 0 : i32
            %get3A_423 = arith.index_cast %get3A_422 : i32 to index
            %get3A_424 = arith.index_cast %add3A_397 : i32 to index
            %get3A_425 = arith.constant 16 : index
            %get3A_426 = tpu.vector_load %arg11[%get3A_423, %get3A_424, %get3A_425] {strides = array<i32>} : memref<2x100x128xf32, #tpu.memory_space<vmem>>, vector<1x1x16xf32>,
            %get3A_427 = vector.shape_cast %get3A_426 : vector<1x1x16xf32> to vector<16xf32>
            %mul3A_428 = arith.constant 5 : i32
            %mul3A_429 = arith.muli %scan3A_194, %mul3A_428 : i32
            %add3A_430 = arith.constant 1 : i32
            %add3A_431 = arith.addi %mul3A_429, %add3A_430 : i32
            %get3A_432 = arith.constant 0 : i32
            %get3A_433 = arith.index_cast %get3A_432 : i32 to index
            %get3A_434 = arith.index_cast %add3A_431 : i32 to index
            %get3A_435 = arith.constant 16 : index
            %get3A_436 = tpu.vector_load %arg12[%get3A_433, %get3A_434, %get3A_435] {strides = array<i32>} : memref<2x50x128xf32, #tpu.memory_space<vmem>>, vector<1x1x16xf32>,
            %get3A_437 = vector.shape_cast %get3A_436 : vector<1x1x16xf32> to vector<16xf32>
            %sub3A_438 = arith.subf %get3A_427, %get3A_437 : vector<16xf32>
            %swap3A_439 = arith.constant 0 : i32
            %swap3A_440 = arith.index_cast %swap3A_439 : i32 to index
            %swap3A_441 = arith.index_cast %add3A_397 : i32 to index
            %swap3A_442 = arith.constant 16 : index
            %swap3A_443 = tpu.vector_load %arg11[%swap3A_440, %swap3A_441, %swap3A_442] {strides = array<i32>} : memref<2x100x128xf32, #tpu.memory_space<vmem>>, vector<1x1x16xf32>,
            %swap3A_444 = vector.shape_cast %swap3A_443 : vector<1x1x16xf32> to vector<16xf32>
            %swap3A_445 = vector.shape_cast %sub3A_438 : vector<16xf32> to vector<1x1x16xf32>
            tpu.vector_store %arg11[%swap3A_440, %swap3A_441, %swap3A_442], %swap3A_445 {strides = array<i32>} : memref<2x100x128xf32, #tpu.memory_space<vmem>>, vector<1x1x16xf32>,
            %get3A_446 = arith.constant 0 : i32
            %get3A_447 = arith.index_cast %get3A_446 : i32 to index
            %get3A_448 = arith.index_cast %add3A_397 : i32 to index
            %get3A_449 = arith.constant 32 : index
            %get3A_450 = tpu.vector_load %arg11[%get3A_447, %get3A_448, %get3A_449] {strides = array<i32>} : memref<2x100x128xf32, #tpu.memory_space<vmem>>, vector<1x1x16xf32>,
            %get3A_451 = vector.shape_cast %get3A_450 : vector<1x1x16xf32> to vector<16xf32>
            %mul3A_452 = arith.constant 5 : i32
            %mul3A_453 = arith.muli %scan3A_194, %mul3A_452 : i32
            %add3A_454 = arith.constant 1 : i32
            %add3A_455 = arith.addi %mul3A_453, %add3A_454 : i32
            %get3A_456 = arith.constant 0 : i32
            %get3A_457 = arith.index_cast %get3A_456 : i32 to index
            %get3A_458 = arith.index_cast %add3A_455 : i32 to index
            %get3A_459 = arith.constant 32 : index
            %get3A_460 = tpu.vector_load %arg12[%get3A_457, %get3A_458, %get3A_459] {strides = array<i32>} : memref<2x50x128xf32, #tpu.memory_space<vmem>>, vector<1x1x16xf32>,
            %get3A_461 = vector.shape_cast %get3A_460 : vector<1x1x16xf32> to vector<16xf32>
            %sub3A_462 = arith.subf %get3A_451, %get3A_461 : vector<16xf32>
            %swap3A_463 = arith.constant 0 : i32
            %swap3A_464 = arith.index_cast %swap3A_463 : i32 to index
            %swap3A_465 = arith.index_cast %add3A_397 : i32 to index
            %swap3A_466 = arith.constant 32 : index
            %swap3A_467 = tpu.vector_load %arg11[%swap3A_464, %swap3A_465, %swap3A_466] {strides = array<i32>} : memref<2x100x128xf32, #tpu.memory_space<vmem>>, vector<1x1x16xf32>,
            %swap3A_468 = vector.shape_cast %swap3A_467 : vector<1x1x16xf32> to vector<16xf32>
            %swap3A_469 = vector.shape_cast %sub3A_462 : vector<16xf32> to vector<1x1x16xf32>
            tpu.vector_store %arg11[%swap3A_464, %swap3A_465, %swap3A_466], %swap3A_469 {strides = array<i32>} : memref<2x100x128xf32, #tpu.memory_space<vmem>>, vector<1x1x16xf32>,
            %get3A_470 = arith.constant 0 : i32
            %get3A_471 = arith.index_cast %get3A_470 : i32 to index
            %get3A_472 = arith.index_cast %add3A_397 : i32 to index
            %get3A_473 = arith.constant 48 : index
            %get3A_474 = tpu.vector_load %arg11[%get3A_471, %get3A_472, %get3A_473] {strides = array<i32>} : memref<2x100x128xf32, #tpu.memory_space<vmem>>, vector<1x1x16xf32>,
            %get3A_475 = vector.shape_cast %get3A_474 : vector<1x1x16xf32> to vector<16xf32>
            %mul3A_476 = arith.constant 5 : i32
            %mul3A_477 = arith.muli %scan3A_194, %mul3A_476 : i32
            %add3A_478 = arith.constant 1 : i32
            %add3A_479 = arith.addi %mul3A_477, %add3A_478 : i32
            %get3A_480 = arith.constant 0 : i32
            %get3A_481 = arith.index_cast %get3A_480 : i32 to index
            %get3A_482 = arith.index_cast %add3A_479 : i32 to index
            %get3A_483 = arith.constant 48 : index
            %get3A_484 = tpu.vector_load %arg12[%get3A_481, %get3A_482, %get3A_483] {strides = array<i32>} : memref<2x50x128xf32, #tpu.memory_space<vmem>>, vector<1x1x16xf32>,
            %get3A_485 = vector.shape_cast %get3A_484 : vector<1x1x16xf32> to vector<16xf32>
            %sub3A_486 = arith.subf %get3A_475, %get3A_485 : vector<16xf32>
            %swap3A_487 = arith.constant 0 : i32
            %swap3A_488 = arith.index_cast %swap3A_487 : i32 to index
            %swap3A_489 = arith.index_cast %add3A_397 : i32 to index
            %swap3A_490 = arith.constant 48 : index
            %swap3A_491 = tpu.vector_load %arg11[%swap3A_488, %swap3A_489, %swap3A_490] {strides = array<i32>} : memref<2x100x128xf32, #tpu.memory_space<vmem>>, vector<1x1x16xf32>,
            %swap3A_492 = vector.shape_cast %swap3A_491 : vector<1x1x16xf32> to vector<16xf32>
            %swap3A_493 = vector.shape_cast %sub3A_486 : vector<16xf32> to vector<1x1x16xf32>
            tpu.vector_store %arg11[%swap3A_488, %swap3A_489, %swap3A_490], %swap3A_493 {strides = array<i32>} : memref<2x100x128xf32, #tpu.memory_space<vmem>>, vector<1x1x16xf32>,
            %get3A_494 = arith.constant 0 : i32
            %get3A_495 = arith.index_cast %get3A_494 : i32 to index
            %get3A_496 = arith.index_cast %add3A_397 : i32 to index
            %get3A_497 = arith.constant 64 : index
            %get3A_498 = tpu.vector_load %arg11[%get3A_495, %get3A_496, %get3A_497] {strides = array<i32>} : memref<2x100x128xf32, #tpu.memory_space<vmem>>, vector<1x1x16xf32>,
            %get3A_499 = vector.shape_cast %get3A_498 : vector<1x1x16xf32> to vector<16xf32>
            %mul3A_500 = arith.constant 5 : i32
            %mul3A_501 = arith.muli %scan3A_194, %mul3A_500 : i32
            %add3A_502 = arith.constant 1 : i32
            %add3A_503 = arith.addi %mul3A_501, %add3A_502 : i32
            %get3A_504 = arith.constant 0 : i32
            %get3A_505 = arith.index_cast %get3A_504 : i32 to index
            %get3A_506 = arith.index_cast %add3A_503 : i32 to index
            %get3A_507 = arith.constant 64 : index
            %get3A_508 = tpu.vector_load %arg12[%get3A_505, %get3A_506, %get3A_507] {strides = array<i32>} : memref<2x50x128xf32, #tpu.memory_space<vmem>>, vector<1x1x16xf32>,
            %get3A_509 = vector.shape_cast %get3A_508 : vector<1x1x16xf32> to vector<16xf32>
            %sub3A_510 = arith.subf %get3A_499, %get3A_509 : vector<16xf32>
            %swap3A_511 = arith.constant 0 : i32
            %swap3A_512 = arith.index_cast %swap3A_511 : i32 to index
            %swap3A_513 = arith.index_cast %add3A_397 : i32 to index
            %swap3A_514 = arith.constant 64 : index
            %swap3A_515 = tpu.vector_load %arg11[%swap3A_512, %swap3A_513, %swap3A_514] {strides = array<i32>} : memref<2x100x128xf32, #tpu.memory_space<vmem>>, vector<1x1x16xf32>,
            %swap3A_516 = vector.shape_cast %swap3A_515 : vector<1x1x16xf32> to vector<16xf32>
            %swap3A_517 = vector.shape_cast %sub3A_510 : vector<16xf32> to vector<1x1x16xf32>
            tpu.vector_store %arg11[%swap3A_512, %swap3A_513, %swap3A_514], %swap3A_517 {strides = array<i32>} : memref<2x100x128xf32, #tpu.memory_space<vmem>>, vector<1x1x16xf32>,
            %get3A_518 = arith.constant 0 : i32
            %get3A_519 = arith.index_cast %get3A_518 : i32 to index
            %get3A_520 = arith.index_cast %add3A_397 : i32 to index
            %get3A_521 = arith.constant 80 : index
            %get3A_522 = tpu.vector_load %arg11[%get3A_519, %get3A_520, %get3A_521] {strides = array<i32>} : memref<2x100x128xf32, #tpu.memory_space<vmem>>, vector<1x1x16xf32>,
            %get3A_523 = vector.shape_cast %get3A_522 : vector<1x1x16xf32> to vector<16xf32>
            %mul3A_524 = arith.constant 5 : i32
            %mul3A_525 = arith.muli %scan3A_194, %mul3A_524 : i32
            %add3A_526 = arith.constant 1 : i32
            %add3A_527 = arith.addi %mul3A_525, %add3A_526 : i32
            %get3A_528 = arith.constant 0 : i32
            %get3A_529 = arith.index_cast %get3A_528 : i32 to index
            %get3A_530 = arith.index_cast %add3A_527 : i32 to index
            %get3A_531 = arith.constant 80 : index
            %get3A_532 = tpu.vector_load %arg12[%get3A_529, %get3A_530, %get3A_531] {strides = array<i32>} : memref<2x50x128xf32, #tpu.memory_space<vmem>>, vector<1x1x16xf32>,
            %get3A_533 = vector.shape_cast %get3A_532 : vector<1x1x16xf32> to vector<16xf32>
            %sub3A_534 = arith.subf %get3A_523, %get3A_533 : vector<16xf32>
            %swap3A_535 = arith.constant 0 : i32
            %swap3A_536 = arith.index_cast %swap3A_535 : i32 to index
            %swap3A_537 = arith.index_cast %add3A_397 : i32 to index
            %swap3A_538 = arith.constant 80 : index
            %swap3A_539 = tpu.vector_load %arg11[%swap3A_536, %swap3A_537, %swap3A_538] {strides = array<i32>} : memref<2x100x128xf32, #tpu.memory_space<vmem>>, vector<1x1x16xf32>,
            %swap3A_540 = vector.shape_cast %swap3A_539 : vector<1x1x16xf32> to vector<16xf32>
            %swap3A_541 = vector.shape_cast %sub3A_534 : vector<16xf32> to vector<1x1x16xf32>
            tpu.vector_store %arg11[%swap3A_536, %swap3A_537, %swap3A_538], %swap3A_541 {strides = array<i32>} : memref<2x100x128xf32, #tpu.memory_space<vmem>>, vector<1x1x16xf32>,
            %get3A_542 = arith.constant 0 : i32
            %get3A_543 = arith.index_cast %get3A_542 : i32 to index
            %get3A_544 = arith.index_cast %add3A_397 : i32 to index
            %get3A_545 = arith.constant 96 : index
            %get3A_546 = tpu.vector_load %arg11[%get3A_543, %get3A_544, %get3A_545] {strides = array<i32>} : memref<2x100x128xf32, #tpu.memory_space<vmem>>, vector<1x1x16xf32>,
            %get3A_547 = vector.shape_cast %get3A_546 : vector<1x1x16xf32> to vector<16xf32>
            %mul3A_548 = arith.constant 5 : i32
            %mul3A_549 = arith.muli %scan3A_194, %mul3A_548 : i32
            %add3A_550 = arith.constant 1 : i32
            %add3A_551 = arith.addi %mul3A_549, %add3A_550 : i32
            %get3A_552 = arith.constant 0 : i32
            %get3A_553 = arith.index_cast %get3A_552 : i32 to index
            %get3A_554 = arith.index_cast %add3A_551 : i32 to index
            %get3A_555 = arith.constant 96 : index
            %get3A_556 = tpu.vector_load %arg12[%get3A_553, %get3A_554, %get3A_555] {strides = array<i32>} : memref<2x50x128xf32, #tpu.memory_space<vmem>>, vector<1x1x16xf32>,
            %get3A_557 = vector.shape_cast %get3A_556 : vector<1x1x16xf32> to vector<16xf32>
            %sub3A_558 = arith.subf %get3A_547, %get3A_557 : vector<16xf32>
            %swap3A_559 = arith.constant 0 : i32
            %swap3A_560 = arith.index_cast %swap3A_559 : i32 to index
            %swap3A_561 = arith.index_cast %add3A_397 : i32 to index
            %swap3A_562 = arith.constant 96 : index
            %swap3A_563 = tpu.vector_load %arg11[%swap3A_560, %swap3A_561, %swap3A_562] {strides = array<i32>} : memref<2x100x128xf32, #tpu.memory_space<vmem>>, vector<1x1x16xf32>,
            %swap3A_564 = vector.shape_cast %swap3A_563 : vector<1x1x16xf32> to vector<16xf32>
            %swap3A_565 = vector.shape_cast %sub3A_558 : vector<16xf32> to vector<1x1x16xf32>
            tpu.vector_store %arg11[%swap3A_560, %swap3A_561, %swap3A_562], %swap3A_565 {strides = array<i32>} : memref<2x100x128xf32, #tpu.memory_space<vmem>>, vector<1x1x16xf32>,
            %get3A_566 = arith.constant 0 : i32
            %get3A_567 = arith.index_cast %get3A_566 : i32 to index
            %get3A_568 = arith.index_cast %add3A_397 : i32 to index
            %get3A_569 = arith.constant 112 : index
            %get3A_570 = tpu.vector_load %arg11[%get3A_567, %get3A_568, %get3A_569] {strides = array<i32>} : memref<2x100x128xf32, #tpu.memory_space<vmem>>, vector<1x1x16xf32>,
            %get3A_571 = vector.shape_cast %get3A_570 : vector<1x1x16xf32> to vector<16xf32>
            %mul3A_572 = arith.constant 5 : i32
            %mul3A_573 = arith.muli %scan3A_194, %mul3A_572 : i32
            %add3A_574 = arith.constant 1 : i32
            %add3A_575 = arith.addi %mul3A_573, %add3A_574 : i32
            %get3A_576 = arith.constant 0 : i32
            %get3A_577 = arith.index_cast %get3A_576 : i32 to index
            %get3A_578 = arith.index_cast %add3A_575 : i32 to index
            %get3A_579 = arith.constant 112 : index
            %get3A_580 = tpu.vector_load %arg12[%get3A_577, %get3A_578, %get3A_579] {strides = array<i32>} : memref<2x50x128xf32, #tpu.memory_space<vmem>>, vector<1x1x16xf32>,
            %get3A_581 = vector.shape_cast %get3A_580 : vector<1x1x16xf32> to vector<16xf32>
            %sub3A_582 = arith.subf %get3A_571, %get3A_581 : vector<16xf32>
            %swap3A_583 = arith.constant 0 : i32
            %swap3A_584 = arith.index_cast %swap3A_583 : i32 to index
            %swap3A_585 = arith.index_cast %add3A_397 : i32 to index
            %swap3A_586 = arith.constant 112 : index
            %swap3A_587 = tpu.vector_load %arg11[%swap3A_584, %swap3A_585, %swap3A_586] {strides = array<i32>} : memref<2x100x128xf32, #tpu.memory_space<vmem>>, vector<1x1x16xf32>,
            %swap3A_588 = vector.shape_cast %swap3A_587 : vector<1x1x16xf32> to vector<16xf32>
            %swap3A_589 = vector.shape_cast %sub3A_582 : vector<16xf32> to vector<1x1x16xf32>
            tpu.vector_store %arg11[%swap3A_584, %swap3A_585, %swap3A_586], %swap3A_589 {strides = array<i32>} : memref<2x100x128xf32, #tpu.memory_space<vmem>>, vector<1x1x16xf32>,
            %mul3A_590 = arith.constant 5 : i32
            %mul3A_591 = arith.muli %scan3A_194, %mul3A_590 : i32
            %add3A_592 = arith.constant 0 : i32
            %add3A_593 = arith.addi %add3A_592, %mul3A_591 : i32
            %add3A_594 = arith.constant 2 : i32
            %add3A_595 = arith.addi %add3A_593, %add3A_594 : i32
            %get3A_596 = arith.constant 0 : i32
            %get3A_597 = arith.index_cast %get3A_596 : i32 to index
            %get3A_598 = arith.index_cast %add3A_595 : i32 to index
            %get3A_599 = arith.constant 0 : index
            %get3A_600 = tpu.vector_load %arg11[%get3A_597, %get3A_598, %get3A_599] {strides = array<i32>} : memref<2x100x128xf32, #tpu.memory_space<vmem>>, vector<1x1x16xf32>,
            %get3A_601 = vector.shape_cast %get3A_600 : vector<1x1x16xf32> to vector<16xf32>
            %mul3A_602 = arith.constant 5 : i32
            %mul3A_603 = arith.muli %scan3A_194, %mul3A_602 : i32
            %add3A_604 = arith.constant 2 : i32
            %add3A_605 = arith.addi %mul3A_603, %add3A_604 : i32
            %get3A_606 = arith.constant 0 : i32
            %get3A_607 = arith.index_cast %get3A_606 : i32 to index
            %get3A_608 = arith.index_cast %add3A_605 : i32 to index
            %get3A_609 = arith.constant 0 : index
            %get3A_610 = tpu.vector_load %arg12[%get3A_607, %get3A_608, %get3A_609] {strides = array<i32>} : memref<2x50x128xf32, #tpu.memory_space<vmem>>, vector<1x1x16xf32>,
            %get3A_611 = vector.shape_cast %get3A_610 : vector<1x1x16xf32> to vector<16xf32>
            %sub3A_612 = arith.subf %get3A_601, %get3A_611 : vector<16xf32>
            %swap3A_613 = arith.constant 0 : i32
            %swap3A_614 = arith.index_cast %swap3A_613 : i32 to index
            %swap3A_615 = arith.index_cast %add3A_595 : i32 to index
            %swap3A_616 = arith.constant 0 : index
            %swap3A_617 = tpu.vector_load %arg11[%swap3A_614, %swap3A_615, %swap3A_616] {strides = array<i32>} : memref<2x100x128xf32, #tpu.memory_space<vmem>>, vector<1x1x16xf32>,
            %swap3A_618 = vector.shape_cast %swap3A_617 : vector<1x1x16xf32> to vector<16xf32>
            %swap3A_619 = vector.shape_cast %sub3A_612 : vector<16xf32> to vector<1x1x16xf32>
            tpu.vector_store %arg11[%swap3A_614, %swap3A_615, %swap3A_616], %swap3A_619 {strides = array<i32>} : memref<2x100x128xf32, #tpu.memory_space<vmem>>, vector<1x1x16xf32>,
            %get3A_620 = arith.constant 0 : i32
            %get3A_621 = arith.index_cast %get3A_620 : i32 to index
            %get3A_622 = arith.index_cast %add3A_595 : i32 to index
            %get3A_623 = arith.constant 16 : index
            %get3A_624 = tpu.vector_load %arg11[%get3A_621, %get3A_622, %get3A_623] {strides = array<i32>} : memref<2x100x128xf32, #tpu.memory_space<vmem>>, vector<1x1x16xf32>,
            %get3A_625 = vector.shape_cast %get3A_624 : vector<1x1x16xf32> to vector<16xf32>
            %mul3A_626 = arith.constant 5 : i32
            %mul3A_627 = arith.muli %scan3A_194, %mul3A_626 : i32
            %add3A_628 = arith.constant 2 : i32
            %add3A_629 = arith.addi %mul3A_627, %add3A_628 : i32
            %get3A_630 = arith.constant 0 : i32
            %get3A_631 = arith.index_cast %get3A_630 : i32 to index
            %get3A_632 = arith.index_cast %add3A_629 : i32 to index
            %get3A_633 = arith.constant 16 : index
            %get3A_634 = tpu.vector_load %arg12[%get3A_631, %get3A_632, %get3A_633] {strides = array<i32>} : memref<2x50x128xf32, #tpu.memory_space<vmem>>, vector<1x1x16xf32>,
            %get3A_635 = vector.shape_cast %get3A_634 : vector<1x1x16xf32> to vector<16xf32>
            %sub3A_636 = arith.subf %get3A_625, %get3A_635 : vector<16xf32>
            %swap3A_637 = arith.constant 0 : i32
            %swap3A_638 = arith.index_cast %swap3A_637 : i32 to index
            %swap3A_639 = arith.index_cast %add3A_595 : i32 to index
            %swap3A_640 = arith.constant 16 : index
            %swap3A_641 = tpu.vector_load %arg11[%swap3A_638, %swap3A_639, %swap3A_640] {strides = array<i32>} : memref<2x100x128xf32, #tpu.memory_space<vmem>>, vector<1x1x16xf32>,
            %swap3A_642 = vector.shape_cast %swap3A_641 : vector<1x1x16xf32> to vector<16xf32>
            %swap3A_643 = vector.shape_cast %sub3A_636 : vector<16xf32> to vector<1x1x16xf32>
            tpu.vector_store %arg11[%swap3A_638, %swap3A_639, %swap3A_640], %swap3A_643 {strides = array<i32>} : memref<2x100x128xf32, #tpu.memory_space<vmem>>, vector<1x1x16xf32>,
            %get3A_644 = arith.constant 0 : i32
            %get3A_645 = arith.index_cast %get3A_644 : i32 to index
            %get3A_646 = arith.index_cast %add3A_595 : i32 to index
            %get3A_647 = arith.constant 32 : index
            %get3A_648 = tpu.vector_load %arg11[%get3A_645, %get3A_646, %get3A_647] {strides = array<i32>} : memref<2x100x128xf32, #tpu.memory_space<vmem>>, vector<1x1x16xf32>,
            %get3A_649 = vector.shape_cast %get3A_648 : vector<1x1x16xf32> to vector<16xf32>
            %mul3A_650 = arith.constant 5 : i32
            %mul3A_651 = arith.muli %scan3A_194, %mul3A_650 : i32
            %add3A_652 = arith.constant 2 : i32
            %add3A_653 = arith.addi %mul3A_651, %add3A_652 : i32
            %get3A_654 = arith.constant 0 : i32
            %get3A_655 = arith.index_cast %get3A_654 : i32 to index
            %get3A_656 = arith.index_cast %add3A_653 : i32 to index
            %get3A_657 = arith.constant 32 : index
            %get3A_658 = tpu.vector_load %arg12[%get3A_655, %get3A_656, %get3A_657] {strides = array<i32>} : memref<2x50x128xf32, #tpu.memory_space<vmem>>, vector<1x1x16xf32>,
            %get3A_659 = vector.shape_cast %get3A_658 : vector<1x1x16xf32> to vector<16xf32>
            %sub3A_660 = arith.subf %get3A_649, %get3A_659 : vector<16xf32>
            %swap3A_661 = arith.constant 0 : i32
            %swap3A_662 = arith.index_cast %swap3A_661 : i32 to index
            %swap3A_663 = arith.index_cast %add3A_595 : i32 to index
            %swap3A_664 = arith.constant 32 : index
            %swap3A_665 = tpu.vector_load %arg11[%swap3A_662, %swap3A_663, %swap3A_664] {strides = array<i32>} : memref<2x100x128xf32, #tpu.memory_space<vmem>>, vector<1x1x16xf32>,
            %swap3A_666 = vector.shape_cast %swap3A_665 : vector<1x1x16xf32> to vector<16xf32>
            %swap3A_667 = vector.shape_cast %sub3A_660 : vector<16xf32> to vector<1x1x16xf32>
            tpu.vector_store %arg11[%swap3A_662, %swap3A_663, %swap3A_664], %swap3A_667 {strides = array<i32>} : memref<2x100x128xf32, #tpu.memory_space<vmem>>, vector<1x1x16xf32>,
            %get3A_668 = arith.constant 0 : i32
            %get3A_669 = arith.index_cast %get3A_668 : i32 to index
            %get3A_670 = arith.index_cast %add3A_595 : i32 to index
            %get3A_671 = arith.constant 48 : index
            %get3A_672 = tpu.vector_load %arg11[%get3A_669, %get3A_670, %get3A_671] {strides = array<i32>} : memref<2x100x128xf32, #tpu.memory_space<vmem>>, vector<1x1x16xf32>,
            %get3A_673 = vector.shape_cast %get3A_672 : vector<1x1x16xf32> to vector<16xf32>
            %mul3A_674 = arith.constant 5 : i32
            %mul3A_675 = arith.muli %scan3A_194, %mul3A_674 : i32
            %add3A_676 = arith.constant 2 : i32
            %add3A_677 = arith.addi %mul3A_675, %add3A_676 : i32
            %get3A_678 = arith.constant 0 : i32
            %get3A_679 = arith.index_cast %get3A_678 : i32 to index
            %get3A_680 = arith.index_cast %add3A_677 : i32 to index
            %get3A_681 = arith.constant 48 : index
            %get3A_682 = tpu.vector_load %arg12[%get3A_679, %get3A_680, %get3A_681] {strides = array<i32>} : memref<2x50x128xf32, #tpu.memory_space<vmem>>, vector<1x1x16xf32>,
            %get3A_683 = vector.shape_cast %get3A_682 : vector<1x1x16xf32> to vector<16xf32>
            %sub3A_684 = arith.subf %get3A_673, %get3A_683 : vector<16xf32>
            %swap3A_685 = arith.constant 0 : i32
            %swap3A_686 = arith.index_cast %swap3A_685 : i32 to index
            %swap3A_687 = arith.index_cast %add3A_595 : i32 to index
            %swap3A_688 = arith.constant 48 : index
            %swap3A_689 = tpu.vector_load %arg11[%swap3A_686, %swap3A_687, %swap3A_688] {strides = array<i32>} : memref<2x100x128xf32, #tpu.memory_space<vmem>>, vector<1x1x16xf32>,
            %swap3A_690 = vector.shape_cast %swap3A_689 : vector<1x1x16xf32> to vector<16xf32>
            %swap3A_691 = vector.shape_cast %sub3A_684 : vector<16xf32> to vector<1x1x16xf32>
            tpu.vector_store %arg11[%swap3A_686, %swap3A_687, %swap3A_688], %swap3A_691 {strides = array<i32>} : memref<2x100x128xf32, #tpu.memory_space<vmem>>, vector<1x1x16xf32>,
            %get3A_692 = arith.constant 0 : i32
            %get3A_693 = arith.index_cast %get3A_692 : i32 to index
            %get3A_694 = arith.index_cast %add3A_595 : i32 to index
            %get3A_695 = arith.constant 64 : index
            %get3A_696 = tpu.vector_load %arg11[%get3A_693, %get3A_694, %get3A_695] {strides = array<i32>} : memref<2x100x128xf32, #tpu.memory_space<vmem>>, vector<1x1x16xf32>,
            %get3A_697 = vector.shape_cast %get3A_696 : vector<1x1x16xf32> to vector<16xf32>
            %mul3A_698 = arith.constant 5 : i32
            %mul3A_699 = arith.muli %scan3A_194, %mul3A_698 : i32
            %add3A_700 = arith.constant 2 : i32
            %add3A_701 = arith.addi %mul3A_699, %add3A_700 : i32
            %get3A_702 = arith.constant 0 : i32
            %get3A_703 = arith.index_cast %get3A_702 : i32 to index
            %get3A_704 = arith.index_cast %add3A_701 : i32 to index
            %get3A_705 = arith.constant 64 : index
            %get3A_706 = tpu.vector_load %arg12[%get3A_703, %get3A_704, %get3A_705] {strides = array<i32>} : memref<2x50x128xf32, #tpu.memory_space<vmem>>, vector<1x1x16xf32>,
            %get3A_707 = vector.shape_cast %get3A_706 : vector<1x1x16xf32> to vector<16xf32>
            %sub3A_708 = arith.subf %get3A_697, %get3A_707 : vector<16xf32>
            %swap3A_709 = arith.constant 0 : i32
            %swap3A_710 = arith.index_cast %swap3A_709 : i32 to index
            %swap3A_711 = arith.index_cast %add3A_595 : i32 to index
            %swap3A_712 = arith.constant 64 : index
            %swap3A_713 = tpu.vector_load %arg11[%swap3A_710, %swap3A_711, %swap3A_712] {strides = array<i32>} : memref<2x100x128xf32, #tpu.memory_space<vmem>>, vector<1x1x16xf32>,
            %swap3A_714 = vector.shape_cast %swap3A_713 : vector<1x1x16xf32> to vector<16xf32>
            %swap3A_715 = vector.shape_cast %sub3A_708 : vector<16xf32> to vector<1x1x16xf32>
            tpu.vector_store %arg11[%swap3A_710, %swap3A_711, %swap3A_712], %swap3A_715 {strides = array<i32>} : memref<2x100x128xf32, #tpu.memory_space<vmem>>, vector<1x1x16xf32>,
            %get3A_716 = arith.constant 0 : i32
            %get3A_717 = arith.index_cast %get3A_716 : i32 to index
            %get3A_718 = arith.index_cast %add3A_595 : i32 to index
            %get3A_719 = arith.constant 80 : index
            %get3A_720 = tpu.vector_load %arg11[%get3A_717, %get3A_718, %get3A_719] {strides = array<i32>} : memref<2x100x128xf32, #tpu.memory_space<vmem>>, vector<1x1x16xf32>,
            %get3A_721 = vector.shape_cast %get3A_720 : vector<1x1x16xf32> to vector<16xf32>
            %mul3A_722 = arith.constant 5 : i32
            %mul3A_723 = arith.muli %scan3A_194, %mul3A_722 : i32
            %add3A_724 = arith.constant 2 : i32
            %add3A_725 = arith.addi %mul3A_723, %add3A_724 : i32
            %get3A_726 = arith.constant 0 : i32
            %get3A_727 = arith.index_cast %get3A_726 : i32 to index
            %get3A_728 = arith.index_cast %add3A_725 : i32 to index
            %get3A_729 = arith.constant 80 : index
            %get3A_730 = tpu.vector_load %arg12[%get3A_727, %get3A_728, %get3A_729] {strides = array<i32>} : memref<2x50x128xf32, #tpu.memory_space<vmem>>, vector<1x1x16xf32>,
            %get3A_731 = vector.shape_cast %get3A_730 : vector<1x1x16xf32> to vector<16xf32>
            %sub3A_732 = arith.subf %get3A_721, %get3A_731 : vector<16xf32>
            %swap3A_733 = arith.constant 0 : i32
            %swap3A_734 = arith.index_cast %swap3A_733 : i32 to index
            %swap3A_735 = arith.index_cast %add3A_595 : i32 to index
            %swap3A_736 = arith.constant 80 : index
            %swap3A_737 = tpu.vector_load %arg11[%swap3A_734, %swap3A_735, %swap3A_736] {strides = array<i32>} : memref<2x100x128xf32, #tpu.memory_space<vmem>>, vector<1x1x16xf32>,
            %swap3A_738 = vector.shape_cast %swap3A_737 : vector<1x1x16xf32> to vector<16xf32>
            %swap3A_739 = vector.shape_cast %sub3A_732 : vector<16xf32> to vector<1x1x16xf32>
            tpu.vector_store %arg11[%swap3A_734, %swap3A_735, %swap3A_736], %swap3A_739 {strides = array<i32>} : memref<2x100x128xf32, #tpu.memory_space<vmem>>, vector<1x1x16xf32>,
            %get3A_740 = arith.constant 0 : i32
            %get3A_741 = arith.index_cast %get3A_740 : i32 to index
            %get3A_742 = arith.index_cast %add3A_595 : i32 to index
            %get3A_743 = arith.constant 96 : index
            %get3A_744 = tpu.vector_load %arg11[%get3A_741, %get3A_742, %get3A_743] {strides = array<i32>} : memref<2x100x128xf32, #tpu.memory_space<vmem>>, vector<1x1x16xf32>,
            %get3A_745 = vector.shape_cast %get3A_744 : vector<1x1x16xf32> to vector<16xf32>
            %mul3A_746 = arith.constant 5 : i32
            %mul3A_747 = arith.muli %scan3A_194, %mul3A_746 : i32
            %add3A_748 = arith.constant 2 : i32
            %add3A_749 = arith.addi %mul3A_747, %add3A_748 : i32
            %get3A_750 = arith.constant 0 : i32
            %get3A_751 = arith.index_cast %get3A_750 : i32 to index
            %get3A_752 = arith.index_cast %add3A_749 : i32 to index
            %get3A_753 = arith.constant 96 : index
            %get3A_754 = tpu.vector_load %arg12[%get3A_751, %get3A_752, %get3A_753] {strides = array<i32>} : memref<2x50x128xf32, #tpu.memory_space<vmem>>, vector<1x1x16xf32>,
            %get3A_755 = vector.shape_cast %get3A_754 : vector<1x1x16xf32> to vector<16xf32>
            %sub3A_756 = arith.subf %get3A_745, %get3A_755 : vector<16xf32>
            %swap3A_757 = arith.constant 0 : i32
            %swap3A_758 = arith.index_cast %swap3A_757 : i32 to index
            %swap3A_759 = arith.index_cast %add3A_595 : i32 to index
            %swap3A_760 = arith.constant 96 : index
            %swap3A_761 = tpu.vector_load %arg11[%swap3A_758, %swap3A_759, %swap3A_760] {strides = array<i32>} : memref<2x100x128xf32, #tpu.memory_space<vmem>>, vector<1x1x16xf32>,
            %swap3A_762 = vector.shape_cast %swap3A_761 : vector<1x1x16xf32> to vector<16xf32>
            %swap3A_763 = vector.shape_cast %sub3A_756 : vector<16xf32> to vector<1x1x16xf32>
            tpu.vector_store %arg11[%swap3A_758, %swap3A_759, %swap3A_760], %swap3A_763 {strides = array<i32>} : memref<2x100x128xf32, #tpu.memory_space<vmem>>, vector<1x1x16xf32>,
            %get3A_764 = arith.constant 0 : i32
            %get3A_765 = arith.index_cast %get3A_764 : i32 to index
            %get3A_766 = arith.index_cast %add3A_595 : i32 to index
            %get3A_767 = arith.constant 112 : index
            %get3A_768 = tpu.vector_load %arg11[%get3A_765, %get3A_766, %get3A_767] {strides = array<i32>} : memref<2x100x128xf32, #tpu.memory_space<vmem>>, vector<1x1x16xf32>,
            %get3A_769 = vector.shape_cast %get3A_768 : vector<1x1x16xf32> to vector<16xf32>
            %mul3A_770 = arith.constant 5 : i32
            %mul3A_771 = arith.muli %scan3A_194, %mul3A_770 : i32
            %add3A_772 = arith.constant 2 : i32
            %add3A_773 = arith.addi %mul3A_771, %add3A_772 : i32
            %get3A_774 = arith.constant 0 : i32
            %get3A_775 = arith.index_cast %get3A_774 : i32 to index
            %get3A_776 = arith.index_cast %add3A_773 : i32 to index
            %get3A_777 = arith.constant 112 : index
            %get3A_778 = tpu.vector_load %arg12[%get3A_775, %get3A_776, %get3A_777] {strides = array<i32>} : memref<2x50x128xf32, #tpu.memory_space<vmem>>, vector<1x1x16xf32>,
            %get3A_779 = vector.shape_cast %get3A_778 : vector<1x1x16xf32> to vector<16xf32>
            %sub3A_780 = arith.subf %get3A_769, %get3A_779 : vector<16xf32>
            %swap3A_781 = arith.constant 0 : i32
            %swap3A_782 = arith.index_cast %swap3A_781 : i32 to index
            %swap3A_783 = arith.index_cast %add3A_595 : i32 to index
            %swap3A_784 = arith.constant 112 : index
            %swap3A_785 = tpu.vector_load %arg11[%swap3A_782, %swap3A_783, %swap3A_784] {strides = array<i32>} : memref<2x100x128xf32, #tpu.memory_space<vmem>>, vector<1x1x16xf32>,
            %swap3A_786 = vector.shape_cast %swap3A_785 : vector<1x1x16xf32> to vector<16xf32>
            %swap3A_787 = vector.shape_cast %sub3A_780 : vector<16xf32> to vector<1x1x16xf32>
            tpu.vector_store %arg11[%swap3A_782, %swap3A_783, %swap3A_784], %swap3A_787 {strides = array<i32>} : memref<2x100x128xf32, #tpu.memory_space<vmem>>, vector<1x1x16xf32>,
            %mul3A_788 = arith.constant 5 : i32
            %mul3A_789 = arith.muli %scan3A_194, %mul3A_788 : i32
            %add3A_790 = arith.constant 0 : i32
            %add3A_791 = arith.addi %add3A_790, %mul3A_789 : i32
            %add3A_792 = arith.constant 3 : i32
            %add3A_793 = arith.addi %add3A_791, %add3A_792 : i32
            %get3A_794 = arith.constant 0 : i32
            %get3A_795 = arith.index_cast %get3A_794 : i32 to index
            %get3A_796 = arith.index_cast %add3A_793 : i32 to index
            %get3A_797 = arith.constant 0 : index
            %get3A_798 = tpu.vector_load %arg11[%get3A_795, %get3A_796, %get3A_797] {strides = array<i32>} : memref<2x100x128xf32, #tpu.memory_space<vmem>>, vector<1x1x16xf32>,
            %get3A_799 = vector.shape_cast %get3A_798 : vector<1x1x16xf32> to vector<16xf32>
            %mul3A_800 = arith.constant 5 : i32
            %mul3A_801 = arith.muli %scan3A_194, %mul3A_800 : i32
            %add3A_802 = arith.constant 3 : i32
            %add3A_803 = arith.addi %mul3A_801, %add3A_802 : i32
            %get3A_804 = arith.constant 0 : i32
            %get3A_805 = arith.index_cast %get3A_804 : i32 to index
            %get3A_806 = arith.index_cast %add3A_803 : i32 to index
            %get3A_807 = arith.constant 0 : index
            %get3A_808 = tpu.vector_load %arg12[%get3A_805, %get3A_806, %get3A_807] {strides = array<i32>} : memref<2x50x128xf32, #tpu.memory_space<vmem>>, vector<1x1x16xf32>,
            %get3A_809 = vector.shape_cast %get3A_808 : vector<1x1x16xf32> to vector<16xf32>
            %sub3A_810 = arith.subf %get3A_799, %get3A_809 : vector<16xf32>
            %swap3A_811 = arith.constant 0 : i32
            %swap3A_812 = arith.index_cast %swap3A_811 : i32 to index
            %swap3A_813 = arith.index_cast %add3A_793 : i32 to index
            %swap3A_814 = arith.constant 0 : index
            %swap3A_815 = tpu.vector_load %arg11[%swap3A_812, %swap3A_813, %swap3A_814] {strides = array<i32>} : memref<2x100x128xf32, #tpu.memory_space<vmem>>, vector<1x1x16xf32>,
            %swap3A_816 = vector.shape_cast %swap3A_815 : vector<1x1x16xf32> to vector<16xf32>
            %swap3A_817 = vector.shape_cast %sub3A_810 : vector<16xf32> to vector<1x1x16xf32>
            tpu.vector_store %arg11[%swap3A_812, %swap3A_813, %swap3A_814], %swap3A_817 {strides = array<i32>} : memref<2x100x128xf32, #tpu.memory_space<vmem>>, vector<1x1x16xf32>,
            %get3A_818 = arith.constant 0 : i32
            %get3A_819 = arith.index_cast %get3A_818 : i32 to index
            %get3A_820 = arith.index_cast %add3A_793 : i32 to index
            %get3A_821 = arith.constant 16 : index
            %get3A_822 = tpu.vector_load %arg11[%get3A_819, %get3A_820, %get3A_821] {strides = array<i32>} : memref<2x100x128xf32, #tpu.memory_space<vmem>>, vector<1x1x16xf32>,
            %get3A_823 = vector.shape_cast %get3A_822 : vector<1x1x16xf32> to vector<16xf32>
            %mul3A_824 = arith.constant 5 : i32
            %mul3A_825 = arith.muli %scan3A_194, %mul3A_824 : i32
            %add3A_826 = arith.constant 3 : i32
            %add3A_827 = arith.addi %mul3A_825, %add3A_826 : i32
            %get3A_828 = arith.constant 0 : i32
            %get3A_829 = arith.index_cast %get3A_828 : i32 to index
            %get3A_830 = arith.index_cast %add3A_827 : i32 to index
            %get3A_831 = arith.constant 16 : index
            %get3A_832 = tpu.vector_load %arg12[%get3A_829, %get3A_830, %get3A_831] {strides = array<i32>} : memref<2x50x128xf32, #tpu.memory_space<vmem>>, vector<1x1x16xf32>,
            %get3A_833 = vector.shape_cast %get3A_832 : vector<1x1x16xf32> to vector<16xf32>
            %sub3A_834 = arith.subf %get3A_823, %get3A_833 : vector<16xf32>
            %swap3A_835 = arith.constant 0 : i32
            %swap3A_836 = arith.index_cast %swap3A_835 : i32 to index
            %swap3A_837 = arith.index_cast %add3A_793 : i32 to index
            %swap3A_838 = arith.constant 16 : index
            %swap3A_839 = tpu.vector_load %arg11[%swap3A_836, %swap3A_837, %swap3A_838] {strides = array<i32>} : memref<2x100x128xf32, #tpu.memory_space<vmem>>, vector<1x1x16xf32>,
            %swap3A_840 = vector.shape_cast %swap3A_839 : vector<1x1x16xf32> to vector<16xf32>
            %swap3A_841 = vector.shape_cast %sub3A_834 : vector<16xf32> to vector<1x1x16xf32>
            tpu.vector_store %arg11[%swap3A_836, %swap3A_837, %swap3A_838], %swap3A_841 {strides = array<i32>} : memref<2x100x128xf32, #tpu.memory_space<vmem>>, vector<1x1x16xf32>,
            %get3A_842 = arith.constant 0 : i32
            %get3A_843 = arith.index_cast %get3A_842 : i32 to index
            %get3A_844 = arith.index_cast %add3A_793 : i32 to index
            %get3A_845 = arith.constant 32 : index
            %get3A_846 = tpu.vector_load %arg11[%get3A_843, %get3A_844, %get3A_845] {strides = array<i32>} : memref<2x100x128xf32, #tpu.memory_space<vmem>>, vector<1x1x16xf32>,
            %get3A_847 = vector.shape_cast %get3A_846 : vector<1x1x16xf32> to vector<16xf32>
            %mul3A_848 = arith.constant 5 : i32
            %mul3A_849 = arith.muli %scan3A_194, %mul3A_848 : i32
            %add3A_850 = arith.constant 3 : i32
            %add3A_851 = arith.addi %mul3A_849, %add3A_850 : i32
            %get3A_852 = arith.constant 0 : i32
            %get3A_853 = arith.index_cast %get3A_852 : i32 to index
            %get3A_854 = arith.index_cast %add3A_851 : i32 to index
            %get3A_855 = arith.constant 32 : index
            %get3A_856 = tpu.vector_load %arg12[%get3A_853, %get3A_854, %get3A_855] {strides = array<i32>} : memref<2x50x128xf32, #tpu.memory_space<vmem>>, vector<1x1x16xf32>,
            %get3A_857 = vector.shape_cast %get3A_856 : vector<1x1x16xf32> to vector<16xf32>
            %sub3A_858 = arith.subf %get3A_847, %get3A_857 : vector<16xf32>
            %swap3A_859 = arith.constant 0 : i32
            %swap3A_860 = arith.index_cast %swap3A_859 : i32 to index
            %swap3A_861 = arith.index_cast %add3A_793 : i32 to index
            %swap3A_862 = arith.constant 32 : index
            %swap3A_863 = tpu.vector_load %arg11[%swap3A_860, %swap3A_861, %swap3A_862] {strides = array<i32>} : memref<2x100x128xf32, #tpu.memory_space<vmem>>, vector<1x1x16xf32>,
            %swap3A_864 = vector.shape_cast %swap3A_863 : vector<1x1x16xf32> to vector<16xf32>
            %swap3A_865 = vector.shape_cast %sub3A_858 : vector<16xf32> to vector<1x1x16xf32>
            tpu.vector_store %arg11[%swap3A_860, %swap3A_861, %swap3A_862], %swap3A_865 {strides = array<i32>} : memref<2x100x128xf32, #tpu.memory_space<vmem>>, vector<1x1x16xf32>,
            %get3A_866 = arith.constant 0 : i32
            %get3A_867 = arith.index_cast %get3A_866 : i32 to index
            %get3A_868 = arith.index_cast %add3A_793 : i32 to index
            %get3A_869 = arith.constant 48 : index
            %get3A_870 = tpu.vector_load %arg11[%get3A_867, %get3A_868, %get3A_869] {strides = array<i32>} : memref<2x100x128xf32, #tpu.memory_space<vmem>>, vector<1x1x16xf32>,
            %get3A_871 = vector.shape_cast %get3A_870 : vector<1x1x16xf32> to vector<16xf32>
            %mul3A_872 = arith.constant 5 : i32
            %mul3A_873 = arith.muli %scan3A_194, %mul3A_872 : i32
            %add3A_874 = arith.constant 3 : i32
            %add3A_875 = arith.addi %mul3A_873, %add3A_874 : i32
            %get3A_876 = arith.constant 0 : i32
            %get3A_877 = arith.index_cast %get3A_876 : i32 to index
            %get3A_878 = arith.index_cast %add3A_875 : i32 to index
            %get3A_879 = arith.constant 48 : index
            %get3A_880 = tpu.vector_load %arg12[%get3A_877, %get3A_878, %get3A_879] {strides = array<i32>} : memref<2x50x128xf32, #tpu.memory_space<vmem>>, vector<1x1x16xf32>,
            %get3A_881 = vector.shape_cast %get3A_880 : vector<1x1x16xf32> to vector<16xf32>
            %sub3A_882 = arith.subf %get3A_871, %get3A_881 : vector<16xf32>
            %swap3A_883 = arith.constant 0 : i32
            %swap3A_884 = arith.index_cast %swap3A_883 : i32 to index
            %swap3A_885 = arith.index_cast %add3A_793 : i32 to index
            %swap3A_886 = arith.constant 48 : index
            %swap3A_887 = tpu.vector_load %arg11[%swap3A_884, %swap3A_885, %swap3A_886] {strides = array<i32>} : memref<2x100x128xf32, #tpu.memory_space<vmem>>, vector<1x1x16xf32>,
            %swap3A_888 = vector.shape_cast %swap3A_887 : vector<1x1x16xf32> to vector<16xf32>
            %swap3A_889 = vector.shape_cast %sub3A_882 : vector<16xf32> to vector<1x1x16xf32>
            tpu.vector_store %arg11[%swap3A_884, %swap3A_885, %swap3A_886], %swap3A_889 {strides = array<i32>} : memref<2x100x128xf32, #tpu.memory_space<vmem>>, vector<1x1x16xf32>,
            %get3A_890 = arith.constant 0 : i32
            %get3A_891 = arith.index_cast %get3A_890 : i32 to index
            %get3A_892 = arith.index_cast %add3A_793 : i32 to index
            %get3A_893 = arith.constant 64 : index
            %get3A_894 = tpu.vector_load %arg11[%get3A_891, %get3A_892, %get3A_893] {strides = array<i32>} : memref<2x100x128xf32, #tpu.memory_space<vmem>>, vector<1x1x16xf32>,
            %get3A_895 = vector.shape_cast %get3A_894 : vector<1x1x16xf32> to vector<16xf32>
            %mul3A_896 = arith.constant 5 : i32
            %mul3A_897 = arith.muli %scan3A_194, %mul3A_896 : i32
            %add3A_898 = arith.constant 3 : i32
            %add3A_899 = arith.addi %mul3A_897, %add3A_898 : i32
            %get3A_900 = arith.constant 0 : i32
            %get3A_901 = arith.index_cast %get3A_900 : i32 to index
            %get3A_902 = arith.index_cast %add3A_899 : i32 to index
            %get3A_903 = arith.constant 64 : index
            %get3A_904 = tpu.vector_load %arg12[%get3A_901, %get3A_902, %get3A_903] {strides = array<i32>} : memref<2x50x128xf32, #tpu.memory_space<vmem>>, vector<1x1x16xf32>,
            %get3A_905 = vector.shape_cast %get3A_904 : vector<1x1x16xf32> to vector<16xf32>
            %sub3A_906 = arith.subf %get3A_895, %get3A_905 : vector<16xf32>
            %swap3A_907 = arith.constant 0 : i32
            %swap3A_908 = arith.index_cast %swap3A_907 : i32 to index
            %swap3A_909 = arith.index_cast %add3A_793 : i32 to index
            %swap3A_910 = arith.constant 64 : index
            %swap3A_911 = tpu.vector_load %arg11[%swap3A_908, %swap3A_909, %swap3A_910] {strides = array<i32>} : memref<2x100x128xf32, #tpu.memory_space<vmem>>, vector<1x1x16xf32>,
            %swap3A_912 = vector.shape_cast %swap3A_911 : vector<1x1x16xf32> to vector<16xf32>
            %swap3A_913 = vector.shape_cast %sub3A_906 : vector<16xf32> to vector<1x1x16xf32>
            tpu.vector_store %arg11[%swap3A_908, %swap3A_909, %swap3A_910], %swap3A_913 {strides = array<i32>} : memref<2x100x128xf32, #tpu.memory_space<vmem>>, vector<1x1x16xf32>,
            %get3A_914 = arith.constant 0 : i32
            %get3A_915 = arith.index_cast %get3A_914 : i32 to index
            %get3A_916 = arith.index_cast %add3A_793 : i32 to index
            %get3A_917 = arith.constant 80 : index
            %get3A_918 = tpu.vector_load %arg11[%get3A_915, %get3A_916, %get3A_917] {strides = array<i32>} : memref<2x100x128xf32, #tpu.memory_space<vmem>>, vector<1x1x16xf32>,
            %get3A_919 = vector.shape_cast %get3A_918 : vector<1x1x16xf32> to vector<16xf32>
            %mul3A_920 = arith.constant 5 : i32
            %mul3A_921 = arith.muli %scan3A_194, %mul3A_920 : i32
            %add3A_922 = arith.constant 3 : i32
            %add3A_923 = arith.addi %mul3A_921, %add3A_922 : i32
            %get3A_924 = arith.constant 0 : i32
            %get3A_925 = arith.index_cast %get3A_924 : i32 to index
            %get3A_926 = arith.index_cast %add3A_923 : i32 to index
            %get3A_927 = arith.constant 80 : index
            %get3A_928 = tpu.vector_load %arg12[%get3A_925, %get3A_926, %get3A_927] {strides = array<i32>} : memref<2x50x128xf32, #tpu.memory_space<vmem>>, vector<1x1x16xf32>,
            %get3A_929 = vector.shape_cast %get3A_928 : vector<1x1x16xf32> to vector<16xf32>
            %sub3A_930 = arith.subf %get3A_919, %get3A_929 : vector<16xf32>
            %swap3A_931 = arith.constant 0 : i32
            %swap3A_932 = arith.index_cast %swap3A_931 : i32 to index
            %swap3A_933 = arith.index_cast %add3A_793 : i32 to index
            %swap3A_934 = arith.constant 80 : index
            %swap3A_935 = tpu.vector_load %arg11[%swap3A_932, %swap3A_933, %swap3A_934] {strides = array<i32>} : memref<2x100x128xf32, #tpu.memory_space<vmem>>, vector<1x1x16xf32>,
            %swap3A_936 = vector.shape_cast %swap3A_935 : vector<1x1x16xf32> to vector<16xf32>
            %swap3A_937 = vector.shape_cast %sub3A_930 : vector<16xf32> to vector<1x1x16xf32>
            tpu.vector_store %arg11[%swap3A_932, %swap3A_933, %swap3A_934], %swap3A_937 {strides = array<i32>} : memref<2x100x128xf32, #tpu.memory_space<vmem>>, vector<1x1x16xf32>,
            %get3A_938 = arith.constant 0 : i32
            %get3A_939 = arith.index_cast %get3A_938 : i32 to index
            %get3A_940 = arith.index_cast %add3A_793 : i32 to index
            %get3A_941 = arith.constant 96 : index
            %get3A_942 = tpu.vector_load %arg11[%get3A_939, %get3A_940, %get3A_941] {strides = array<i32>} : memref<2x100x128xf32, #tpu.memory_space<vmem>>, vector<1x1x16xf32>,
            %get3A_943 = vector.shape_cast %get3A_942 : vector<1x1x16xf32> to vector<16xf32>
            %mul3A_944 = arith.constant 5 : i32
            %mul3A_945 = arith.muli %scan3A_194, %mul3A_944 : i32
            %add3A_946 = arith.constant 3 : i32
            %add3A_947 = arith.addi %mul3A_945, %add3A_946 : i32
            %get3A_948 = arith.constant 0 : i32
            %get3A_949 = arith.index_cast %get3A_948 : i32 to index
            %get3A_950 = arith.index_cast %add3A_947 : i32 to index
            %get3A_951 = arith.constant 96 : index
            %get3A_952 = tpu.vector_load %arg12[%get3A_949, %get3A_950, %get3A_951] {strides = array<i32>} : memref<2x50x128xf32, #tpu.memory_space<vmem>>, vector<1x1x16xf32>,
            %get3A_953 = vector.shape_cast %get3A_952 : vector<1x1x16xf32> to vector<16xf32>
            %sub3A_954 = arith.subf %get3A_943, %get3A_953 : vector<16xf32>
            %swap3A_955 = arith.constant 0 : i32
            %swap3A_956 = arith.index_cast %swap3A_955 : i32 to index
            %swap3A_957 = arith.index_cast %add3A_793 : i32 to index
            %swap3A_958 = arith.constant 96 : index
            %swap3A_959 = tpu.vector_load %arg11[%swap3A_956, %swap3A_957, %swap3A_958] {strides = array<i32>} : memref<2x100x128xf32, #tpu.memory_space<vmem>>, vector<1x1x16xf32>,
            %swap3A_960 = vector.shape_cast %swap3A_959 : vector<1x1x16xf32> to vector<16xf32>
            %swap3A_961 = vector.shape_cast %sub3A_954 : vector<16xf32> to vector<1x1x16xf32>
            tpu.vector_store %arg11[%swap3A_956, %swap3A_957, %swap3A_958], %swap3A_961 {strides = array<i32>} : memref<2x100x128xf32, #tpu.memory_space<vmem>>, vector<1x1x16xf32>,
            %get3A_962 = arith.constant 0 : i32
            %get3A_963 = arith.index_cast %get3A_962 : i32 to index
            %get3A_964 = arith.index_cast %add3A_793 : i32 to index
            %get3A_965 = arith.constant 112 : index
            %get3A_966 = tpu.vector_load %arg11[%get3A_963, %get3A_964, %get3A_965] {strides = array<i32>} : memref<2x100x128xf32, #tpu.memory_space<vmem>>, vector<1x1x16xf32>,
            %get3A_967 = vector.shape_cast %get3A_966 : vector<1x1x16xf32> to vector<16xf32>
            %mul3A_968 = arith.constant 5 : i32
            %mul3A_969 = arith.muli %scan3A_194, %mul3A_968 : i32
            %add3A_970 = arith.constant 3 : i32
            %add3A_971 = arith.addi %mul3A_969, %add3A_970 : i32
            %get3A_972 = arith.constant 0 : i32
            %get3A_973 = arith.index_cast %get3A_972 : i32 to index
            %get3A_974 = arith.index_cast %add3A_971 : i32 to index
            %get3A_975 = arith.constant 112 : index
            %get3A_976 = tpu.vector_load %arg12[%get3A_973, %get3A_974, %get3A_975] {strides = array<i32>} : memref<2x50x128xf32, #tpu.memory_space<vmem>>, vector<1x1x16xf32>,
            %get3A_977 = vector.shape_cast %get3A_976 : vector<1x1x16xf32> to vector<16xf32>
            %sub3A_978 = arith.subf %get3A_967, %get3A_977 : vector<16xf32>
            %swap3A_979 = arith.constant 0 : i32
            %swap3A_980 = arith.index_cast %swap3A_979 : i32 to index
            %swap3A_981 = arith.index_cast %add3A_793 : i32 to index
            %swap3A_982 = arith.constant 112 : index
            %swap3A_983 = tpu.vector_load %arg11[%swap3A_980, %swap3A_981, %swap3A_982] {strides = array<i32>} : memref<2x100x128xf32, #tpu.memory_space<vmem>>, vector<1x1x16xf32>,
            %swap3A_984 = vector.shape_cast %swap3A_983 : vector<1x1x16xf32> to vector<16xf32>
            %swap3A_985 = vector.shape_cast %sub3A_978 : vector<16xf32> to vector<1x1x16xf32>
            tpu.vector_store %arg11[%swap3A_980, %swap3A_981, %swap3A_982], %swap3A_985 {strides = array<i32>} : memref<2x100x128xf32, #tpu.memory_space<vmem>>, vector<1x1x16xf32>,
            %mul3A_986 = arith.constant 5 : i32
            %mul3A_987 = arith.muli %scan3A_194, %mul3A_986 : i32
            %add3A_988 = arith.constant 0 : i32
            %add3A_989 = arith.addi %add3A_988, %mul3A_987 : i32
            %add3A_990 = arith.constant 4 : i32
            %add3A_991 = arith.addi %add3A_989, %add3A_990 : i32
            %get3A_992 = arith.constant 0 : i32
            %get3A_993 = arith.index_cast %get3A_992 : i32 to index
            %get3A_994 = arith.index_cast %add3A_991 : i32 to index
            %get3A_995 = arith.constant 0 : index
            %get3A_996 = tpu.vector_load %arg11[%get3A_993, %get3A_994, %get3A_995] {strides = array<i32>} : memref<2x100x128xf32, #tpu.memory_space<vmem>>, vector<1x1x16xf32>,
            %get3A_997 = vector.shape_cast %get3A_996 : vector<1x1x16xf32> to vector<16xf32>
            %mul3A_998 = arith.constant 5 : i32
            %mul3A_999 = arith.muli %scan3A_194, %mul3A_998 : i32
            %add3A_1000 = arith.constant 4 : i32
            %add3A_1001 = arith.addi %mul3A_999, %add3A_1000 : i32
            %get3A_1002 = arith.constant 0 : i32
            %get3A_1003 = arith.index_cast %get3A_1002 : i32 to index
            %get3A_1004 = arith.index_cast %add3A_1001 : i32 to index
            %get3A_1005 = arith.constant 0 : index
            %get3A_1006 = tpu.vector_load %arg12[%get3A_1003, %get3A_1004, %get3A_1005] {strides = array<i32>} : memref<2x50x128xf32, #tpu.memory_space<vmem>>, vector<1x1x16xf32>,
            %get3A_1007 = vector.shape_cast %get3A_1006 : vector<1x1x16xf32> to vector<16xf32>
            %sub3A_1008 = arith.subf %get3A_997, %get3A_1007 : vector<16xf32>
            %swap3A_1009 = arith.constant 0 : i32
            %swap3A_1010 = arith.index_cast %swap3A_1009 : i32 to index
            %swap3A_1011 = arith.index_cast %add3A_991 : i32 to index
            %swap3A_1012 = arith.constant 0 : index
            %swap3A_1013 = tpu.vector_load %arg11[%swap3A_1010, %swap3A_1011, %swap3A_1012] {strides = array<i32>} : memref<2x100x128xf32, #tpu.memory_space<vmem>>, vector<1x1x16xf32>,
            %swap3A_1014 = vector.shape_cast %swap3A_1013 : vector<1x1x16xf32> to vector<16xf32>
            %swap3A_1015 = vector.shape_cast %sub3A_1008 : vector<16xf32> to vector<1x1x16xf32>
            tpu.vector_store %arg11[%swap3A_1010, %swap3A_1011, %swap3A_1012], %swap3A_1015 {strides = array<i32>} : memref<2x100x128xf32, #tpu.memory_space<vmem>>, vector<1x1x16xf32>,
            %get3A_1016 = arith.constant 0 : i32
            %get3A_1017 = arith.index_cast %get3A_1016 : i32 to index
            %get3A_1018 = arith.index_cast %add3A_991 : i32 to index
            %get3A_1019 = arith.constant 16 : index
            %get3A_1020 = tpu.vector_load %arg11[%get3A_1017, %get3A_1018, %get3A_1019] {strides = array<i32>} : memref<2x100x128xf32, #tpu.memory_space<vmem>>, vector<1x1x16xf32>,
            %get3A_1021 = vector.shape_cast %get3A_1020 : vector<1x1x16xf32> to vector<16xf32>
            %mul3A_1022 = arith.constant 5 : i32
            %mul3A_1023 = arith.muli %scan3A_194, %mul3A_1022 : i32
            %add3A_1024 = arith.constant 4 : i32
            %add3A_1025 = arith.addi %mul3A_1023, %add3A_1024 : i32
            %get3A_1026 = arith.constant 0 : i32
            %get3A_1027 = arith.index_cast %get3A_1026 : i32 to index
            %get3A_1028 = arith.index_cast %add3A_1025 : i32 to index
            %get3A_1029 = arith.constant 16 : index
            %get3A_1030 = tpu.vector_load %arg12[%get3A_1027, %get3A_1028, %get3A_1029] {strides = array<i32>} : memref<2x50x128xf32, #tpu.memory_space<vmem>>, vector<1x1x16xf32>,
            %get3A_1031 = vector.shape_cast %get3A_1030 : vector<1x1x16xf32> to vector<16xf32>
            %sub3A_1032 = arith.subf %get3A_1021, %get3A_1031 : vector<16xf32>
            %swap3A_1033 = arith.constant 0 : i32
            %swap3A_1034 = arith.index_cast %swap3A_1033 : i32 to index
            %swap3A_1035 = arith.index_cast %add3A_991 : i32 to index
            %swap3A_1036 = arith.constant 16 : index
            %swap3A_1037 = tpu.vector_load %arg11[%swap3A_1034, %swap3A_1035, %swap3A_1036] {strides = array<i32>} : memref<2x100x128xf32, #tpu.memory_space<vmem>>, vector<1x1x16xf32>,
            %swap3A_1038 = vector.shape_cast %swap3A_1037 : vector<1x1x16xf32> to vector<16xf32>
            %swap3A_1039 = vector.shape_cast %sub3A_1032 : vector<16xf32> to vector<1x1x16xf32>
            tpu.vector_store %arg11[%swap3A_1034, %swap3A_1035, %swap3A_1036], %swap3A_1039 {strides = array<i32>} : memref<2x100x128xf32, #tpu.memory_space<vmem>>, vector<1x1x16xf32>,
            %get3A_1040 = arith.constant 0 : i32
            %get3A_1041 = arith.index_cast %get3A_1040 : i32 to index
            %get3A_1042 = arith.index_cast %add3A_991 : i32 to index
            %get3A_1043 = arith.constant 32 : index
            %get3A_1044 = tpu.vector_load %arg11[%get3A_1041, %get3A_1042, %get3A_1043] {strides = array<i32>} : memref<2x100x128xf32, #tpu.memory_space<vmem>>, vector<1x1x16xf32>,
            %get3A_1045 = vector.shape_cast %get3A_1044 : vector<1x1x16xf32> to vector<16xf32>
            %mul3A_1046 = arith.constant 5 : i32
            %mul3A_1047 = arith.muli %scan3A_194, %mul3A_1046 : i32
            %add3A_1048 = arith.constant 4 : i32
            %add3A_1049 = arith.addi %mul3A_1047, %add3A_1048 : i32
            %get3A_1050 = arith.constant 0 : i32
            %get3A_1051 = arith.index_cast %get3A_1050 : i32 to index
            %get3A_1052 = arith.index_cast %add3A_1049 : i32 to index
            %get3A_1053 = arith.constant 32 : index
            %get3A_1054 = tpu.vector_load %arg12[%get3A_1051, %get3A_1052, %get3A_1053] {strides = array<i32>} : memref<2x50x128xf32, #tpu.memory_space<vmem>>, vector<1x1x16xf32>,
            %get3A_1055 = vector.shape_cast %get3A_1054 : vector<1x1x16xf32> to vector<16xf32>
            %sub3A_1056 = arith.subf %get3A_1045, %get3A_1055 : vector<16xf32>
            %swap3A_1057 = arith.constant 0 : i32
            %swap3A_1058 = arith.index_cast %swap3A_1057 : i32 to index
            %swap3A_1059 = arith.index_cast %add3A_991 : i32 to index
            %swap3A_1060 = arith.constant 32 : index
            %swap3A_1061 = tpu.vector_load %arg11[%swap3A_1058, %swap3A_1059, %swap3A_1060] {strides = array<i32>} : memref<2x100x128xf32, #tpu.memory_space<vmem>>, vector<1x1x16xf32>,
            %swap3A_1062 = vector.shape_cast %swap3A_1061 : vector<1x1x16xf32> to vector<16xf32>
            %swap3A_1063 = vector.shape_cast %sub3A_1056 : vector<16xf32> to vector<1x1x16xf32>
            tpu.vector_store %arg11[%swap3A_1058, %swap3A_1059, %swap3A_1060], %swap3A_1063 {strides = array<i32>} : memref<2x100x128xf32, #tpu.memory_space<vmem>>, vector<1x1x16xf32>,
            %get3A_1064 = arith.constant 0 : i32
            %get3A_1065 = arith.index_cast %get3A_1064 : i32 to index
            %get3A_1066 = arith.index_cast %add3A_991 : i32 to index
            %get3A_1067 = arith.constant 48 : index
            %get3A_1068 = tpu.vector_load %arg11[%get3A_1065, %get3A_1066, %get3A_1067] {strides = array<i32>} : memref<2x100x128xf32, #tpu.memory_space<vmem>>, vector<1x1x16xf32>,
            %get3A_1069 = vector.shape_cast %get3A_1068 : vector<1x1x16xf32> to vector<16xf32>
            %mul3A_1070 = arith.constant 5 : i32
            %mul3A_1071 = arith.muli %scan3A_194, %mul3A_1070 : i32
            %add3A_1072 = arith.constant 4 : i32
            %add3A_1073 = arith.addi %mul3A_1071, %add3A_1072 : i32
            %get3A_1074 = arith.constant 0 : i32
            %get3A_1075 = arith.index_cast %get3A_1074 : i32 to index
            %get3A_1076 = arith.index_cast %add3A_1073 : i32 to index
            %get3A_1077 = arith.constant 48 : index
            %get3A_1078 = tpu.vector_load %arg12[%get3A_1075, %get3A_1076, %get3A_1077] {strides = array<i32>} : memref<2x50x128xf32, #tpu.memory_space<vmem>>, vector<1x1x16xf32>,
            %get3A_1079 = vector.shape_cast %get3A_1078 : vector<1x1x16xf32> to vector<16xf32>
            %sub3A_1080 = arith.subf %get3A_1069, %get3A_1079 : vector<16xf32>
            %swap3A_1081 = arith.constant 0 : i32
            %swap3A_1082 = arith.index_cast %swap3A_1081 : i32 to index
            %swap3A_1083 = arith.index_cast %add3A_991 : i32 to index
            %swap3A_1084 = arith.constant 48 : index
            %swap3A_1085 = tpu.vector_load %arg11[%swap3A_1082, %swap3A_1083, %swap3A_1084] {strides = array<i32>} : memref<2x100x128xf32, #tpu.memory_space<vmem>>, vector<1x1x16xf32>,
            %swap3A_1086 = vector.shape_cast %swap3A_1085 : vector<1x1x16xf32> to vector<16xf32>
            %swap3A_1087 = vector.shape_cast %sub3A_1080 : vector<16xf32> to vector<1x1x16xf32>
            tpu.vector_store %arg11[%swap3A_1082, %swap3A_1083, %swap3A_1084], %swap3A_1087 {strides = array<i32>} : memref<2x100x128xf32, #tpu.memory_space<vmem>>, vector<1x1x16xf32>,
            %get3A_1088 = arith.constant 0 : i32
            %get3A_1089 = arith.index_cast %get3A_1088 : i32 to index
            %get3A_1090 = arith.index_cast %add3A_991 : i32 to index
            %get3A_1091 = arith.constant 64 : index
            %get3A_1092 = tpu.vector_load %arg11[%get3A_1089, %get3A_1090, %get3A_1091] {strides = array<i32>} : memref<2x100x128xf32, #tpu.memory_space<vmem>>, vector<1x1x16xf32>,
            %get3A_1093 = vector.shape_cast %get3A_1092 : vector<1x1x16xf32> to vector<16xf32>
            %mul3A_1094 = arith.constant 5 : i32
            %mul3A_1095 = arith.muli %scan3A_194, %mul3A_1094 : i32
            %add3A_1096 = arith.constant 4 : i32
            %add3A_1097 = arith.addi %mul3A_1095, %add3A_1096 : i32
            %get3A_1098 = arith.constant 0 : i32
            %get3A_1099 = arith.index_cast %get3A_1098 : i32 to index
            %get3A_1100 = arith.index_cast %add3A_1097 : i32 to index
            %get3A_1101 = arith.constant 64 : index
            %get3A_1102 = tpu.vector_load %arg12[%get3A_1099, %get3A_1100, %get3A_1101] {strides = array<i32>} : memref<2x50x128xf32, #tpu.memory_space<vmem>>, vector<1x1x16xf32>,
            %get3A_1103 = vector.shape_cast %get3A_1102 : vector<1x1x16xf32> to vector<16xf32>
            %sub3A_1104 = arith.subf %get3A_1093, %get3A_1103 : vector<16xf32>
            %swap3A_1105 = arith.constant 0 : i32
            %swap3A_1106 = arith.index_cast %swap3A_1105 : i32 to index
            %swap3A_1107 = arith.index_cast %add3A_991 : i32 to index
            %swap3A_1108 = arith.constant 64 : index
            %swap3A_1109 = tpu.vector_load %arg11[%swap3A_1106, %swap3A_1107, %swap3A_1108] {strides = array<i32>} : memref<2x100x128xf32, #tpu.memory_space<vmem>>, vector<1x1x16xf32>,
            %swap3A_1110 = vector.shape_cast %swap3A_1109 : vector<1x1x16xf32> to vector<16xf32>
            %swap3A_1111 = vector.shape_cast %sub3A_1104 : vector<16xf32> to vector<1x1x16xf32>
            tpu.vector_store %arg11[%swap3A_1106, %swap3A_1107, %swap3A_1108], %swap3A_1111 {strides = array<i32>} : memref<2x100x128xf32, #tpu.memory_space<vmem>>, vector<1x1x16xf32>,
            %get3A_1112 = arith.constant 0 : i32
            %get3A_1113 = arith.index_cast %get3A_1112 : i32 to index
            %get3A_1114 = arith.index_cast %add3A_991 : i32 to index
            %get3A_1115 = arith.constant 80 : index
            %get3A_1116 = tpu.vector_load %arg11[%get3A_1113, %get3A_1114, %get3A_1115] {strides = array<i32>} : memref<2x100x128xf32, #tpu.memory_space<vmem>>, vector<1x1x16xf32>,
            %get3A_1117 = vector.shape_cast %get3A_1116 : vector<1x1x16xf32> to vector<16xf32>
            %mul3A_1118 = arith.constant 5 : i32
            %mul3A_1119 = arith.muli %scan3A_194, %mul3A_1118 : i32
            %add3A_1120 = arith.constant 4 : i32
            %add3A_1121 = arith.addi %mul3A_1119, %add3A_1120 : i32
            %get3A_1122 = arith.constant 0 : i32
            %get3A_1123 = arith.index_cast %get3A_1122 : i32 to index
            %get3A_1124 = arith.index_cast %add3A_1121 : i32 to index
            %get3A_1125 = arith.constant 80 : index
            %get3A_1126 = tpu.vector_load %arg12[%get3A_1123, %get3A_1124, %get3A_1125] {strides = array<i32>} : memref<2x50x128xf32, #tpu.memory_space<vmem>>, vector<1x1x16xf32>,
            %get3A_1127 = vector.shape_cast %get3A_1126 : vector<1x1x16xf32> to vector<16xf32>
            %sub3A_1128 = arith.subf %get3A_1117, %get3A_1127 : vector<16xf32>
            %swap3A_1129 = arith.constant 0 : i32
            %swap3A_1130 = arith.index_cast %swap3A_1129 : i32 to index
            %swap3A_1131 = arith.index_cast %add3A_991 : i32 to index
            %swap3A_1132 = arith.constant 80 : index
            %swap3A_1133 = tpu.vector_load %arg11[%swap3A_1130, %swap3A_1131, %swap3A_1132] {strides = array<i32>} : memref<2x100x128xf32, #tpu.memory_space<vmem>>, vector<1x1x16xf32>,
            %swap3A_1134 = vector.shape_cast %swap3A_1133 : vector<1x1x16xf32> to vector<16xf32>
            %swap3A_1135 = vector.shape_cast %sub3A_1128 : vector<16xf32> to vector<1x1x16xf32>
            tpu.vector_store %arg11[%swap3A_1130, %swap3A_1131, %swap3A_1132], %swap3A_1135 {strides = array<i32>} : memref<2x100x128xf32, #tpu.memory_space<vmem>>, vector<1x1x16xf32>,
            %get3A_1136 = arith.constant 0 : i32
            %get3A_1137 = arith.index_cast %get3A_1136 : i32 to index
            %get3A_1138 = arith.index_cast %add3A_991 : i32 to index
            %get3A_1139 = arith.constant 96 : index
            %get3A_1140 = tpu.vector_load %arg11[%get3A_1137, %get3A_1138, %get3A_1139] {strides = array<i32>} : memref<2x100x128xf32, #tpu.memory_space<vmem>>, vector<1x1x16xf32>,
            %get3A_1141 = vector.shape_cast %get3A_1140 : vector<1x1x16xf32> to vector<16xf32>
            %mul3A_1142 = arith.constant 5 : i32
            %mul3A_1143 = arith.muli %scan3A_194, %mul3A_1142 : i32
            %add3A_1144 = arith.constant 4 : i32
            %add3A_1145 = arith.addi %mul3A_1143, %add3A_1144 : i32
            %get3A_1146 = arith.constant 0 : i32
            %get3A_1147 = arith.index_cast %get3A_1146 : i32 to index
            %get3A_1148 = arith.index_cast %add3A_1145 : i32 to index
            %get3A_1149 = arith.constant 96 : index
            %get3A_1150 = tpu.vector_load %arg12[%get3A_1147, %get3A_1148, %get3A_1149] {strides = array<i32>} : memref<2x50x128xf32, #tpu.memory_space<vmem>>, vector<1x1x16xf32>,
            %get3A_1151 = vector.shape_cast %get3A_1150 : vector<1x1x16xf32> to vector<16xf32>
            %sub3A_1152 = arith.subf %get3A_1141, %get3A_1151 : vector<16xf32>
            %swap3A_1153 = arith.constant 0 : i32
            %swap3A_1154 = arith.index_cast %swap3A_1153 : i32 to index
            %swap3A_1155 = arith.index_cast %add3A_991 : i32 to index
            %swap3A_1156 = arith.constant 96 : index
            %swap3A_1157 = tpu.vector_load %arg11[%swap3A_1154, %swap3A_1155, %swap3A_1156] {strides = array<i32>} : memref<2x100x128xf32, #tpu.memory_space<vmem>>, vector<1x1x16xf32>,
            %swap3A_1158 = vector.shape_cast %swap3A_1157 : vector<1x1x16xf32> to vector<16xf32>
            %swap3A_1159 = vector.shape_cast %sub3A_1152 : vector<16xf32> to vector<1x1x16xf32>
            tpu.vector_store %arg11[%swap3A_1154, %swap3A_1155, %swap3A_1156], %swap3A_1159 {strides = array<i32>} : memref<2x100x128xf32, #tpu.memory_space<vmem>>, vector<1x1x16xf32>,
            %get3A_1160 = arith.constant 0 : i32
            %get3A_1161 = arith.index_cast %get3A_1160 : i32 to index
            %get3A_1162 = arith.index_cast %add3A_991 : i32 to index
            %get3A_1163 = arith.constant 112 : index
            %get3A_1164 = tpu.vector_load %arg11[%get3A_1161, %get3A_1162, %get3A_1163] {strides = array<i32>} : memref<2x100x128xf32, #tpu.memory_space<vmem>>, vector<1x1x16xf32>,
            %get3A_1165 = vector.shape_cast %get3A_1164 : vector<1x1x16xf32> to vector<16xf32>
            %mul3A_1166 = arith.constant 5 : i32
            %mul3A_1167 = arith.muli %scan3A_194, %mul3A_1166 : i32
            %add3A_1168 = arith.constant 4 : i32
            %add3A_1169 = arith.addi %mul3A_1167, %add3A_1168 : i32
            %get3A_1170 = arith.constant 0 : i32
            %get3A_1171 = arith.index_cast %get3A_1170 : i32 to index
            %get3A_1172 = arith.index_cast %add3A_1169 : i32 to index
            %get3A_1173 = arith.constant 112 : index
            %get3A_1174 = tpu.vector_load %arg12[%get3A_1171, %get3A_1172, %get3A_1173] {strides = array<i32>} : memref<2x50x128xf32, #tpu.memory_space<vmem>>, vector<1x1x16xf32>,
            %get3A_1175 = vector.shape_cast %get3A_1174 : vector<1x1x16xf32> to vector<16xf32>
            %sub3A_1176 = arith.subf %get3A_1165, %get3A_1175 : vector<16xf32>
            %swap3A_1177 = arith.constant 0 : i32
            %swap3A_1178 = arith.index_cast %swap3A_1177 : i32 to index
            %swap3A_1179 = arith.index_cast %add3A_991 : i32 to index
            %swap3A_1180 = arith.constant 112 : index
            %swap3A_1181 = tpu.vector_load %arg11[%swap3A_1178, %swap3A_1179, %swap3A_1180] {strides = array<i32>} : memref<2x100x128xf32, #tpu.memory_space<vmem>>, vector<1x1x16xf32>,
            %swap3A_1182 = vector.shape_cast %swap3A_1181 : vector<1x1x16xf32> to vector<16xf32>
            %swap3A_1183 = vector.shape_cast %sub3A_1176 : vector<16xf32> to vector<1x1x16xf32>
            tpu.vector_store %arg11[%swap3A_1178, %swap3A_1179, %swap3A_1180], %swap3A_1183 {strides = array<i32>} : memref<2x100x128xf32, #tpu.memory_space<vmem>>, vector<1x1x16xf32>,
            %scan3A_1184 = arith.constant 0 : i32
            scf.yield %scan3A_1184 : i32
          }
          %scan3A_193 = arith.constant 10 : i32
        } else {
        }
        %eq3A_145 = arith.constant 1 : i32
        %eq3A_146 = arith.cmpi eq, %rem3A_75, %eq3A_145 : i32
        %convert_element_type3A_147 = arith.extui %eq3A_146 : i1 to i32
        %cond3A_148 = arith.constant 0 : i32
        %cond3A_149 = arith.cmpi ne, %convert_element_type3A_147, %cond3A_148 : i32
        scf.if %cond3A_149 {
          %scan3A_187 = arith.constant 0 : i32
          %scan3A_188 = arith.constant 0 : i32
          %scan3A_189 = arith.constant 10 : i32
          %scan3A_190 = arith.addi %scan3A_188, %scan3A_189 : i32
          %scan3A_191 = arith.constant 1 : i32
          %scan3A_192 = scf.for %scan3A_194 = %scan3A_188 to %scan3A_190 step %scan3A_191 iter_args(%scan3A_195 = %scan3A_187) -> (i32)  : i32 {
            %mul3A_196 = arith.constant 5 : i32
            %mul3A_197 = arith.muli %scan3A_194, %mul3A_196 : i32
            %add3A_198 = arith.constant 0 : i32
            %add3A_199 = arith.addi %add3A_198, %mul3A_197 : i32
            %add3A_200 = arith.constant 0 : i32
            %add3A_201 = arith.addi %add3A_199, %add3A_200 : i32
            %get3A = arith.constant 1 : i32
            %get3A_202 = arith.index_cast %get3A : i32 to index
            %get3A_203 = arith.index_cast %add3A_201 : i32 to index
            %get3A_204 = arith.constant 0 : index
            %get3A_205 = tpu.vector_load %arg11[%get3A_202, %get3A_203, %get3A_204] {strides = array<i32>} : memref<2x100x128xf32, #tpu.memory_space<vmem>>, vector<1x1x16xf32>,
            %get3A_206 = vector.shape_cast %get3A_205 : vector<1x1x16xf32> to vector<16xf32>
            %mul3A_207 = arith.constant 5 : i32
            %mul3A_208 = arith.muli %scan3A_194, %mul3A_207 : i32
            %add3A_209 = arith.constant 0 : i32
            %add3A_210 = arith.addi %mul3A_208, %add3A_209 : i32
            %get3A_211 = arith.constant 0 : i32
            %get3A_212 = arith.index_cast %get3A_211 : i32 to index
            %get3A_213 = arith.index_cast %add3A_210 : i32 to index
            %get3A_214 = arith.constant 0 : index
            %get3A_215 = tpu.vector_load %arg12[%get3A_212, %get3A_213, %get3A_214] {strides = array<i32>} : memref<2x50x128xf32, #tpu.memory_space<vmem>>, vector<1x1x16xf32>,
            %get3A_216 = vector.shape_cast %get3A_215 : vector<1x1x16xf32> to vector<16xf32>
            %sub3A_217 = arith.subf %get3A_206, %get3A_216 : vector<16xf32>
            %swap3A = arith.constant 1 : i32
            %swap3A_218 = arith.index_cast %swap3A : i32 to index
            %swap3A_219 = arith.index_cast %add3A_201 : i32 to index
            %swap3A_220 = arith.constant 0 : index
            %swap3A_221 = tpu.vector_load %arg11[%swap3A_218, %swap3A_219, %swap3A_220] {strides = array<i32>} : memref<2x100x128xf32, #tpu.memory_space<vmem>>, vector<1x1x16xf32>,
            %swap3A_222 = vector.shape_cast %swap3A_221 : vector<1x1x16xf32> to vector<16xf32>
            %swap3A_223 = vector.shape_cast %sub3A_217 : vector<16xf32> to vector<1x1x16xf32>
            tpu.vector_store %arg11[%swap3A_218, %swap3A_219, %swap3A_220], %swap3A_223 {strides = array<i32>} : memref<2x100x128xf32, #tpu.memory_space<vmem>>, vector<1x1x16xf32>,
            %get3A_224 = arith.constant 1 : i32
            %get3A_225 = arith.index_cast %get3A_224 : i32 to index
            %get3A_226 = arith.index_cast %add3A_201 : i32 to index
            %get3A_227 = arith.constant 16 : index
            %get3A_228 = tpu.vector_load %arg11[%get3A_225, %get3A_226, %get3A_227] {strides = array<i32>} : memref<2x100x128xf32, #tpu.memory_space<vmem>>, vector<1x1x16xf32>,
            %get3A_229 = vector.shape_cast %get3A_228 : vector<1x1x16xf32> to vector<16xf32>
            %mul3A_230 = arith.constant 5 : i32
            %mul3A_231 = arith.muli %scan3A_194, %mul3A_230 : i32
            %add3A_232 = arith.constant 0 : i32
            %add3A_233 = arith.addi %mul3A_231, %add3A_232 : i32
            %get3A_234 = arith.constant 0 : i32
            %get3A_235 = arith.index_cast %get3A_234 : i32 to index
            %get3A_236 = arith.index_cast %add3A_233 : i32 to index
            %get3A_237 = arith.constant 16 : index
            %get3A_238 = tpu.vector_load %arg12[%get3A_235, %get3A_236, %get3A_237] {strides = array<i32>} : memref<2x50x128xf32, #tpu.memory_space<vmem>>, vector<1x1x16xf32>,
            %get3A_239 = vector.shape_cast %get3A_238 : vector<1x1x16xf32> to vector<16xf32>
            %sub3A_240 = arith.subf %get3A_229, %get3A_239 : vector<16xf32>
            %swap3A_241 = arith.constant 1 : i32
            %swap3A_242 = arith.index_cast %swap3A_241 : i32 to index
            %swap3A_243 = arith.index_cast %add3A_201 : i32 to index
            %swap3A_244 = arith.constant 16 : index
            %swap3A_245 = tpu.vector_load %arg11[%swap3A_242, %swap3A_243, %swap3A_244] {strides = array<i32>} : memref<2x100x128xf32, #tpu.memory_space<vmem>>, vector<1x1x16xf32>,
            %swap3A_246 = vector.shape_cast %swap3A_245 : vector<1x1x16xf32> to vector<16xf32>
            %swap3A_247 = vector.shape_cast %sub3A_240 : vector<16xf32> to vector<1x1x16xf32>
            tpu.vector_store %arg11[%swap3A_242, %swap3A_243, %swap3A_244], %swap3A_247 {strides = array<i32>} : memref<2x100x128xf32, #tpu.memory_space<vmem>>, vector<1x1x16xf32>,
            %get3A_248 = arith.constant 1 : i32
            %get3A_249 = arith.index_cast %get3A_248 : i32 to index
            %get3A_250 = arith.index_cast %add3A_201 : i32 to index
            %get3A_251 = arith.constant 32 : index
            %get3A_252 = tpu.vector_load %arg11[%get3A_249, %get3A_250, %get3A_251] {strides = array<i32>} : memref<2x100x128xf32, #tpu.memory_space<vmem>>, vector<1x1x16xf32>,
            %get3A_253 = vector.shape_cast %get3A_252 : vector<1x1x16xf32> to vector<16xf32>
            %mul3A_254 = arith.constant 5 : i32
            %mul3A_255 = arith.muli %scan3A_194, %mul3A_254 : i32
            %add3A_256 = arith.constant 0 : i32
            %add3A_257 = arith.addi %mul3A_255, %add3A_256 : i32
            %get3A_258 = arith.constant 0 : i32
            %get3A_259 = arith.index_cast %get3A_258 : i32 to index
            %get3A_260 = arith.index_cast %add3A_257 : i32 to index
            %get3A_261 = arith.constant 32 : index
            %get3A_262 = tpu.vector_load %arg12[%get3A_259, %get3A_260, %get3A_261] {strides = array<i32>} : memref<2x50x128xf32, #tpu.memory_space<vmem>>, vector<1x1x16xf32>,
            %get3A_263 = vector.shape_cast %get3A_262 : vector<1x1x16xf32> to vector<16xf32>
            %sub3A_264 = arith.subf %get3A_253, %get3A_263 : vector<16xf32>
            %swap3A_265 = arith.constant 1 : i32
            %swap3A_266 = arith.index_cast %swap3A_265 : i32 to index
            %swap3A_267 = arith.index_cast %add3A_201 : i32 to index
            %swap3A_268 = arith.constant 32 : index
            %swap3A_269 = tpu.vector_load %arg11[%swap3A_266, %swap3A_267, %swap3A_268] {strides = array<i32>} : memref<2x100x128xf32, #tpu.memory_space<vmem>>, vector<1x1x16xf32>,
            %swap3A_270 = vector.shape_cast %swap3A_269 : vector<1x1x16xf32> to vector<16xf32>
            %swap3A_271 = vector.shape_cast %sub3A_264 : vector<16xf32> to vector<1x1x16xf32>
            tpu.vector_store %arg11[%swap3A_266, %swap3A_267, %swap3A_268], %swap3A_271 {strides = array<i32>} : memref<2x100x128xf32, #tpu.memory_space<vmem>>, vector<1x1x16xf32>,
            %get3A_272 = arith.constant 1 : i32
            %get3A_273 = arith.index_cast %get3A_272 : i32 to index
            %get3A_274 = arith.index_cast %add3A_201 : i32 to index
            %get3A_275 = arith.constant 48 : index
            %get3A_276 = tpu.vector_load %arg11[%get3A_273, %get3A_274, %get3A_275] {strides = array<i32>} : memref<2x100x128xf32, #tpu.memory_space<vmem>>, vector<1x1x16xf32>,
            %get3A_277 = vector.shape_cast %get3A_276 : vector<1x1x16xf32> to vector<16xf32>
            %mul3A_278 = arith.constant 5 : i32
            %mul3A_279 = arith.muli %scan3A_194, %mul3A_278 : i32
            %add3A_280 = arith.constant 0 : i32
            %add3A_281 = arith.addi %mul3A_279, %add3A_280 : i32
            %get3A_282 = arith.constant 0 : i32
            %get3A_283 = arith.index_cast %get3A_282 : i32 to index
            %get3A_284 = arith.index_cast %add3A_281 : i32 to index
            %get3A_285 = arith.constant 48 : index
            %get3A_286 = tpu.vector_load %arg12[%get3A_283, %get3A_284, %get3A_285] {strides = array<i32>} : memref<2x50x128xf32, #tpu.memory_space<vmem>>, vector<1x1x16xf32>,
            %get3A_287 = vector.shape_cast %get3A_286 : vector<1x1x16xf32> to vector<16xf32>
            %sub3A_288 = arith.subf %get3A_277, %get3A_287 : vector<16xf32>
            %swap3A_289 = arith.constant 1 : i32
            %swap3A_290 = arith.index_cast %swap3A_289 : i32 to index
            %swap3A_291 = arith.index_cast %add3A_201 : i32 to index
            %swap3A_292 = arith.constant 48 : index
            %swap3A_293 = tpu.vector_load %arg11[%swap3A_290, %swap3A_291, %swap3A_292] {strides = array<i32>} : memref<2x100x128xf32, #tpu.memory_space<vmem>>, vector<1x1x16xf32>,
            %swap3A_294 = vector.shape_cast %swap3A_293 : vector<1x1x16xf32> to vector<16xf32>
            %swap3A_295 = vector.shape_cast %sub3A_288 : vector<16xf32> to vector<1x1x16xf32>
            tpu.vector_store %arg11[%swap3A_290, %swap3A_291, %swap3A_292], %swap3A_295 {strides = array<i32>} : memref<2x100x128xf32, #tpu.memory_space<vmem>>, vector<1x1x16xf32>,
            %get3A_296 = arith.constant 1 : i32
            %get3A_297 = arith.index_cast %get3A_296 : i32 to index
            %get3A_298 = arith.index_cast %add3A_201 : i32 to index
            %get3A_299 = arith.constant 64 : index
            %get3A_300 = tpu.vector_load %arg11[%get3A_297, %get3A_298, %get3A_299] {strides = array<i32>} : memref<2x100x128xf32, #tpu.memory_space<vmem>>, vector<1x1x16xf32>,
            %get3A_301 = vector.shape_cast %get3A_300 : vector<1x1x16xf32> to vector<16xf32>
            %mul3A_302 = arith.constant 5 : i32
            %mul3A_303 = arith.muli %scan3A_194, %mul3A_302 : i32
            %add3A_304 = arith.constant 0 : i32
            %add3A_305 = arith.addi %mul3A_303, %add3A_304 : i32
            %get3A_306 = arith.constant 0 : i32
            %get3A_307 = arith.index_cast %get3A_306 : i32 to index
            %get3A_308 = arith.index_cast %add3A_305 : i32 to index
            %get3A_309 = arith.constant 64 : index
            %get3A_310 = tpu.vector_load %arg12[%get3A_307, %get3A_308, %get3A_309] {strides = array<i32>} : memref<2x50x128xf32, #tpu.memory_space<vmem>>, vector<1x1x16xf32>,
            %get3A_311 = vector.shape_cast %get3A_310 : vector<1x1x16xf32> to vector<16xf32>
            %sub3A_312 = arith.subf %get3A_301, %get3A_311 : vector<16xf32>
            %swap3A_313 = arith.constant 1 : i32
            %swap3A_314 = arith.index_cast %swap3A_313 : i32 to index
            %swap3A_315 = arith.index_cast %add3A_201 : i32 to index
            %swap3A_316 = arith.constant 64 : index
            %swap3A_317 = tpu.vector_load %arg11[%swap3A_314, %swap3A_315, %swap3A_316] {strides = array<i32>} : memref<2x100x128xf32, #tpu.memory_space<vmem>>, vector<1x1x16xf32>,
            %swap3A_318 = vector.shape_cast %swap3A_317 : vector<1x1x16xf32> to vector<16xf32>
            %swap3A_319 = vector.shape_cast %sub3A_312 : vector<16xf32> to vector<1x1x16xf32>
            tpu.vector_store %arg11[%swap3A_314, %swap3A_315, %swap3A_316], %swap3A_319 {strides = array<i32>} : memref<2x100x128xf32, #tpu.memory_space<vmem>>, vector<1x1x16xf32>,
            %get3A_320 = arith.constant 1 : i32
            %get3A_321 = arith.index_cast %get3A_320 : i32 to index
            %get3A_322 = arith.index_cast %add3A_201 : i32 to index
            %get3A_323 = arith.constant 80 : index
            %get3A_324 = tpu.vector_load %arg11[%get3A_321, %get3A_322, %get3A_323] {strides = array<i32>} : memref<2x100x128xf32, #tpu.memory_space<vmem>>, vector<1x1x16xf32>,
            %get3A_325 = vector.shape_cast %get3A_324 : vector<1x1x16xf32> to vector<16xf32>
            %mul3A_326 = arith.constant 5 : i32
            %mul3A_327 = arith.muli %scan3A_194, %mul3A_326 : i32
            %add3A_328 = arith.constant 0 : i32
            %add3A_329 = arith.addi %mul3A_327, %add3A_328 : i32
            %get3A_330 = arith.constant 0 : i32
            %get3A_331 = arith.index_cast %get3A_330 : i32 to index
            %get3A_332 = arith.index_cast %add3A_329 : i32 to index
            %get3A_333 = arith.constant 80 : index
            %get3A_334 = tpu.vector_load %arg12[%get3A_331, %get3A_332, %get3A_333] {strides = array<i32>} : memref<2x50x128xf32, #tpu.memory_space<vmem>>, vector<1x1x16xf32>,
            %get3A_335 = vector.shape_cast %get3A_334 : vector<1x1x16xf32> to vector<16xf32>
            %sub3A_336 = arith.subf %get3A_325, %get3A_335 : vector<16xf32>
            %swap3A_337 = arith.constant 1 : i32
            %swap3A_338 = arith.index_cast %swap3A_337 : i32 to index
            %swap3A_339 = arith.index_cast %add3A_201 : i32 to index
            %swap3A_340 = arith.constant 80 : index
            %swap3A_341 = tpu.vector_load %arg11[%swap3A_338, %swap3A_339, %swap3A_340] {strides = array<i32>} : memref<2x100x128xf32, #tpu.memory_space<vmem>>, vector<1x1x16xf32>,
            %swap3A_342 = vector.shape_cast %swap3A_341 : vector<1x1x16xf32> to vector<16xf32>
            %swap3A_343 = vector.shape_cast %sub3A_336 : vector<16xf32> to vector<1x1x16xf32>
            tpu.vector_store %arg11[%swap3A_338, %swap3A_339, %swap3A_340], %swap3A_343 {strides = array<i32>} : memref<2x100x128xf32, #tpu.memory_space<vmem>>, vector<1x1x16xf32>,
            %get3A_344 = arith.constant 1 : i32
            %get3A_345 = arith.index_cast %get3A_344 : i32 to index
            %get3A_346 = arith.index_cast %add3A_201 : i32 to index
            %get3A_347 = arith.constant 96 : index
            %get3A_348 = tpu.vector_load %arg11[%get3A_345, %get3A_346, %get3A_347] {strides = array<i32>} : memref<2x100x128xf32, #tpu.memory_space<vmem>>, vector<1x1x16xf32>,
            %get3A_349 = vector.shape_cast %get3A_348 : vector<1x1x16xf32> to vector<16xf32>
            %mul3A_350 = arith.constant 5 : i32
            %mul3A_351 = arith.muli %scan3A_194, %mul3A_350 : i32
            %add3A_352 = arith.constant 0 : i32
            %add3A_353 = arith.addi %mul3A_351, %add3A_352 : i32
            %get3A_354 = arith.constant 0 : i32
            %get3A_355 = arith.index_cast %get3A_354 : i32 to index
            %get3A_356 = arith.index_cast %add3A_353 : i32 to index
            %get3A_357 = arith.constant 96 : index
            %get3A_358 = tpu.vector_load %arg12[%get3A_355, %get3A_356, %get3A_357] {strides = array<i32>} : memref<2x50x128xf32, #tpu.memory_space<vmem>>, vector<1x1x16xf32>,
            %get3A_359 = vector.shape_cast %get3A_358 : vector<1x1x16xf32> to vector<16xf32>
            %sub3A_360 = arith.subf %get3A_349, %get3A_359 : vector<16xf32>
            %swap3A_361 = arith.constant 1 : i32
            %swap3A_362 = arith.index_cast %swap3A_361 : i32 to index
            %swap3A_363 = arith.index_cast %add3A_201 : i32 to index
            %swap3A_364 = arith.constant 96 : index
            %swap3A_365 = tpu.vector_load %arg11[%swap3A_362, %swap3A_363, %swap3A_364] {strides = array<i32>} : memref<2x100x128xf32, #tpu.memory_space<vmem>>, vector<1x1x16xf32>,
            %swap3A_366 = vector.shape_cast %swap3A_365 : vector<1x1x16xf32> to vector<16xf32>
            %swap3A_367 = vector.shape_cast %sub3A_360 : vector<16xf32> to vector<1x1x16xf32>
            tpu.vector_store %arg11[%swap3A_362, %swap3A_363, %swap3A_364], %swap3A_367 {strides = array<i32>} : memref<2x100x128xf32, #tpu.memory_space<vmem>>, vector<1x1x16xf32>,
            %get3A_368 = arith.constant 1 : i32
            %get3A_369 = arith.index_cast %get3A_368 : i32 to index
            %get3A_370 = arith.index_cast %add3A_201 : i32 to index
            %get3A_371 = arith.constant 112 : index
            %get3A_372 = tpu.vector_load %arg11[%get3A_369, %get3A_370, %get3A_371] {strides = array<i32>} : memref<2x100x128xf32, #tpu.memory_space<vmem>>, vector<1x1x16xf32>,
            %get3A_373 = vector.shape_cast %get3A_372 : vector<1x1x16xf32> to vector<16xf32>
            %mul3A_374 = arith.constant 5 : i32
            %mul3A_375 = arith.muli %scan3A_194, %mul3A_374 : i32
            %add3A_376 = arith.constant 0 : i32
            %add3A_377 = arith.addi %mul3A_375, %add3A_376 : i32
            %get3A_378 = arith.constant 0 : i32
            %get3A_379 = arith.index_cast %get3A_378 : i32 to index
            %get3A_380 = arith.index_cast %add3A_377 : i32 to index
            %get3A_381 = arith.constant 112 : index
            %get3A_382 = tpu.vector_load %arg12[%get3A_379, %get3A_380, %get3A_381] {strides = array<i32>} : memref<2x50x128xf32, #tpu.memory_space<vmem>>, vector<1x1x16xf32>,
            %get3A_383 = vector.shape_cast %get3A_382 : vector<1x1x16xf32> to vector<16xf32>
            %sub3A_384 = arith.subf %get3A_373, %get3A_383 : vector<16xf32>
            %swap3A_385 = arith.constant 1 : i32
            %swap3A_386 = arith.index_cast %swap3A_385 : i32 to index
            %swap3A_387 = arith.index_cast %add3A_201 : i32 to index
            %swap3A_388 = arith.constant 112 : index
            %swap3A_389 = tpu.vector_load %arg11[%swap3A_386, %swap3A_387, %swap3A_388] {strides = array<i32>} : memref<2x100x128xf32, #tpu.memory_space<vmem>>, vector<1x1x16xf32>,
            %swap3A_390 = vector.shape_cast %swap3A_389 : vector<1x1x16xf32> to vector<16xf32>
            %swap3A_391 = vector.shape_cast %sub3A_384 : vector<16xf32> to vector<1x1x16xf32>
            tpu.vector_store %arg11[%swap3A_386, %swap3A_387, %swap3A_388], %swap3A_391 {strides = array<i32>} : memref<2x100x128xf32, #tpu.memory_space<vmem>>, vector<1x1x16xf32>,
            %mul3A_392 = arith.constant 5 : i32
            %mul3A_393 = arith.muli %scan3A_194, %mul3A_392 : i32
            %add3A_394 = arith.constant 0 : i32
            %add3A_395 = arith.addi %add3A_394, %mul3A_393 : i32
            %add3A_396 = arith.constant 1 : i32
            %add3A_397 = arith.addi %add3A_395, %add3A_396 : i32
            %get3A_398 = arith.constant 1 : i32
            %get3A_399 = arith.index_cast %get3A_398 : i32 to index
            %get3A_400 = arith.index_cast %add3A_397 : i32 to index
            %get3A_401 = arith.constant 0 : index
            %get3A_402 = tpu.vector_load %arg11[%get3A_399, %get3A_400, %get3A_401] {strides = array<i32>} : memref<2x100x128xf32, #tpu.memory_space<vmem>>, vector<1x1x16xf32>,
            %get3A_403 = vector.shape_cast %get3A_402 : vector<1x1x16xf32> to vector<16xf32>
            %mul3A_404 = arith.constant 5 : i32
            %mul3A_405 = arith.muli %scan3A_194, %mul3A_404 : i32
            %add3A_406 = arith.constant 1 : i32
            %add3A_407 = arith.addi %mul3A_405, %add3A_406 : i32
            %get3A_408 = arith.constant 0 : i32
            %get3A_409 = arith.index_cast %get3A_408 : i32 to index
            %get3A_410 = arith.index_cast %add3A_407 : i32 to index
            %get3A_411 = arith.constant 0 : index
            %get3A_412 = tpu.vector_load %arg12[%get3A_409, %get3A_410, %get3A_411] {strides = array<i32>} : memref<2x50x128xf32, #tpu.memory_space<vmem>>, vector<1x1x16xf32>,
            %get3A_413 = vector.shape_cast %get3A_412 : vector<1x1x16xf32> to vector<16xf32>
            %sub3A_414 = arith.subf %get3A_403, %get3A_413 : vector<16xf32>
            %swap3A_415 = arith.constant 1 : i32
            %swap3A_416 = arith.index_cast %swap3A_415 : i32 to index
            %swap3A_417 = arith.index_cast %add3A_397 : i32 to index
            %swap3A_418 = arith.constant 0 : index
            %swap3A_419 = tpu.vector_load %arg11[%swap3A_416, %swap3A_417, %swap3A_418] {strides = array<i32>} : memref<2x100x128xf32, #tpu.memory_space<vmem>>, vector<1x1x16xf32>,
            %swap3A_420 = vector.shape_cast %swap3A_419 : vector<1x1x16xf32> to vector<16xf32>
            %swap3A_421 = vector.shape_cast %sub3A_414 : vector<16xf32> to vector<1x1x16xf32>
            tpu.vector_store %arg11[%swap3A_416, %swap3A_417, %swap3A_418], %swap3A_421 {strides = array<i32>} : memref<2x100x128xf32, #tpu.memory_space<vmem>>, vector<1x1x16xf32>,
            %get3A_422 = arith.constant 1 : i32
            %get3A_423 = arith.index_cast %get3A_422 : i32 to index
            %get3A_424 = arith.index_cast %add3A_397 : i32 to index
            %get3A_425 = arith.constant 16 : index
            %get3A_426 = tpu.vector_load %arg11[%get3A_423, %get3A_424, %get3A_425] {strides = array<i32>} : memref<2x100x128xf32, #tpu.memory_space<vmem>>, vector<1x1x16xf32>,
            %get3A_427 = vector.shape_cast %get3A_426 : vector<1x1x16xf32> to vector<16xf32>
            %mul3A_428 = arith.constant 5 : i32
            %mul3A_429 = arith.muli %scan3A_194, %mul3A_428 : i32
            %add3A_430 = arith.constant 1 : i32
            %add3A_431 = arith.addi %mul3A_429, %add3A_430 : i32
            %get3A_432 = arith.constant 0 : i32
            %get3A_433 = arith.index_cast %get3A_432 : i32 to index
            %get3A_434 = arith.index_cast %add3A_431 : i32 to index
            %get3A_435 = arith.constant 16 : index
            %get3A_436 = tpu.vector_load %arg12[%get3A_433, %get3A_434, %get3A_435] {strides = array<i32>} : memref<2x50x128xf32, #tpu.memory_space<vmem>>, vector<1x1x16xf32>,
            %get3A_437 = vector.shape_cast %get3A_436 : vector<1x1x16xf32> to vector<16xf32>
            %sub3A_438 = arith.subf %get3A_427, %get3A_437 : vector<16xf32>
            %swap3A_439 = arith.constant 1 : i32
            %swap3A_440 = arith.index_cast %swap3A_439 : i32 to index
            %swap3A_441 = arith.index_cast %add3A_397 : i32 to index
            %swap3A_442 = arith.constant 16 : index
            %swap3A_443 = tpu.vector_load %arg11[%swap3A_440, %swap3A_441, %swap3A_442] {strides = array<i32>} : memref<2x100x128xf32, #tpu.memory_space<vmem>>, vector<1x1x16xf32>,
            %swap3A_444 = vector.shape_cast %swap3A_443 : vector<1x1x16xf32> to vector<16xf32>
            %swap3A_445 = vector.shape_cast %sub3A_438 : vector<16xf32> to vector<1x1x16xf32>
            tpu.vector_store %arg11[%swap3A_440, %swap3A_441, %swap3A_442], %swap3A_445 {strides = array<i32>} : memref<2x100x128xf32, #tpu.memory_space<vmem>>, vector<1x1x16xf32>,
            %get3A_446 = arith.constant 1 : i32
            %get3A_447 = arith.index_cast %get3A_446 : i32 to index
            %get3A_448 = arith.index_cast %add3A_397 : i32 to index
            %get3A_449 = arith.constant 32 : index
            %get3A_450 = tpu.vector_load %arg11[%get3A_447, %get3A_448, %get3A_449] {strides = array<i32>} : memref<2x100x128xf32, #tpu.memory_space<vmem>>, vector<1x1x16xf32>,
            %get3A_451 = vector.shape_cast %get3A_450 : vector<1x1x16xf32> to vector<16xf32>
            %mul3A_452 = arith.constant 5 : i32
            %mul3A_453 = arith.muli %scan3A_194, %mul3A_452 : i32
            %add3A_454 = arith.constant 1 : i32
            %add3A_455 = arith.addi %mul3A_453, %add3A_454 : i32
            %get3A_456 = arith.constant 0 : i32
            %get3A_457 = arith.index_cast %get3A_456 : i32 to index
            %get3A_458 = arith.index_cast %add3A_455 : i32 to index
            %get3A_459 = arith.constant 32 : index
            %get3A_460 = tpu.vector_load %arg12[%get3A_457, %get3A_458, %get3A_459] {strides = array<i32>} : memref<2x50x128xf32, #tpu.memory_space<vmem>>, vector<1x1x16xf32>,
            %get3A_461 = vector.shape_cast %get3A_460 : vector<1x1x16xf32> to vector<16xf32>
            %sub3A_462 = arith.subf %get3A_451, %get3A_461 : vector<16xf32>
            %swap3A_463 = arith.constant 1 : i32
            %swap3A_464 = arith.index_cast %swap3A_463 : i32 to index
            %swap3A_465 = arith.index_cast %add3A_397 : i32 to index
            %swap3A_466 = arith.constant 32 : index
            %swap3A_467 = tpu.vector_load %arg11[%swap3A_464, %swap3A_465, %swap3A_466] {strides = array<i32>} : memref<2x100x128xf32, #tpu.memory_space<vmem>>, vector<1x1x16xf32>,
            %swap3A_468 = vector.shape_cast %swap3A_467 : vector<1x1x16xf32> to vector<16xf32>
            %swap3A_469 = vector.shape_cast %sub3A_462 : vector<16xf32> to vector<1x1x16xf32>
            tpu.vector_store %arg11[%swap3A_464, %swap3A_465, %swap3A_466], %swap3A_469 {strides = array<i32>} : memref<2x100x128xf32, #tpu.memory_space<vmem>>, vector<1x1x16xf32>,
            %get3A_470 = arith.constant 1 : i32
            %get3A_471 = arith.index_cast %get3A_470 : i32 to index
            %get3A_472 = arith.index_cast %add3A_397 : i32 to index
            %get3A_473 = arith.constant 48 : index
            %get3A_474 = tpu.vector_load %arg11[%get3A_471, %get3A_472, %get3A_473] {strides = array<i32>} : memref<2x100x128xf32, #tpu.memory_space<vmem>>, vector<1x1x16xf32>,
            %get3A_475 = vector.shape_cast %get3A_474 : vector<1x1x16xf32> to vector<16xf32>
            %mul3A_476 = arith.constant 5 : i32
            %mul3A_477 = arith.muli %scan3A_194, %mul3A_476 : i32
            %add3A_478 = arith.constant 1 : i32
            %add3A_479 = arith.addi %mul3A_477, %add3A_478 : i32
            %get3A_480 = arith.constant 0 : i32
            %get3A_481 = arith.index_cast %get3A_480 : i32 to index
            %get3A_482 = arith.index_cast %add3A_479 : i32 to index
            %get3A_483 = arith.constant 48 : index
            %get3A_484 = tpu.vector_load %arg12[%get3A_481, %get3A_482, %get3A_483] {strides = array<i32>} : memref<2x50x128xf32, #tpu.memory_space<vmem>>, vector<1x1x16xf32>,
            %get3A_485 = vector.shape_cast %get3A_484 : vector<1x1x16xf32> to vector<16xf32>
            %sub3A_486 = arith.subf %get3A_475, %get3A_485 : vector<16xf32>
            %swap3A_487 = arith.constant 1 : i32
            %swap3A_488 = arith.index_cast %swap3A_487 : i32 to index
            %swap3A_489 = arith.index_cast %add3A_397 : i32 to index
            %swap3A_490 = arith.constant 48 : index
            %swap3A_491 = tpu.vector_load %arg11[%swap3A_488, %swap3A_489, %swap3A_490] {strides = array<i32>} : memref<2x100x128xf32, #tpu.memory_space<vmem>>, vector<1x1x16xf32>,
            %swap3A_492 = vector.shape_cast %swap3A_491 : vector<1x1x16xf32> to vector<16xf32>
            %swap3A_493 = vector.shape_cast %sub3A_486 : vector<16xf32> to vector<1x1x16xf32>
            tpu.vector_store %arg11[%swap3A_488, %swap3A_489, %swap3A_490], %swap3A_493 {strides = array<i32>} : memref<2x100x128xf32, #tpu.memory_space<vmem>>, vector<1x1x16xf32>,
            %get3A_494 = arith.constant 1 : i32
            %get3A_495 = arith.index_cast %get3A_494 : i32 to index
            %get3A_496 = arith.index_cast %add3A_397 : i32 to index
            %get3A_497 = arith.constant 64 : index
            %get3A_498 = tpu.vector_load %arg11[%get3A_495, %get3A_496, %get3A_497] {strides = array<i32>} : memref<2x100x128xf32, #tpu.memory_space<vmem>>, vector<1x1x16xf32>,
            %get3A_499 = vector.shape_cast %get3A_498 : vector<1x1x16xf32> to vector<16xf32>
            %mul3A_500 = arith.constant 5 : i32
            %mul3A_501 = arith.muli %scan3A_194, %mul3A_500 : i32
            %add3A_502 = arith.constant 1 : i32
            %add3A_503 = arith.addi %mul3A_501, %add3A_502 : i32
            %get3A_504 = arith.constant 0 : i32
            %get3A_505 = arith.index_cast %get3A_504 : i32 to index
            %get3A_506 = arith.index_cast %add3A_503 : i32 to index
            %get3A_507 = arith.constant 64 : index
            %get3A_508 = tpu.vector_load %arg12[%get3A_505, %get3A_506, %get3A_507] {strides = array<i32>} : memref<2x50x128xf32, #tpu.memory_space<vmem>>, vector<1x1x16xf32>,
            %get3A_509 = vector.shape_cast %get3A_508 : vector<1x1x16xf32> to vector<16xf32>
            %sub3A_510 = arith.subf %get3A_499, %get3A_509 : vector<16xf32>
            %swap3A_511 = arith.constant 1 : i32
            %swap3A_512 = arith.index_cast %swap3A_511 : i32 to index
            %swap3A_513 = arith.index_cast %add3A_397 : i32 to index
            %swap3A_514 = arith.constant 64 : index
            %swap3A_515 = tpu.vector_load %arg11[%swap3A_512, %swap3A_513, %swap3A_514] {strides = array<i32>} : memref<2x100x128xf32, #tpu.memory_space<vmem>>, vector<1x1x16xf32>,
            %swap3A_516 = vector.shape_cast %swap3A_515 : vector<1x1x16xf32> to vector<16xf32>
            %swap3A_517 = vector.shape_cast %sub3A_510 : vector<16xf32> to vector<1x1x16xf32>
            tpu.vector_store %arg11[%swap3A_512, %swap3A_513, %swap3A_514], %swap3A_517 {strides = array<i32>} : memref<2x100x128xf32, #tpu.memory_space<vmem>>, vector<1x1x16xf32>,
            %get3A_518 = arith.constant 1 : i32
            %get3A_519 = arith.index_cast %get3A_518 : i32 to index
            %get3A_520 = arith.index_cast %add3A_397 : i32 to index
            %get3A_521 = arith.constant 80 : index
            %get3A_522 = tpu.vector_load %arg11[%get3A_519, %get3A_520, %get3A_521] {strides = array<i32>} : memref<2x100x128xf32, #tpu.memory_space<vmem>>, vector<1x1x16xf32>,
            %get3A_523 = vector.shape_cast %get3A_522 : vector<1x1x16xf32> to vector<16xf32>
            %mul3A_524 = arith.constant 5 : i32
            %mul3A_525 = arith.muli %scan3A_194, %mul3A_524 : i32
            %add3A_526 = arith.constant 1 : i32
            %add3A_527 = arith.addi %mul3A_525, %add3A_526 : i32
            %get3A_528 = arith.constant 0 : i32
            %get3A_529 = arith.index_cast %get3A_528 : i32 to index
            %get3A_530 = arith.index_cast %add3A_527 : i32 to index
            %get3A_531 = arith.constant 80 : index
            %get3A_532 = tpu.vector_load %arg12[%get3A_529, %get3A_530, %get3A_531] {strides = array<i32>} : memref<2x50x128xf32, #tpu.memory_space<vmem>>, vector<1x1x16xf32>,
            %get3A_533 = vector.shape_cast %get3A_532 : vector<1x1x16xf32> to vector<16xf32>
            %sub3A_534 = arith.subf %get3A_523, %get3A_533 : vector<16xf32>
            %swap3A_535 = arith.constant 1 : i32
            %swap3A_536 = arith.index_cast %swap3A_535 : i32 to index
            %swap3A_537 = arith.index_cast %add3A_397 : i32 to index
            %swap3A_538 = arith.constant 80 : index
            %swap3A_539 = tpu.vector_load %arg11[%swap3A_536, %swap3A_537, %swap3A_538] {strides = array<i32>} : memref<2x100x128xf32, #tpu.memory_space<vmem>>, vector<1x1x16xf32>,
            %swap3A_540 = vector.shape_cast %swap3A_539 : vector<1x1x16xf32> to vector<16xf32>
            %swap3A_541 = vector.shape_cast %sub3A_534 : vector<16xf32> to vector<1x1x16xf32>
            tpu.vector_store %arg11[%swap3A_536, %swap3A_537, %swap3A_538], %swap3A_541 {strides = array<i32>} : memref<2x100x128xf32, #tpu.memory_space<vmem>>, vector<1x1x16xf32>,
            %get3A_542 = arith.constant 1 : i32
            %get3A_543 = arith.index_cast %get3A_542 : i32 to index
            %get3A_544 = arith.index_cast %add3A_397 : i32 to index
            %get3A_545 = arith.constant 96 : index
            %get3A_546 = tpu.vector_load %arg11[%get3A_543, %get3A_544, %get3A_545] {strides = array<i32>} : memref<2x100x128xf32, #tpu.memory_space<vmem>>, vector<1x1x16xf32>,
            %get3A_547 = vector.shape_cast %get3A_546 : vector<1x1x16xf32> to vector<16xf32>
            %mul3A_548 = arith.constant 5 : i32
            %mul3A_549 = arith.muli %scan3A_194, %mul3A_548 : i32
            %add3A_550 = arith.constant 1 : i32
            %add3A_551 = arith.addi %mul3A_549, %add3A_550 : i32
            %get3A_552 = arith.constant 0 : i32
            %get3A_553 = arith.index_cast %get3A_552 : i32 to index
            %get3A_554 = arith.index_cast %add3A_551 : i32 to index
            %get3A_555 = arith.constant 96 : index
            %get3A_556 = tpu.vector_load %arg12[%get3A_553, %get3A_554, %get3A_555] {strides = array<i32>} : memref<2x50x128xf32, #tpu.memory_space<vmem>>, vector<1x1x16xf32>,
            %get3A_557 = vector.shape_cast %get3A_556 : vector<1x1x16xf32> to vector<16xf32>
            %sub3A_558 = arith.subf %get3A_547, %get3A_557 : vector<16xf32>
            %swap3A_559 = arith.constant 1 : i32
            %swap3A_560 = arith.index_cast %swap3A_559 : i32 to index
            %swap3A_561 = arith.index_cast %add3A_397 : i32 to index
            %swap3A_562 = arith.constant 96 : index
            %swap3A_563 = tpu.vector_load %arg11[%swap3A_560, %swap3A_561, %swap3A_562] {strides = array<i32>} : memref<2x100x128xf32, #tpu.memory_space<vmem>>, vector<1x1x16xf32>,
            %swap3A_564 = vector.shape_cast %swap3A_563 : vector<1x1x16xf32> to vector<16xf32>
            %swap3A_565 = vector.shape_cast %sub3A_558 : vector<16xf32> to vector<1x1x16xf32>
            tpu.vector_store %arg11[%swap3A_560, %swap3A_561, %swap3A_562], %swap3A_565 {strides = array<i32>} : memref<2x100x128xf32, #tpu.memory_space<vmem>>, vector<1x1x16xf32>,
            %get3A_566 = arith.constant 1 : i32
            %get3A_567 = arith.index_cast %get3A_566 : i32 to index
            %get3A_568 = arith.index_cast %add3A_397 : i32 to index
            %get3A_569 = arith.constant 112 : index
            %get3A_570 = tpu.vector_load %arg11[%get3A_567, %get3A_568, %get3A_569] {strides = array<i32>} : memref<2x100x128xf32, #tpu.memory_space<vmem>>, vector<1x1x16xf32>,
            %get3A_571 = vector.shape_cast %get3A_570 : vector<1x1x16xf32> to vector<16xf32>
            %mul3A_572 = arith.constant 5 : i32
            %mul3A_573 = arith.muli %scan3A_194, %mul3A_572 : i32
            %add3A_574 = arith.constant 1 : i32
            %add3A_575 = arith.addi %mul3A_573, %add3A_574 : i32
            %get3A_576 = arith.constant 0 : i32
            %get3A_577 = arith.index_cast %get3A_576 : i32 to index
            %get3A_578 = arith.index_cast %add3A_575 : i32 to index
            %get3A_579 = arith.constant 112 : index
            %get3A_580 = tpu.vector_load %arg12[%get3A_577, %get3A_578, %get3A_579] {strides = array<i32>} : memref<2x50x128xf32, #tpu.memory_space<vmem>>, vector<1x1x16xf32>,
            %get3A_581 = vector.shape_cast %get3A_580 : vector<1x1x16xf32> to vector<16xf32>
            %sub3A_582 = arith.subf %get3A_571, %get3A_581 : vector<16xf32>
            %swap3A_583 = arith.constant 1 : i32
            %swap3A_584 = arith.index_cast %swap3A_583 : i32 to index
            %swap3A_585 = arith.index_cast %add3A_397 : i32 to index
            %swap3A_586 = arith.constant 112 : index
            %swap3A_587 = tpu.vector_load %arg11[%swap3A_584, %swap3A_585, %swap3A_586] {strides = array<i32>} : memref<2x100x128xf32, #tpu.memory_space<vmem>>, vector<1x1x16xf32>,
            %swap3A_588 = vector.shape_cast %swap3A_587 : vector<1x1x16xf32> to vector<16xf32>
            %swap3A_589 = vector.shape_cast %sub3A_582 : vector<16xf32> to vector<1x1x16xf32>
            tpu.vector_store %arg11[%swap3A_584, %swap3A_585, %swap3A_586], %swap3A_589 {strides = array<i32>} : memref<2x100x128xf32, #tpu.memory_space<vmem>>, vector<1x1x16xf32>,
            %mul3A_590 = arith.constant 5 : i32
            %mul3A_591 = arith.muli %scan3A_194, %mul3A_590 : i32
            %add3A_592 = arith.constant 0 : i32
            %add3A_593 = arith.addi %add3A_592, %mul3A_591 : i32
            %add3A_594 = arith.constant 2 : i32
            %add3A_595 = arith.addi %add3A_593, %add3A_594 : i32
            %get3A_596 = arith.constant 1 : i32
            %get3A_597 = arith.index_cast %get3A_596 : i32 to index
            %get3A_598 = arith.index_cast %add3A_595 : i32 to index
            %get3A_599 = arith.constant 0 : index
            %get3A_600 = tpu.vector_load %arg11[%get3A_597, %get3A_598, %get3A_599] {strides = array<i32>} : memref<2x100x128xf32, #tpu.memory_space<vmem>>, vector<1x1x16xf32>,
            %get3A_601 = vector.shape_cast %get3A_600 : vector<1x1x16xf32> to vector<16xf32>
            %mul3A_602 = arith.constant 5 : i32
            %mul3A_603 = arith.muli %scan3A_194, %mul3A_602 : i32
            %add3A_604 = arith.constant 2 : i32
            %add3A_605 = arith.addi %mul3A_603, %add3A_604 : i32
            %get3A_606 = arith.constant 0 : i32
            %get3A_607 = arith.index_cast %get3A_606 : i32 to index
            %get3A_608 = arith.index_cast %add3A_605 : i32 to index
            %get3A_609 = arith.constant 0 : index
            %get3A_610 = tpu.vector_load %arg12[%get3A_607, %get3A_608, %get3A_609] {strides = array<i32>} : memref<2x50x128xf32, #tpu.memory_space<vmem>>, vector<1x1x16xf32>,
            %get3A_611 = vector.shape_cast %get3A_610 : vector<1x1x16xf32> to vector<16xf32>
            %sub3A_612 = arith.subf %get3A_601, %get3A_611 : vector<16xf32>
            %swap3A_613 = arith.constant 1 : i32
            %swap3A_614 = arith.index_cast %swap3A_613 : i32 to index
            %swap3A_615 = arith.index_cast %add3A_595 : i32 to index
            %swap3A_616 = arith.constant 0 : index
            %swap3A_617 = tpu.vector_load %arg11[%swap3A_614, %swap3A_615, %swap3A_616] {strides = array<i32>} : memref<2x100x128xf32, #tpu.memory_space<vmem>>, vector<1x1x16xf32>,
            %swap3A_618 = vector.shape_cast %swap3A_617 : vector<1x1x16xf32> to vector<16xf32>
            %swap3A_619 = vector.shape_cast %sub3A_612 : vector<16xf32> to vector<1x1x16xf32>
            tpu.vector_store %arg11[%swap3A_614, %swap3A_615, %swap3A_616], %swap3A_619 {strides = array<i32>} : memref<2x100x128xf32, #tpu.memory_space<vmem>>, vector<1x1x16xf32>,
            %get3A_620 = arith.constant 1 : i32
            %get3A_621 = arith.index_cast %get3A_620 : i32 to index
            %get3A_622 = arith.index_cast %add3A_595 : i32 to index
            %get3A_623 = arith.constant 16 : index
            %get3A_624 = tpu.vector_load %arg11[%get3A_621, %get3A_622, %get3A_623] {strides = array<i32>} : memref<2x100x128xf32, #tpu.memory_space<vmem>>, vector<1x1x16xf32>,
            %get3A_625 = vector.shape_cast %get3A_624 : vector<1x1x16xf32> to vector<16xf32>
            %mul3A_626 = arith.constant 5 : i32
            %mul3A_627 = arith.muli %scan3A_194, %mul3A_626 : i32
            %add3A_628 = arith.constant 2 : i32
            %add3A_629 = arith.addi %mul3A_627, %add3A_628 : i32
            %get3A_630 = arith.constant 0 : i32
            %get3A_631 = arith.index_cast %get3A_630 : i32 to index
            %get3A_632 = arith.index_cast %add3A_629 : i32 to index
            %get3A_633 = arith.constant 16 : index
            %get3A_634 = tpu.vector_load %arg12[%get3A_631, %get3A_632, %get3A_633] {strides = array<i32>} : memref<2x50x128xf32, #tpu.memory_space<vmem>>, vector<1x1x16xf32>,
            %get3A_635 = vector.shape_cast %get3A_634 : vector<1x1x16xf32> to vector<16xf32>
            %sub3A_636 = arith.subf %get3A_625, %get3A_635 : vector<16xf32>
            %swap3A_637 = arith.constant 1 : i32
            %swap3A_638 = arith.index_cast %swap3A_637 : i32 to index
            %swap3A_639 = arith.index_cast %add3A_595 : i32 to index
            %swap3A_640 = arith.constant 16 : index
            %swap3A_641 = tpu.vector_load %arg11[%swap3A_638, %swap3A_639, %swap3A_640] {strides = array<i32>} : memref<2x100x128xf32, #tpu.memory_space<vmem>>, vector<1x1x16xf32>,
            %swap3A_642 = vector.shape_cast %swap3A_641 : vector<1x1x16xf32> to vector<16xf32>
            %swap3A_643 = vector.shape_cast %sub3A_636 : vector<16xf32> to vector<1x1x16xf32>
            tpu.vector_store %arg11[%swap3A_638, %swap3A_639, %swap3A_640], %swap3A_643 {strides = array<i32>} : memref<2x100x128xf32, #tpu.memory_space<vmem>>, vector<1x1x16xf32>,
            %get3A_644 = arith.constant 1 : i32
            %get3A_645 = arith.index_cast %get3A_644 : i32 to index
            %get3A_646 = arith.index_cast %add3A_595 : i32 to index
            %get3A_647 = arith.constant 32 : index
            %get3A_648 = tpu.vector_load %arg11[%get3A_645, %get3A_646, %get3A_647] {strides = array<i32>} : memref<2x100x128xf32, #tpu.memory_space<vmem>>, vector<1x1x16xf32>,
            %get3A_649 = vector.shape_cast %get3A_648 : vector<1x1x16xf32> to vector<16xf32>
            %mul3A_650 = arith.constant 5 : i32
            %mul3A_651 = arith.muli %scan3A_194, %mul3A_650 : i32
            %add3A_652 = arith.constant 2 : i32
            %add3A_653 = arith.addi %mul3A_651, %add3A_652 : i32
            %get3A_654 = arith.constant 0 : i32
            %get3A_655 = arith.index_cast %get3A_654 : i32 to index
            %get3A_656 = arith.index_cast %add3A_653 : i32 to index
            %get3A_657 = arith.constant 32 : index
            %get3A_658 = tpu.vector_load %arg12[%get3A_655, %get3A_656, %get3A_657] {strides = array<i32>} : memref<2x50x128xf32, #tpu.memory_space<vmem>>, vector<1x1x16xf32>,
            %get3A_659 = vector.shape_cast %get3A_658 : vector<1x1x16xf32> to vector<16xf32>
            %sub3A_660 = arith.subf %get3A_649, %get3A_659 : vector<16xf32>
            %swap3A_661 = arith.constant 1 : i32
            %swap3A_662 = arith.index_cast %swap3A_661 : i32 to index
            %swap3A_663 = arith.index_cast %add3A_595 : i32 to index
            %swap3A_664 = arith.constant 32 : index
            %swap3A_665 = tpu.vector_load %arg11[%swap3A_662, %swap3A_663, %swap3A_664] {strides = array<i32>} : memref<2x100x128xf32, #tpu.memory_space<vmem>>, vector<1x1x16xf32>,
            %swap3A_666 = vector.shape_cast %swap3A_665 : vector<1x1x16xf32> to vector<16xf32>
            %swap3A_667 = vector.shape_cast %sub3A_660 : vector<16xf32> to vector<1x1x16xf32>
            tpu.vector_store %arg11[%swap3A_662, %swap3A_663, %swap3A_664], %swap3A_667 {strides = array<i32>} : memref<2x100x128xf32, #tpu.memory_space<vmem>>, vector<1x1x16xf32>,
            %get3A_668 = arith.constant 1 : i32
            %get3A_669 = arith.index_cast %get3A_668 : i32 to index
            %get3A_670 = arith.index_cast %add3A_595 : i32 to index
            %get3A_671 = arith.constant 48 : index
            %get3A_672 = tpu.vector_load %arg11[%get3A_669, %get3A_670, %get3A_671] {strides = array<i32>} : memref<2x100x128xf32, #tpu.memory_space<vmem>>, vector<1x1x16xf32>,
            %get3A_673 = vector.shape_cast %get3A_672 : vector<1x1x16xf32> to vector<16xf32>
            %mul3A_674 = arith.constant 5 : i32
            %mul3A_675 = arith.muli %scan3A_194, %mul3A_674 : i32
            %add3A_676 = arith.constant 2 : i32
            %add3A_677 = arith.addi %mul3A_675, %add3A_676 : i32
            %get3A_678 = arith.constant 0 : i32
            %get3A_679 = arith.index_cast %get3A_678 : i32 to index
            %get3A_680 = arith.index_cast %add3A_677 : i32 to index
            %get3A_681 = arith.constant 48 : index
            %get3A_682 = tpu.vector_load %arg12[%get3A_679, %get3A_680, %get3A_681] {strides = array<i32>} : memref<2x50x128xf32, #tpu.memory_space<vmem>>, vector<1x1x16xf32>,
            %get3A_683 = vector.shape_cast %get3A_682 : vector<1x1x16xf32> to vector<16xf32>
            %sub3A_684 = arith.subf %get3A_673, %get3A_683 : vector<16xf32>
            %swap3A_685 = arith.constant 1 : i32
            %swap3A_686 = arith.index_cast %swap3A_685 : i32 to index
            %swap3A_687 = arith.index_cast %add3A_595 : i32 to index
            %swap3A_688 = arith.constant 48 : index
            %swap3A_689 = tpu.vector_load %arg11[%swap3A_686, %swap3A_687, %swap3A_688] {strides = array<i32>} : memref<2x100x128xf32, #tpu.memory_space<vmem>>, vector<1x1x16xf32>,
            %swap3A_690 = vector.shape_cast %swap3A_689 : vector<1x1x16xf32> to vector<16xf32>
            %swap3A_691 = vector.shape_cast %sub3A_684 : vector<16xf32> to vector<1x1x16xf32>
            tpu.vector_store %arg11[%swap3A_686, %swap3A_687, %swap3A_688], %swap3A_691 {strides = array<i32>} : memref<2x100x128xf32, #tpu.memory_space<vmem>>, vector<1x1x16xf32>,
            %get3A_692 = arith.constant 1 : i32
            %get3A_693 = arith.index_cast %get3A_692 : i32 to index
            %get3A_694 = arith.index_cast %add3A_595 : i32 to index
            %get3A_695 = arith.constant 64 : index
            %get3A_696 = tpu.vector_load %arg11[%get3A_693, %get3A_694, %get3A_695] {strides = array<i32>} : memref<2x100x128xf32, #tpu.memory_space<vmem>>, vector<1x1x16xf32>,
            %get3A_697 = vector.shape_cast %get3A_696 : vector<1x1x16xf32> to vector<16xf32>
            %mul3A_698 = arith.constant 5 : i32
            %mul3A_699 = arith.muli %scan3A_194, %mul3A_698 : i32
            %add3A_700 = arith.constant 2 : i32
            %add3A_701 = arith.addi %mul3A_699, %add3A_700 : i32
            %get3A_702 = arith.constant 0 : i32
            %get3A_703 = arith.index_cast %get3A_702 : i32 to index
            %get3A_704 = arith.index_cast %add3A_701 : i32 to index
            %get3A_705 = arith.constant 64 : index
            %get3A_706 = tpu.vector_load %arg12[%get3A_703, %get3A_704, %get3A_705] {strides = array<i32>} : memref<2x50x128xf32, #tpu.memory_space<vmem>>, vector<1x1x16xf32>,
            %get3A_707 = vector.shape_cast %get3A_706 : vector<1x1x16xf32> to vector<16xf32>
            %sub3A_708 = arith.subf %get3A_697, %get3A_707 : vector<16xf32>
            %swap3A_709 = arith.constant 1 : i32
            %swap3A_710 = arith.index_cast %swap3A_709 : i32 to index
            %swap3A_711 = arith.index_cast %add3A_595 : i32 to index
            %swap3A_712 = arith.constant 64 : index
            %swap3A_713 = tpu.vector_load %arg11[%swap3A_710, %swap3A_711, %swap3A_712] {strides = array<i32>} : memref<2x100x128xf32, #tpu.memory_space<vmem>>, vector<1x1x16xf32>,
            %swap3A_714 = vector.shape_cast %swap3A_713 : vector<1x1x16xf32> to vector<16xf32>
            %swap3A_715 = vector.shape_cast %sub3A_708 : vector<16xf32> to vector<1x1x16xf32>
            tpu.vector_store %arg11[%swap3A_710, %swap3A_711, %swap3A_712], %swap3A_715 {strides = array<i32>} : memref<2x100x128xf32, #tpu.memory_space<vmem>>, vector<1x1x16xf32>,
            %get3A_716 = arith.constant 1 : i32
            %get3A_717 = arith.index_cast %get3A_716 : i32 to index
            %get3A_718 = arith.index_cast %add3A_595 : i32 to index
            %get3A_719 = arith.constant 80 : index
            %get3A_720 = tpu.vector_load %arg11[%get3A_717, %get3A_718, %get3A_719] {strides = array<i32>} : memref<2x100x128xf32, #tpu.memory_space<vmem>>, vector<1x1x16xf32>,
            %get3A_721 = vector.shape_cast %get3A_720 : vector<1x1x16xf32> to vector<16xf32>
            %mul3A_722 = arith.constant 5 : i32
            %mul3A_723 = arith.muli %scan3A_194, %mul3A_722 : i32
            %add3A_724 = arith.constant 2 : i32
            %add3A_725 = arith.addi %mul3A_723, %add3A_724 : i32
            %get3A_726 = arith.constant 0 : i32
            %get3A_727 = arith.index_cast %get3A_726 : i32 to index
            %get3A_728 = arith.index_cast %add3A_725 : i32 to index
            %get3A_729 = arith.constant 80 : index
            %get3A_730 = tpu.vector_load %arg12[%get3A_727, %get3A_728, %get3A_729] {strides = array<i32>} : memref<2x50x128xf32, #tpu.memory_space<vmem>>, vector<1x1x16xf32>,
            %get3A_731 = vector.shape_cast %get3A_730 : vector<1x1x16xf32> to vector<16xf32>
            %sub3A_732 = arith.subf %get3A_721, %get3A_731 : vector<16xf32>
            %swap3A_733 = arith.constant 1 : i32
            %swap3A_734 = arith.index_cast %swap3A_733 : i32 to index
            %swap3A_735 = arith.index_cast %add3A_595 : i32 to index
            %swap3A_736 = arith.constant 80 : index
            %swap3A_737 = tpu.vector_load %arg11[%swap3A_734, %swap3A_735, %swap3A_736] {strides = array<i32>} : memref<2x100x128xf32, #tpu.memory_space<vmem>>, vector<1x1x16xf32>,
            %swap3A_738 = vector.shape_cast %swap3A_737 : vector<1x1x16xf32> to vector<16xf32>
            %swap3A_739 = vector.shape_cast %sub3A_732 : vector<16xf32> to vector<1x1x16xf32>
            tpu.vector_store %arg11[%swap3A_734, %swap3A_735, %swap3A_736], %swap3A_739 {strides = array<i32>} : memref<2x100x128xf32, #tpu.memory_space<vmem>>, vector<1x1x16xf32>,
            %get3A_740 = arith.constant 1 : i32
            %get3A_741 = arith.index_cast %get3A_740 : i32 to index
            %get3A_742 = arith.index_cast %add3A_595 : i32 to index
            %get3A_743 = arith.constant 96 : index
            %get3A_744 = tpu.vector_load %arg11[%get3A_741, %get3A_742, %get3A_743] {strides = array<i32>} : memref<2x100x128xf32, #tpu.memory_space<vmem>>, vector<1x1x16xf32>,
            %get3A_745 = vector.shape_cast %get3A_744 : vector<1x1x16xf32> to vector<16xf32>
            %mul3A_746 = arith.constant 5 : i32
            %mul3A_747 = arith.muli %scan3A_194, %mul3A_746 : i32
            %add3A_748 = arith.constant 2 : i32
            %add3A_749 = arith.addi %mul3A_747, %add3A_748 : i32
            %get3A_750 = arith.constant 0 : i32
            %get3A_751 = arith.index_cast %get3A_750 : i32 to index
            %get3A_752 = arith.index_cast %add3A_749 : i32 to index
            %get3A_753 = arith.constant 96 : index
            %get3A_754 = tpu.vector_load %arg12[%get3A_751, %get3A_752, %get3A_753] {strides = array<i32>} : memref<2x50x128xf32, #tpu.memory_space<vmem>>, vector<1x1x16xf32>,
            %get3A_755 = vector.shape_cast %get3A_754 : vector<1x1x16xf32> to vector<16xf32>
            %sub3A_756 = arith.subf %get3A_745, %get3A_755 : vector<16xf32>
            %swap3A_757 = arith.constant 1 : i32
            %swap3A_758 = arith.index_cast %swap3A_757 : i32 to index
            %swap3A_759 = arith.index_cast %add3A_595 : i32 to index
            %swap3A_760 = arith.constant 96 : index
            %swap3A_761 = tpu.vector_load %arg11[%swap3A_758, %swap3A_759, %swap3A_760] {strides = array<i32>} : memref<2x100x128xf32, #tpu.memory_space<vmem>>, vector<1x1x16xf32>,
            %swap3A_762 = vector.shape_cast %swap3A_761 : vector<1x1x16xf32> to vector<16xf32>
            %swap3A_763 = vector.shape_cast %sub3A_756 : vector<16xf32> to vector<1x1x16xf32>
            tpu.vector_store %arg11[%swap3A_758, %swap3A_759, %swap3A_760], %swap3A_763 {strides = array<i32>} : memref<2x100x128xf32, #tpu.memory_space<vmem>>, vector<1x1x16xf32>,
            %get3A_764 = arith.constant 1 : i32
            %get3A_765 = arith.index_cast %get3A_764 : i32 to index
            %get3A_766 = arith.index_cast %add3A_595 : i32 to index
            %get3A_767 = arith.constant 112 : index
            %get3A_768 = tpu.vector_load %arg11[%get3A_765, %get3A_766, %get3A_767] {strides = array<i32>} : memref<2x100x128xf32, #tpu.memory_space<vmem>>, vector<1x1x16xf32>,
            %get3A_769 = vector.shape_cast %get3A_768 : vector<1x1x16xf32> to vector<16xf32>
            %mul3A_770 = arith.constant 5 : i32
            %mul3A_771 = arith.muli %scan3A_194, %mul3A_770 : i32
            %add3A_772 = arith.constant 2 : i32
            %add3A_773 = arith.addi %mul3A_771, %add3A_772 : i32
            %get3A_774 = arith.constant 0 : i32
            %get3A_775 = arith.index_cast %get3A_774 : i32 to index
            %get3A_776 = arith.index_cast %add3A_773 : i32 to index
            %get3A_777 = arith.constant 112 : index
            %get3A_778 = tpu.vector_load %arg12[%get3A_775, %get3A_776, %get3A_777] {strides = array<i32>} : memref<2x50x128xf32, #tpu.memory_space<vmem>>, vector<1x1x16xf32>,
            %get3A_779 = vector.shape_cast %get3A_778 : vector<1x1x16xf32> to vector<16xf32>
            %sub3A_780 = arith.subf %get3A_769, %get3A_779 : vector<16xf32>
            %swap3A_781 = arith.constant 1 : i32
            %swap3A_782 = arith.index_cast %swap3A_781 : i32 to index
            %swap3A_783 = arith.index_cast %add3A_595 : i32 to index
            %swap3A_784 = arith.constant 112 : index
            %swap3A_785 = tpu.vector_load %arg11[%swap3A_782, %swap3A_783, %swap3A_784] {strides = array<i32>} : memref<2x100x128xf32, #tpu.memory_space<vmem>>, vector<1x1x16xf32>,
            %swap3A_786 = vector.shape_cast %swap3A_785 : vector<1x1x16xf32> to vector<16xf32>
            %swap3A_787 = vector.shape_cast %sub3A_780 : vector<16xf32> to vector<1x1x16xf32>
            tpu.vector_store %arg11[%swap3A_782, %swap3A_783, %swap3A_784], %swap3A_787 {strides = array<i32>} : memref<2x100x128xf32, #tpu.memory_space<vmem>>, vector<1x1x16xf32>,
            %mul3A_788 = arith.constant 5 : i32
            %mul3A_789 = arith.muli %scan3A_194, %mul3A_788 : i32
            %add3A_790 = arith.constant 0 : i32
            %add3A_791 = arith.addi %add3A_790, %mul3A_789 : i32
            %add3A_792 = arith.constant 3 : i32
            %add3A_793 = arith.addi %add3A_791, %add3A_792 : i32
            %get3A_794 = arith.constant 1 : i32
            %get3A_795 = arith.index_cast %get3A_794 : i32 to index
            %get3A_796 = arith.index_cast %add3A_793 : i32 to index
            %get3A_797 = arith.constant 0 : index
            %get3A_798 = tpu.vector_load %arg11[%get3A_795, %get3A_796, %get3A_797] {strides = array<i32>} : memref<2x100x128xf32, #tpu.memory_space<vmem>>, vector<1x1x16xf32>,
            %get3A_799 = vector.shape_cast %get3A_798 : vector<1x1x16xf32> to vector<16xf32>
            %mul3A_800 = arith.constant 5 : i32
            %mul3A_801 = arith.muli %scan3A_194, %mul3A_800 : i32
            %add3A_802 = arith.constant 3 : i32
            %add3A_803 = arith.addi %mul3A_801, %add3A_802 : i32
            %get3A_804 = arith.constant 0 : i32
            %get3A_805 = arith.index_cast %get3A_804 : i32 to index
            %get3A_806 = arith.index_cast %add3A_803 : i32 to index
            %get3A_807 = arith.constant 0 : index
            %get3A_808 = tpu.vector_load %arg12[%get3A_805, %get3A_806, %get3A_807] {strides = array<i32>} : memref<2x50x128xf32, #tpu.memory_space<vmem>>, vector<1x1x16xf32>,
            %get3A_809 = vector.shape_cast %get3A_808 : vector<1x1x16xf32> to vector<16xf32>
            %sub3A_810 = arith.subf %get3A_799, %get3A_809 : vector<16xf32>
            %swap3A_811 = arith.constant 1 : i32
            %swap3A_812 = arith.index_cast %swap3A_811 : i32 to index
            %swap3A_813 = arith.index_cast %add3A_793 : i32 to index
            %swap3A_814 = arith.constant 0 : index
            %swap3A_815 = tpu.vector_load %arg11[%swap3A_812, %swap3A_813, %swap3A_814] {strides = array<i32>} : memref<2x100x128xf32, #tpu.memory_space<vmem>>, vector<1x1x16xf32>,
            %swap3A_816 = vector.shape_cast %swap3A_815 : vector<1x1x16xf32> to vector<16xf32>
            %swap3A_817 = vector.shape_cast %sub3A_810 : vector<16xf32> to vector<1x1x16xf32>
            tpu.vector_store %arg11[%swap3A_812, %swap3A_813, %swap3A_814], %swap3A_817 {strides = array<i32>} : memref<2x100x128xf32, #tpu.memory_space<vmem>>, vector<1x1x16xf32>,
            %get3A_818 = arith.constant 1 : i32
            %get3A_819 = arith.index_cast %get3A_818 : i32 to index
            %get3A_820 = arith.index_cast %add3A_793 : i32 to index
            %get3A_821 = arith.constant 16 : index
            %get3A_822 = tpu.vector_load %arg11[%get3A_819, %get3A_820, %get3A_821] {strides = array<i32>} : memref<2x100x128xf32, #tpu.memory_space<vmem>>, vector<1x1x16xf32>,
            %get3A_823 = vector.shape_cast %get3A_822 : vector<1x1x16xf32> to vector<16xf32>
            %mul3A_824 = arith.constant 5 : i32
            %mul3A_825 = arith.muli %scan3A_194, %mul3A_824 : i32
            %add3A_826 = arith.constant 3 : i32
            %add3A_827 = arith.addi %mul3A_825, %add3A_826 : i32
            %get3A_828 = arith.constant 0 : i32
            %get3A_829 = arith.index_cast %get3A_828 : i32 to index
            %get3A_830 = arith.index_cast %add3A_827 : i32 to index
            %get3A_831 = arith.constant 16 : index
            %get3A_832 = tpu.vector_load %arg12[%get3A_829, %get3A_830, %get3A_831] {strides = array<i32>} : memref<2x50x128xf32, #tpu.memory_space<vmem>>, vector<1x1x16xf32>,
            %get3A_833 = vector.shape_cast %get3A_832 : vector<1x1x16xf32> to vector<16xf32>
            %sub3A_834 = arith.subf %get3A_823, %get3A_833 : vector<16xf32>
            %swap3A_835 = arith.constant 1 : i32
            %swap3A_836 = arith.index_cast %swap3A_835 : i32 to index
            %swap3A_837 = arith.index_cast %add3A_793 : i32 to index
            %swap3A_838 = arith.constant 16 : index
            %swap3A_839 = tpu.vector_load %arg11[%swap3A_836, %swap3A_837, %swap3A_838] {strides = array<i32>} : memref<2x100x128xf32, #tpu.memory_space<vmem>>, vector<1x1x16xf32>,
            %swap3A_840 = vector.shape_cast %swap3A_839 : vector<1x1x16xf32> to vector<16xf32>
            %swap3A_841 = vector.shape_cast %sub3A_834 : vector<16xf32> to vector<1x1x16xf32>
            tpu.vector_store %arg11[%swap3A_836, %swap3A_837, %swap3A_838], %swap3A_841 {strides = array<i32>} : memref<2x100x128xf32, #tpu.memory_space<vmem>>, vector<1x1x16xf32>,
            %get3A_842 = arith.constant 1 : i32
            %get3A_843 = arith.index_cast %get3A_842 : i32 to index
            %get3A_844 = arith.index_cast %add3A_793 : i32 to index
            %get3A_845 = arith.constant 32 : index
            %get3A_846 = tpu.vector_load %arg11[%get3A_843, %get3A_844, %get3A_845] {strides = array<i32>} : memref<2x100x128xf32, #tpu.memory_space<vmem>>, vector<1x1x16xf32>,
            %get3A_847 = vector.shape_cast %get3A_846 : vector<1x1x16xf32> to vector<16xf32>
            %mul3A_848 = arith.constant 5 : i32
            %mul3A_849 = arith.muli %scan3A_194, %mul3A_848 : i32
            %add3A_850 = arith.constant 3 : i32
            %add3A_851 = arith.addi %mul3A_849, %add3A_850 : i32
            %get3A_852 = arith.constant 0 : i32
            %get3A_853 = arith.index_cast %get3A_852 : i32 to index
            %get3A_854 = arith.index_cast %add3A_851 : i32 to index
            %get3A_855 = arith.constant 32 : index
            %get3A_856 = tpu.vector_load %arg12[%get3A_853, %get3A_854, %get3A_855] {strides = array<i32>} : memref<2x50x128xf32, #tpu.memory_space<vmem>>, vector<1x1x16xf32>,
            %get3A_857 = vector.shape_cast %get3A_856 : vector<1x1x16xf32> to vector<16xf32>
            %sub3A_858 = arith.subf %get3A_847, %get3A_857 : vector<16xf32>
            %swap3A_859 = arith.constant 1 : i32
            %swap3A_860 = arith.index_cast %swap3A_859 : i32 to index
            %swap3A_861 = arith.index_cast %add3A_793 : i32 to index
            %swap3A_862 = arith.constant 32 : index
            %swap3A_863 = tpu.vector_load %arg11[%swap3A_860, %swap3A_861, %swap3A_862] {strides = array<i32>} : memref<2x100x128xf32, #tpu.memory_space<vmem>>, vector<1x1x16xf32>,
            %swap3A_864 = vector.shape_cast %swap3A_863 : vector<1x1x16xf32> to vector<16xf32>
            %swap3A_865 = vector.shape_cast %sub3A_858 : vector<16xf32> to vector<1x1x16xf32>
            tpu.vector_store %arg11[%swap3A_860, %swap3A_861, %swap3A_862], %swap3A_865 {strides = array<i32>} : memref<2x100x128xf32, #tpu.memory_space<vmem>>, vector<1x1x16xf32>,
            %get3A_866 = arith.constant 1 : i32
            %get3A_867 = arith.index_cast %get3A_866 : i32 to index
            %get3A_868 = arith.index_cast %add3A_793 : i32 to index
            %get3A_869 = arith.constant 48 : index
            %get3A_870 = tpu.vector_load %arg11[%get3A_867, %get3A_868, %get3A_869] {strides = array<i32>} : memref<2x100x128xf32, #tpu.memory_space<vmem>>, vector<1x1x16xf32>,
            %get3A_871 = vector.shape_cast %get3A_870 : vector<1x1x16xf32> to vector<16xf32>
            %mul3A_872 = arith.constant 5 : i32
            %mul3A_873 = arith.muli %scan3A_194, %mul3A_872 : i32
            %add3A_874 = arith.constant 3 : i32
            %add3A_875 = arith.addi %mul3A_873, %add3A_874 : i32
            %get3A_876 = arith.constant 0 : i32
            %get3A_877 = arith.index_cast %get3A_876 : i32 to index
            %get3A_878 = arith.index_cast %add3A_875 : i32 to index
            %get3A_879 = arith.constant 48 : index
            %get3A_880 = tpu.vector_load %arg12[%get3A_877, %get3A_878, %get3A_879] {strides = array<i32>} : memref<2x50x128xf32, #tpu.memory_space<vmem>>, vector<1x1x16xf32>,
            %get3A_881 = vector.shape_cast %get3A_880 : vector<1x1x16xf32> to vector<16xf32>
            %sub3A_882 = arith.subf %get3A_871, %get3A_881 : vector<16xf32>
            %swap3A_883 = arith.constant 1 : i32
            %swap3A_884 = arith.index_cast %swap3A_883 : i32 to index
            %swap3A_885 = arith.index_cast %add3A_793 : i32 to index
            %swap3A_886 = arith.constant 48 : index
            %swap3A_887 = tpu.vector_load %arg11[%swap3A_884, %swap3A_885, %swap3A_886] {strides = array<i32>} : memref<2x100x128xf32, #tpu.memory_space<vmem>>, vector<1x1x16xf32>,
            %swap3A_888 = vector.shape_cast %swap3A_887 : vector<1x1x16xf32> to vector<16xf32>
            %swap3A_889 = vector.shape_cast %sub3A_882 : vector<16xf32> to vector<1x1x16xf32>
            tpu.vector_store %arg11[%swap3A_884, %swap3A_885, %swap3A_886], %swap3A_889 {strides = array<i32>} : memref<2x100x128xf32, #tpu.memory_space<vmem>>, vector<1x1x16xf32>,
            %get3A_890 = arith.constant 1 : i32
            %get3A_891 = arith.index_cast %get3A_890 : i32 to index
            %get3A_892 = arith.index_cast %add3A_793 : i32 to index
            %get3A_893 = arith.constant 64 : index
            %get3A_894 = tpu.vector_load %arg11[%get3A_891, %get3A_892, %get3A_893] {strides = array<i32>} : memref<2x100x128xf32, #tpu.memory_space<vmem>>, vector<1x1x16xf32>,
            %get3A_895 = vector.shape_cast %get3A_894 : vector<1x1x16xf32> to vector<16xf32>
            %mul3A_896 = arith.constant 5 : i32
            %mul3A_897 = arith.muli %scan3A_194, %mul3A_896 : i32
            %add3A_898 = arith.constant 3 : i32
            %add3A_899 = arith.addi %mul3A_897, %add3A_898 : i32
            %get3A_900 = arith.constant 0 : i32
            %get3A_901 = arith.index_cast %get3A_900 : i32 to index
            %get3A_902 = arith.index_cast %add3A_899 : i32 to index
            %get3A_903 = arith.constant 64 : index
            %get3A_904 = tpu.vector_load %arg12[%get3A_901, %get3A_902, %get3A_903] {strides = array<i32>} : memref<2x50x128xf32, #tpu.memory_space<vmem>>, vector<1x1x16xf32>,
            %get3A_905 = vector.shape_cast %get3A_904 : vector<1x1x16xf32> to vector<16xf32>
            %sub3A_906 = arith.subf %get3A_895, %get3A_905 : vector<16xf32>
            %swap3A_907 = arith.constant 1 : i32
            %swap3A_908 = arith.index_cast %swap3A_907 : i32 to index
            %swap3A_909 = arith.index_cast %add3A_793 : i32 to index
            %swap3A_910 = arith.constant 64 : index
            %swap3A_911 = tpu.vector_load %arg11[%swap3A_908, %swap3A_909, %swap3A_910] {strides = array<i32>} : memref<2x100x128xf32, #tpu.memory_space<vmem>>, vector<1x1x16xf32>,
            %swap3A_912 = vector.shape_cast %swap3A_911 : vector<1x1x16xf32> to vector<16xf32>
            %swap3A_913 = vector.shape_cast %sub3A_906 : vector<16xf32> to vector<1x1x16xf32>
            tpu.vector_store %arg11[%swap3A_908, %swap3A_909, %swap3A_910], %swap3A_913 {strides = array<i32>} : memref<2x100x128xf32, #tpu.memory_space<vmem>>, vector<1x1x16xf32>,
            %get3A_914 = arith.constant 1 : i32
            %get3A_915 = arith.index_cast %get3A_914 : i32 to index
            %get3A_916 = arith.index_cast %add3A_793 : i32 to index
            %get3A_917 = arith.constant 80 : index
            %get3A_918 = tpu.vector_load %arg11[%get3A_915, %get3A_916, %get3A_917] {strides = array<i32>} : memref<2x100x128xf32, #tpu.memory_space<vmem>>, vector<1x1x16xf32>,
            %get3A_919 = vector.shape_cast %get3A_918 : vector<1x1x16xf32> to vector<16xf32>
            %mul3A_920 = arith.constant 5 : i32
            %mul3A_921 = arith.muli %scan3A_194, %mul3A_920 : i32
            %add3A_922 = arith.constant 3 : i32
            %add3A_923 = arith.addi %mul3A_921, %add3A_922 : i32
            %get3A_924 = arith.constant 0 : i32
            %get3A_925 = arith.index_cast %get3A_924 : i32 to index
            %get3A_926 = arith.index_cast %add3A_923 : i32 to index
            %get3A_927 = arith.constant 80 : index
            %get3A_928 = tpu.vector_load %arg12[%get3A_925, %get3A_926, %get3A_927] {strides = array<i32>} : memref<2x50x128xf32, #tpu.memory_space<vmem>>, vector<1x1x16xf32>,
            %get3A_929 = vector.shape_cast %get3A_928 : vector<1x1x16xf32> to vector<16xf32>
            %sub3A_930 = arith.subf %get3A_919, %get3A_929 : vector<16xf32>
            %swap3A_931 = arith.constant 1 : i32
            %swap3A_932 = arith.index_cast %swap3A_931 : i32 to index
            %swap3A_933 = arith.index_cast %add3A_793 : i32 to index
            %swap3A_934 = arith.constant 80 : index
            %swap3A_935 = tpu.vector_load %arg11[%swap3A_932, %swap3A_933, %swap3A_934] {strides = array<i32>} : memref<2x100x128xf32, #tpu.memory_space<vmem>>, vector<1x1x16xf32>,
            %swap3A_936 = vector.shape_cast %swap3A_935 : vector<1x1x16xf32> to vector<16xf32>
            %swap3A_937 = vector.shape_cast %sub3A_930 : vector<16xf32> to vector<1x1x16xf32>
            tpu.vector_store %arg11[%swap3A_932, %swap3A_933, %swap3A_934], %swap3A_937 {strides = array<i32>} : memref<2x100x128xf32, #tpu.memory_space<vmem>>, vector<1x1x16xf32>,
            %get3A_938 = arith.constant 1 : i32
            %get3A_939 = arith.index_cast %get3A_938 : i32 to index
            %get3A_940 = arith.index_cast %add3A_793 : i32 to index
            %get3A_941 = arith.constant 96 : index
            %get3A_942 = tpu.vector_load %arg11[%get3A_939, %get3A_940, %get3A_941] {strides = array<i32>} : memref<2x100x128xf32, #tpu.memory_space<vmem>>, vector<1x1x16xf32>,
            %get3A_943 = vector.shape_cast %get3A_942 : vector<1x1x16xf32> to vector<16xf32>
            %mul3A_944 = arith.constant 5 : i32
            %mul3A_945 = arith.muli %scan3A_194, %mul3A_944 : i32
            %add3A_946 = arith.constant 3 : i32
            %add3A_947 = arith.addi %mul3A_945, %add3A_946 : i32
            %get3A_948 = arith.constant 0 : i32
            %get3A_949 = arith.index_cast %get3A_948 : i32 to index
            %get3A_950 = arith.index_cast %add3A_947 : i32 to index
            %get3A_951 = arith.constant 96 : index
            %get3A_952 = tpu.vector_load %arg12[%get3A_949, %get3A_950, %get3A_951] {strides = array<i32>} : memref<2x50x128xf32, #tpu.memory_space<vmem>>, vector<1x1x16xf32>,
            %get3A_953 = vector.shape_cast %get3A_952 : vector<1x1x16xf32> to vector<16xf32>
            %sub3A_954 = arith.subf %get3A_943, %get3A_953 : vector<16xf32>
            %swap3A_955 = arith.constant 1 : i32
            %swap3A_956 = arith.index_cast %swap3A_955 : i32 to index
            %swap3A_957 = arith.index_cast %add3A_793 : i32 to index
            %swap3A_958 = arith.constant 96 : index
            %swap3A_959 = tpu.vector_load %arg11[%swap3A_956, %swap3A_957, %swap3A_958] {strides = array<i32>} : memref<2x100x128xf32, #tpu.memory_space<vmem>>, vector<1x1x16xf32>,
            %swap3A_960 = vector.shape_cast %swap3A_959 : vector<1x1x16xf32> to vector<16xf32>
            %swap3A_961 = vector.shape_cast %sub3A_954 : vector<16xf32> to vector<1x1x16xf32>
            tpu.vector_store %arg11[%swap3A_956, %swap3A_957, %swap3A_958], %swap3A_961 {strides = array<i32>} : memref<2x100x128xf32, #tpu.memory_space<vmem>>, vector<1x1x16xf32>,
            %get3A_962 = arith.constant 1 : i32
            %get3A_963 = arith.index_cast %get3A_962 : i32 to index
            %get3A_964 = arith.index_cast %add3A_793 : i32 to index
            %get3A_965 = arith.constant 112 : index
            %get3A_966 = tpu.vector_load %arg11[%get3A_963, %get3A_964, %get3A_965] {strides = array<i32>} : memref<2x100x128xf32, #tpu.memory_space<vmem>>, vector<1x1x16xf32>,
            %get3A_967 = vector.shape_cast %get3A_966 : vector<1x1x16xf32> to vector<16xf32>
            %mul3A_968 = arith.constant 5 : i32
            %mul3A_969 = arith.muli %scan3A_194, %mul3A_968 : i32
            %add3A_970 = arith.constant 3 : i32
            %add3A_971 = arith.addi %mul3A_969, %add3A_970 : i32
            %get3A_972 = arith.constant 0 : i32
            %get3A_973 = arith.index_cast %get3A_972 : i32 to index
            %get3A_974 = arith.index_cast %add3A_971 : i32 to index
            %get3A_975 = arith.constant 112 : index
            %get3A_976 = tpu.vector_load %arg12[%get3A_973, %get3A_974, %get3A_975] {strides = array<i32>} : memref<2x50x128xf32, #tpu.memory_space<vmem>>, vector<1x1x16xf32>,
            %get3A_977 = vector.shape_cast %get3A_976 : vector<1x1x16xf32> to vector<16xf32>
            %sub3A_978 = arith.subf %get3A_967, %get3A_977 : vector<16xf32>
            %swap3A_979 = arith.constant 1 : i32
            %swap3A_980 = arith.index_cast %swap3A_979 : i32 to index
            %swap3A_981 = arith.index_cast %add3A_793 : i32 to index
            %swap3A_982 = arith.constant 112 : index
            %swap3A_983 = tpu.vector_load %arg11[%swap3A_980, %swap3A_981, %swap3A_982] {strides = array<i32>} : memref<2x100x128xf32, #tpu.memory_space<vmem>>, vector<1x1x16xf32>,
            %swap3A_984 = vector.shape_cast %swap3A_983 : vector<1x1x16xf32> to vector<16xf32>
            %swap3A_985 = vector.shape_cast %sub3A_978 : vector<16xf32> to vector<1x1x16xf32>
            tpu.vector_store %arg11[%swap3A_980, %swap3A_981, %swap3A_982], %swap3A_985 {strides = array<i32>} : memref<2x100x128xf32, #tpu.memory_space<vmem>>, vector<1x1x16xf32>,
            %mul3A_986 = arith.constant 5 : i32
            %mul3A_987 = arith.muli %scan3A_194, %mul3A_986 : i32
            %add3A_988 = arith.constant 0 : i32
            %add3A_989 = arith.addi %add3A_988, %mul3A_987 : i32
            %add3A_990 = arith.constant 4 : i32
            %add3A_991 = arith.addi %add3A_989, %add3A_990 : i32
            %get3A_992 = arith.constant 1 : i32
            %get3A_993 = arith.index_cast %get3A_992 : i32 to index
            %get3A_994 = arith.index_cast %add3A_991 : i32 to index
            %get3A_995 = arith.constant 0 : index
            %get3A_996 = tpu.vector_load %arg11[%get3A_993, %get3A_994, %get3A_995] {strides = array<i32>} : memref<2x100x128xf32, #tpu.memory_space<vmem>>, vector<1x1x16xf32>,
            %get3A_997 = vector.shape_cast %get3A_996 : vector<1x1x16xf32> to vector<16xf32>
            %mul3A_998 = arith.constant 5 : i32
            %mul3A_999 = arith.muli %scan3A_194, %mul3A_998 : i32
            %add3A_1000 = arith.constant 4 : i32
            %add3A_1001 = arith.addi %mul3A_999, %add3A_1000 : i32
            %get3A_1002 = arith.constant 0 : i32
            %get3A_1003 = arith.index_cast %get3A_1002 : i32 to index
            %get3A_1004 = arith.index_cast %add3A_1001 : i32 to index
            %get3A_1005 = arith.constant 0 : index
            %get3A_1006 = tpu.vector_load %arg12[%get3A_1003, %get3A_1004, %get3A_1005] {strides = array<i32>} : memref<2x50x128xf32, #tpu.memory_space<vmem>>, vector<1x1x16xf32>,
            %get3A_1007 = vector.shape_cast %get3A_1006 : vector<1x1x16xf32> to vector<16xf32>
            %sub3A_1008 = arith.subf %get3A_997, %get3A_1007 : vector<16xf32>
            %swap3A_1009 = arith.constant 1 : i32
            %swap3A_1010 = arith.index_cast %swap3A_1009 : i32 to index
            %swap3A_1011 = arith.index_cast %add3A_991 : i32 to index
            %swap3A_1012 = arith.constant 0 : index
            %swap3A_1013 = tpu.vector_load %arg11[%swap3A_1010, %swap3A_1011, %swap3A_1012] {strides = array<i32>} : memref<2x100x128xf32, #tpu.memory_space<vmem>>, vector<1x1x16xf32>,
            %swap3A_1014 = vector.shape_cast %swap3A_1013 : vector<1x1x16xf32> to vector<16xf32>
            %swap3A_1015 = vector.shape_cast %sub3A_1008 : vector<16xf32> to vector<1x1x16xf32>
            tpu.vector_store %arg11[%swap3A_1010, %swap3A_1011, %swap3A_1012], %swap3A_1015 {strides = array<i32>} : memref<2x100x128xf32, #tpu.memory_space<vmem>>, vector<1x1x16xf32>,
            %get3A_1016 = arith.constant 1 : i32
            %get3A_1017 = arith.index_cast %get3A_1016 : i32 to index
            %get3A_1018 = arith.index_cast %add3A_991 : i32 to index
            %get3A_1019 = arith.constant 16 : index
            %get3A_1020 = tpu.vector_load %arg11[%get3A_1017, %get3A_1018, %get3A_1019] {strides = array<i32>} : memref<2x100x128xf32, #tpu.memory_space<vmem>>, vector<1x1x16xf32>,
            %get3A_1021 = vector.shape_cast %get3A_1020 : vector<1x1x16xf32> to vector<16xf32>
            %mul3A_1022 = arith.constant 5 : i32
            %mul3A_1023 = arith.muli %scan3A_194, %mul3A_1022 : i32
            %add3A_1024 = arith.constant 4 : i32
            %add3A_1025 = arith.addi %mul3A_1023, %add3A_1024 : i32
            %get3A_1026 = arith.constant 0 : i32
            %get3A_1027 = arith.index_cast %get3A_1026 : i32 to index
            %get3A_1028 = arith.index_cast %add3A_1025 : i32 to index
            %get3A_1029 = arith.constant 16 : index
            %get3A_1030 = tpu.vector_load %arg12[%get3A_1027, %get3A_1028, %get3A_1029] {strides = array<i32>} : memref<2x50x128xf32, #tpu.memory_space<vmem>>, vector<1x1x16xf32>,
            %get3A_1031 = vector.shape_cast %get3A_1030 : vector<1x1x16xf32> to vector<16xf32>
            %sub3A_1032 = arith.subf %get3A_1021, %get3A_1031 : vector<16xf32>
            %swap3A_1033 = arith.constant 1 : i32
            %swap3A_1034 = arith.index_cast %swap3A_1033 : i32 to index
            %swap3A_1035 = arith.index_cast %add3A_991 : i32 to index
            %swap3A_1036 = arith.constant 16 : index
            %swap3A_1037 = tpu.vector_load %arg11[%swap3A_1034, %swap3A_1035, %swap3A_1036] {strides = array<i32>} : memref<2x100x128xf32, #tpu.memory_space<vmem>>, vector<1x1x16xf32>,
            %swap3A_1038 = vector.shape_cast %swap3A_1037 : vector<1x1x16xf32> to vector<16xf32>
            %swap3A_1039 = vector.shape_cast %sub3A_1032 : vector<16xf32> to vector<1x1x16xf32>
            tpu.vector_store %arg11[%swap3A_1034, %swap3A_1035, %swap3A_1036], %swap3A_1039 {strides = array<i32>} : memref<2x100x128xf32, #tpu.memory_space<vmem>>, vector<1x1x16xf32>,
            %get3A_1040 = arith.constant 1 : i32
            %get3A_1041 = arith.index_cast %get3A_1040 : i32 to index
            %get3A_1042 = arith.index_cast %add3A_991 : i32 to index
            %get3A_1043 = arith.constant 32 : index
            %get3A_1044 = tpu.vector_load %arg11[%get3A_1041, %get3A_1042, %get3A_1043] {strides = array<i32>} : memref<2x100x128xf32, #tpu.memory_space<vmem>>, vector<1x1x16xf32>,
            %get3A_1045 = vector.shape_cast %get3A_1044 : vector<1x1x16xf32> to vector<16xf32>
            %mul3A_1046 = arith.constant 5 : i32
            %mul3A_1047 = arith.muli %scan3A_194, %mul3A_1046 : i32
            %add3A_1048 = arith.constant 4 : i32
            %add3A_1049 = arith.addi %mul3A_1047, %add3A_1048 : i32
            %get3A_1050 = arith.constant 0 : i32
            %get3A_1051 = arith.index_cast %get3A_1050 : i32 to index
            %get3A_1052 = arith.index_cast %add3A_1049 : i32 to index
            %get3A_1053 = arith.constant 32 : index
            %get3A_1054 = tpu.vector_load %arg12[%get3A_1051, %get3A_1052, %get3A_1053] {strides = array<i32>} : memref<2x50x128xf32, #tpu.memory_space<vmem>>, vector<1x1x16xf32>,
            %get3A_1055 = vector.shape_cast %get3A_1054 : vector<1x1x16xf32> to vector<16xf32>
            %sub3A_1056 = arith.subf %get3A_1045, %get3A_1055 : vector<16xf32>
            %swap3A_1057 = arith.constant 1 : i32
            %swap3A_1058 = arith.index_cast %swap3A_1057 : i32 to index
            %swap3A_1059 = arith.index_cast %add3A_991 : i32 to index
            %swap3A_1060 = arith.constant 32 : index
            %swap3A_1061 = tpu.vector_load %arg11[%swap3A_1058, %swap3A_1059, %swap3A_1060] {strides = array<i32>} : memref<2x100x128xf32, #tpu.memory_space<vmem>>, vector<1x1x16xf32>,
            %swap3A_1062 = vector.shape_cast %swap3A_1061 : vector<1x1x16xf32> to vector<16xf32>
            %swap3A_1063 = vector.shape_cast %sub3A_1056 : vector<16xf32> to vector<1x1x16xf32>
            tpu.vector_store %arg11[%swap3A_1058, %swap3A_1059, %swap3A_1060], %swap3A_1063 {strides = array<i32>} : memref<2x100x128xf32, #tpu.memory_space<vmem>>, vector<1x1x16xf32>,
            %get3A_1064 = arith.constant 1 : i32
            %get3A_1065 = arith.index_cast %get3A_1064 : i32 to index
            %get3A_1066 = arith.index_cast %add3A_991 : i32 to index
            %get3A_1067 = arith.constant 48 : index
            %get3A_1068 = tpu.vector_load %arg11[%get3A_1065, %get3A_1066, %get3A_1067] {strides = array<i32>} : memref<2x100x128xf32, #tpu.memory_space<vmem>>, vector<1x1x16xf32>,
            %get3A_1069 = vector.shape_cast %get3A_1068 : vector<1x1x16xf32> to vector<16xf32>
            %mul3A_1070 = arith.constant 5 : i32
            %mul3A_1071 = arith.muli %scan3A_194, %mul3A_1070 : i32
            %add3A_1072 = arith.constant 4 : i32
            %add3A_1073 = arith.addi %mul3A_1071, %add3A_1072 : i32
            %get3A_1074 = arith.constant 0 : i32
            %get3A_1075 = arith.index_cast %get3A_1074 : i32 to index
            %get3A_1076 = arith.index_cast %add3A_1073 : i32 to index
            %get3A_1077 = arith.constant 48 : index
            %get3A_1078 = tpu.vector_load %arg12[%get3A_1075, %get3A_1076, %get3A_1077] {strides = array<i32>} : memref<2x50x128xf32, #tpu.memory_space<vmem>>, vector<1x1x16xf32>,
            %get3A_1079 = vector.shape_cast %get3A_1078 : vector<1x1x16xf32> to vector<16xf32>
            %sub3A_1080 = arith.subf %get3A_1069, %get3A_1079 : vector<16xf32>
            %swap3A_1081 = arith.constant 1 : i32
            %swap3A_1082 = arith.index_cast %swap3A_1081 : i32 to index
            %swap3A_1083 = arith.index_cast %add3A_991 : i32 to index
            %swap3A_1084 = arith.constant 48 : index
            %swap3A_1085 = tpu.vector_load %arg11[%swap3A_1082, %swap3A_1083, %swap3A_1084] {strides = array<i32>} : memref<2x100x128xf32, #tpu.memory_space<vmem>>, vector<1x1x16xf32>,
            %swap3A_1086 = vector.shape_cast %swap3A_1085 : vector<1x1x16xf32> to vector<16xf32>
            %swap3A_1087 = vector.shape_cast %sub3A_1080 : vector<16xf32> to vector<1x1x16xf32>
            tpu.vector_store %arg11[%swap3A_1082, %swap3A_1083, %swap3A_1084], %swap3A_1087 {strides = array<i32>} : memref<2x100x128xf32, #tpu.memory_space<vmem>>, vector<1x1x16xf32>,
            %get3A_1088 = arith.constant 1 : i32
            %get3A_1089 = arith.index_cast %get3A_1088 : i32 to index
            %get3A_1090 = arith.index_cast %add3A_991 : i32 to index
            %get3A_1091 = arith.constant 64 : index
            %get3A_1092 = tpu.vector_load %arg11[%get3A_1089, %get3A_1090, %get3A_1091] {strides = array<i32>} : memref<2x100x128xf32, #tpu.memory_space<vmem>>, vector<1x1x16xf32>,
            %get3A_1093 = vector.shape_cast %get3A_1092 : vector<1x1x16xf32> to vector<16xf32>
            %mul3A_1094 = arith.constant 5 : i32
            %mul3A_1095 = arith.muli %scan3A_194, %mul3A_1094 : i32
            %add3A_1096 = arith.constant 4 : i32
            %add3A_1097 = arith.addi %mul3A_1095, %add3A_1096 : i32
            %get3A_1098 = arith.constant 0 : i32
            %get3A_1099 = arith.index_cast %get3A_1098 : i32 to index
            %get3A_1100 = arith.index_cast %add3A_1097 : i32 to index
            %get3A_1101 = arith.constant 64 : index
            %get3A_1102 = tpu.vector_load %arg12[%get3A_1099, %get3A_1100, %get3A_1101] {strides = array<i32>} : memref<2x50x128xf32, #tpu.memory_space<vmem>>, vector<1x1x16xf32>,
            %get3A_1103 = vector.shape_cast %get3A_1102 : vector<1x1x16xf32> to vector<16xf32>
            %sub3A_1104 = arith.subf %get3A_1093, %get3A_1103 : vector<16xf32>
            %swap3A_1105 = arith.constant 1 : i32
            %swap3A_1106 = arith.index_cast %swap3A_1105 : i32 to index
            %swap3A_1107 = arith.index_cast %add3A_991 : i32 to index
            %swap3A_1108 = arith.constant 64 : index
            %swap3A_1109 = tpu.vector_load %arg11[%swap3A_1106, %swap3A_1107, %swap3A_1108] {strides = array<i32>} : memref<2x100x128xf32, #tpu.memory_space<vmem>>, vector<1x1x16xf32>,
            %swap3A_1110 = vector.shape_cast %swap3A_1109 : vector<1x1x16xf32> to vector<16xf32>
            %swap3A_1111 = vector.shape_cast %sub3A_1104 : vector<16xf32> to vector<1x1x16xf32>
            tpu.vector_store %arg11[%swap3A_1106, %swap3A_1107, %swap3A_1108], %swap3A_1111 {strides = array<i32>} : memref<2x100x128xf32, #tpu.memory_space<vmem>>, vector<1x1x16xf32>,
            %get3A_1112 = arith.constant 1 : i32
            %get3A_1113 = arith.index_cast %get3A_1112 : i32 to index
            %get3A_1114 = arith.index_cast %add3A_991 : i32 to index
            %get3A_1115 = arith.constant 80 : index
            %get3A_1116 = tpu.vector_load %arg11[%get3A_1113, %get3A_1114, %get3A_1115] {strides = array<i32>} : memref<2x100x128xf32, #tpu.memory_space<vmem>>, vector<1x1x16xf32>,
            %get3A_1117 = vector.shape_cast %get3A_1116 : vector<1x1x16xf32> to vector<16xf32>
            %mul3A_1118 = arith.constant 5 : i32
            %mul3A_1119 = arith.muli %scan3A_194, %mul3A_1118 : i32
            %add3A_1120 = arith.constant 4 : i32
            %add3A_1121 = arith.addi %mul3A_1119, %add3A_1120 : i32
            %get3A_1122 = arith.constant 0 : i32
            %get3A_1123 = arith.index_cast %get3A_1122 : i32 to index
            %get3A_1124 = arith.index_cast %add3A_1121 : i32 to index
            %get3A_1125 = arith.constant 80 : index
            %get3A_1126 = tpu.vector_load %arg12[%get3A_1123, %get3A_1124, %get3A_1125] {strides = array<i32>} : memref<2x50x128xf32, #tpu.memory_space<vmem>>, vector<1x1x16xf32>,
            %get3A_1127 = vector.shape_cast %get3A_1126 : vector<1x1x16xf32> to vector<16xf32>
            %sub3A_1128 = arith.subf %get3A_1117, %get3A_1127 : vector<16xf32>
            %swap3A_1129 = arith.constant 1 : i32
            %swap3A_1130 = arith.index_cast %swap3A_1129 : i32 to index
            %swap3A_1131 = arith.index_cast %add3A_991 : i32 to index
            %swap3A_1132 = arith.constant 80 : index
            %swap3A_1133 = tpu.vector_load %arg11[%swap3A_1130, %swap3A_1131, %swap3A_1132] {strides = array<i32>} : memref<2x100x128xf32, #tpu.memory_space<vmem>>, vector<1x1x16xf32>,
            %swap3A_1134 = vector.shape_cast %swap3A_1133 : vector<1x1x16xf32> to vector<16xf32>
            %swap3A_1135 = vector.shape_cast %sub3A_1128 : vector<16xf32> to vector<1x1x16xf32>
            tpu.vector_store %arg11[%swap3A_1130, %swap3A_1131, %swap3A_1132], %swap3A_1135 {strides = array<i32>} : memref<2x100x128xf32, #tpu.memory_space<vmem>>, vector<1x1x16xf32>,
            %get3A_1136 = arith.constant 1 : i32
            %get3A_1137 = arith.index_cast %get3A_1136 : i32 to index
            %get3A_1138 = arith.index_cast %add3A_991 : i32 to index
            %get3A_1139 = arith.constant 96 : index
            %get3A_1140 = tpu.vector_load %arg11[%get3A_1137, %get3A_1138, %get3A_1139] {strides = array<i32>} : memref<2x100x128xf32, #tpu.memory_space<vmem>>, vector<1x1x16xf32>,
            %get3A_1141 = vector.shape_cast %get3A_1140 : vector<1x1x16xf32> to vector<16xf32>
            %mul3A_1142 = arith.constant 5 : i32
            %mul3A_1143 = arith.muli %scan3A_194, %mul3A_1142 : i32
            %add3A_1144 = arith.constant 4 : i32
            %add3A_1145 = arith.addi %mul3A_1143, %add3A_1144 : i32
            %get3A_1146 = arith.constant 0 : i32
            %get3A_1147 = arith.index_cast %get3A_1146 : i32 to index
            %get3A_1148 = arith.index_cast %add3A_1145 : i32 to index
            %get3A_1149 = arith.constant 96 : index
            %get3A_1150 = tpu.vector_load %arg12[%get3A_1147, %get3A_1148, %get3A_1149] {strides = array<i32>} : memref<2x50x128xf32, #tpu.memory_space<vmem>>, vector<1x1x16xf32>,
            %get3A_1151 = vector.shape_cast %get3A_1150 : vector<1x1x16xf32> to vector<16xf32>
            %sub3A_1152 = arith.subf %get3A_1141, %get3A_1151 : vector<16xf32>
            %swap3A_1153 = arith.constant 1 : i32
            %swap3A_1154 = arith.index_cast %swap3A_1153 : i32 to index
            %swap3A_1155 = arith.index_cast %add3A_991 : i32 to index
            %swap3A_1156 = arith.constant 96 : index
            %swap3A_1157 = tpu.vector_load %arg11[%swap3A_1154, %swap3A_1155, %swap3A_1156] {strides = array<i32>} : memref<2x100x128xf32, #tpu.memory_space<vmem>>, vector<1x1x16xf32>,
            %swap3A_1158 = vector.shape_cast %swap3A_1157 : vector<1x1x16xf32> to vector<16xf32>
            %swap3A_1159 = vector.shape_cast %sub3A_1152 : vector<16xf32> to vector<1x1x16xf32>
            tpu.vector_store %arg11[%swap3A_1154, %swap3A_1155, %swap3A_1156], %swap3A_1159 {strides = array<i32>} : memref<2x100x128xf32, #tpu.memory_space<vmem>>, vector<1x1x16xf32>,
            %get3A_1160 = arith.constant 1 : i32
            %get3A_1161 = arith.index_cast %get3A_1160 : i32 to index
            %get3A_1162 = arith.index_cast %add3A_991 : i32 to index
            %get3A_1163 = arith.constant 112 : index
            %get3A_1164 = tpu.vector_load %arg11[%get3A_1161, %get3A_1162, %get3A_1163] {strides = array<i32>} : memref<2x100x128xf32, #tpu.memory_space<vmem>>, vector<1x1x16xf32>,
            %get3A_1165 = vector.shape_cast %get3A_1164 : vector<1x1x16xf32> to vector<16xf32>
            %mul3A_1166 = arith.constant 5 : i32
            %mul3A_1167 = arith.muli %scan3A_194, %mul3A_1166 : i32
            %add3A_1168 = arith.constant 4 : i32
            %add3A_1169 = arith.addi %mul3A_1167, %add3A_1168 : i32
            %get3A_1170 = arith.constant 0 : i32
            %get3A_1171 = arith.index_cast %get3A_1170 : i32 to index
            %get3A_1172 = arith.index_cast %add3A_1169 : i32 to index
            %get3A_1173 = arith.constant 112 : index
            %get3A_1174 = tpu.vector_load %arg12[%get3A_1171, %get3A_1172, %get3A_1173] {strides = array<i32>} : memref<2x50x128xf32, #tpu.memory_space<vmem>>, vector<1x1x16xf32>,
            %get3A_1175 = vector.shape_cast %get3A_1174 : vector<1x1x16xf32> to vector<16xf32>
            %sub3A_1176 = arith.subf %get3A_1165, %get3A_1175 : vector<16xf32>
            %swap3A_1177 = arith.constant 1 : i32
            %swap3A_1178 = arith.index_cast %swap3A_1177 : i32 to index
            %swap3A_1179 = arith.index_cast %add3A_991 : i32 to index
            %swap3A_1180 = arith.constant 112 : index
            %swap3A_1181 = tpu.vector_load %arg11[%swap3A_1178, %swap3A_1179, %swap3A_1180] {strides = array<i32>} : memref<2x100x128xf32, #tpu.memory_space<vmem>>, vector<1x1x16xf32>,
            %swap3A_1182 = vector.shape_cast %swap3A_1181 : vector<1x1x16xf32> to vector<16xf32>
            %swap3A_1183 = vector.shape_cast %sub3A_1176 : vector<16xf32> to vector<1x1x16xf32>
            tpu.vector_store %arg11[%swap3A_1178, %swap3A_1179, %swap3A_1180], %swap3A_1183 {strides = array<i32>} : memref<2x100x128xf32, #tpu.memory_space<vmem>>, vector<1x1x16xf32>,
            %scan3A_1184 = arith.constant 0 : i32
            scf.yield %scan3A_1184 : i32
          }
          %scan3A_193 = arith.constant 10 : i32
        } else {
        }
        %dma_wait3A_150 = arith.constant 1 : i32
        %dma_wait3A_151 = arith.constant 1 : i32
        %dma_wait3A_152 = arith.constant 0 : i32
        %dma_wait3A_153 = arith.constant 0 : i32
        %dma_wait3A_154 = tpu.memref_slice %arg12[%dma_wait3A_150, %dma_wait3A_152, %dma_wait3A_153] : memref<2x50x128xf32, #tpu.memory_space<vmem>> -> memref<1x50x128xf32, #tpu.memory_space<vmem>>
        %dma_wait3A_155 = tpu.memref_squeeze %dma_wait3A_154 : memref<1x50x128xf32, #tpu.memory_space<vmem>> -> memref<50x128xf32, #tpu.memory_space<vmem>>
        %dma_wait3A_156 = arith.constant 50 : i32
        %dma_wait3A_157 = tpu.memref_slice %arg9[%scan3A_73, %dma_wait3A_156] : memref<10x100xi32, #tpu.memory_space<vmem>> -> memref<1x50xi32, #tpu.memory_space<vmem>>
        %dma_wait3A_158 = tpu.memref_squeeze %dma_wait3A_157 : memref<1x50xi32, #tpu.memory_space<vmem>> -> memref<50xi32, #tpu.memory_space<vmem>>
        %dma_wait3A_159 = arith.constant 0 : i32
        %dma_wait3A_160 = arith.constant 0 : i32
        %dma_wait3A_161 = tpu.memref_slice %arg14[%dma_wait3A_159, %dma_wait3A_160] : memref<256x128xf32, #tpu.memory_space<vmem_shared>> -> memref<256x128xf32, #tpu.memory_space<vmem_shared>>
        %dma_wait3A_162 = tpu.memref_slice %arg17[%dma_wait3A_151] : memref<2x!tpu.dma_semaphore, #tpu.memory_space<semaphore_mem>> -> memref<1x!tpu.dma_semaphore, #tpu.memory_space<semaphore_mem>>
        %dma_wait3A_163 = tpu.memref_squeeze %dma_wait3A_162 : memref<1x!tpu.dma_semaphore, #tpu.memory_space<semaphore_mem>> -> memref<!tpu.dma_semaphore, #tpu.memory_space<semaphore_mem>>
        tpu.wait_indirect_dma semaphore(%dma_wait3A_163 : memref<!tpu.dma_semaphore, #tpu.memory_space<semaphore_mem>>) src(%dma_wait3A_161 : memref<256x128xf32, #tpu.memory_space<vmem_shared>>) dst(%dma_wait3A_155 : memref<50x128xf32, #tpu.memory_space<vmem>>)
        %eq3A_164 = arith.constant 0 : i32
        %eq3A_165 = arith.cmpi eq, %rem3A_75, %eq3A_164 : i32
        %convert_element_type3A_166 = arith.extui %eq3A_165 : i1 to i32
        %cond3A_167 = arith.constant 0 : i32
        %cond3A_168 = arith.cmpi ne, %convert_element_type3A_166, %cond3A_167 : i32
        scf.if %cond3A_168 {
          %scan3A_187 = arith.constant 0 : i32
          %scan3A_188 = arith.constant 0 : i32
          %scan3A_189 = arith.constant 10 : i32
          %scan3A_190 = arith.addi %scan3A_188, %scan3A_189 : i32
          %scan3A_191 = arith.constant 1 : i32
          %scan3A_192 = scf.for %scan3A_194 = %scan3A_188 to %scan3A_190 step %scan3A_191 iter_args(%scan3A_195 = %scan3A_187) -> (i32)  : i32 {
            %mul3A_196 = arith.constant 5 : i32
            %mul3A_197 = arith.muli %scan3A_194, %mul3A_196 : i32
            %add3A_198 = arith.constant 50 : i32
            %add3A_199 = arith.addi %add3A_198, %mul3A_197 : i32
            %add3A_200 = arith.constant 0 : i32
            %add3A_201 = arith.addi %add3A_199, %add3A_200 : i32
            %get3A = arith.constant 0 : i32
            %get3A_202 = arith.index_cast %get3A : i32 to index
            %get3A_203 = arith.index_cast %add3A_201 : i32 to index
            %get3A_204 = arith.constant 0 : index
            %get3A_205 = tpu.vector_load %arg11[%get3A_202, %get3A_203, %get3A_204] {strides = array<i32>} : memref<2x100x128xf32, #tpu.memory_space<vmem>>, vector<1x1x16xf32>,
            %get3A_206 = vector.shape_cast %get3A_205 : vector<1x1x16xf32> to vector<16xf32>
            %mul3A_207 = arith.constant 5 : i32
            %mul3A_208 = arith.muli %scan3A_194, %mul3A_207 : i32
            %add3A_209 = arith.constant 0 : i32
            %add3A_210 = arith.addi %mul3A_208, %add3A_209 : i32
            %get3A_211 = arith.constant 1 : i32
            %get3A_212 = arith.index_cast %get3A_211 : i32 to index
            %get3A_213 = arith.index_cast %add3A_210 : i32 to index
            %get3A_214 = arith.constant 0 : index
            %get3A_215 = tpu.vector_load %arg12[%get3A_212, %get3A_213, %get3A_214] {strides = array<i32>} : memref<2x50x128xf32, #tpu.memory_space<vmem>>, vector<1x1x16xf32>,
            %get3A_216 = vector.shape_cast %get3A_215 : vector<1x1x16xf32> to vector<16xf32>
            %sub3A_217 = arith.subf %get3A_206, %get3A_216 : vector<16xf32>
            %swap3A = arith.constant 0 : i32
            %swap3A_218 = arith.index_cast %swap3A : i32 to index
            %swap3A_219 = arith.index_cast %add3A_201 : i32 to index
            %swap3A_220 = arith.constant 0 : index
            %swap3A_221 = tpu.vector_load %arg11[%swap3A_218, %swap3A_219, %swap3A_220] {strides = array<i32>} : memref<2x100x128xf32, #tpu.memory_space<vmem>>, vector<1x1x16xf32>,
            %swap3A_222 = vector.shape_cast %swap3A_221 : vector<1x1x16xf32> to vector<16xf32>
            %swap3A_223 = vector.shape_cast %sub3A_217 : vector<16xf32> to vector<1x1x16xf32>
            tpu.vector_store %arg11[%swap3A_218, %swap3A_219, %swap3A_220], %swap3A_223 {strides = array<i32>} : memref<2x100x128xf32, #tpu.memory_space<vmem>>, vector<1x1x16xf32>,
            %get3A_224 = arith.constant 0 : i32
            %get3A_225 = arith.index_cast %get3A_224 : i32 to index
            %get3A_226 = arith.index_cast %add3A_201 : i32 to index
            %get3A_227 = arith.constant 16 : index
            %get3A_228 = tpu.vector_load %arg11[%get3A_225, %get3A_226, %get3A_227] {strides = array<i32>} : memref<2x100x128xf32, #tpu.memory_space<vmem>>, vector<1x1x16xf32>,
            %get3A_229 = vector.shape_cast %get3A_228 : vector<1x1x16xf32> to vector<16xf32>
            %mul3A_230 = arith.constant 5 : i32
            %mul3A_231 = arith.muli %scan3A_194, %mul3A_230 : i32
            %add3A_232 = arith.constant 0 : i32
            %add3A_233 = arith.addi %mul3A_231, %add3A_232 : i32
            %get3A_234 = arith.constant 1 : i32
            %get3A_235 = arith.index_cast %get3A_234 : i32 to index
            %get3A_236 = arith.index_cast %add3A_233 : i32 to index
            %get3A_237 = arith.constant 16 : index
            %get3A_238 = tpu.vector_load %arg12[%get3A_235, %get3A_236, %get3A_237] {strides = array<i32>} : memref<2x50x128xf32, #tpu.memory_space<vmem>>, vector<1x1x16xf32>,
            %get3A_239 = vector.shape_cast %get3A_238 : vector<1x1x16xf32> to vector<16xf32>
            %sub3A_240 = arith.subf %get3A_229, %get3A_239 : vector<16xf32>
            %swap3A_241 = arith.constant 0 : i32
            %swap3A_242 = arith.index_cast %swap3A_241 : i32 to index
            %swap3A_243 = arith.index_cast %add3A_201 : i32 to index
            %swap3A_244 = arith.constant 16 : index
            %swap3A_245 = tpu.vector_load %arg11[%swap3A_242, %swap3A_243, %swap3A_244] {strides = array<i32>} : memref<2x100x128xf32, #tpu.memory_space<vmem>>, vector<1x1x16xf32>,
            %swap3A_246 = vector.shape_cast %swap3A_245 : vector<1x1x16xf32> to vector<16xf32>
            %swap3A_247 = vector.shape_cast %sub3A_240 : vector<16xf32> to vector<1x1x16xf32>
            tpu.vector_store %arg11[%swap3A_242, %swap3A_243, %swap3A_244], %swap3A_247 {strides = array<i32>} : memref<2x100x128xf32, #tpu.memory_space<vmem>>, vector<1x1x16xf32>,
            %get3A_248 = arith.constant 0 : i32
            %get3A_249 = arith.index_cast %get3A_248 : i32 to index
            %get3A_250 = arith.index_cast %add3A_201 : i32 to index
            %get3A_251 = arith.constant 32 : index
            %get3A_252 = tpu.vector_load %arg11[%get3A_249, %get3A_250, %get3A_251] {strides = array<i32>} : memref<2x100x128xf32, #tpu.memory_space<vmem>>, vector<1x1x16xf32>,
            %get3A_253 = vector.shape_cast %get3A_252 : vector<1x1x16xf32> to vector<16xf32>
            %mul3A_254 = arith.constant 5 : i32
            %mul3A_255 = arith.muli %scan3A_194, %mul3A_254 : i32
            %add3A_256 = arith.constant 0 : i32
            %add3A_257 = arith.addi %mul3A_255, %add3A_256 : i32
            %get3A_258 = arith.constant 1 : i32
            %get3A_259 = arith.index_cast %get3A_258 : i32 to index
            %get3A_260 = arith.index_cast %add3A_257 : i32 to index
            %get3A_261 = arith.constant 32 : index
            %get3A_262 = tpu.vector_load %arg12[%get3A_259, %get3A_260, %get3A_261] {strides = array<i32>} : memref<2x50x128xf32, #tpu.memory_space<vmem>>, vector<1x1x16xf32>,
            %get3A_263 = vector.shape_cast %get3A_262 : vector<1x1x16xf32> to vector<16xf32>
            %sub3A_264 = arith.subf %get3A_253, %get3A_263 : vector<16xf32>
            %swap3A_265 = arith.constant 0 : i32
            %swap3A_266 = arith.index_cast %swap3A_265 : i32 to index
            %swap3A_267 = arith.index_cast %add3A_201 : i32 to index
            %swap3A_268 = arith.constant 32 : index
            %swap3A_269 = tpu.vector_load %arg11[%swap3A_266, %swap3A_267, %swap3A_268] {strides = array<i32>} : memref<2x100x128xf32, #tpu.memory_space<vmem>>, vector<1x1x16xf32>,
            %swap3A_270 = vector.shape_cast %swap3A_269 : vector<1x1x16xf32> to vector<16xf32>
            %swap3A_271 = vector.shape_cast %sub3A_264 : vector<16xf32> to vector<1x1x16xf32>
            tpu.vector_store %arg11[%swap3A_266, %swap3A_267, %swap3A_268], %swap3A_271 {strides = array<i32>} : memref<2x100x128xf32, #tpu.memory_space<vmem>>, vector<1x1x16xf32>,
            %get3A_272 = arith.constant 0 : i32
            %get3A_273 = arith.index_cast %get3A_272 : i32 to index
            %get3A_274 = arith.index_cast %add3A_201 : i32 to index
            %get3A_275 = arith.constant 48 : index
            %get3A_276 = tpu.vector_load %arg11[%get3A_273, %get3A_274, %get3A_275] {strides = array<i32>} : memref<2x100x128xf32, #tpu.memory_space<vmem>>, vector<1x1x16xf32>,
            %get3A_277 = vector.shape_cast %get3A_276 : vector<1x1x16xf32> to vector<16xf32>
            %mul3A_278 = arith.constant 5 : i32
            %mul3A_279 = arith.muli %scan3A_194, %mul3A_278 : i32
            %add3A_280 = arith.constant 0 : i32
            %add3A_281 = arith.addi %mul3A_279, %add3A_280 : i32
            %get3A_282 = arith.constant 1 : i32
            %get3A_283 = arith.index_cast %get3A_282 : i32 to index
            %get3A_284 = arith.index_cast %add3A_281 : i32 to index
            %get3A_285 = arith.constant 48 : index
            %get3A_286 = tpu.vector_load %arg12[%get3A_283, %get3A_284, %get3A_285] {strides = array<i32>} : memref<2x50x128xf32, #tpu.memory_space<vmem>>, vector<1x1x16xf32>,
            %get3A_287 = vector.shape_cast %get3A_286 : vector<1x1x16xf32> to vector<16xf32>
            %sub3A_288 = arith.subf %get3A_277, %get3A_287 : vector<16xf32>
            %swap3A_289 = arith.constant 0 : i32
            %swap3A_290 = arith.index_cast %swap3A_289 : i32 to index
            %swap3A_291 = arith.index_cast %add3A_201 : i32 to index
            %swap3A_292 = arith.constant 48 : index
            %swap3A_293 = tpu.vector_load %arg11[%swap3A_290, %swap3A_291, %swap3A_292] {strides = array<i32>} : memref<2x100x128xf32, #tpu.memory_space<vmem>>, vector<1x1x16xf32>,
            %swap3A_294 = vector.shape_cast %swap3A_293 : vector<1x1x16xf32> to vector<16xf32>
            %swap3A_295 = vector.shape_cast %sub3A_288 : vector<16xf32> to vector<1x1x16xf32>
            tpu.vector_store %arg11[%swap3A_290, %swap3A_291, %swap3A_292], %swap3A_295 {strides = array<i32>} : memref<2x100x128xf32, #tpu.memory_space<vmem>>, vector<1x1x16xf32>,
            %get3A_296 = arith.constant 0 : i32
            %get3A_297 = arith.index_cast %get3A_296 : i32 to index
            %get3A_298 = arith.index_cast %add3A_201 : i32 to index
            %get3A_299 = arith.constant 64 : index
            %get3A_300 = tpu.vector_load %arg11[%get3A_297, %get3A_298, %get3A_299] {strides = array<i32>} : memref<2x100x128xf32, #tpu.memory_space<vmem>>, vector<1x1x16xf32>,
            %get3A_301 = vector.shape_cast %get3A_300 : vector<1x1x16xf32> to vector<16xf32>
            %mul3A_302 = arith.constant 5 : i32
            %mul3A_303 = arith.muli %scan3A_194, %mul3A_302 : i32
            %add3A_304 = arith.constant 0 : i32
            %add3A_305 = arith.addi %mul3A_303, %add3A_304 : i32
            %get3A_306 = arith.constant 1 : i32
            %get3A_307 = arith.index_cast %get3A_306 : i32 to index
            %get3A_308 = arith.index_cast %add3A_305 : i32 to index
            %get3A_309 = arith.constant 64 : index
            %get3A_310 = tpu.vector_load %arg12[%get3A_307, %get3A_308, %get3A_309] {strides = array<i32>} : memref<2x50x128xf32, #tpu.memory_space<vmem>>, vector<1x1x16xf32>,
            %get3A_311 = vector.shape_cast %get3A_310 : vector<1x1x16xf32> to vector<16xf32>
            %sub3A_312 = arith.subf %get3A_301, %get3A_311 : vector<16xf32>
            %swap3A_313 = arith.constant 0 : i32
            %swap3A_314 = arith.index_cast %swap3A_313 : i32 to index
            %swap3A_315 = arith.index_cast %add3A_201 : i32 to index
            %swap3A_316 = arith.constant 64 : index
            %swap3A_317 = tpu.vector_load %arg11[%swap3A_314, %swap3A_315, %swap3A_316] {strides = array<i32>} : memref<2x100x128xf32, #tpu.memory_space<vmem>>, vector<1x1x16xf32>,
            %swap3A_318 = vector.shape_cast %swap3A_317 : vector<1x1x16xf32> to vector<16xf32>
            %swap3A_319 = vector.shape_cast %sub3A_312 : vector<16xf32> to vector<1x1x16xf32>
            tpu.vector_store %arg11[%swap3A_314, %swap3A_315, %swap3A_316], %swap3A_319 {strides = array<i32>} : memref<2x100x128xf32, #tpu.memory_space<vmem>>, vector<1x1x16xf32>,
            %get3A_320 = arith.constant 0 : i32
            %get3A_321 = arith.index_cast %get3A_320 : i32 to index
            %get3A_322 = arith.index_cast %add3A_201 : i32 to index
            %get3A_323 = arith.constant 80 : index
            %get3A_324 = tpu.vector_load %arg11[%get3A_321, %get3A_322, %get3A_323] {strides = array<i32>} : memref<2x100x128xf32, #tpu.memory_space<vmem>>, vector<1x1x16xf32>,
            %get3A_325 = vector.shape_cast %get3A_324 : vector<1x1x16xf32> to vector<16xf32>
            %mul3A_326 = arith.constant 5 : i32
            %mul3A_327 = arith.muli %scan3A_194, %mul3A_326 : i32
            %add3A_328 = arith.constant 0 : i32
            %add3A_329 = arith.addi %mul3A_327, %add3A_328 : i32
            %get3A_330 = arith.constant 1 : i32
            %get3A_331 = arith.index_cast %get3A_330 : i32 to index
            %get3A_332 = arith.index_cast %add3A_329 : i32 to index
            %get3A_333 = arith.constant 80 : index
            %get3A_334 = tpu.vector_load %arg12[%get3A_331, %get3A_332, %get3A_333] {strides = array<i32>} : memref<2x50x128xf32, #tpu.memory_space<vmem>>, vector<1x1x16xf32>,
            %get3A_335 = vector.shape_cast %get3A_334 : vector<1x1x16xf32> to vector<16xf32>
            %sub3A_336 = arith.subf %get3A_325, %get3A_335 : vector<16xf32>
            %swap3A_337 = arith.constant 0 : i32
            %swap3A_338 = arith.index_cast %swap3A_337 : i32 to index
            %swap3A_339 = arith.index_cast %add3A_201 : i32 to index
            %swap3A_340 = arith.constant 80 : index
            %swap3A_341 = tpu.vector_load %arg11[%swap3A_338, %swap3A_339, %swap3A_340] {strides = array<i32>} : memref<2x100x128xf32, #tpu.memory_space<vmem>>, vector<1x1x16xf32>,
            %swap3A_342 = vector.shape_cast %swap3A_341 : vector<1x1x16xf32> to vector<16xf32>
            %swap3A_343 = vector.shape_cast %sub3A_336 : vector<16xf32> to vector<1x1x16xf32>
            tpu.vector_store %arg11[%swap3A_338, %swap3A_339, %swap3A_340], %swap3A_343 {strides = array<i32>} : memref<2x100x128xf32, #tpu.memory_space<vmem>>, vector<1x1x16xf32>,
            %get3A_344 = arith.constant 0 : i32
            %get3A_345 = arith.index_cast %get3A_344 : i32 to index
            %get3A_346 = arith.index_cast %add3A_201 : i32 to index
            %get3A_347 = arith.constant 96 : index
            %get3A_348 = tpu.vector_load %arg11[%get3A_345, %get3A_346, %get3A_347] {strides = array<i32>} : memref<2x100x128xf32, #tpu.memory_space<vmem>>, vector<1x1x16xf32>,
            %get3A_349 = vector.shape_cast %get3A_348 : vector<1x1x16xf32> to vector<16xf32>
            %mul3A_350 = arith.constant 5 : i32
            %mul3A_351 = arith.muli %scan3A_194, %mul3A_350 : i32
            %add3A_352 = arith.constant 0 : i32
            %add3A_353 = arith.addi %mul3A_351, %add3A_352 : i32
            %get3A_354 = arith.constant 1 : i32
            %get3A_355 = arith.index_cast %get3A_354 : i32 to index
            %get3A_356 = arith.index_cast %add3A_353 : i32 to index
            %get3A_357 = arith.constant 96 : index
            %get3A_358 = tpu.vector_load %arg12[%get3A_355, %get3A_356, %get3A_357] {strides = array<i32>} : memref<2x50x128xf32, #tpu.memory_space<vmem>>, vector<1x1x16xf32>,
            %get3A_359 = vector.shape_cast %get3A_358 : vector<1x1x16xf32> to vector<16xf32>
            %sub3A_360 = arith.subf %get3A_349, %get3A_359 : vector<16xf32>
            %swap3A_361 = arith.constant 0 : i32
            %swap3A_362 = arith.index_cast %swap3A_361 : i32 to index
            %swap3A_363 = arith.index_cast %add3A_201 : i32 to index
            %swap3A_364 = arith.constant 96 : index
            %swap3A_365 = tpu.vector_load %arg11[%swap3A_362, %swap3A_363, %swap3A_364] {strides = array<i32>} : memref<2x100x128xf32, #tpu.memory_space<vmem>>, vector<1x1x16xf32>,
            %swap3A_366 = vector.shape_cast %swap3A_365 : vector<1x1x16xf32> to vector<16xf32>
            %swap3A_367 = vector.shape_cast %sub3A_360 : vector<16xf32> to vector<1x1x16xf32>
            tpu.vector_store %arg11[%swap3A_362, %swap3A_363, %swap3A_364], %swap3A_367 {strides = array<i32>} : memref<2x100x128xf32, #tpu.memory_space<vmem>>, vector<1x1x16xf32>,
            %get3A_368 = arith.constant 0 : i32
            %get3A_369 = arith.index_cast %get3A_368 : i32 to index
            %get3A_370 = arith.index_cast %add3A_201 : i32 to index
            %get3A_371 = arith.constant 112 : index
            %get3A_372 = tpu.vector_load %arg11[%get3A_369, %get3A_370, %get3A_371] {strides = array<i32>} : memref<2x100x128xf32, #tpu.memory_space<vmem>>, vector<1x1x16xf32>,
            %get3A_373 = vector.shape_cast %get3A_372 : vector<1x1x16xf32> to vector<16xf32>
            %mul3A_374 = arith.constant 5 : i32
            %mul3A_375 = arith.muli %scan3A_194, %mul3A_374 : i32
            %add3A_376 = arith.constant 0 : i32
            %add3A_377 = arith.addi %mul3A_375, %add3A_376 : i32
            %get3A_378 = arith.constant 1 : i32
            %get3A_379 = arith.index_cast %get3A_378 : i32 to index
            %get3A_380 = arith.index_cast %add3A_377 : i32 to index
            %get3A_381 = arith.constant 112 : index
            %get3A_382 = tpu.vector_load %arg12[%get3A_379, %get3A_380, %get3A_381] {strides = array<i32>} : memref<2x50x128xf32, #tpu.memory_space<vmem>>, vector<1x1x16xf32>,
            %get3A_383 = vector.shape_cast %get3A_382 : vector<1x1x16xf32> to vector<16xf32>
            %sub3A_384 = arith.subf %get3A_373, %get3A_383 : vector<16xf32>
            %swap3A_385 = arith.constant 0 : i32
            %swap3A_386 = arith.index_cast %swap3A_385 : i32 to index
            %swap3A_387 = arith.index_cast %add3A_201 : i32 to index
            %swap3A_388 = arith.constant 112 : index
            %swap3A_389 = tpu.vector_load %arg11[%swap3A_386, %swap3A_387, %swap3A_388] {strides = array<i32>} : memref<2x100x128xf32, #tpu.memory_space<vmem>>, vector<1x1x16xf32>,
            %swap3A_390 = vector.shape_cast %swap3A_389 : vector<1x1x16xf32> to vector<16xf32>
            %swap3A_391 = vector.shape_cast %sub3A_384 : vector<16xf32> to vector<1x1x16xf32>
            tpu.vector_store %arg11[%swap3A_386, %swap3A_387, %swap3A_388], %swap3A_391 {strides = array<i32>} : memref<2x100x128xf32, #tpu.memory_space<vmem>>, vector<1x1x16xf32>,
            %mul3A_392 = arith.constant 5 : i32
            %mul3A_393 = arith.muli %scan3A_194, %mul3A_392 : i32
            %add3A_394 = arith.constant 50 : i32
            %add3A_395 = arith.addi %add3A_394, %mul3A_393 : i32
            %add3A_396 = arith.constant 1 : i32
            %add3A_397 = arith.addi %add3A_395, %add3A_396 : i32
            %get3A_398 = arith.constant 0 : i32
            %get3A_399 = arith.index_cast %get3A_398 : i32 to index
            %get3A_400 = arith.index_cast %add3A_397 : i32 to index
            %get3A_401 = arith.constant 0 : index
            %get3A_402 = tpu.vector_load %arg11[%get3A_399, %get3A_400, %get3A_401] {strides = array<i32>} : memref<2x100x128xf32, #tpu.memory_space<vmem>>, vector<1x1x16xf32>,
            %get3A_403 = vector.shape_cast %get3A_402 : vector<1x1x16xf32> to vector<16xf32>
            %mul3A_404 = arith.constant 5 : i32
            %mul3A_405 = arith.muli %scan3A_194, %mul3A_404 : i32
            %add3A_406 = arith.constant 1 : i32
            %add3A_407 = arith.addi %mul3A_405, %add3A_406 : i32
            %get3A_408 = arith.constant 1 : i32
            %get3A_409 = arith.index_cast %get3A_408 : i32 to index
            %get3A_410 = arith.index_cast %add3A_407 : i32 to index
            %get3A_411 = arith.constant 0 : index
            %get3A_412 = tpu.vector_load %arg12[%get3A_409, %get3A_410, %get3A_411] {strides = array<i32>} : memref<2x50x128xf32, #tpu.memory_space<vmem>>, vector<1x1x16xf32>,
            %get3A_413 = vector.shape_cast %get3A_412 : vector<1x1x16xf32> to vector<16xf32>
            %sub3A_414 = arith.subf %get3A_403, %get3A_413 : vector<16xf32>
            %swap3A_415 = arith.constant 0 : i32
            %swap3A_416 = arith.index_cast %swap3A_415 : i32 to index
            %swap3A_417 = arith.index_cast %add3A_397 : i32 to index
            %swap3A_418 = arith.constant 0 : index
            %swap3A_419 = tpu.vector_load %arg11[%swap3A_416, %swap3A_417, %swap3A_418] {strides = array<i32>} : memref<2x100x128xf32, #tpu.memory_space<vmem>>, vector<1x1x16xf32>,
            %swap3A_420 = vector.shape_cast %swap3A_419 : vector<1x1x16xf32> to vector<16xf32>
            %swap3A_421 = vector.shape_cast %sub3A_414 : vector<16xf32> to vector<1x1x16xf32>
            tpu.vector_store %arg11[%swap3A_416, %swap3A_417, %swap3A_418], %swap3A_421 {strides = array<i32>} : memref<2x100x128xf32, #tpu.memory_space<vmem>>, vector<1x1x16xf32>,
            %get3A_422 = arith.constant 0 : i32
            %get3A_423 = arith.index_cast %get3A_422 : i32 to index
            %get3A_424 = arith.index_cast %add3A_397 : i32 to index
            %get3A_425 = arith.constant 16 : index
            %get3A_426 = tpu.vector_load %arg11[%get3A_423, %get3A_424, %get3A_425] {strides = array<i32>} : memref<2x100x128xf32, #tpu.memory_space<vmem>>, vector<1x1x16xf32>,
            %get3A_427 = vector.shape_cast %get3A_426 : vector<1x1x16xf32> to vector<16xf32>
            %mul3A_428 = arith.constant 5 : i32
            %mul3A_429 = arith.muli %scan3A_194, %mul3A_428 : i32
            %add3A_430 = arith.constant 1 : i32
            %add3A_431 = arith.addi %mul3A_429, %add3A_430 : i32
            %get3A_432 = arith.constant 1 : i32
            %get3A_433 = arith.index_cast %get3A_432 : i32 to index
            %get3A_434 = arith.index_cast %add3A_431 : i32 to index
            %get3A_435 = arith.constant 16 : index
            %get3A_436 = tpu.vector_load %arg12[%get3A_433, %get3A_434, %get3A_435] {strides = array<i32>} : memref<2x50x128xf32, #tpu.memory_space<vmem>>, vector<1x1x16xf32>,
            %get3A_437 = vector.shape_cast %get3A_436 : vector<1x1x16xf32> to vector<16xf32>
            %sub3A_438 = arith.subf %get3A_427, %get3A_437 : vector<16xf32>
            %swap3A_439 = arith.constant 0 : i32
            %swap3A_440 = arith.index_cast %swap3A_439 : i32 to index
            %swap3A_441 = arith.index_cast %add3A_397 : i32 to index
            %swap3A_442 = arith.constant 16 : index
            %swap3A_443 = tpu.vector_load %arg11[%swap3A_440, %swap3A_441, %swap3A_442] {strides = array<i32>} : memref<2x100x128xf32, #tpu.memory_space<vmem>>, vector<1x1x16xf32>,
            %swap3A_444 = vector.shape_cast %swap3A_443 : vector<1x1x16xf32> to vector<16xf32>
            %swap3A_445 = vector.shape_cast %sub3A_438 : vector<16xf32> to vector<1x1x16xf32>
            tpu.vector_store %arg11[%swap3A_440, %swap3A_441, %swap3A_442], %swap3A_445 {strides = array<i32>} : memref<2x100x128xf32, #tpu.memory_space<vmem>>, vector<1x1x16xf32>,
            %get3A_446 = arith.constant 0 : i32
            %get3A_447 = arith.index_cast %get3A_446 : i32 to index
            %get3A_448 = arith.index_cast %add3A_397 : i32 to index
            %get3A_449 = arith.constant 32 : index
            %get3A_450 = tpu.vector_load %arg11[%get3A_447, %get3A_448, %get3A_449] {strides = array<i32>} : memref<2x100x128xf32, #tpu.memory_space<vmem>>, vector<1x1x16xf32>,
            %get3A_451 = vector.shape_cast %get3A_450 : vector<1x1x16xf32> to vector<16xf32>
            %mul3A_452 = arith.constant 5 : i32
            %mul3A_453 = arith.muli %scan3A_194, %mul3A_452 : i32
            %add3A_454 = arith.constant 1 : i32
            %add3A_455 = arith.addi %mul3A_453, %add3A_454 : i32
            %get3A_456 = arith.constant 1 : i32
            %get3A_457 = arith.index_cast %get3A_456 : i32 to index
            %get3A_458 = arith.index_cast %add3A_455 : i32 to index
            %get3A_459 = arith.constant 32 : index
            %get3A_460 = tpu.vector_load %arg12[%get3A_457, %get3A_458, %get3A_459] {strides = array<i32>} : memref<2x50x128xf32, #tpu.memory_space<vmem>>, vector<1x1x16xf32>,
            %get3A_461 = vector.shape_cast %get3A_460 : vector<1x1x16xf32> to vector<16xf32>
            %sub3A_462 = arith.subf %get3A_451, %get3A_461 : vector<16xf32>
            %swap3A_463 = arith.constant 0 : i32
            %swap3A_464 = arith.index_cast %swap3A_463 : i32 to index
            %swap3A_465 = arith.index_cast %add3A_397 : i32 to index
            %swap3A_466 = arith.constant 32 : index
            %swap3A_467 = tpu.vector_load %arg11[%swap3A_464, %swap3A_465, %swap3A_466] {strides = array<i32>} : memref<2x100x128xf32, #tpu.memory_space<vmem>>, vector<1x1x16xf32>,
            %swap3A_468 = vector.shape_cast %swap3A_467 : vector<1x1x16xf32> to vector<16xf32>
            %swap3A_469 = vector.shape_cast %sub3A_462 : vector<16xf32> to vector<1x1x16xf32>
            tpu.vector_store %arg11[%swap3A_464, %swap3A_465, %swap3A_466], %swap3A_469 {strides = array<i32>} : memref<2x100x128xf32, #tpu.memory_space<vmem>>, vector<1x1x16xf32>,
            %get3A_470 = arith.constant 0 : i32
            %get3A_471 = arith.index_cast %get3A_470 : i32 to index
            %get3A_472 = arith.index_cast %add3A_397 : i32 to index
            %get3A_473 = arith.constant 48 : index
            %get3A_474 = tpu.vector_load %arg11[%get3A_471, %get3A_472, %get3A_473] {strides = array<i32>} : memref<2x100x128xf32, #tpu.memory_space<vmem>>, vector<1x1x16xf32>,
            %get3A_475 = vector.shape_cast %get3A_474 : vector<1x1x16xf32> to vector<16xf32>
            %mul3A_476 = arith.constant 5 : i32
            %mul3A_477 = arith.muli %scan3A_194, %mul3A_476 : i32
            %add3A_478 = arith.constant 1 : i32
            %add3A_479 = arith.addi %mul3A_477, %add3A_478 : i32
            %get3A_480 = arith.constant 1 : i32
            %get3A_481 = arith.index_cast %get3A_480 : i32 to index
            %get3A_482 = arith.index_cast %add3A_479 : i32 to index
            %get3A_483 = arith.constant 48 : index
            %get3A_484 = tpu.vector_load %arg12[%get3A_481, %get3A_482, %get3A_483] {strides = array<i32>} : memref<2x50x128xf32, #tpu.memory_space<vmem>>, vector<1x1x16xf32>,
            %get3A_485 = vector.shape_cast %get3A_484 : vector<1x1x16xf32> to vector<16xf32>
            %sub3A_486 = arith.subf %get3A_475, %get3A_485 : vector<16xf32>
            %swap3A_487 = arith.constant 0 : i32
            %swap3A_488 = arith.index_cast %swap3A_487 : i32 to index
            %swap3A_489 = arith.index_cast %add3A_397 : i32 to index
            %swap3A_490 = arith.constant 48 : index
            %swap3A_491 = tpu.vector_load %arg11[%swap3A_488, %swap3A_489, %swap3A_490] {strides = array<i32>} : memref<2x100x128xf32, #tpu.memory_space<vmem>>, vector<1x1x16xf32>,
            %swap3A_492 = vector.shape_cast %swap3A_491 : vector<1x1x16xf32> to vector<16xf32>
            %swap3A_493 = vector.shape_cast %sub3A_486 : vector<16xf32> to vector<1x1x16xf32>
            tpu.vector_store %arg11[%swap3A_488, %swap3A_489, %swap3A_490], %swap3A_493 {strides = array<i32>} : memref<2x100x128xf32, #tpu.memory_space<vmem>>, vector<1x1x16xf32>,
            %get3A_494 = arith.constant 0 : i32
            %get3A_495 = arith.index_cast %get3A_494 : i32 to index
            %get3A_496 = arith.index_cast %add3A_397 : i32 to index
            %get3A_497 = arith.constant 64 : index
            %get3A_498 = tpu.vector_load %arg11[%get3A_495, %get3A_496, %get3A_497] {strides = array<i32>} : memref<2x100x128xf32, #tpu.memory_space<vmem>>, vector<1x1x16xf32>,
            %get3A_499 = vector.shape_cast %get3A_498 : vector<1x1x16xf32> to vector<16xf32>
            %mul3A_500 = arith.constant 5 : i32
            %mul3A_501 = arith.muli %scan3A_194, %mul3A_500 : i32
            %add3A_502 = arith.constant 1 : i32
            %add3A_503 = arith.addi %mul3A_501, %add3A_502 : i32
            %get3A_504 = arith.constant 1 : i32
            %get3A_505 = arith.index_cast %get3A_504 : i32 to index
            %get3A_506 = arith.index_cast %add3A_503 : i32 to index
            %get3A_507 = arith.constant 64 : index
            %get3A_508 = tpu.vector_load %arg12[%get3A_505, %get3A_506, %get3A_507] {strides = array<i32>} : memref<2x50x128xf32, #tpu.memory_space<vmem>>, vector<1x1x16xf32>,
            %get3A_509 = vector.shape_cast %get3A_508 : vector<1x1x16xf32> to vector<16xf32>
            %sub3A_510 = arith.subf %get3A_499, %get3A_509 : vector<16xf32>
            %swap3A_511 = arith.constant 0 : i32
            %swap3A_512 = arith.index_cast %swap3A_511 : i32 to index
            %swap3A_513 = arith.index_cast %add3A_397 : i32 to index
            %swap3A_514 = arith.constant 64 : index
            %swap3A_515 = tpu.vector_load %arg11[%swap3A_512, %swap3A_513, %swap3A_514] {strides = array<i32>} : memref<2x100x128xf32, #tpu.memory_space<vmem>>, vector<1x1x16xf32>,
            %swap3A_516 = vector.shape_cast %swap3A_515 : vector<1x1x16xf32> to vector<16xf32>
            %swap3A_517 = vector.shape_cast %sub3A_510 : vector<16xf32> to vector<1x1x16xf32>
            tpu.vector_store %arg11[%swap3A_512, %swap3A_513, %swap3A_514], %swap3A_517 {strides = array<i32>} : memref<2x100x128xf32, #tpu.memory_space<vmem>>, vector<1x1x16xf32>,
            %get3A_518 = arith.constant 0 : i32
            %get3A_519 = arith.index_cast %get3A_518 : i32 to index
            %get3A_520 = arith.index_cast %add3A_397 : i32 to index
            %get3A_521 = arith.constant 80 : index
            %get3A_522 = tpu.vector_load %arg11[%get3A_519, %get3A_520, %get3A_521] {strides = array<i32>} : memref<2x100x128xf32, #tpu.memory_space<vmem>>, vector<1x1x16xf32>,
            %get3A_523 = vector.shape_cast %get3A_522 : vector<1x1x16xf32> to vector<16xf32>
            %mul3A_524 = arith.constant 5 : i32
            %mul3A_525 = arith.muli %scan3A_194, %mul3A_524 : i32
            %add3A_526 = arith.constant 1 : i32
            %add3A_527 = arith.addi %mul3A_525, %add3A_526 : i32
            %get3A_528 = arith.constant 1 : i32
            %get3A_529 = arith.index_cast %get3A_528 : i32 to index
            %get3A_530 = arith.index_cast %add3A_527 : i32 to index
            %get3A_531 = arith.constant 80 : index
            %get3A_532 = tpu.vector_load %arg12[%get3A_529, %get3A_530, %get3A_531] {strides = array<i32>} : memref<2x50x128xf32, #tpu.memory_space<vmem>>, vector<1x1x16xf32>,
            %get3A_533 = vector.shape_cast %get3A_532 : vector<1x1x16xf32> to vector<16xf32>
            %sub3A_534 = arith.subf %get3A_523, %get3A_533 : vector<16xf32>
            %swap3A_535 = arith.constant 0 : i32
            %swap3A_536 = arith.index_cast %swap3A_535 : i32 to index
            %swap3A_537 = arith.index_cast %add3A_397 : i32 to index
            %swap3A_538 = arith.constant 80 : index
            %swap3A_539 = tpu.vector_load %arg11[%swap3A_536, %swap3A_537, %swap3A_538] {strides = array<i32>} : memref<2x100x128xf32, #tpu.memory_space<vmem>>, vector<1x1x16xf32>,
            %swap3A_540 = vector.shape_cast %swap3A_539 : vector<1x1x16xf32> to vector<16xf32>
            %swap3A_541 = vector.shape_cast %sub3A_534 : vector<16xf32> to vector<1x1x16xf32>
            tpu.vector_store %arg11[%swap3A_536, %swap3A_537, %swap3A_538], %swap3A_541 {strides = array<i32>} : memref<2x100x128xf32, #tpu.memory_space<vmem>>, vector<1x1x16xf32>,
            %get3A_542 = arith.constant 0 : i32
            %get3A_543 = arith.index_cast %get3A_542 : i32 to index
            %get3A_544 = arith.index_cast %add3A_397 : i32 to index
            %get3A_545 = arith.constant 96 : index
            %get3A_546 = tpu.vector_load %arg11[%get3A_543, %get3A_544, %get3A_545] {strides = array<i32>} : memref<2x100x128xf32, #tpu.memory_space<vmem>>, vector<1x1x16xf32>,
            %get3A_547 = vector.shape_cast %get3A_546 : vector<1x1x16xf32> to vector<16xf32>
            %mul3A_548 = arith.constant 5 : i32
            %mul3A_549 = arith.muli %scan3A_194, %mul3A_548 : i32
            %add3A_550 = arith.constant 1 : i32
            %add3A_551 = arith.addi %mul3A_549, %add3A_550 : i32
            %get3A_552 = arith.constant 1 : i32
            %get3A_553 = arith.index_cast %get3A_552 : i32 to index
            %get3A_554 = arith.index_cast %add3A_551 : i32 to index
            %get3A_555 = arith.constant 96 : index
            %get3A_556 = tpu.vector_load %arg12[%get3A_553, %get3A_554, %get3A_555] {strides = array<i32>} : memref<2x50x128xf32, #tpu.memory_space<vmem>>, vector<1x1x16xf32>,
            %get3A_557 = vector.shape_cast %get3A_556 : vector<1x1x16xf32> to vector<16xf32>
            %sub3A_558 = arith.subf %get3A_547, %get3A_557 : vector<16xf32>
            %swap3A_559 = arith.constant 0 : i32
            %swap3A_560 = arith.index_cast %swap3A_559 : i32 to index
            %swap3A_561 = arith.index_cast %add3A_397 : i32 to index
            %swap3A_562 = arith.constant 96 : index
            %swap3A_563 = tpu.vector_load %arg11[%swap3A_560, %swap3A_561, %swap3A_562] {strides = array<i32>} : memref<2x100x128xf32, #tpu.memory_space<vmem>>, vector<1x1x16xf32>,
            %swap3A_564 = vector.shape_cast %swap3A_563 : vector<1x1x16xf32> to vector<16xf32>
            %swap3A_565 = vector.shape_cast %sub3A_558 : vector<16xf32> to vector<1x1x16xf32>
            tpu.vector_store %arg11[%swap3A_560, %swap3A_561, %swap3A_562], %swap3A_565 {strides = array<i32>} : memref<2x100x128xf32, #tpu.memory_space<vmem>>, vector<1x1x16xf32>,
            %get3A_566 = arith.constant 0 : i32
            %get3A_567 = arith.index_cast %get3A_566 : i32 to index
            %get3A_568 = arith.index_cast %add3A_397 : i32 to index
            %get3A_569 = arith.constant 112 : index
            %get3A_570 = tpu.vector_load %arg11[%get3A_567, %get3A_568, %get3A_569] {strides = array<i32>} : memref<2x100x128xf32, #tpu.memory_space<vmem>>, vector<1x1x16xf32>,
            %get3A_571 = vector.shape_cast %get3A_570 : vector<1x1x16xf32> to vector<16xf32>
            %mul3A_572 = arith.constant 5 : i32
            %mul3A_573 = arith.muli %scan3A_194, %mul3A_572 : i32
            %add3A_574 = arith.constant 1 : i32
            %add3A_575 = arith.addi %mul3A_573, %add3A_574 : i32
            %get3A_576 = arith.constant 1 : i32
            %get3A_577 = arith.index_cast %get3A_576 : i32 to index
            %get3A_578 = arith.index_cast %add3A_575 : i32 to index
            %get3A_579 = arith.constant 112 : index
            %get3A_580 = tpu.vector_load %arg12[%get3A_577, %get3A_578, %get3A_579] {strides = array<i32>} : memref<2x50x128xf32, #tpu.memory_space<vmem>>, vector<1x1x16xf32>,
            %get3A_581 = vector.shape_cast %get3A_580 : vector<1x1x16xf32> to vector<16xf32>
            %sub3A_582 = arith.subf %get3A_571, %get3A_581 : vector<16xf32>
            %swap3A_583 = arith.constant 0 : i32
            %swap3A_584 = arith.index_cast %swap3A_583 : i32 to index
            %swap3A_585 = arith.index_cast %add3A_397 : i32 to index
            %swap3A_586 = arith.constant 112 : index
            %swap3A_587 = tpu.vector_load %arg11[%swap3A_584, %swap3A_585, %swap3A_586] {strides = array<i32>} : memref<2x100x128xf32, #tpu.memory_space<vmem>>, vector<1x1x16xf32>,
            %swap3A_588 = vector.shape_cast %swap3A_587 : vector<1x1x16xf32> to vector<16xf32>
            %swap3A_589 = vector.shape_cast %sub3A_582 : vector<16xf32> to vector<1x1x16xf32>
            tpu.vector_store %arg11[%swap3A_584, %swap3A_585, %swap3A_586], %swap3A_589 {strides = array<i32>} : memref<2x100x128xf32, #tpu.memory_space<vmem>>, vector<1x1x16xf32>,
            %mul3A_590 = arith.constant 5 : i32
            %mul3A_591 = arith.muli %scan3A_194, %mul3A_590 : i32
            %add3A_592 = arith.constant 50 : i32
            %add3A_593 = arith.addi %add3A_592, %mul3A_591 : i32
            %add3A_594 = arith.constant 2 : i32
            %add3A_595 = arith.addi %add3A_593, %add3A_594 : i32
            %get3A_596 = arith.constant 0 : i32
            %get3A_597 = arith.index_cast %get3A_596 : i32 to index
            %get3A_598 = arith.index_cast %add3A_595 : i32 to index
            %get3A_599 = arith.constant 0 : index
            %get3A_600 = tpu.vector_load %arg11[%get3A_597, %get3A_598, %get3A_599] {strides = array<i32>} : memref<2x100x128xf32, #tpu.memory_space<vmem>>, vector<1x1x16xf32>,
            %get3A_601 = vector.shape_cast %get3A_600 : vector<1x1x16xf32> to vector<16xf32>
            %mul3A_602 = arith.constant 5 : i32
            %mul3A_603 = arith.muli %scan3A_194, %mul3A_602 : i32
            %add3A_604 = arith.constant 2 : i32
            %add3A_605 = arith.addi %mul3A_603, %add3A_604 : i32
            %get3A_606 = arith.constant 1 : i32
            %get3A_607 = arith.index_cast %get3A_606 : i32 to index
            %get3A_608 = arith.index_cast %add3A_605 : i32 to index
            %get3A_609 = arith.constant 0 : index
            %get3A_610 = tpu.vector_load %arg12[%get3A_607, %get3A_608, %get3A_609] {strides = array<i32>} : memref<2x50x128xf32, #tpu.memory_space<vmem>>, vector<1x1x16xf32>,
            %get3A_611 = vector.shape_cast %get3A_610 : vector<1x1x16xf32> to vector<16xf32>
            %sub3A_612 = arith.subf %get3A_601, %get3A_611 : vector<16xf32>
            %swap3A_613 = arith.constant 0 : i32
            %swap3A_614 = arith.index_cast %swap3A_613 : i32 to index
            %swap3A_615 = arith.index_cast %add3A_595 : i32 to index
            %swap3A_616 = arith.constant 0 : index
            %swap3A_617 = tpu.vector_load %arg11[%swap3A_614, %swap3A_615, %swap3A_616] {strides = array<i32>} : memref<2x100x128xf32, #tpu.memory_space<vmem>>, vector<1x1x16xf32>,
            %swap3A_618 = vector.shape_cast %swap3A_617 : vector<1x1x16xf32> to vector<16xf32>
            %swap3A_619 = vector.shape_cast %sub3A_612 : vector<16xf32> to vector<1x1x16xf32>
            tpu.vector_store %arg11[%swap3A_614, %swap3A_615, %swap3A_616], %swap3A_619 {strides = array<i32>} : memref<2x100x128xf32, #tpu.memory_space<vmem>>, vector<1x1x16xf32>,
            %get3A_620 = arith.constant 0 : i32
            %get3A_621 = arith.index_cast %get3A_620 : i32 to index
            %get3A_622 = arith.index_cast %add3A_595 : i32 to index
            %get3A_623 = arith.constant 16 : index
            %get3A_624 = tpu.vector_load %arg11[%get3A_621, %get3A_622, %get3A_623] {strides = array<i32>} : memref<2x100x128xf32, #tpu.memory_space<vmem>>, vector<1x1x16xf32>,
            %get3A_625 = vector.shape_cast %get3A_624 : vector<1x1x16xf32> to vector<16xf32>
            %mul3A_626 = arith.constant 5 : i32
            %mul3A_627 = arith.muli %scan3A_194, %mul3A_626 : i32
            %add3A_628 = arith.constant 2 : i32
            %add3A_629 = arith.addi %mul3A_627, %add3A_628 : i32
            %get3A_630 = arith.constant 1 : i32
            %get3A_631 = arith.index_cast %get3A_630 : i32 to index
            %get3A_632 = arith.index_cast %add3A_629 : i32 to index
            %get3A_633 = arith.constant 16 : index
            %get3A_634 = tpu.vector_load %arg12[%get3A_631, %get3A_632, %get3A_633] {strides = array<i32>} : memref<2x50x128xf32, #tpu.memory_space<vmem>>, vector<1x1x16xf32>,
            %get3A_635 = vector.shape_cast %get3A_634 : vector<1x1x16xf32> to vector<16xf32>
            %sub3A_636 = arith.subf %get3A_625, %get3A_635 : vector<16xf32>
            %swap3A_637 = arith.constant 0 : i32
            %swap3A_638 = arith.index_cast %swap3A_637 : i32 to index
            %swap3A_639 = arith.index_cast %add3A_595 : i32 to index
            %swap3A_640 = arith.constant 16 : index
            %swap3A_641 = tpu.vector_load %arg11[%swap3A_638, %swap3A_639, %swap3A_640] {strides = array<i32>} : memref<2x100x128xf32, #tpu.memory_space<vmem>>, vector<1x1x16xf32>,
            %swap3A_642 = vector.shape_cast %swap3A_641 : vector<1x1x16xf32> to vector<16xf32>
            %swap3A_643 = vector.shape_cast %sub3A_636 : vector<16xf32> to vector<1x1x16xf32>
            tpu.vector_store %arg11[%swap3A_638, %swap3A_639, %swap3A_640], %swap3A_643 {strides = array<i32>} : memref<2x100x128xf32, #tpu.memory_space<vmem>>, vector<1x1x16xf32>,
            %get3A_644 = arith.constant 0 : i32
            %get3A_645 = arith.index_cast %get3A_644 : i32 to index
            %get3A_646 = arith.index_cast %add3A_595 : i32 to index
            %get3A_647 = arith.constant 32 : index
            %get3A_648 = tpu.vector_load %arg11[%get3A_645, %get3A_646, %get3A_647] {strides = array<i32>} : memref<2x100x128xf32, #tpu.memory_space<vmem>>, vector<1x1x16xf32>,
            %get3A_649 = vector.shape_cast %get3A_648 : vector<1x1x16xf32> to vector<16xf32>
            %mul3A_650 = arith.constant 5 : i32
            %mul3A_651 = arith.muli %scan3A_194, %mul3A_650 : i32
            %add3A_652 = arith.constant 2 : i32
            %add3A_653 = arith.addi %mul3A_651, %add3A_652 : i32
            %get3A_654 = arith.constant 1 : i32
            %get3A_655 = arith.index_cast %get3A_654 : i32 to index
            %get3A_656 = arith.index_cast %add3A_653 : i32 to index
            %get3A_657 = arith.constant 32 : index
            %get3A_658 = tpu.vector_load %arg12[%get3A_655, %get3A_656, %get3A_657] {strides = array<i32>} : memref<2x50x128xf32, #tpu.memory_space<vmem>>, vector<1x1x16xf32>,
            %get3A_659 = vector.shape_cast %get3A_658 : vector<1x1x16xf32> to vector<16xf32>
            %sub3A_660 = arith.subf %get3A_649, %get3A_659 : vector<16xf32>
            %swap3A_661 = arith.constant 0 : i32
            %swap3A_662 = arith.index_cast %swap3A_661 : i32 to index
            %swap3A_663 = arith.index_cast %add3A_595 : i32 to index
            %swap3A_664 = arith.constant 32 : index
            %swap3A_665 = tpu.vector_load %arg11[%swap3A_662, %swap3A_663, %swap3A_664] {strides = array<i32>} : memref<2x100x128xf32, #tpu.memory_space<vmem>>, vector<1x1x16xf32>,
            %swap3A_666 = vector.shape_cast %swap3A_665 : vector<1x1x16xf32> to vector<16xf32>
            %swap3A_667 = vector.shape_cast %sub3A_660 : vector<16xf32> to vector<1x1x16xf32>
            tpu.vector_store %arg11[%swap3A_662, %swap3A_663, %swap3A_664], %swap3A_667 {strides = array<i32>} : memref<2x100x128xf32, #tpu.memory_space<vmem>>, vector<1x1x16xf32>,
            %get3A_668 = arith.constant 0 : i32
            %get3A_669 = arith.index_cast %get3A_668 : i32 to index
            %get3A_670 = arith.index_cast %add3A_595 : i32 to index
            %get3A_671 = arith.constant 48 : index
            %get3A_672 = tpu.vector_load %arg11[%get3A_669, %get3A_670, %get3A_671] {strides = array<i32>} : memref<2x100x128xf32, #tpu.memory_space<vmem>>, vector<1x1x16xf32>,
            %get3A_673 = vector.shape_cast %get3A_672 : vector<1x1x16xf32> to vector<16xf32>
            %mul3A_674 = arith.constant 5 : i32
            %mul3A_675 = arith.muli %scan3A_194, %mul3A_674 : i32
            %add3A_676 = arith.constant 2 : i32
            %add3A_677 = arith.addi %mul3A_675, %add3A_676 : i32
            %get3A_678 = arith.constant 1 : i32
            %get3A_679 = arith.index_cast %get3A_678 : i32 to index
            %get3A_680 = arith.index_cast %add3A_677 : i32 to index
            %get3A_681 = arith.constant 48 : index
            %get3A_682 = tpu.vector_load %arg12[%get3A_679, %get3A_680, %get3A_681] {strides = array<i32>} : memref<2x50x128xf32, #tpu.memory_space<vmem>>, vector<1x1x16xf32>,
            %get3A_683 = vector.shape_cast %get3A_682 : vector<1x1x16xf32> to vector<16xf32>
            %sub3A_684 = arith.subf %get3A_673, %get3A_683 : vector<16xf32>
            %swap3A_685 = arith.constant 0 : i32
            %swap3A_686 = arith.index_cast %swap3A_685 : i32 to index
            %swap3A_687 = arith.index_cast %add3A_595 : i32 to index
            %swap3A_688 = arith.constant 48 : index
            %swap3A_689 = tpu.vector_load %arg11[%swap3A_686, %swap3A_687, %swap3A_688] {strides = array<i32>} : memref<2x100x128xf32, #tpu.memory_space<vmem>>, vector<1x1x16xf32>,
            %swap3A_690 = vector.shape_cast %swap3A_689 : vector<1x1x16xf32> to vector<16xf32>
            %swap3A_691 = vector.shape_cast %sub3A_684 : vector<16xf32> to vector<1x1x16xf32>
            tpu.vector_store %arg11[%swap3A_686, %swap3A_687, %swap3A_688], %swap3A_691 {strides = array<i32>} : memref<2x100x128xf32, #tpu.memory_space<vmem>>, vector<1x1x16xf32>,
            %get3A_692 = arith.constant 0 : i32
            %get3A_693 = arith.index_cast %get3A_692 : i32 to index
            %get3A_694 = arith.index_cast %add3A_595 : i32 to index
            %get3A_695 = arith.constant 64 : index
            %get3A_696 = tpu.vector_load %arg11[%get3A_693, %get3A_694, %get3A_695] {strides = array<i32>} : memref<2x100x128xf32, #tpu.memory_space<vmem>>, vector<1x1x16xf32>,
            %get3A_697 = vector.shape_cast %get3A_696 : vector<1x1x16xf32> to vector<16xf32>
            %mul3A_698 = arith.constant 5 : i32
            %mul3A_699 = arith.muli %scan3A_194, %mul3A_698 : i32
            %add3A_700 = arith.constant 2 : i32
            %add3A_701 = arith.addi %mul3A_699, %add3A_700 : i32
            %get3A_702 = arith.constant 1 : i32
            %get3A_703 = arith.index_cast %get3A_702 : i32 to index
            %get3A_704 = arith.index_cast %add3A_701 : i32 to index
            %get3A_705 = arith.constant 64 : index
            %get3A_706 = tpu.vector_load %arg12[%get3A_703, %get3A_704, %get3A_705] {strides = array<i32>} : memref<2x50x128xf32, #tpu.memory_space<vmem>>, vector<1x1x16xf32>,
            %get3A_707 = vector.shape_cast %get3A_706 : vector<1x1x16xf32> to vector<16xf32>
            %sub3A_708 = arith.subf %get3A_697, %get3A_707 : vector<16xf32>
            %swap3A_709 = arith.constant 0 : i32
            %swap3A_710 = arith.index_cast %swap3A_709 : i32 to index
            %swap3A_711 = arith.index_cast %add3A_595 : i32 to index
            %swap3A_712 = arith.constant 64 : index
            %swap3A_713 = tpu.vector_load %arg11[%swap3A_710, %swap3A_711, %swap3A_712] {strides = array<i32>} : memref<2x100x128xf32, #tpu.memory_space<vmem>>, vector<1x1x16xf32>,
            %swap3A_714 = vector.shape_cast %swap3A_713 : vector<1x1x16xf32> to vector<16xf32>
            %swap3A_715 = vector.shape_cast %sub3A_708 : vector<16xf32> to vector<1x1x16xf32>
            tpu.vector_store %arg11[%swap3A_710, %swap3A_711, %swap3A_712], %swap3A_715 {strides = array<i32>} : memref<2x100x128xf32, #tpu.memory_space<vmem>>, vector<1x1x16xf32>,
            %get3A_716 = arith.constant 0 : i32
            %get3A_717 = arith.index_cast %get3A_716 : i32 to index
            %get3A_718 = arith.index_cast %add3A_595 : i32 to index
            %get3A_719 = arith.constant 80 : index
            %get3A_720 = tpu.vector_load %arg11[%get3A_717, %get3A_718, %get3A_719] {strides = array<i32>} : memref<2x100x128xf32, #tpu.memory_space<vmem>>, vector<1x1x16xf32>,
            %get3A_721 = vector.shape_cast %get3A_720 : vector<1x1x16xf32> to vector<16xf32>
            %mul3A_722 = arith.constant 5 : i32
            %mul3A_723 = arith.muli %scan3A_194, %mul3A_722 : i32
            %add3A_724 = arith.constant 2 : i32
            %add3A_725 = arith.addi %mul3A_723, %add3A_724 : i32
            %get3A_726 = arith.constant 1 : i32
            %get3A_727 = arith.index_cast %get3A_726 : i32 to index
            %get3A_728 = arith.index_cast %add3A_725 : i32 to index
            %get3A_729 = arith.constant 80 : index
            %get3A_730 = tpu.vector_load %arg12[%get3A_727, %get3A_728, %get3A_729] {strides = array<i32>} : memref<2x50x128xf32, #tpu.memory_space<vmem>>, vector<1x1x16xf32>,
            %get3A_731 = vector.shape_cast %get3A_730 : vector<1x1x16xf32> to vector<16xf32>
            %sub3A_732 = arith.subf %get3A_721, %get3A_731 : vector<16xf32>
            %swap3A_733 = arith.constant 0 : i32
            %swap3A_734 = arith.index_cast %swap3A_733 : i32 to index
            %swap3A_735 = arith.index_cast %add3A_595 : i32 to index
            %swap3A_736 = arith.constant 80 : index
            %swap3A_737 = tpu.vector_load %arg11[%swap3A_734, %swap3A_735, %swap3A_736] {strides = array<i32>} : memref<2x100x128xf32, #tpu.memory_space<vmem>>, vector<1x1x16xf32>,
            %swap3A_738 = vector.shape_cast %swap3A_737 : vector<1x1x16xf32> to vector<16xf32>
            %swap3A_739 = vector.shape_cast %sub3A_732 : vector<16xf32> to vector<1x1x16xf32>
            tpu.vector_store %arg11[%swap3A_734, %swap3A_735, %swap3A_736], %swap3A_739 {strides = array<i32>} : memref<2x100x128xf32, #tpu.memory_space<vmem>>, vector<1x1x16xf32>,
            %get3A_740 = arith.constant 0 : i32
            %get3A_741 = arith.index_cast %get3A_740 : i32 to index
            %get3A_742 = arith.index_cast %add3A_595 : i32 to index
            %get3A_743 = arith.constant 96 : index
            %get3A_744 = tpu.vector_load %arg11[%get3A_741, %get3A_742, %get3A_743] {strides = array<i32>} : memref<2x100x128xf32, #tpu.memory_space<vmem>>, vector<1x1x16xf32>,
            %get3A_745 = vector.shape_cast %get3A_744 : vector<1x1x16xf32> to vector<16xf32>
            %mul3A_746 = arith.constant 5 : i32
            %mul3A_747 = arith.muli %scan3A_194, %mul3A_746 : i32
            %add3A_748 = arith.constant 2 : i32
            %add3A_749 = arith.addi %mul3A_747, %add3A_748 : i32
            %get3A_750 = arith.constant 1 : i32
            %get3A_751 = arith.index_cast %get3A_750 : i32 to index
            %get3A_752 = arith.index_cast %add3A_749 : i32 to index
            %get3A_753 = arith.constant 96 : index
            %get3A_754 = tpu.vector_load %arg12[%get3A_751, %get3A_752, %get3A_753] {strides = array<i32>} : memref<2x50x128xf32, #tpu.memory_space<vmem>>, vector<1x1x16xf32>,
            %get3A_755 = vector.shape_cast %get3A_754 : vector<1x1x16xf32> to vector<16xf32>
            %sub3A_756 = arith.subf %get3A_745, %get3A_755 : vector<16xf32>
            %swap3A_757 = arith.constant 0 : i32
            %swap3A_758 = arith.index_cast %swap3A_757 : i32 to index
            %swap3A_759 = arith.index_cast %add3A_595 : i32 to index
            %swap3A_760 = arith.constant 96 : index
            %swap3A_761 = tpu.vector_load %arg11[%swap3A_758, %swap3A_759, %swap3A_760] {strides = array<i32>} : memref<2x100x128xf32, #tpu.memory_space<vmem>>, vector<1x1x16xf32>,
            %swap3A_762 = vector.shape_cast %swap3A_761 : vector<1x1x16xf32> to vector<16xf32>
            %swap3A_763 = vector.shape_cast %sub3A_756 : vector<16xf32> to vector<1x1x16xf32>
            tpu.vector_store %arg11[%swap3A_758, %swap3A_759, %swap3A_760], %swap3A_763 {strides = array<i32>} : memref<2x100x128xf32, #tpu.memory_space<vmem>>, vector<1x1x16xf32>,
            %get3A_764 = arith.constant 0 : i32
            %get3A_765 = arith.index_cast %get3A_764 : i32 to index
            %get3A_766 = arith.index_cast %add3A_595 : i32 to index
            %get3A_767 = arith.constant 112 : index
            %get3A_768 = tpu.vector_load %arg11[%get3A_765, %get3A_766, %get3A_767] {strides = array<i32>} : memref<2x100x128xf32, #tpu.memory_space<vmem>>, vector<1x1x16xf32>,
            %get3A_769 = vector.shape_cast %get3A_768 : vector<1x1x16xf32> to vector<16xf32>
            %mul3A_770 = arith.constant 5 : i32
            %mul3A_771 = arith.muli %scan3A_194, %mul3A_770 : i32
            %add3A_772 = arith.constant 2 : i32
            %add3A_773 = arith.addi %mul3A_771, %add3A_772 : i32
            %get3A_774 = arith.constant 1 : i32
            %get3A_775 = arith.index_cast %get3A_774 : i32 to index
            %get3A_776 = arith.index_cast %add3A_773 : i32 to index
            %get3A_777 = arith.constant 112 : index
            %get3A_778 = tpu.vector_load %arg12[%get3A_775, %get3A_776, %get3A_777] {strides = array<i32>} : memref<2x50x128xf32, #tpu.memory_space<vmem>>, vector<1x1x16xf32>,
            %get3A_779 = vector.shape_cast %get3A_778 : vector<1x1x16xf32> to vector<16xf32>
            %sub3A_780 = arith.subf %get3A_769, %get3A_779 : vector<16xf32>
            %swap3A_781 = arith.constant 0 : i32
            %swap3A_782 = arith.index_cast %swap3A_781 : i32 to index
            %swap3A_783 = arith.index_cast %add3A_595 : i32 to index
            %swap3A_784 = arith.constant 112 : index
            %swap3A_785 = tpu.vector_load %arg11[%swap3A_782, %swap3A_783, %swap3A_784] {strides = array<i32>} : memref<2x100x128xf32, #tpu.memory_space<vmem>>, vector<1x1x16xf32>,
            %swap3A_786 = vector.shape_cast %swap3A_785 : vector<1x1x16xf32> to vector<16xf32>
            %swap3A_787 = vector.shape_cast %sub3A_780 : vector<16xf32> to vector<1x1x16xf32>
            tpu.vector_store %arg11[%swap3A_782, %swap3A_783, %swap3A_784], %swap3A_787 {strides = array<i32>} : memref<2x100x128xf32, #tpu.memory_space<vmem>>, vector<1x1x16xf32>,
            %mul3A_788 = arith.constant 5 : i32
            %mul3A_789 = arith.muli %scan3A_194, %mul3A_788 : i32
            %add3A_790 = arith.constant 50 : i32
            %add3A_791 = arith.addi %add3A_790, %mul3A_789 : i32
            %add3A_792 = arith.constant 3 : i32
            %add3A_793 = arith.addi %add3A_791, %add3A_792 : i32
            %get3A_794 = arith.constant 0 : i32
            %get3A_795 = arith.index_cast %get3A_794 : i32 to index
            %get3A_796 = arith.index_cast %add3A_793 : i32 to index
            %get3A_797 = arith.constant 0 : index
            %get3A_798 = tpu.vector_load %arg11[%get3A_795, %get3A_796, %get3A_797] {strides = array<i32>} : memref<2x100x128xf32, #tpu.memory_space<vmem>>, vector<1x1x16xf32>,
            %get3A_799 = vector.shape_cast %get3A_798 : vector<1x1x16xf32> to vector<16xf32>
            %mul3A_800 = arith.constant 5 : i32
            %mul3A_801 = arith.muli %scan3A_194, %mul3A_800 : i32
            %add3A_802 = arith.constant 3 : i32
            %add3A_803 = arith.addi %mul3A_801, %add3A_802 : i32
            %get3A_804 = arith.constant 1 : i32
            %get3A_805 = arith.index_cast %get3A_804 : i32 to index
            %get3A_806 = arith.index_cast %add3A_803 : i32 to index
            %get3A_807 = arith.constant 0 : index
            %get3A_808 = tpu.vector_load %arg12[%get3A_805, %get3A_806, %get3A_807] {strides = array<i32>} : memref<2x50x128xf32, #tpu.memory_space<vmem>>, vector<1x1x16xf32>,
            %get3A_809 = vector.shape_cast %get3A_808 : vector<1x1x16xf32> to vector<16xf32>
            %sub3A_810 = arith.subf %get3A_799, %get3A_809 : vector<16xf32>
            %swap3A_811 = arith.constant 0 : i32
            %swap3A_812 = arith.index_cast %swap3A_811 : i32 to index
            %swap3A_813 = arith.index_cast %add3A_793 : i32 to index
            %swap3A_814 = arith.constant 0 : index
            %swap3A_815 = tpu.vector_load %arg11[%swap3A_812, %swap3A_813, %swap3A_814] {strides = array<i32>} : memref<2x100x128xf32, #tpu.memory_space<vmem>>, vector<1x1x16xf32>,
            %swap3A_816 = vector.shape_cast %swap3A_815 : vector<1x1x16xf32> to vector<16xf32>
            %swap3A_817 = vector.shape_cast %sub3A_810 : vector<16xf32> to vector<1x1x16xf32>
            tpu.vector_store %arg11[%swap3A_812, %swap3A_813, %swap3A_814], %swap3A_817 {strides = array<i32>} : memref<2x100x128xf32, #tpu.memory_space<vmem>>, vector<1x1x16xf32>,
            %get3A_818 = arith.constant 0 : i32
            %get3A_819 = arith.index_cast %get3A_818 : i32 to index
            %get3A_820 = arith.index_cast %add3A_793 : i32 to index
            %get3A_821 = arith.constant 16 : index
            %get3A_822 = tpu.vector_load %arg11[%get3A_819, %get3A_820, %get3A_821] {strides = array<i32>} : memref<2x100x128xf32, #tpu.memory_space<vmem>>, vector<1x1x16xf32>,
            %get3A_823 = vector.shape_cast %get3A_822 : vector<1x1x16xf32> to vector<16xf32>
            %mul3A_824 = arith.constant 5 : i32
            %mul3A_825 = arith.muli %scan3A_194, %mul3A_824 : i32
            %add3A_826 = arith.constant 3 : i32
            %add3A_827 = arith.addi %mul3A_825, %add3A_826 : i32
            %get3A_828 = arith.constant 1 : i32
            %get3A_829 = arith.index_cast %get3A_828 : i32 to index
            %get3A_830 = arith.index_cast %add3A_827 : i32 to index
            %get3A_831 = arith.constant 16 : index
            %get3A_832 = tpu.vector_load %arg12[%get3A_829, %get3A_830, %get3A_831] {strides = array<i32>} : memref<2x50x128xf32, #tpu.memory_space<vmem>>, vector<1x1x16xf32>,
            %get3A_833 = vector.shape_cast %get3A_832 : vector<1x1x16xf32> to vector<16xf32>
            %sub3A_834 = arith.subf %get3A_823, %get3A_833 : vector<16xf32>
            %swap3A_835 = arith.constant 0 : i32
            %swap3A_836 = arith.index_cast %swap3A_835 : i32 to index
            %swap3A_837 = arith.index_cast %add3A_793 : i32 to index
            %swap3A_838 = arith.constant 16 : index
            %swap3A_839 = tpu.vector_load %arg11[%swap3A_836, %swap3A_837, %swap3A_838] {strides = array<i32>} : memref<2x100x128xf32, #tpu.memory_space<vmem>>, vector<1x1x16xf32>,
            %swap3A_840 = vector.shape_cast %swap3A_839 : vector<1x1x16xf32> to vector<16xf32>
            %swap3A_841 = vector.shape_cast %sub3A_834 : vector<16xf32> to vector<1x1x16xf32>
            tpu.vector_store %arg11[%swap3A_836, %swap3A_837, %swap3A_838], %swap3A_841 {strides = array<i32>} : memref<2x100x128xf32, #tpu.memory_space<vmem>>, vector<1x1x16xf32>,
            %get3A_842 = arith.constant 0 : i32
            %get3A_843 = arith.index_cast %get3A_842 : i32 to index
            %get3A_844 = arith.index_cast %add3A_793 : i32 to index
            %get3A_845 = arith.constant 32 : index
            %get3A_846 = tpu.vector_load %arg11[%get3A_843, %get3A_844, %get3A_845] {strides = array<i32>} : memref<2x100x128xf32, #tpu.memory_space<vmem>>, vector<1x1x16xf32>,
            %get3A_847 = vector.shape_cast %get3A_846 : vector<1x1x16xf32> to vector<16xf32>
            %mul3A_848 = arith.constant 5 : i32
            %mul3A_849 = arith.muli %scan3A_194, %mul3A_848 : i32
            %add3A_850 = arith.constant 3 : i32
            %add3A_851 = arith.addi %mul3A_849, %add3A_850 : i32
            %get3A_852 = arith.constant 1 : i32
            %get3A_853 = arith.index_cast %get3A_852 : i32 to index
            %get3A_854 = arith.index_cast %add3A_851 : i32 to index
            %get3A_855 = arith.constant 32 : index
            %get3A_856 = tpu.vector_load %arg12[%get3A_853, %get3A_854, %get3A_855] {strides = array<i32>} : memref<2x50x128xf32, #tpu.memory_space<vmem>>, vector<1x1x16xf32>,
            %get3A_857 = vector.shape_cast %get3A_856 : vector<1x1x16xf32> to vector<16xf32>
            %sub3A_858 = arith.subf %get3A_847, %get3A_857 : vector<16xf32>
            %swap3A_859 = arith.constant 0 : i32
            %swap3A_860 = arith.index_cast %swap3A_859 : i32 to index
            %swap3A_861 = arith.index_cast %add3A_793 : i32 to index
            %swap3A_862 = arith.constant 32 : index
            %swap3A_863 = tpu.vector_load %arg11[%swap3A_860, %swap3A_861, %swap3A_862] {strides = array<i32>} : memref<2x100x128xf32, #tpu.memory_space<vmem>>, vector<1x1x16xf32>,
            %swap3A_864 = vector.shape_cast %swap3A_863 : vector<1x1x16xf32> to vector<16xf32>
            %swap3A_865 = vector.shape_cast %sub3A_858 : vector<16xf32> to vector<1x1x16xf32>
            tpu.vector_store %arg11[%swap3A_860, %swap3A_861, %swap3A_862], %swap3A_865 {strides = array<i32>} : memref<2x100x128xf32, #tpu.memory_space<vmem>>, vector<1x1x16xf32>,
            %get3A_866 = arith.constant 0 : i32
            %get3A_867 = arith.index_cast %get3A_866 : i32 to index
            %get3A_868 = arith.index_cast %add3A_793 : i32 to index
            %get3A_869 = arith.constant 48 : index
            %get3A_870 = tpu.vector_load %arg11[%get3A_867, %get3A_868, %get3A_869] {strides = array<i32>} : memref<2x100x128xf32, #tpu.memory_space<vmem>>, vector<1x1x16xf32>,
            %get3A_871 = vector.shape_cast %get3A_870 : vector<1x1x16xf32> to vector<16xf32>
            %mul3A_872 = arith.constant 5 : i32
            %mul3A_873 = arith.muli %scan3A_194, %mul3A_872 : i32
            %add3A_874 = arith.constant 3 : i32
            %add3A_875 = arith.addi %mul3A_873, %add3A_874 : i32
            %get3A_876 = arith.constant 1 : i32
            %get3A_877 = arith.index_cast %get3A_876 : i32 to index
            %get3A_878 = arith.index_cast %add3A_875 : i32 to index
            %get3A_879 = arith.constant 48 : index
            %get3A_880 = tpu.vector_load %arg12[%get3A_877, %get3A_878, %get3A_879] {strides = array<i32>} : memref<2x50x128xf32, #tpu.memory_space<vmem>>, vector<1x1x16xf32>,
            %get3A_881 = vector.shape_cast %get3A_880 : vector<1x1x16xf32> to vector<16xf32>
            %sub3A_882 = arith.subf %get3A_871, %get3A_881 : vector<16xf32>
            %swap3A_883 = arith.constant 0 : i32
            %swap3A_884 = arith.index_cast %swap3A_883 : i32 to index
            %swap3A_885 = arith.index_cast %add3A_793 : i32 to index
            %swap3A_886 = arith.constant 48 : index
            %swap3A_887 = tpu.vector_load %arg11[%swap3A_884, %swap3A_885, %swap3A_886] {strides = array<i32>} : memref<2x100x128xf32, #tpu.memory_space<vmem>>, vector<1x1x16xf32>,
            %swap3A_888 = vector.shape_cast %swap3A_887 : vector<1x1x16xf32> to vector<16xf32>
            %swap3A_889 = vector.shape_cast %sub3A_882 : vector<16xf32> to vector<1x1x16xf32>
            tpu.vector_store %arg11[%swap3A_884, %swap3A_885, %swap3A_886], %swap3A_889 {strides = array<i32>} : memref<2x100x128xf32, #tpu.memory_space<vmem>>, vector<1x1x16xf32>,
            %get3A_890 = arith.constant 0 : i32
            %get3A_891 = arith.index_cast %get3A_890 : i32 to index
            %get3A_892 = arith.index_cast %add3A_793 : i32 to index
            %get3A_893 = arith.constant 64 : index
            %get3A_894 = tpu.vector_load %arg11[%get3A_891, %get3A_892, %get3A_893] {strides = array<i32>} : memref<2x100x128xf32, #tpu.memory_space<vmem>>, vector<1x1x16xf32>,
            %get3A_895 = vector.shape_cast %get3A_894 : vector<1x1x16xf32> to vector<16xf32>
            %mul3A_896 = arith.constant 5 : i32
            %mul3A_897 = arith.muli %scan3A_194, %mul3A_896 : i32
            %add3A_898 = arith.constant 3 : i32
            %add3A_899 = arith.addi %mul3A_897, %add3A_898 : i32
            %get3A_900 = arith.constant 1 : i32
            %get3A_901 = arith.index_cast %get3A_900 : i32 to index
            %get3A_902 = arith.index_cast %add3A_899 : i32 to index
            %get3A_903 = arith.constant 64 : index
            %get3A_904 = tpu.vector_load %arg12[%get3A_901, %get3A_902, %get3A_903] {strides = array<i32>} : memref<2x50x128xf32, #tpu.memory_space<vmem>>, vector<1x1x16xf32>,
            %get3A_905 = vector.shape_cast %get3A_904 : vector<1x1x16xf32> to vector<16xf32>
            %sub3A_906 = arith.subf %get3A_895, %get3A_905 : vector<16xf32>
            %swap3A_907 = arith.constant 0 : i32
            %swap3A_908 = arith.index_cast %swap3A_907 : i32 to index
            %swap3A_909 = arith.index_cast %add3A_793 : i32 to index
            %swap3A_910 = arith.constant 64 : index
            %swap3A_911 = tpu.vector_load %arg11[%swap3A_908, %swap3A_909, %swap3A_910] {strides = array<i32>} : memref<2x100x128xf32, #tpu.memory_space<vmem>>, vector<1x1x16xf32>,
            %swap3A_912 = vector.shape_cast %swap3A_911 : vector<1x1x16xf32> to vector<16xf32>
            %swap3A_913 = vector.shape_cast %sub3A_906 : vector<16xf32> to vector<1x1x16xf32>
            tpu.vector_store %arg11[%swap3A_908, %swap3A_909, %swap3A_910], %swap3A_913 {strides = array<i32>} : memref<2x100x128xf32, #tpu.memory_space<vmem>>, vector<1x1x16xf32>,
            %get3A_914 = arith.constant 0 : i32
            %get3A_915 = arith.index_cast %get3A_914 : i32 to index
            %get3A_916 = arith.index_cast %add3A_793 : i32 to index
            %get3A_917 = arith.constant 80 : index
            %get3A_918 = tpu.vector_load %arg11[%get3A_915, %get3A_916, %get3A_917] {strides = array<i32>} : memref<2x100x128xf32, #tpu.memory_space<vmem>>, vector<1x1x16xf32>,
            %get3A_919 = vector.shape_cast %get3A_918 : vector<1x1x16xf32> to vector<16xf32>
            %mul3A_920 = arith.constant 5 : i32
            %mul3A_921 = arith.muli %scan3A_194, %mul3A_920 : i32
            %add3A_922 = arith.constant 3 : i32
            %add3A_923 = arith.addi %mul3A_921, %add3A_922 : i32
            %get3A_924 = arith.constant 1 : i32
            %get3A_925 = arith.index_cast %get3A_924 : i32 to index
            %get3A_926 = arith.index_cast %add3A_923 : i32 to index
            %get3A_927 = arith.constant 80 : index
            %get3A_928 = tpu.vector_load %arg12[%get3A_925, %get3A_926, %get3A_927] {strides = array<i32>} : memref<2x50x128xf32, #tpu.memory_space<vmem>>, vector<1x1x16xf32>,
            %get3A_929 = vector.shape_cast %get3A_928 : vector<1x1x16xf32> to vector<16xf32>
            %sub3A_930 = arith.subf %get3A_919, %get3A_929 : vector<16xf32>
            %swap3A_931 = arith.constant 0 : i32
            %swap3A_932 = arith.index_cast %swap3A_931 : i32 to index
            %swap3A_933 = arith.index_cast %add3A_793 : i32 to index
            %swap3A_934 = arith.constant 80 : index
            %swap3A_935 = tpu.vector_load %arg11[%swap3A_932, %swap3A_933, %swap3A_934] {strides = array<i32>} : memref<2x100x128xf32, #tpu.memory_space<vmem>>, vector<1x1x16xf32>,
            %swap3A_936 = vector.shape_cast %swap3A_935 : vector<1x1x16xf32> to vector<16xf32>
            %swap3A_937 = vector.shape_cast %sub3A_930 : vector<16xf32> to vector<1x1x16xf32>
            tpu.vector_store %arg11[%swap3A_932, %swap3A_933, %swap3A_934], %swap3A_937 {strides = array<i32>} : memref<2x100x128xf32, #tpu.memory_space<vmem>>, vector<1x1x16xf32>,
            %get3A_938 = arith.constant 0 : i32
            %get3A_939 = arith.index_cast %get3A_938 : i32 to index
            %get3A_940 = arith.index_cast %add3A_793 : i32 to index
            %get3A_941 = arith.constant 96 : index
            %get3A_942 = tpu.vector_load %arg11[%get3A_939, %get3A_940, %get3A_941] {strides = array<i32>} : memref<2x100x128xf32, #tpu.memory_space<vmem>>, vector<1x1x16xf32>,
            %get3A_943 = vector.shape_cast %get3A_942 : vector<1x1x16xf32> to vector<16xf32>
            %mul3A_944 = arith.constant 5 : i32
            %mul3A_945 = arith.muli %scan3A_194, %mul3A_944 : i32
            %add3A_946 = arith.constant 3 : i32
            %add3A_947 = arith.addi %mul3A_945, %add3A_946 : i32
            %get3A_948 = arith.constant 1 : i32
            %get3A_949 = arith.index_cast %get3A_948 : i32 to index
            %get3A_950 = arith.index_cast %add3A_947 : i32 to index
            %get3A_951 = arith.constant 96 : index
            %get3A_952 = tpu.vector_load %arg12[%get3A_949, %get3A_950, %get3A_951] {strides = array<i32>} : memref<2x50x128xf32, #tpu.memory_space<vmem>>, vector<1x1x16xf32>,
            %get3A_953 = vector.shape_cast %get3A_952 : vector<1x1x16xf32> to vector<16xf32>
            %sub3A_954 = arith.subf %get3A_943, %get3A_953 : vector<16xf32>
            %swap3A_955 = arith.constant 0 : i32
            %swap3A_956 = arith.index_cast %swap3A_955 : i32 to index
            %swap3A_957 = arith.index_cast %add3A_793 : i32 to index
            %swap3A_958 = arith.constant 96 : index
            %swap3A_959 = tpu.vector_load %arg11[%swap3A_956, %swap3A_957, %swap3A_958] {strides = array<i32>} : memref<2x100x128xf32, #tpu.memory_space<vmem>>, vector<1x1x16xf32>,
            %swap3A_960 = vector.shape_cast %swap3A_959 : vector<1x1x16xf32> to vector<16xf32>
            %swap3A_961 = vector.shape_cast %sub3A_954 : vector<16xf32> to vector<1x1x16xf32>
            tpu.vector_store %arg11[%swap3A_956, %swap3A_957, %swap3A_958], %swap3A_961 {strides = array<i32>} : memref<2x100x128xf32, #tpu.memory_space<vmem>>, vector<1x1x16xf32>,
            %get3A_962 = arith.constant 0 : i32
            %get3A_963 = arith.index_cast %get3A_962 : i32 to index
            %get3A_964 = arith.index_cast %add3A_793 : i32 to index
            %get3A_965 = arith.constant 112 : index
            %get3A_966 = tpu.vector_load %arg11[%get3A_963, %get3A_964, %get3A_965] {strides = array<i32>} : memref<2x100x128xf32, #tpu.memory_space<vmem>>, vector<1x1x16xf32>,
            %get3A_967 = vector.shape_cast %get3A_966 : vector<1x1x16xf32> to vector<16xf32>
            %mul3A_968 = arith.constant 5 : i32
            %mul3A_969 = arith.muli %scan3A_194, %mul3A_968 : i32
            %add3A_970 = arith.constant 3 : i32
            %add3A_971 = arith.addi %mul3A_969, %add3A_970 : i32
            %get3A_972 = arith.constant 1 : i32
            %get3A_973 = arith.index_cast %get3A_972 : i32 to index
            %get3A_974 = arith.index_cast %add3A_971 : i32 to index
            %get3A_975 = arith.constant 112 : index
            %get3A_976 = tpu.vector_load %arg12[%get3A_973, %get3A_974, %get3A_975] {strides = array<i32>} : memref<2x50x128xf32, #tpu.memory_space<vmem>>, vector<1x1x16xf32>,
            %get3A_977 = vector.shape_cast %get3A_976 : vector<1x1x16xf32> to vector<16xf32>
            %sub3A_978 = arith.subf %get3A_967, %get3A_977 : vector<16xf32>
            %swap3A_979 = arith.constant 0 : i32
            %swap3A_980 = arith.index_cast %swap3A_979 : i32 to index
            %swap3A_981 = arith.index_cast %add3A_793 : i32 to index
            %swap3A_982 = arith.constant 112 : index
            %swap3A_983 = tpu.vector_load %arg11[%swap3A_980, %swap3A_981, %swap3A_982] {strides = array<i32>} : memref<2x100x128xf32, #tpu.memory_space<vmem>>, vector<1x1x16xf32>,
            %swap3A_984 = vector.shape_cast %swap3A_983 : vector<1x1x16xf32> to vector<16xf32>
            %swap3A_985 = vector.shape_cast %sub3A_978 : vector<16xf32> to vector<1x1x16xf32>
            tpu.vector_store %arg11[%swap3A_980, %swap3A_981, %swap3A_982], %swap3A_985 {strides = array<i32>} : memref<2x100x128xf32, #tpu.memory_space<vmem>>, vector<1x1x16xf32>,
            %mul3A_986 = arith.constant 5 : i32
            %mul3A_987 = arith.muli %scan3A_194, %mul3A_986 : i32
            %add3A_988 = arith.constant 50 : i32
            %add3A_989 = arith.addi %add3A_988, %mul3A_987 : i32
            %add3A_990 = arith.constant 4 : i32
            %add3A_991 = arith.addi %add3A_989, %add3A_990 : i32
            %get3A_992 = arith.constant 0 : i32
            %get3A_993 = arith.index_cast %get3A_992 : i32 to index
            %get3A_994 = arith.index_cast %add3A_991 : i32 to index
            %get3A_995 = arith.constant 0 : index
            %get3A_996 = tpu.vector_load %arg11[%get3A_993, %get3A_994, %get3A_995] {strides = array<i32>} : memref<2x100x128xf32, #tpu.memory_space<vmem>>, vector<1x1x16xf32>,
            %get3A_997 = vector.shape_cast %get3A_996 : vector<1x1x16xf32> to vector<16xf32>
            %mul3A_998 = arith.constant 5 : i32
            %mul3A_999 = arith.muli %scan3A_194, %mul3A_998 : i32
            %add3A_1000 = arith.constant 4 : i32
            %add3A_1001 = arith.addi %mul3A_999, %add3A_1000 : i32
            %get3A_1002 = arith.constant 1 : i32
            %get3A_1003 = arith.index_cast %get3A_1002 : i32 to index
            %get3A_1004 = arith.index_cast %add3A_1001 : i32 to index
            %get3A_1005 = arith.constant 0 : index
            %get3A_1006 = tpu.vector_load %arg12[%get3A_1003, %get3A_1004, %get3A_1005] {strides = array<i32>} : memref<2x50x128xf32, #tpu.memory_space<vmem>>, vector<1x1x16xf32>,
            %get3A_1007 = vector.shape_cast %get3A_1006 : vector<1x1x16xf32> to vector<16xf32>
            %sub3A_1008 = arith.subf %get3A_997, %get3A_1007 : vector<16xf32>
            %swap3A_1009 = arith.constant 0 : i32
            %swap3A_1010 = arith.index_cast %swap3A_1009 : i32 to index
            %swap3A_1011 = arith.index_cast %add3A_991 : i32 to index
            %swap3A_1012 = arith.constant 0 : index
            %swap3A_1013 = tpu.vector_load %arg11[%swap3A_1010, %swap3A_1011, %swap3A_1012] {strides = array<i32>} : memref<2x100x128xf32, #tpu.memory_space<vmem>>, vector<1x1x16xf32>,
            %swap3A_1014 = vector.shape_cast %swap3A_1013 : vector<1x1x16xf32> to vector<16xf32>
            %swap3A_1015 = vector.shape_cast %sub3A_1008 : vector<16xf32> to vector<1x1x16xf32>
            tpu.vector_store %arg11[%swap3A_1010, %swap3A_1011, %swap3A_1012], %swap3A_1015 {strides = array<i32>} : memref<2x100x128xf32, #tpu.memory_space<vmem>>, vector<1x1x16xf32>,
            %get3A_1016 = arith.constant 0 : i32
            %get3A_1017 = arith.index_cast %get3A_1016 : i32 to index
            %get3A_1018 = arith.index_cast %add3A_991 : i32 to index
            %get3A_1019 = arith.constant 16 : index
            %get3A_1020 = tpu.vector_load %arg11[%get3A_1017, %get3A_1018, %get3A_1019] {strides = array<i32>} : memref<2x100x128xf32, #tpu.memory_space<vmem>>, vector<1x1x16xf32>,
            %get3A_1021 = vector.shape_cast %get3A_1020 : vector<1x1x16xf32> to vector<16xf32>
            %mul3A_1022 = arith.constant 5 : i32
            %mul3A_1023 = arith.muli %scan3A_194, %mul3A_1022 : i32
            %add3A_1024 = arith.constant 4 : i32
            %add3A_1025 = arith.addi %mul3A_1023, %add3A_1024 : i32
            %get3A_1026 = arith.constant 1 : i32
            %get3A_1027 = arith.index_cast %get3A_1026 : i32 to index
            %get3A_1028 = arith.index_cast %add3A_1025 : i32 to index
            %get3A_1029 = arith.constant 16 : index
            %get3A_1030 = tpu.vector_load %arg12[%get3A_1027, %get3A_1028, %get3A_1029] {strides = array<i32>} : memref<2x50x128xf32, #tpu.memory_space<vmem>>, vector<1x1x16xf32>,
            %get3A_1031 = vector.shape_cast %get3A_1030 : vector<1x1x16xf32> to vector<16xf32>
            %sub3A_1032 = arith.subf %get3A_1021, %get3A_1031 : vector<16xf32>
            %swap3A_1033 = arith.constant 0 : i32
            %swap3A_1034 = arith.index_cast %swap3A_1033 : i32 to index
            %swap3A_1035 = arith.index_cast %add3A_991 : i32 to index
            %swap3A_1036 = arith.constant 16 : index
            %swap3A_1037 = tpu.vector_load %arg11[%swap3A_1034, %swap3A_1035, %swap3A_1036] {strides = array<i32>} : memref<2x100x128xf32, #tpu.memory_space<vmem>>, vector<1x1x16xf32>,
            %swap3A_1038 = vector.shape_cast %swap3A_1037 : vector<1x1x16xf32> to vector<16xf32>
            %swap3A_1039 = vector.shape_cast %sub3A_1032 : vector<16xf32> to vector<1x1x16xf32>
            tpu.vector_store %arg11[%swap3A_1034, %swap3A_1035, %swap3A_1036], %swap3A_1039 {strides = array<i32>} : memref<2x100x128xf32, #tpu.memory_space<vmem>>, vector<1x1x16xf32>,
            %get3A_1040 = arith.constant 0 : i32
            %get3A_1041 = arith.index_cast %get3A_1040 : i32 to index
            %get3A_1042 = arith.index_cast %add3A_991 : i32 to index
            %get3A_1043 = arith.constant 32 : index
            %get3A_1044 = tpu.vector_load %arg11[%get3A_1041, %get3A_1042, %get3A_1043] {strides = array<i32>} : memref<2x100x128xf32, #tpu.memory_space<vmem>>, vector<1x1x16xf32>,
            %get3A_1045 = vector.shape_cast %get3A_1044 : vector<1x1x16xf32> to vector<16xf32>
            %mul3A_1046 = arith.constant 5 : i32
            %mul3A_1047 = arith.muli %scan3A_194, %mul3A_1046 : i32
            %add3A_1048 = arith.constant 4 : i32
            %add3A_1049 = arith.addi %mul3A_1047, %add3A_1048 : i32
            %get3A_1050 = arith.constant 1 : i32
            %get3A_1051 = arith.index_cast %get3A_1050 : i32 to index
            %get3A_1052 = arith.index_cast %add3A_1049 : i32 to index
            %get3A_1053 = arith.constant 32 : index
            %get3A_1054 = tpu.vector_load %arg12[%get3A_1051, %get3A_1052, %get3A_1053] {strides = array<i32>} : memref<2x50x128xf32, #tpu.memory_space<vmem>>, vector<1x1x16xf32>,
            %get3A_1055 = vector.shape_cast %get3A_1054 : vector<1x1x16xf32> to vector<16xf32>
            %sub3A_1056 = arith.subf %get3A_1045, %get3A_1055 : vector<16xf32>
            %swap3A_1057 = arith.constant 0 : i32
            %swap3A_1058 = arith.index_cast %swap3A_1057 : i32 to index
            %swap3A_1059 = arith.index_cast %add3A_991 : i32 to index
            %swap3A_1060 = arith.constant 32 : index
            %swap3A_1061 = tpu.vector_load %arg11[%swap3A_1058, %swap3A_1059, %swap3A_1060] {strides = array<i32>} : memref<2x100x128xf32, #tpu.memory_space<vmem>>, vector<1x1x16xf32>,
            %swap3A_1062 = vector.shape_cast %swap3A_1061 : vector<1x1x16xf32> to vector<16xf32>
            %swap3A_1063 = vector.shape_cast %sub3A_1056 : vector<16xf32> to vector<1x1x16xf32>
            tpu.vector_store %arg11[%swap3A_1058, %swap3A_1059, %swap3A_1060], %swap3A_1063 {strides = array<i32>} : memref<2x100x128xf32, #tpu.memory_space<vmem>>, vector<1x1x16xf32>,
            %get3A_1064 = arith.constant 0 : i32
            %get3A_1065 = arith.index_cast %get3A_1064 : i32 to index
            %get3A_1066 = arith.index_cast %add3A_991 : i32 to index
            %get3A_1067 = arith.constant 48 : index
            %get3A_1068 = tpu.vector_load %arg11[%get3A_1065, %get3A_1066, %get3A_1067] {strides = array<i32>} : memref<2x100x128xf32, #tpu.memory_space<vmem>>, vector<1x1x16xf32>,
            %get3A_1069 = vector.shape_cast %get3A_1068 : vector<1x1x16xf32> to vector<16xf32>
            %mul3A_1070 = arith.constant 5 : i32
            %mul3A_1071 = arith.muli %scan3A_194, %mul3A_1070 : i32
            %add3A_1072 = arith.constant 4 : i32
            %add3A_1073 = arith.addi %mul3A_1071, %add3A_1072 : i32
            %get3A_1074 = arith.constant 1 : i32
            %get3A_1075 = arith.index_cast %get3A_1074 : i32 to index
            %get3A_1076 = arith.index_cast %add3A_1073 : i32 to index
            %get3A_1077 = arith.constant 48 : index
            %get3A_1078 = tpu.vector_load %arg12[%get3A_1075, %get3A_1076, %get3A_1077] {strides = array<i32>} : memref<2x50x128xf32, #tpu.memory_space<vmem>>, vector<1x1x16xf32>,
            %get3A_1079 = vector.shape_cast %get3A_1078 : vector<1x1x16xf32> to vector<16xf32>
            %sub3A_1080 = arith.subf %get3A_1069, %get3A_1079 : vector<16xf32>
            %swap3A_1081 = arith.constant 0 : i32
            %swap3A_1082 = arith.index_cast %swap3A_1081 : i32 to index
            %swap3A_1083 = arith.index_cast %add3A_991 : i32 to index
            %swap3A_1084 = arith.constant 48 : index
            %swap3A_1085 = tpu.vector_load %arg11[%swap3A_1082, %swap3A_1083, %swap3A_1084] {strides = array<i32>} : memref<2x100x128xf32, #tpu.memory_space<vmem>>, vector<1x1x16xf32>,
            %swap3A_1086 = vector.shape_cast %swap3A_1085 : vector<1x1x16xf32> to vector<16xf32>
            %swap3A_1087 = vector.shape_cast %sub3A_1080 : vector<16xf32> to vector<1x1x16xf32>
            tpu.vector_store %arg11[%swap3A_1082, %swap3A_1083, %swap3A_1084], %swap3A_1087 {strides = array<i32>} : memref<2x100x128xf32, #tpu.memory_space<vmem>>, vector<1x1x16xf32>,
            %get3A_1088 = arith.constant 0 : i32
            %get3A_1089 = arith.index_cast %get3A_1088 : i32 to index
            %get3A_1090 = arith.index_cast %add3A_991 : i32 to index
            %get3A_1091 = arith.constant 64 : index
            %get3A_1092 = tpu.vector_load %arg11[%get3A_1089, %get3A_1090, %get3A_1091] {strides = array<i32>} : memref<2x100x128xf32, #tpu.memory_space<vmem>>, vector<1x1x16xf32>,
            %get3A_1093 = vector.shape_cast %get3A_1092 : vector<1x1x16xf32> to vector<16xf32>
            %mul3A_1094 = arith.constant 5 : i32
            %mul3A_1095 = arith.muli %scan3A_194, %mul3A_1094 : i32
            %add3A_1096 = arith.constant 4 : i32
            %add3A_1097 = arith.addi %mul3A_1095, %add3A_1096 : i32
            %get3A_1098 = arith.constant 1 : i32
            %get3A_1099 = arith.index_cast %get3A_1098 : i32 to index
            %get3A_1100 = arith.index_cast %add3A_1097 : i32 to index
            %get3A_1101 = arith.constant 64 : index
            %get3A_1102 = tpu.vector_load %arg12[%get3A_1099, %get3A_1100, %get3A_1101] {strides = array<i32>} : memref<2x50x128xf32, #tpu.memory_space<vmem>>, vector<1x1x16xf32>,
            %get3A_1103 = vector.shape_cast %get3A_1102 : vector<1x1x16xf32> to vector<16xf32>
            %sub3A_1104 = arith.subf %get3A_1093, %get3A_1103 : vector<16xf32>
            %swap3A_1105 = arith.constant 0 : i32
            %swap3A_1106 = arith.index_cast %swap3A_1105 : i32 to index
            %swap3A_1107 = arith.index_cast %add3A_991 : i32 to index
            %swap3A_1108 = arith.constant 64 : index
            %swap3A_1109 = tpu.vector_load %arg11[%swap3A_1106, %swap3A_1107, %swap3A_1108] {strides = array<i32>} : memref<2x100x128xf32, #tpu.memory_space<vmem>>, vector<1x1x16xf32>,
            %swap3A_1110 = vector.shape_cast %swap3A_1109 : vector<1x1x16xf32> to vector<16xf32>
            %swap3A_1111 = vector.shape_cast %sub3A_1104 : vector<16xf32> to vector<1x1x16xf32>
            tpu.vector_store %arg11[%swap3A_1106, %swap3A_1107, %swap3A_1108], %swap3A_1111 {strides = array<i32>} : memref<2x100x128xf32, #tpu.memory_space<vmem>>, vector<1x1x16xf32>,
            %get3A_1112 = arith.constant 0 : i32
            %get3A_1113 = arith.index_cast %get3A_1112 : i32 to index
            %get3A_1114 = arith.index_cast %add3A_991 : i32 to index
            %get3A_1115 = arith.constant 80 : index
            %get3A_1116 = tpu.vector_load %arg11[%get3A_1113, %get3A_1114, %get3A_1115] {strides = array<i32>} : memref<2x100x128xf32, #tpu.memory_space<vmem>>, vector<1x1x16xf32>,
            %get3A_1117 = vector.shape_cast %get3A_1116 : vector<1x1x16xf32> to vector<16xf32>
            %mul3A_1118 = arith.constant 5 : i32
            %mul3A_1119 = arith.muli %scan3A_194, %mul3A_1118 : i32
            %add3A_1120 = arith.constant 4 : i32
            %add3A_1121 = arith.addi %mul3A_1119, %add3A_1120 : i32
            %get3A_1122 = arith.constant 1 : i32
            %get3A_1123 = arith.index_cast %get3A_1122 : i32 to index
            %get3A_1124 = arith.index_cast %add3A_1121 : i32 to index
            %get3A_1125 = arith.constant 80 : index
            %get3A_1126 = tpu.vector_load %arg12[%get3A_1123, %get3A_1124, %get3A_1125] {strides = array<i32>} : memref<2x50x128xf32, #tpu.memory_space<vmem>>, vector<1x1x16xf32>,
            %get3A_1127 = vector.shape_cast %get3A_1126 : vector<1x1x16xf32> to vector<16xf32>
            %sub3A_1128 = arith.subf %get3A_1117, %get3A_1127 : vector<16xf32>
            %swap3A_1129 = arith.constant 0 : i32
            %swap3A_1130 = arith.index_cast %swap3A_1129 : i32 to index
            %swap3A_1131 = arith.index_cast %add3A_991 : i32 to index
            %swap3A_1132 = arith.constant 80 : index
            %swap3A_1133 = tpu.vector_load %arg11[%swap3A_1130, %swap3A_1131, %swap3A_1132] {strides = array<i32>} : memref<2x100x128xf32, #tpu.memory_space<vmem>>, vector<1x1x16xf32>,
            %swap3A_1134 = vector.shape_cast %swap3A_1133 : vector<1x1x16xf32> to vector<16xf32>
            %swap3A_1135 = vector.shape_cast %sub3A_1128 : vector<16xf32> to vector<1x1x16xf32>
            tpu.vector_store %arg11[%swap3A_1130, %swap3A_1131, %swap3A_1132], %swap3A_1135 {strides = array<i32>} : memref<2x100x128xf32, #tpu.memory_space<vmem>>, vector<1x1x16xf32>,
            %get3A_1136 = arith.constant 0 : i32
            %get3A_1137 = arith.index_cast %get3A_1136 : i32 to index
            %get3A_1138 = arith.index_cast %add3A_991 : i32 to index
            %get3A_1139 = arith.constant 96 : index
            %get3A_1140 = tpu.vector_load %arg11[%get3A_1137, %get3A_1138, %get3A_1139] {strides = array<i32>} : memref<2x100x128xf32, #tpu.memory_space<vmem>>, vector<1x1x16xf32>,
            %get3A_1141 = vector.shape_cast %get3A_1140 : vector<1x1x16xf32> to vector<16xf32>
            %mul3A_1142 = arith.constant 5 : i32
            %mul3A_1143 = arith.muli %scan3A_194, %mul3A_1142 : i32
            %add3A_1144 = arith.constant 4 : i32
            %add3A_1145 = arith.addi %mul3A_1143, %add3A_1144 : i32
            %get3A_1146 = arith.constant 1 : i32
            %get3A_1147 = arith.index_cast %get3A_1146 : i32 to index
            %get3A_1148 = arith.index_cast %add3A_1145 : i32 to index
            %get3A_1149 = arith.constant 96 : index
            %get3A_1150 = tpu.vector_load %arg12[%get3A_1147, %get3A_1148, %get3A_1149] {strides = array<i32>} : memref<2x50x128xf32, #tpu.memory_space<vmem>>, vector<1x1x16xf32>,
            %get3A_1151 = vector.shape_cast %get3A_1150 : vector<1x1x16xf32> to vector<16xf32>
            %sub3A_1152 = arith.subf %get3A_1141, %get3A_1151 : vector<16xf32>
            %swap3A_1153 = arith.constant 0 : i32
            %swap3A_1154 = arith.index_cast %swap3A_1153 : i32 to index
            %swap3A_1155 = arith.index_cast %add3A_991 : i32 to index
            %swap3A_1156 = arith.constant 96 : index
            %swap3A_1157 = tpu.vector_load %arg11[%swap3A_1154, %swap3A_1155, %swap3A_1156] {strides = array<i32>} : memref<2x100x128xf32, #tpu.memory_space<vmem>>, vector<1x1x16xf32>,
            %swap3A_1158 = vector.shape_cast %swap3A_1157 : vector<1x1x16xf32> to vector<16xf32>
            %swap3A_1159 = vector.shape_cast %sub3A_1152 : vector<16xf32> to vector<1x1x16xf32>
            tpu.vector_store %arg11[%swap3A_1154, %swap3A_1155, %swap3A_1156], %swap3A_1159 {strides = array<i32>} : memref<2x100x128xf32, #tpu.memory_space<vmem>>, vector<1x1x16xf32>,
            %get3A_1160 = arith.constant 0 : i32
            %get3A_1161 = arith.index_cast %get3A_1160 : i32 to index
            %get3A_1162 = arith.index_cast %add3A_991 : i32 to index
            %get3A_1163 = arith.constant 112 : index
            %get3A_1164 = tpu.vector_load %arg11[%get3A_1161, %get3A_1162, %get3A_1163] {strides = array<i32>} : memref<2x100x128xf32, #tpu.memory_space<vmem>>, vector<1x1x16xf32>,
            %get3A_1165 = vector.shape_cast %get3A_1164 : vector<1x1x16xf32> to vector<16xf32>
            %mul3A_1166 = arith.constant 5 : i32
            %mul3A_1167 = arith.muli %scan3A_194, %mul3A_1166 : i32
            %add3A_1168 = arith.constant 4 : i32
            %add3A_1169 = arith.addi %mul3A_1167, %add3A_1168 : i32
            %get3A_1170 = arith.constant 1 : i32
            %get3A_1171 = arith.index_cast %get3A_1170 : i32 to index
            %get3A_1172 = arith.index_cast %add3A_1169 : i32 to index
            %get3A_1173 = arith.constant 112 : index
            %get3A_1174 = tpu.vector_load %arg12[%get3A_1171, %get3A_1172, %get3A_1173] {strides = array<i32>} : memref<2x50x128xf32, #tpu.memory_space<vmem>>, vector<1x1x16xf32>,
            %get3A_1175 = vector.shape_cast %get3A_1174 : vector<1x1x16xf32> to vector<16xf32>
            %sub3A_1176 = arith.subf %get3A_1165, %get3A_1175 : vector<16xf32>
            %swap3A_1177 = arith.constant 0 : i32
            %swap3A_1178 = arith.index_cast %swap3A_1177 : i32 to index
            %swap3A_1179 = arith.index_cast %add3A_991 : i32 to index
            %swap3A_1180 = arith.constant 112 : index
            %swap3A_1181 = tpu.vector_load %arg11[%swap3A_1178, %swap3A_1179, %swap3A_1180] {strides = array<i32>} : memref<2x100x128xf32, #tpu.memory_space<vmem>>, vector<1x1x16xf32>,
            %swap3A_1182 = vector.shape_cast %swap3A_1181 : vector<1x1x16xf32> to vector<16xf32>
            %swap3A_1183 = vector.shape_cast %sub3A_1176 : vector<16xf32> to vector<1x1x16xf32>
            tpu.vector_store %arg11[%swap3A_1178, %swap3A_1179, %swap3A_1180], %swap3A_1183 {strides = array<i32>} : memref<2x100x128xf32, #tpu.memory_space<vmem>>, vector<1x1x16xf32>,
            %scan3A_1184 = arith.constant 0 : i32
            scf.yield %scan3A_1184 : i32
          }
          %scan3A_193 = arith.constant 10 : i32
        } else {
        }
        %eq3A_169 = arith.constant 1 : i32
        %eq3A_170 = arith.cmpi eq, %rem3A_75, %eq3A_169 : i32
        %convert_element_type3A_171 = arith.extui %eq3A_170 : i1 to i32
        %cond3A_172 = arith.constant 0 : i32
        %cond3A_173 = arith.cmpi ne, %convert_element_type3A_171, %cond3A_172 : i32
        scf.if %cond3A_173 {
          %scan3A_187 = arith.constant 0 : i32
          %scan3A_188 = arith.constant 0 : i32
          %scan3A_189 = arith.constant 10 : i32
          %scan3A_190 = arith.addi %scan3A_188, %scan3A_189 : i32
          %scan3A_191 = arith.constant 1 : i32
          %scan3A_192 = scf.for %scan3A_194 = %scan3A_188 to %scan3A_190 step %scan3A_191 iter_args(%scan3A_195 = %scan3A_187) -> (i32)  : i32 {
            %mul3A_196 = arith.constant 5 : i32
            %mul3A_197 = arith.muli %scan3A_194, %mul3A_196 : i32
            %add3A_198 = arith.constant 50 : i32
            %add3A_199 = arith.addi %add3A_198, %mul3A_197 : i32
            %add3A_200 = arith.constant 0 : i32
            %add3A_201 = arith.addi %add3A_199, %add3A_200 : i32
            %get3A = arith.constant 1 : i32
            %get3A_202 = arith.index_cast %get3A : i32 to index
            %get3A_203 = arith.index_cast %add3A_201 : i32 to index
            %get3A_204 = arith.constant 0 : index
            %get3A_205 = tpu.vector_load %arg11[%get3A_202, %get3A_203, %get3A_204] {strides = array<i32>} : memref<2x100x128xf32, #tpu.memory_space<vmem>>, vector<1x1x16xf32>,
            %get3A_206 = vector.shape_cast %get3A_205 : vector<1x1x16xf32> to vector<16xf32>
            %mul3A_207 = arith.constant 5 : i32
            %mul3A_208 = arith.muli %scan3A_194, %mul3A_207 : i32
            %add3A_209 = arith.constant 0 : i32
            %add3A_210 = arith.addi %mul3A_208, %add3A_209 : i32
            %get3A_211 = arith.constant 1 : i32
            %get3A_212 = arith.index_cast %get3A_211 : i32 to index
            %get3A_213 = arith.index_cast %add3A_210 : i32 to index
            %get3A_214 = arith.constant 0 : index
            %get3A_215 = tpu.vector_load %arg12[%get3A_212, %get3A_213, %get3A_214] {strides = array<i32>} : memref<2x50x128xf32, #tpu.memory_space<vmem>>, vector<1x1x16xf32>,
            %get3A_216 = vector.shape_cast %get3A_215 : vector<1x1x16xf32> to vector<16xf32>
            %sub3A_217 = arith.subf %get3A_206, %get3A_216 : vector<16xf32>
            %swap3A = arith.constant 1 : i32
            %swap3A_218 = arith.index_cast %swap3A : i32 to index
            %swap3A_219 = arith.index_cast %add3A_201 : i32 to index
            %swap3A_220 = arith.constant 0 : index
            %swap3A_221 = tpu.vector_load %arg11[%swap3A_218, %swap3A_219, %swap3A_220] {strides = array<i32>} : memref<2x100x128xf32, #tpu.memory_space<vmem>>, vector<1x1x16xf32>,
            %swap3A_222 = vector.shape_cast %swap3A_221 : vector<1x1x16xf32> to vector<16xf32>
            %swap3A_223 = vector.shape_cast %sub3A_217 : vector<16xf32> to vector<1x1x16xf32>
            tpu.vector_store %arg11[%swap3A_218, %swap3A_219, %swap3A_220], %swap3A_223 {strides = array<i32>} : memref<2x100x128xf32, #tpu.memory_space<vmem>>, vector<1x1x16xf32>,
            %get3A_224 = arith.constant 1 : i32
            %get3A_225 = arith.index_cast %get3A_224 : i32 to index
            %get3A_226 = arith.index_cast %add3A_201 : i32 to index
            %get3A_227 = arith.constant 16 : index
            %get3A_228 = tpu.vector_load %arg11[%get3A_225, %get3A_226, %get3A_227] {strides = array<i32>} : memref<2x100x128xf32, #tpu.memory_space<vmem>>, vector<1x1x16xf32>,
            %get3A_229 = vector.shape_cast %get3A_228 : vector<1x1x16xf32> to vector<16xf32>
            %mul3A_230 = arith.constant 5 : i32
            %mul3A_231 = arith.muli %scan3A_194, %mul3A_230 : i32
            %add3A_232 = arith.constant 0 : i32
            %add3A_233 = arith.addi %mul3A_231, %add3A_232 : i32
            %get3A_234 = arith.constant 1 : i32
            %get3A_235 = arith.index_cast %get3A_234 : i32 to index
            %get3A_236 = arith.index_cast %add3A_233 : i32 to index
            %get3A_237 = arith.constant 16 : index
            %get3A_238 = tpu.vector_load %arg12[%get3A_235, %get3A_236, %get3A_237] {strides = array<i32>} : memref<2x50x128xf32, #tpu.memory_space<vmem>>, vector<1x1x16xf32>,
            %get3A_239 = vector.shape_cast %get3A_238 : vector<1x1x16xf32> to vector<16xf32>
            %sub3A_240 = arith.subf %get3A_229, %get3A_239 : vector<16xf32>
            %swap3A_241 = arith.constant 1 : i32
            %swap3A_242 = arith.index_cast %swap3A_241 : i32 to index
            %swap3A_243 = arith.index_cast %add3A_201 : i32 to index
            %swap3A_244 = arith.constant 16 : index
            %swap3A_245 = tpu.vector_load %arg11[%swap3A_242, %swap3A_243, %swap3A_244] {strides = array<i32>} : memref<2x100x128xf32, #tpu.memory_space<vmem>>, vector<1x1x16xf32>,
            %swap3A_246 = vector.shape_cast %swap3A_245 : vector<1x1x16xf32> to vector<16xf32>
            %swap3A_247 = vector.shape_cast %sub3A_240 : vector<16xf32> to vector<1x1x16xf32>
            tpu.vector_store %arg11[%swap3A_242, %swap3A_243, %swap3A_244], %swap3A_247 {strides = array<i32>} : memref<2x100x128xf32, #tpu.memory_space<vmem>>, vector<1x1x16xf32>,
            %get3A_248 = arith.constant 1 : i32
            %get3A_249 = arith.index_cast %get3A_248 : i32 to index
            %get3A_250 = arith.index_cast %add3A_201 : i32 to index
            %get3A_251 = arith.constant 32 : index
            %get3A_252 = tpu.vector_load %arg11[%get3A_249, %get3A_250, %get3A_251] {strides = array<i32>} : memref<2x100x128xf32, #tpu.memory_space<vmem>>, vector<1x1x16xf32>,
            %get3A_253 = vector.shape_cast %get3A_252 : vector<1x1x16xf32> to vector<16xf32>
            %mul3A_254 = arith.constant 5 : i32
            %mul3A_255 = arith.muli %scan3A_194, %mul3A_254 : i32
            %add3A_256 = arith.constant 0 : i32
            %add3A_257 = arith.addi %mul3A_255, %add3A_256 : i32
            %get3A_258 = arith.constant 1 : i32
            %get3A_259 = arith.index_cast %get3A_258 : i32 to index
            %get3A_260 = arith.index_cast %add3A_257 : i32 to index
            %get3A_261 = arith.constant 32 : index
            %get3A_262 = tpu.vector_load %arg12[%get3A_259, %get3A_260, %get3A_261] {strides = array<i32>} : memref<2x50x128xf32, #tpu.memory_space<vmem>>, vector<1x1x16xf32>,
            %get3A_263 = vector.shape_cast %get3A_262 : vector<1x1x16xf32> to vector<16xf32>
            %sub3A_264 = arith.subf %get3A_253, %get3A_263 : vector<16xf32>
            %swap3A_265 = arith.constant 1 : i32
            %swap3A_266 = arith.index_cast %swap3A_265 : i32 to index
            %swap3A_267 = arith.index_cast %add3A_201 : i32 to index
            %swap3A_268 = arith.constant 32 : index
            %swap3A_269 = tpu.vector_load %arg11[%swap3A_266, %swap3A_267, %swap3A_268] {strides = array<i32>} : memref<2x100x128xf32, #tpu.memory_space<vmem>>, vector<1x1x16xf32>,
            %swap3A_270 = vector.shape_cast %swap3A_269 : vector<1x1x16xf32> to vector<16xf32>
            %swap3A_271 = vector.shape_cast %sub3A_264 : vector<16xf32> to vector<1x1x16xf32>
            tpu.vector_store %arg11[%swap3A_266, %swap3A_267, %swap3A_268], %swap3A_271 {strides = array<i32>} : memref<2x100x128xf32, #tpu.memory_space<vmem>>, vector<1x1x16xf32>,
            %get3A_272 = arith.constant 1 : i32
            %get3A_273 = arith.index_cast %get3A_272 : i32 to index
            %get3A_274 = arith.index_cast %add3A_201 : i32 to index
            %get3A_275 = arith.constant 48 : index
            %get3A_276 = tpu.vector_load %arg11[%get3A_273, %get3A_274, %get3A_275] {strides = array<i32>} : memref<2x100x128xf32, #tpu.memory_space<vmem>>, vector<1x1x16xf32>,
            %get3A_277 = vector.shape_cast %get3A_276 : vector<1x1x16xf32> to vector<16xf32>
            %mul3A_278 = arith.constant 5 : i32
            %mul3A_279 = arith.muli %scan3A_194, %mul3A_278 : i32
            %add3A_280 = arith.constant 0 : i32
            %add3A_281 = arith.addi %mul3A_279, %add3A_280 : i32
            %get3A_282 = arith.constant 1 : i32
            %get3A_283 = arith.index_cast %get3A_282 : i32 to index
            %get3A_284 = arith.index_cast %add3A_281 : i32 to index
            %get3A_285 = arith.constant 48 : index
            %get3A_286 = tpu.vector_load %arg12[%get3A_283, %get3A_284, %get3A_285] {strides = array<i32>} : memref<2x50x128xf32, #tpu.memory_space<vmem>>, vector<1x1x16xf32>,
            %get3A_287 = vector.shape_cast %get3A_286 : vector<1x1x16xf32> to vector<16xf32>
            %sub3A_288 = arith.subf %get3A_277, %get3A_287 : vector<16xf32>
            %swap3A_289 = arith.constant 1 : i32
            %swap3A_290 = arith.index_cast %swap3A_289 : i32 to index
            %swap3A_291 = arith.index_cast %add3A_201 : i32 to index
            %swap3A_292 = arith.constant 48 : index
            %swap3A_293 = tpu.vector_load %arg11[%swap3A_290, %swap3A_291, %swap3A_292] {strides = array<i32>} : memref<2x100x128xf32, #tpu.memory_space<vmem>>, vector<1x1x16xf32>,
            %swap3A_294 = vector.shape_cast %swap3A_293 : vector<1x1x16xf32> to vector<16xf32>
            %swap3A_295 = vector.shape_cast %sub3A_288 : vector<16xf32> to vector<1x1x16xf32>
            tpu.vector_store %arg11[%swap3A_290, %swap3A_291, %swap3A_292], %swap3A_295 {strides = array<i32>} : memref<2x100x128xf32, #tpu.memory_space<vmem>>, vector<1x1x16xf32>,
            %get3A_296 = arith.constant 1 : i32
            %get3A_297 = arith.index_cast %get3A_296 : i32 to index
            %get3A_298 = arith.index_cast %add3A_201 : i32 to index
            %get3A_299 = arith.constant 64 : index
            %get3A_300 = tpu.vector_load %arg11[%get3A_297, %get3A_298, %get3A_299] {strides = array<i32>} : memref<2x100x128xf32, #tpu.memory_space<vmem>>, vector<1x1x16xf32>,
            %get3A_301 = vector.shape_cast %get3A_300 : vector<1x1x16xf32> to vector<16xf32>
            %mul3A_302 = arith.constant 5 : i32
            %mul3A_303 = arith.muli %scan3A_194, %mul3A_302 : i32
            %add3A_304 = arith.constant 0 : i32
            %add3A_305 = arith.addi %mul3A_303, %add3A_304 : i32
            %get3A_306 = arith.constant 1 : i32
            %get3A_307 = arith.index_cast %get3A_306 : i32 to index
            %get3A_308 = arith.index_cast %add3A_305 : i32 to index
            %get3A_309 = arith.constant 64 : index
            %get3A_310 = tpu.vector_load %arg12[%get3A_307, %get3A_308, %get3A_309] {strides = array<i32>} : memref<2x50x128xf32, #tpu.memory_space<vmem>>, vector<1x1x16xf32>,
            %get3A_311 = vector.shape_cast %get3A_310 : vector<1x1x16xf32> to vector<16xf32>
            %sub3A_312 = arith.subf %get3A_301, %get3A_311 : vector<16xf32>
            %swap3A_313 = arith.constant 1 : i32
            %swap3A_314 = arith.index_cast %swap3A_313 : i32 to index
            %swap3A_315 = arith.index_cast %add3A_201 : i32 to index
            %swap3A_316 = arith.constant 64 : index
            %swap3A_317 = tpu.vector_load %arg11[%swap3A_314, %swap3A_315, %swap3A_316] {strides = array<i32>} : memref<2x100x128xf32, #tpu.memory_space<vmem>>, vector<1x1x16xf32>,
            %swap3A_318 = vector.shape_cast %swap3A_317 : vector<1x1x16xf32> to vector<16xf32>
            %swap3A_319 = vector.shape_cast %sub3A_312 : vector<16xf32> to vector<1x1x16xf32>
            tpu.vector_store %arg11[%swap3A_314, %swap3A_315, %swap3A_316], %swap3A_319 {strides = array<i32>} : memref<2x100x128xf32, #tpu.memory_space<vmem>>, vector<1x1x16xf32>,
            %get3A_320 = arith.constant 1 : i32
            %get3A_321 = arith.index_cast %get3A_320 : i32 to index
            %get3A_322 = arith.index_cast %add3A_201 : i32 to index
            %get3A_323 = arith.constant 80 : index
            %get3A_324 = tpu.vector_load %arg11[%get3A_321, %get3A_322, %get3A_323] {strides = array<i32>} : memref<2x100x128xf32, #tpu.memory_space<vmem>>, vector<1x1x16xf32>,
            %get3A_325 = vector.shape_cast %get3A_324 : vector<1x1x16xf32> to vector<16xf32>
            %mul3A_326 = arith.constant 5 : i32
            %mul3A_327 = arith.muli %scan3A_194, %mul3A_326 : i32
            %add3A_328 = arith.constant 0 : i32
            %add3A_329 = arith.addi %mul3A_327, %add3A_328 : i32
            %get3A_330 = arith.constant 1 : i32
            %get3A_331 = arith.index_cast %get3A_330 : i32 to index
            %get3A_332 = arith.index_cast %add3A_329 : i32 to index
            %get3A_333 = arith.constant 80 : index
            %get3A_334 = tpu.vector_load %arg12[%get3A_331, %get3A_332, %get3A_333] {strides = array<i32>} : memref<2x50x128xf32, #tpu.memory_space<vmem>>, vector<1x1x16xf32>,
            %get3A_335 = vector.shape_cast %get3A_334 : vector<1x1x16xf32> to vector<16xf32>
            %sub3A_336 = arith.subf %get3A_325, %get3A_335 : vector<16xf32>
            %swap3A_337 = arith.constant 1 : i32
            %swap3A_338 = arith.index_cast %swap3A_337 : i32 to index
            %swap3A_339 = arith.index_cast %add3A_201 : i32 to index
            %swap3A_340 = arith.constant 80 : index
            %swap3A_341 = tpu.vector_load %arg11[%swap3A_338, %swap3A_339, %swap3A_340] {strides = array<i32>} : memref<2x100x128xf32, #tpu.memory_space<vmem>>, vector<1x1x16xf32>,
            %swap3A_342 = vector.shape_cast %swap3A_341 : vector<1x1x16xf32> to vector<16xf32>
            %swap3A_343 = vector.shape_cast %sub3A_336 : vector<16xf32> to vector<1x1x16xf32>
            tpu.vector_store %arg11[%swap3A_338, %swap3A_339, %swap3A_340], %swap3A_343 {strides = array<i32>} : memref<2x100x128xf32, #tpu.memory_space<vmem>>, vector<1x1x16xf32>,
            %get3A_344 = arith.constant 1 : i32
            %get3A_345 = arith.index_cast %get3A_344 : i32 to index
            %get3A_346 = arith.index_cast %add3A_201 : i32 to index
            %get3A_347 = arith.constant 96 : index
            %get3A_348 = tpu.vector_load %arg11[%get3A_345, %get3A_346, %get3A_347] {strides = array<i32>} : memref<2x100x128xf32, #tpu.memory_space<vmem>>, vector<1x1x16xf32>,
            %get3A_349 = vector.shape_cast %get3A_348 : vector<1x1x16xf32> to vector<16xf32>
            %mul3A_350 = arith.constant 5 : i32
            %mul3A_351 = arith.muli %scan3A_194, %mul3A_350 : i32
            %add3A_352 = arith.constant 0 : i32
            %add3A_353 = arith.addi %mul3A_351, %add3A_352 : i32
            %get3A_354 = arith.constant 1 : i32
            %get3A_355 = arith.index_cast %get3A_354 : i32 to index
            %get3A_356 = arith.index_cast %add3A_353 : i32 to index
            %get3A_357 = arith.constant 96 : index
            %get3A_358 = tpu.vector_load %arg12[%get3A_355, %get3A_356, %get3A_357] {strides = array<i32>} : memref<2x50x128xf32, #tpu.memory_space<vmem>>, vector<1x1x16xf32>,
            %get3A_359 = vector.shape_cast %get3A_358 : vector<1x1x16xf32> to vector<16xf32>
            %sub3A_360 = arith.subf %get3A_349, %get3A_359 : vector<16xf32>
            %swap3A_361 = arith.constant 1 : i32
            %swap3A_362 = arith.index_cast %swap3A_361 : i32 to index
            %swap3A_363 = arith.index_cast %add3A_201 : i32 to index
            %swap3A_364 = arith.constant 96 : index
            %swap3A_365 = tpu.vector_load %arg11[%swap3A_362, %swap3A_363, %swap3A_364] {strides = array<i32>} : memref<2x100x128xf32, #tpu.memory_space<vmem>>, vector<1x1x16xf32>,
            %swap3A_366 = vector.shape_cast %swap3A_365 : vector<1x1x16xf32> to vector<16xf32>
            %swap3A_367 = vector.shape_cast %sub3A_360 : vector<16xf32> to vector<1x1x16xf32>
            tpu.vector_store %arg11[%swap3A_362, %swap3A_363, %swap3A_364], %swap3A_367 {strides = array<i32>} : memref<2x100x128xf32, #tpu.memory_space<vmem>>, vector<1x1x16xf32>,
            %get3A_368 = arith.constant 1 : i32
            %get3A_369 = arith.index_cast %get3A_368 : i32 to index
            %get3A_370 = arith.index_cast %add3A_201 : i32 to index
            %get3A_371 = arith.constant 112 : index
            %get3A_372 = tpu.vector_load %arg11[%get3A_369, %get3A_370, %get3A_371] {strides = array<i32>} : memref<2x100x128xf32, #tpu.memory_space<vmem>>, vector<1x1x16xf32>,
            %get3A_373 = vector.shape_cast %get3A_372 : vector<1x1x16xf32> to vector<16xf32>
            %mul3A_374 = arith.constant 5 : i32
            %mul3A_375 = arith.muli %scan3A_194, %mul3A_374 : i32
            %add3A_376 = arith.constant 0 : i32
            %add3A_377 = arith.addi %mul3A_375, %add3A_376 : i32
            %get3A_378 = arith.constant 1 : i32
            %get3A_379 = arith.index_cast %get3A_378 : i32 to index
            %get3A_380 = arith.index_cast %add3A_377 : i32 to index
            %get3A_381 = arith.constant 112 : index
            %get3A_382 = tpu.vector_load %arg12[%get3A_379, %get3A_380, %get3A_381] {strides = array<i32>} : memref<2x50x128xf32, #tpu.memory_space<vmem>>, vector<1x1x16xf32>,
            %get3A_383 = vector.shape_cast %get3A_382 : vector<1x1x16xf32> to vector<16xf32>
            %sub3A_384 = arith.subf %get3A_373, %get3A_383 : vector<16xf32>
            %swap3A_385 = arith.constant 1 : i32
            %swap3A_386 = arith.index_cast %swap3A_385 : i32 to index
            %swap3A_387 = arith.index_cast %add3A_201 : i32 to index
            %swap3A_388 = arith.constant 112 : index
            %swap3A_389 = tpu.vector_load %arg11[%swap3A_386, %swap3A_387, %swap3A_388] {strides = array<i32>} : memref<2x100x128xf32, #tpu.memory_space<vmem>>, vector<1x1x16xf32>,
            %swap3A_390 = vector.shape_cast %swap3A_389 : vector<1x1x16xf32> to vector<16xf32>
            %swap3A_391 = vector.shape_cast %sub3A_384 : vector<16xf32> to vector<1x1x16xf32>
            tpu.vector_store %arg11[%swap3A_386, %swap3A_387, %swap3A_388], %swap3A_391 {strides = array<i32>} : memref<2x100x128xf32, #tpu.memory_space<vmem>>, vector<1x1x16xf32>,
            %mul3A_392 = arith.constant 5 : i32
            %mul3A_393 = arith.muli %scan3A_194, %mul3A_392 : i32
            %add3A_394 = arith.constant 50 : i32
            %add3A_395 = arith.addi %add3A_394, %mul3A_393 : i32
            %add3A_396 = arith.constant 1 : i32
            %add3A_397 = arith.addi %add3A_395, %add3A_396 : i32
            %get3A_398 = arith.constant 1 : i32
            %get3A_399 = arith.index_cast %get3A_398 : i32 to index
            %get3A_400 = arith.index_cast %add3A_397 : i32 to index
            %get3A_401 = arith.constant 0 : index
            %get3A_402 = tpu.vector_load %arg11[%get3A_399, %get3A_400, %get3A_401] {strides = array<i32>} : memref<2x100x128xf32, #tpu.memory_space<vmem>>, vector<1x1x16xf32>,
            %get3A_403 = vector.shape_cast %get3A_402 : vector<1x1x16xf32> to vector<16xf32>
            %mul3A_404 = arith.constant 5 : i32
            %mul3A_405 = arith.muli %scan3A_194, %mul3A_404 : i32
            %add3A_406 = arith.constant 1 : i32
            %add3A_407 = arith.addi %mul3A_405, %add3A_406 : i32
            %get3A_408 = arith.constant 1 : i32
            %get3A_409 = arith.index_cast %get3A_408 : i32 to index
            %get3A_410 = arith.index_cast %add3A_407 : i32 to index
            %get3A_411 = arith.constant 0 : index
            %get3A_412 = tpu.vector_load %arg12[%get3A_409, %get3A_410, %get3A_411] {strides = array<i32>} : memref<2x50x128xf32, #tpu.memory_space<vmem>>, vector<1x1x16xf32>,
            %get3A_413 = vector.shape_cast %get3A_412 : vector<1x1x16xf32> to vector<16xf32>
            %sub3A_414 = arith.subf %get3A_403, %get3A_413 : vector<16xf32>
            %swap3A_415 = arith.constant 1 : i32
            %swap3A_416 = arith.index_cast %swap3A_415 : i32 to index
            %swap3A_417 = arith.index_cast %add3A_397 : i32 to index
            %swap3A_418 = arith.constant 0 : index
            %swap3A_419 = tpu.vector_load %arg11[%swap3A_416, %swap3A_417, %swap3A_418] {strides = array<i32>} : memref<2x100x128xf32, #tpu.memory_space<vmem>>, vector<1x1x16xf32>,
            %swap3A_420 = vector.shape_cast %swap3A_419 : vector<1x1x16xf32> to vector<16xf32>
            %swap3A_421 = vector.shape_cast %sub3A_414 : vector<16xf32> to vector<1x1x16xf32>
            tpu.vector_store %arg11[%swap3A_416, %swap3A_417, %swap3A_418], %swap3A_421 {strides = array<i32>} : memref<2x100x128xf32, #tpu.memory_space<vmem>>, vector<1x1x16xf32>,
            %get3A_422 = arith.constant 1 : i32
            %get3A_423 = arith.index_cast %get3A_422 : i32 to index
            %get3A_424 = arith.index_cast %add3A_397 : i32 to index
            %get3A_425 = arith.constant 16 : index
            %get3A_426 = tpu.vector_load %arg11[%get3A_423, %get3A_424, %get3A_425] {strides = array<i32>} : memref<2x100x128xf32, #tpu.memory_space<vmem>>, vector<1x1x16xf32>,
            %get3A_427 = vector.shape_cast %get3A_426 : vector<1x1x16xf32> to vector<16xf32>
            %mul3A_428 = arith.constant 5 : i32
            %mul3A_429 = arith.muli %scan3A_194, %mul3A_428 : i32
            %add3A_430 = arith.constant 1 : i32
            %add3A_431 = arith.addi %mul3A_429, %add3A_430 : i32
            %get3A_432 = arith.constant 1 : i32
            %get3A_433 = arith.index_cast %get3A_432 : i32 to index
            %get3A_434 = arith.index_cast %add3A_431 : i32 to index
            %get3A_435 = arith.constant 16 : index
            %get3A_436 = tpu.vector_load %arg12[%get3A_433, %get3A_434, %get3A_435] {strides = array<i32>} : memref<2x50x128xf32, #tpu.memory_space<vmem>>, vector<1x1x16xf32>,
            %get3A_437 = vector.shape_cast %get3A_436 : vector<1x1x16xf32> to vector<16xf32>
            %sub3A_438 = arith.subf %get3A_427, %get3A_437 : vector<16xf32>
            %swap3A_439 = arith.constant 1 : i32
            %swap3A_440 = arith.index_cast %swap3A_439 : i32 to index
            %swap3A_441 = arith.index_cast %add3A_397 : i32 to index
            %swap3A_442 = arith.constant 16 : index
            %swap3A_443 = tpu.vector_load %arg11[%swap3A_440, %swap3A_441, %swap3A_442] {strides = array<i32>} : memref<2x100x128xf32, #tpu.memory_space<vmem>>, vector<1x1x16xf32>,
            %swap3A_444 = vector.shape_cast %swap3A_443 : vector<1x1x16xf32> to vector<16xf32>
            %swap3A_445 = vector.shape_cast %sub3A_438 : vector<16xf32> to vector<1x1x16xf32>
            tpu.vector_store %arg11[%swap3A_440, %swap3A_441, %swap3A_442], %swap3A_445 {strides = array<i32>} : memref<2x100x128xf32, #tpu.memory_space<vmem>>, vector<1x1x16xf32>,
            %get3A_446 = arith.constant 1 : i32
            %get3A_447 = arith.index_cast %get3A_446 : i32 to index
            %get3A_448 = arith.index_cast %add3A_397 : i32 to index
            %get3A_449 = arith.constant 32 : index
            %get3A_450 = tpu.vector_load %arg11[%get3A_447, %get3A_448, %get3A_449] {strides = array<i32>} : memref<2x100x128xf32, #tpu.memory_space<vmem>>, vector<1x1x16xf32>,
            %get3A_451 = vector.shape_cast %get3A_450 : vector<1x1x16xf32> to vector<16xf32>
            %mul3A_452 = arith.constant 5 : i32
            %mul3A_453 = arith.muli %scan3A_194, %mul3A_452 : i32
            %add3A_454 = arith.constant 1 : i32
            %add3A_455 = arith.addi %mul3A_453, %add3A_454 : i32
            %get3A_456 = arith.constant 1 : i32
            %get3A_457 = arith.index_cast %get3A_456 : i32 to index
            %get3A_458 = arith.index_cast %add3A_455 : i32 to index
            %get3A_459 = arith.constant 32 : index
            %get3A_460 = tpu.vector_load %arg12[%get3A_457, %get3A_458, %get3A_459] {strides = array<i32>} : memref<2x50x128xf32, #tpu.memory_space<vmem>>, vector<1x1x16xf32>,
            %get3A_461 = vector.shape_cast %get3A_460 : vector<1x1x16xf32> to vector<16xf32>
            %sub3A_462 = arith.subf %get3A_451, %get3A_461 : vector<16xf32>
            %swap3A_463 = arith.constant 1 : i32
            %swap3A_464 = arith.index_cast %swap3A_463 : i32 to index
            %swap3A_465 = arith.index_cast %add3A_397 : i32 to index
            %swap3A_466 = arith.constant 32 : index
            %swap3A_467 = tpu.vector_load %arg11[%swap3A_464, %swap3A_465, %swap3A_466] {strides = array<i32>} : memref<2x100x128xf32, #tpu.memory_space<vmem>>, vector<1x1x16xf32>,
            %swap3A_468 = vector.shape_cast %swap3A_467 : vector<1x1x16xf32> to vector<16xf32>
            %swap3A_469 = vector.shape_cast %sub3A_462 : vector<16xf32> to vector<1x1x16xf32>
            tpu.vector_store %arg11[%swap3A_464, %swap3A_465, %swap3A_466], %swap3A_469 {strides = array<i32>} : memref<2x100x128xf32, #tpu.memory_space<vmem>>, vector<1x1x16xf32>,
            %get3A_470 = arith.constant 1 : i32
            %get3A_471 = arith.index_cast %get3A_470 : i32 to index
            %get3A_472 = arith.index_cast %add3A_397 : i32 to index
            %get3A_473 = arith.constant 48 : index
            %get3A_474 = tpu.vector_load %arg11[%get3A_471, %get3A_472, %get3A_473] {strides = array<i32>} : memref<2x100x128xf32, #tpu.memory_space<vmem>>, vector<1x1x16xf32>,
            %get3A_475 = vector.shape_cast %get3A_474 : vector<1x1x16xf32> to vector<16xf32>
            %mul3A_476 = arith.constant 5 : i32
            %mul3A_477 = arith.muli %scan3A_194, %mul3A_476 : i32
            %add3A_478 = arith.constant 1 : i32
            %add3A_479 = arith.addi %mul3A_477, %add3A_478 : i32
            %get3A_480 = arith.constant 1 : i32
            %get3A_481 = arith.index_cast %get3A_480 : i32 to index
            %get3A_482 = arith.index_cast %add3A_479 : i32 to index
            %get3A_483 = arith.constant 48 : index
            %get3A_484 = tpu.vector_load %arg12[%get3A_481, %get3A_482, %get3A_483] {strides = array<i32>} : memref<2x50x128xf32, #tpu.memory_space<vmem>>, vector<1x1x16xf32>,
            %get3A_485 = vector.shape_cast %get3A_484 : vector<1x1x16xf32> to vector<16xf32>
            %sub3A_486 = arith.subf %get3A_475, %get3A_485 : vector<16xf32>
            %swap3A_487 = arith.constant 1 : i32
            %swap3A_488 = arith.index_cast %swap3A_487 : i32 to index
            %swap3A_489 = arith.index_cast %add3A_397 : i32 to index
            %swap3A_490 = arith.constant 48 : index
            %swap3A_491 = tpu.vector_load %arg11[%swap3A_488, %swap3A_489, %swap3A_490] {strides = array<i32>} : memref<2x100x128xf32, #tpu.memory_space<vmem>>, vector<1x1x16xf32>,
            %swap3A_492 = vector.shape_cast %swap3A_491 : vector<1x1x16xf32> to vector<16xf32>
            %swap3A_493 = vector.shape_cast %sub3A_486 : vector<16xf32> to vector<1x1x16xf32>
            tpu.vector_store %arg11[%swap3A_488, %swap3A_489, %swap3A_490], %swap3A_493 {strides = array<i32>} : memref<2x100x128xf32, #tpu.memory_space<vmem>>, vector<1x1x16xf32>,
            %get3A_494 = arith.constant 1 : i32
            %get3A_495 = arith.index_cast %get3A_494 : i32 to index
            %get3A_496 = arith.index_cast %add3A_397 : i32 to index
            %get3A_497 = arith.constant 64 : index
            %get3A_498 = tpu.vector_load %arg11[%get3A_495, %get3A_496, %get3A_497] {strides = array<i32>} : memref<2x100x128xf32, #tpu.memory_space<vmem>>, vector<1x1x16xf32>,
            %get3A_499 = vector.shape_cast %get3A_498 : vector<1x1x16xf32> to vector<16xf32>
            %mul3A_500 = arith.constant 5 : i32
            %mul3A_501 = arith.muli %scan3A_194, %mul3A_500 : i32
            %add3A_502 = arith.constant 1 : i32
            %add3A_503 = arith.addi %mul3A_501, %add3A_502 : i32
            %get3A_504 = arith.constant 1 : i32
            %get3A_505 = arith.index_cast %get3A_504 : i32 to index
            %get3A_506 = arith.index_cast %add3A_503 : i32 to index
            %get3A_507 = arith.constant 64 : index
            %get3A_508 = tpu.vector_load %arg12[%get3A_505, %get3A_506, %get3A_507] {strides = array<i32>} : memref<2x50x128xf32, #tpu.memory_space<vmem>>, vector<1x1x16xf32>,
            %get3A_509 = vector.shape_cast %get3A_508 : vector<1x1x16xf32> to vector<16xf32>
            %sub3A_510 = arith.subf %get3A_499, %get3A_509 : vector<16xf32>
            %swap3A_511 = arith.constant 1 : i32
            %swap3A_512 = arith.index_cast %swap3A_511 : i32 to index
            %swap3A_513 = arith.index_cast %add3A_397 : i32 to index
            %swap3A_514 = arith.constant 64 : index
            %swap3A_515 = tpu.vector_load %arg11[%swap3A_512, %swap3A_513, %swap3A_514] {strides = array<i32>} : memref<2x100x128xf32, #tpu.memory_space<vmem>>, vector<1x1x16xf32>,
            %swap3A_516 = vector.shape_cast %swap3A_515 : vector<1x1x16xf32> to vector<16xf32>
            %swap3A_517 = vector.shape_cast %sub3A_510 : vector<16xf32> to vector<1x1x16xf32>
            tpu.vector_store %arg11[%swap3A_512, %swap3A_513, %swap3A_514], %swap3A_517 {strides = array<i32>} : memref<2x100x128xf32, #tpu.memory_space<vmem>>, vector<1x1x16xf32>,
            %get3A_518 = arith.constant 1 : i32
            %get3A_519 = arith.index_cast %get3A_518 : i32 to index
            %get3A_520 = arith.index_cast %add3A_397 : i32 to index
            %get3A_521 = arith.constant 80 : index
            %get3A_522 = tpu.vector_load %arg11[%get3A_519, %get3A_520, %get3A_521] {strides = array<i32>} : memref<2x100x128xf32, #tpu.memory_space<vmem>>, vector<1x1x16xf32>,
            %get3A_523 = vector.shape_cast %get3A_522 : vector<1x1x16xf32> to vector<16xf32>
            %mul3A_524 = arith.constant 5 : i32
            %mul3A_525 = arith.muli %scan3A_194, %mul3A_524 : i32
            %add3A_526 = arith.constant 1 : i32
            %add3A_527 = arith.addi %mul3A_525, %add3A_526 : i32
            %get3A_528 = arith.constant 1 : i32
            %get3A_529 = arith.index_cast %get3A_528 : i32 to index
            %get3A_530 = arith.index_cast %add3A_527 : i32 to index
            %get3A_531 = arith.constant 80 : index
            %get3A_532 = tpu.vector_load %arg12[%get3A_529, %get3A_530, %get3A_531] {strides = array<i32>} : memref<2x50x128xf32, #tpu.memory_space<vmem>>, vector<1x1x16xf32>,
            %get3A_533 = vector.shape_cast %get3A_532 : vector<1x1x16xf32> to vector<16xf32>
            %sub3A_534 = arith.subf %get3A_523, %get3A_533 : vector<16xf32>
            %swap3A_535 = arith.constant 1 : i32
            %swap3A_536 = arith.index_cast %swap3A_535 : i32 to index
            %swap3A_537 = arith.index_cast %add3A_397 : i32 to index
            %swap3A_538 = arith.constant 80 : index
            %swap3A_539 = tpu.vector_load %arg11[%swap3A_536, %swap3A_537, %swap3A_538] {strides = array<i32>} : memref<2x100x128xf32, #tpu.memory_space<vmem>>, vector<1x1x16xf32>,
            %swap3A_540 = vector.shape_cast %swap3A_539 : vector<1x1x16xf32> to vector<16xf32>
            %swap3A_541 = vector.shape_cast %sub3A_534 : vector<16xf32> to vector<1x1x16xf32>
            tpu.vector_store %arg11[%swap3A_536, %swap3A_537, %swap3A_538], %swap3A_541 {strides = array<i32>} : memref<2x100x128xf32, #tpu.memory_space<vmem>>, vector<1x1x16xf32>,
            %get3A_542 = arith.constant 1 : i32
            %get3A_543 = arith.index_cast %get3A_542 : i32 to index
            %get3A_544 = arith.index_cast %add3A_397 : i32 to index
            %get3A_545 = arith.constant 96 : index
            %get3A_546 = tpu.vector_load %arg11[%get3A_543, %get3A_544, %get3A_545] {strides = array<i32>} : memref<2x100x128xf32, #tpu.memory_space<vmem>>, vector<1x1x16xf32>,
            %get3A_547 = vector.shape_cast %get3A_546 : vector<1x1x16xf32> to vector<16xf32>
            %mul3A_548 = arith.constant 5 : i32
            %mul3A_549 = arith.muli %scan3A_194, %mul3A_548 : i32
            %add3A_550 = arith.constant 1 : i32
            %add3A_551 = arith.addi %mul3A_549, %add3A_550 : i32
            %get3A_552 = arith.constant 1 : i32
            %get3A_553 = arith.index_cast %get3A_552 : i32 to index
            %get3A_554 = arith.index_cast %add3A_551 : i32 to index
            %get3A_555 = arith.constant 96 : index
            %get3A_556 = tpu.vector_load %arg12[%get3A_553, %get3A_554, %get3A_555] {strides = array<i32>} : memref<2x50x128xf32, #tpu.memory_space<vmem>>, vector<1x1x16xf32>,
            %get3A_557 = vector.shape_cast %get3A_556 : vector<1x1x16xf32> to vector<16xf32>
            %sub3A_558 = arith.subf %get3A_547, %get3A_557 : vector<16xf32>
            %swap3A_559 = arith.constant 1 : i32
            %swap3A_560 = arith.index_cast %swap3A_559 : i32 to index
            %swap3A_561 = arith.index_cast %add3A_397 : i32 to index
            %swap3A_562 = arith.constant 96 : index
            %swap3A_563 = tpu.vector_load %arg11[%swap3A_560, %swap3A_561, %swap3A_562] {strides = array<i32>} : memref<2x100x128xf32, #tpu.memory_space<vmem>>, vector<1x1x16xf32>,
            %swap3A_564 = vector.shape_cast %swap3A_563 : vector<1x1x16xf32> to vector<16xf32>
            %swap3A_565 = vector.shape_cast %sub3A_558 : vector<16xf32> to vector<1x1x16xf32>
            tpu.vector_store %arg11[%swap3A_560, %swap3A_561, %swap3A_562], %swap3A_565 {strides = array<i32>} : memref<2x100x128xf32, #tpu.memory_space<vmem>>, vector<1x1x16xf32>,
            %get3A_566 = arith.constant 1 : i32
            %get3A_567 = arith.index_cast %get3A_566 : i32 to index
            %get3A_568 = arith.index_cast %add3A_397 : i32 to index
            %get3A_569 = arith.constant 112 : index
            %get3A_570 = tpu.vector_load %arg11[%get3A_567, %get3A_568, %get3A_569] {strides = array<i32>} : memref<2x100x128xf32, #tpu.memory_space<vmem>>, vector<1x1x16xf32>,
            %get3A_571 = vector.shape_cast %get3A_570 : vector<1x1x16xf32> to vector<16xf32>
            %mul3A_572 = arith.constant 5 : i32
            %mul3A_573 = arith.muli %scan3A_194, %mul3A_572 : i32
            %add3A_574 = arith.constant 1 : i32
            %add3A_575 = arith.addi %mul3A_573, %add3A_574 : i32
            %get3A_576 = arith.constant 1 : i32
            %get3A_577 = arith.index_cast %get3A_576 : i32 to index
            %get3A_578 = arith.index_cast %add3A_575 : i32 to index
            %get3A_579 = arith.constant 112 : index
            %get3A_580 = tpu.vector_load %arg12[%get3A_577, %get3A_578, %get3A_579] {strides = array<i32>} : memref<2x50x128xf32, #tpu.memory_space<vmem>>, vector<1x1x16xf32>,
            %get3A_581 = vector.shape_cast %get3A_580 : vector<1x1x16xf32> to vector<16xf32>
            %sub3A_582 = arith.subf %get3A_571, %get3A_581 : vector<16xf32>
            %swap3A_583 = arith.constant 1 : i32
            %swap3A_584 = arith.index_cast %swap3A_583 : i32 to index
            %swap3A_585 = arith.index_cast %add3A_397 : i32 to index
            %swap3A_586 = arith.constant 112 : index
            %swap3A_587 = tpu.vector_load %arg11[%swap3A_584, %swap3A_585, %swap3A_586] {strides = array<i32>} : memref<2x100x128xf32, #tpu.memory_space<vmem>>, vector<1x1x16xf32>,
            %swap3A_588 = vector.shape_cast %swap3A_587 : vector<1x1x16xf32> to vector<16xf32>
            %swap3A_589 = vector.shape_cast %sub3A_582 : vector<16xf32> to vector<1x1x16xf32>
            tpu.vector_store %arg11[%swap3A_584, %swap3A_585, %swap3A_586], %swap3A_589 {strides = array<i32>} : memref<2x100x128xf32, #tpu.memory_space<vmem>>, vector<1x1x16xf32>,
            %mul3A_590 = arith.constant 5 : i32
            %mul3A_591 = arith.muli %scan3A_194, %mul3A_590 : i32
            %add3A_592 = arith.constant 50 : i32
            %add3A_593 = arith.addi %add3A_592, %mul3A_591 : i32
            %add3A_594 = arith.constant 2 : i32
            %add3A_595 = arith.addi %add3A_593, %add3A_594 : i32
            %get3A_596 = arith.constant 1 : i32
            %get3A_597 = arith.index_cast %get3A_596 : i32 to index
            %get3A_598 = arith.index_cast %add3A_595 : i32 to index
            %get3A_599 = arith.constant 0 : index
            %get3A_600 = tpu.vector_load %arg11[%get3A_597, %get3A_598, %get3A_599] {strides = array<i32>} : memref<2x100x128xf32, #tpu.memory_space<vmem>>, vector<1x1x16xf32>,
            %get3A_601 = vector.shape_cast %get3A_600 : vector<1x1x16xf32> to vector<16xf32>
            %mul3A_602 = arith.constant 5 : i32
            %mul3A_603 = arith.muli %scan3A_194, %mul3A_602 : i32
            %add3A_604 = arith.constant 2 : i32
            %add3A_605 = arith.addi %mul3A_603, %add3A_604 : i32
            %get3A_606 = arith.constant 1 : i32
            %get3A_607 = arith.index_cast %get3A_606 : i32 to index
            %get3A_608 = arith.index_cast %add3A_605 : i32 to index
            %get3A_609 = arith.constant 0 : index
            %get3A_610 = tpu.vector_load %arg12[%get3A_607, %get3A_608, %get3A_609] {strides = array<i32>} : memref<2x50x128xf32, #tpu.memory_space<vmem>>, vector<1x1x16xf32>,
            %get3A_611 = vector.shape_cast %get3A_610 : vector<1x1x16xf32> to vector<16xf32>
            %sub3A_612 = arith.subf %get3A_601, %get3A_611 : vector<16xf32>
            %swap3A_613 = arith.constant 1 : i32
            %swap3A_614 = arith.index_cast %swap3A_613 : i32 to index
            %swap3A_615 = arith.index_cast %add3A_595 : i32 to index
            %swap3A_616 = arith.constant 0 : index
            %swap3A_617 = tpu.vector_load %arg11[%swap3A_614, %swap3A_615, %swap3A_616] {strides = array<i32>} : memref<2x100x128xf32, #tpu.memory_space<vmem>>, vector<1x1x16xf32>,
            %swap3A_618 = vector.shape_cast %swap3A_617 : vector<1x1x16xf32> to vector<16xf32>
            %swap3A_619 = vector.shape_cast %sub3A_612 : vector<16xf32> to vector<1x1x16xf32>
            tpu.vector_store %arg11[%swap3A_614, %swap3A_615, %swap3A_616], %swap3A_619 {strides = array<i32>} : memref<2x100x128xf32, #tpu.memory_space<vmem>>, vector<1x1x16xf32>,
            %get3A_620 = arith.constant 1 : i32
            %get3A_621 = arith.index_cast %get3A_620 : i32 to index
            %get3A_622 = arith.index_cast %add3A_595 : i32 to index
            %get3A_623 = arith.constant 16 : index
            %get3A_624 = tpu.vector_load %arg11[%get3A_621, %get3A_622, %get3A_623] {strides = array<i32>} : memref<2x100x128xf32, #tpu.memory_space<vmem>>, vector<1x1x16xf32>,
            %get3A_625 = vector.shape_cast %get3A_624 : vector<1x1x16xf32> to vector<16xf32>
            %mul3A_626 = arith.constant 5 : i32
            %mul3A_627 = arith.muli %scan3A_194, %mul3A_626 : i32
            %add3A_628 = arith.constant 2 : i32
            %add3A_629 = arith.addi %mul3A_627, %add3A_628 : i32
            %get3A_630 = arith.constant 1 : i32
            %get3A_631 = arith.index_cast %get3A_630 : i32 to index
            %get3A_632 = arith.index_cast %add3A_629 : i32 to index
            %get3A_633 = arith.constant 16 : index
            %get3A_634 = tpu.vector_load %arg12[%get3A_631, %get3A_632, %get3A_633] {strides = array<i32>} : memref<2x50x128xf32, #tpu.memory_space<vmem>>, vector<1x1x16xf32>,
            %get3A_635 = vector.shape_cast %get3A_634 : vector<1x1x16xf32> to vector<16xf32>
            %sub3A_636 = arith.subf %get3A_625, %get3A_635 : vector<16xf32>
            %swap3A_637 = arith.constant 1 : i32
            %swap3A_638 = arith.index_cast %swap3A_637 : i32 to index
            %swap3A_639 = arith.index_cast %add3A_595 : i32 to index
            %swap3A_640 = arith.constant 16 : index
            %swap3A_641 = tpu.vector_load %arg11[%swap3A_638, %swap3A_639, %swap3A_640] {strides = array<i32>} : memref<2x100x128xf32, #tpu.memory_space<vmem>>, vector<1x1x16xf32>,
            %swap3A_642 = vector.shape_cast %swap3A_641 : vector<1x1x16xf32> to vector<16xf32>
            %swap3A_643 = vector.shape_cast %sub3A_636 : vector<16xf32> to vector<1x1x16xf32>
            tpu.vector_store %arg11[%swap3A_638, %swap3A_639, %swap3A_640], %swap3A_643 {strides = array<i32>} : memref<2x100x128xf32, #tpu.memory_space<vmem>>, vector<1x1x16xf32>,
            %get3A_644 = arith.constant 1 : i32
            %get3A_645 = arith.index_cast %get3A_644 : i32 to index
            %get3A_646 = arith.index_cast %add3A_595 : i32 to index
            %get3A_647 = arith.constant 32 : index
            %get3A_648 = tpu.vector_load %arg11[%get3A_645, %get3A_646, %get3A_647] {strides = array<i32>} : memref<2x100x128xf32, #tpu.memory_space<vmem>>, vector<1x1x16xf32>,
            %get3A_649 = vector.shape_cast %get3A_648 : vector<1x1x16xf32> to vector<16xf32>
            %mul3A_650 = arith.constant 5 : i32
            %mul3A_651 = arith.muli %scan3A_194, %mul3A_650 : i32
            %add3A_652 = arith.constant 2 : i32
            %add3A_653 = arith.addi %mul3A_651, %add3A_652 : i32
            %get3A_654 = arith.constant 1 : i32
            %get3A_655 = arith.index_cast %get3A_654 : i32 to index
            %get3A_656 = arith.index_cast %add3A_653 : i32 to index
            %get3A_657 = arith.constant 32 : index
            %get3A_658 = tpu.vector_load %arg12[%get3A_655, %get3A_656, %get3A_657] {strides = array<i32>} : memref<2x50x128xf32, #tpu.memory_space<vmem>>, vector<1x1x16xf32>,
            %get3A_659 = vector.shape_cast %get3A_658 : vector<1x1x16xf32> to vector<16xf32>
            %sub3A_660 = arith.subf %get3A_649, %get3A_659 : vector<16xf32>
            %swap3A_661 = arith.constant 1 : i32
            %swap3A_662 = arith.index_cast %swap3A_661 : i32 to index
            %swap3A_663 = arith.index_cast %add3A_595 : i32 to index
            %swap3A_664 = arith.constant 32 : index
            %swap3A_665 = tpu.vector_load %arg11[%swap3A_662, %swap3A_663, %swap3A_664] {strides = array<i32>} : memref<2x100x128xf32, #tpu.memory_space<vmem>>, vector<1x1x16xf32>,
            %swap3A_666 = vector.shape_cast %swap3A_665 : vector<1x1x16xf32> to vector<16xf32>
            %swap3A_667 = vector.shape_cast %sub3A_660 : vector<16xf32> to vector<1x1x16xf32>
            tpu.vector_store %arg11[%swap3A_662, %swap3A_663, %swap3A_664], %swap3A_667 {strides = array<i32>} : memref<2x100x128xf32, #tpu.memory_space<vmem>>, vector<1x1x16xf32>,
            %get3A_668 = arith.constant 1 : i32
            %get3A_669 = arith.index_cast %get3A_668 : i32 to index
            %get3A_670 = arith.index_cast %add3A_595 : i32 to index
            %get3A_671 = arith.constant 48 : index
            %get3A_672 = tpu.vector_load %arg11[%get3A_669, %get3A_670, %get3A_671] {strides = array<i32>} : memref<2x100x128xf32, #tpu.memory_space<vmem>>, vector<1x1x16xf32>,
            %get3A_673 = vector.shape_cast %get3A_672 : vector<1x1x16xf32> to vector<16xf32>
            %mul3A_674 = arith.constant 5 : i32
            %mul3A_675 = arith.muli %scan3A_194, %mul3A_674 : i32
            %add3A_676 = arith.constant 2 : i32
            %add3A_677 = arith.addi %mul3A_675, %add3A_676 : i32
            %get3A_678 = arith.constant 1 : i32
            %get3A_679 = arith.index_cast %get3A_678 : i32 to index
            %get3A_680 = arith.index_cast %add3A_677 : i32 to index
            %get3A_681 = arith.constant 48 : index
            %get3A_682 = tpu.vector_load %arg12[%get3A_679, %get3A_680, %get3A_681] {strides = array<i32>} : memref<2x50x128xf32, #tpu.memory_space<vmem>>, vector<1x1x16xf32>,
            %get3A_683 = vector.shape_cast %get3A_682 : vector<1x1x16xf32> to vector<16xf32>
            %sub3A_684 = arith.subf %get3A_673, %get3A_683 : vector<16xf32>
            %swap3A_685 = arith.constant 1 : i32
            %swap3A_686 = arith.index_cast %swap3A_685 : i32 to index
            %swap3A_687 = arith.index_cast %add3A_595 : i32 to index
            %swap3A_688 = arith.constant 48 : index
            %swap3A_689 = tpu.vector_load %arg11[%swap3A_686, %swap3A_687, %swap3A_688] {strides = array<i32>} : memref<2x100x128xf32, #tpu.memory_space<vmem>>, vector<1x1x16xf32>,
            %swap3A_690 = vector.shape_cast %swap3A_689 : vector<1x1x16xf32> to vector<16xf32>
            %swap3A_691 = vector.shape_cast %sub3A_684 : vector<16xf32> to vector<1x1x16xf32>
            tpu.vector_store %arg11[%swap3A_686, %swap3A_687, %swap3A_688], %swap3A_691 {strides = array<i32>} : memref<2x100x128xf32, #tpu.memory_space<vmem>>, vector<1x1x16xf32>,
            %get3A_692 = arith.constant 1 : i32
            %get3A_693 = arith.index_cast %get3A_692 : i32 to index
            %get3A_694 = arith.index_cast %add3A_595 : i32 to index
            %get3A_695 = arith.constant 64 : index
            %get3A_696 = tpu.vector_load %arg11[%get3A_693, %get3A_694, %get3A_695] {strides = array<i32>} : memref<2x100x128xf32, #tpu.memory_space<vmem>>, vector<1x1x16xf32>,
            %get3A_697 = vector.shape_cast %get3A_696 : vector<1x1x16xf32> to vector<16xf32>
            %mul3A_698 = arith.constant 5 : i32
            %mul3A_699 = arith.muli %scan3A_194, %mul3A_698 : i32
            %add3A_700 = arith.constant 2 : i32
            %add3A_701 = arith.addi %mul3A_699, %add3A_700 : i32
            %get3A_702 = arith.constant 1 : i32
            %get3A_703 = arith.index_cast %get3A_702 : i32 to index
            %get3A_704 = arith.index_cast %add3A_701 : i32 to index
            %get3A_705 = arith.constant 64 : index
            %get3A_706 = tpu.vector_load %arg12[%get3A_703, %get3A_704, %get3A_705] {strides = array<i32>} : memref<2x50x128xf32, #tpu.memory_space<vmem>>, vector<1x1x16xf32>,
            %get3A_707 = vector.shape_cast %get3A_706 : vector<1x1x16xf32> to vector<16xf32>
            %sub3A_708 = arith.subf %get3A_697, %get3A_707 : vector<16xf32>
            %swap3A_709 = arith.constant 1 : i32
            %swap3A_710 = arith.index_cast %swap3A_709 : i32 to index
            %swap3A_711 = arith.index_cast %add3A_595 : i32 to index
            %swap3A_712 = arith.constant 64 : index
            %swap3A_713 = tpu.vector_load %arg11[%swap3A_710, %swap3A_711, %swap3A_712] {strides = array<i32>} : memref<2x100x128xf32, #tpu.memory_space<vmem>>, vector<1x1x16xf32>,
            %swap3A_714 = vector.shape_cast %swap3A_713 : vector<1x1x16xf32> to vector<16xf32>
            %swap3A_715 = vector.shape_cast %sub3A_708 : vector<16xf32> to vector<1x1x16xf32>
            tpu.vector_store %arg11[%swap3A_710, %swap3A_711, %swap3A_712], %swap3A_715 {strides = array<i32>} : memref<2x100x128xf32, #tpu.memory_space<vmem>>, vector<1x1x16xf32>,
            %get3A_716 = arith.constant 1 : i32
            %get3A_717 = arith.index_cast %get3A_716 : i32 to index
            %get3A_718 = arith.index_cast %add3A_595 : i32 to index
            %get3A_719 = arith.constant 80 : index
            %get3A_720 = tpu.vector_load %arg11[%get3A_717, %get3A_718, %get3A_719] {strides = array<i32>} : memref<2x100x128xf32, #tpu.memory_space<vmem>>, vector<1x1x16xf32>,
            %get3A_721 = vector.shape_cast %get3A_720 : vector<1x1x16xf32> to vector<16xf32>
            %mul3A_722 = arith.constant 5 : i32
            %mul3A_723 = arith.muli %scan3A_194, %mul3A_722 : i32
            %add3A_724 = arith.constant 2 : i32
            %add3A_725 = arith.addi %mul3A_723, %add3A_724 : i32
            %get3A_726 = arith.constant 1 : i32
            %get3A_727 = arith.index_cast %get3A_726 : i32 to index
            %get3A_728 = arith.index_cast %add3A_725 : i32 to index
            %get3A_729 = arith.constant 80 : index
            %get3A_730 = tpu.vector_load %arg12[%get3A_727, %get3A_728, %get3A_729] {strides = array<i32>} : memref<2x50x128xf32, #tpu.memory_space<vmem>>, vector<1x1x16xf32>,
            %get3A_731 = vector.shape_cast %get3A_730 : vector<1x1x16xf32> to vector<16xf32>
            %sub3A_732 = arith.subf %get3A_721, %get3A_731 : vector<16xf32>
            %swap3A_733 = arith.constant 1 : i32
            %swap3A_734 = arith.index_cast %swap3A_733 : i32 to index
            %swap3A_735 = arith.index_cast %add3A_595 : i32 to index
            %swap3A_736 = arith.constant 80 : index
            %swap3A_737 = tpu.vector_load %arg11[%swap3A_734, %swap3A_735, %swap3A_736] {strides = array<i32>} : memref<2x100x128xf32, #tpu.memory_space<vmem>>, vector<1x1x16xf32>,
            %swap3A_738 = vector.shape_cast %swap3A_737 : vector<1x1x16xf32> to vector<16xf32>
            %swap3A_739 = vector.shape_cast %sub3A_732 : vector<16xf32> to vector<1x1x16xf32>
            tpu.vector_store %arg11[%swap3A_734, %swap3A_735, %swap3A_736], %swap3A_739 {strides = array<i32>} : memref<2x100x128xf32, #tpu.memory_space<vmem>>, vector<1x1x16xf32>,
            %get3A_740 = arith.constant 1 : i32
            %get3A_741 = arith.index_cast %get3A_740 : i32 to index
            %get3A_742 = arith.index_cast %add3A_595 : i32 to index
            %get3A_743 = arith.constant 96 : index
            %get3A_744 = tpu.vector_load %arg11[%get3A_741, %get3A_742, %get3A_743] {strides = array<i32>} : memref<2x100x128xf32, #tpu.memory_space<vmem>>, vector<1x1x16xf32>,
            %get3A_745 = vector.shape_cast %get3A_744 : vector<1x1x16xf32> to vector<16xf32>
            %mul3A_746 = arith.constant 5 : i32
            %mul3A_747 = arith.muli %scan3A_194, %mul3A_746 : i32
            %add3A_748 = arith.constant 2 : i32
            %add3A_749 = arith.addi %mul3A_747, %add3A_748 : i32
            %get3A_750 = arith.constant 1 : i32
            %get3A_751 = arith.index_cast %get3A_750 : i32 to index
            %get3A_752 = arith.index_cast %add3A_749 : i32 to index
            %get3A_753 = arith.constant 96 : index
            %get3A_754 = tpu.vector_load %arg12[%get3A_751, %get3A_752, %get3A_753] {strides = array<i32>} : memref<2x50x128xf32, #tpu.memory_space<vmem>>, vector<1x1x16xf32>,
            %get3A_755 = vector.shape_cast %get3A_754 : vector<1x1x16xf32> to vector<16xf32>
            %sub3A_756 = arith.subf %get3A_745, %get3A_755 : vector<16xf32>
            %swap3A_757 = arith.constant 1 : i32
            %swap3A_758 = arith.index_cast %swap3A_757 : i32 to index
            %swap3A_759 = arith.index_cast %add3A_595 : i32 to index
            %swap3A_760 = arith.constant 96 : index
            %swap3A_761 = tpu.vector_load %arg11[%swap3A_758, %swap3A_759, %swap3A_760] {strides = array<i32>} : memref<2x100x128xf32, #tpu.memory_space<vmem>>, vector<1x1x16xf32>,
            %swap3A_762 = vector.shape_cast %swap3A_761 : vector<1x1x16xf32> to vector<16xf32>
            %swap3A_763 = vector.shape_cast %sub3A_756 : vector<16xf32> to vector<1x1x16xf32>
            tpu.vector_store %arg11[%swap3A_758, %swap3A_759, %swap3A_760], %swap3A_763 {strides = array<i32>} : memref<2x100x128xf32, #tpu.memory_space<vmem>>, vector<1x1x16xf32>,
            %get3A_764 = arith.constant 1 : i32
            %get3A_765 = arith.index_cast %get3A_764 : i32 to index
            %get3A_766 = arith.index_cast %add3A_595 : i32 to index
            %get3A_767 = arith.constant 112 : index
            %get3A_768 = tpu.vector_load %arg11[%get3A_765, %get3A_766, %get3A_767] {strides = array<i32>} : memref<2x100x128xf32, #tpu.memory_space<vmem>>, vector<1x1x16xf32>,
            %get3A_769 = vector.shape_cast %get3A_768 : vector<1x1x16xf32> to vector<16xf32>
            %mul3A_770 = arith.constant 5 : i32
            %mul3A_771 = arith.muli %scan3A_194, %mul3A_770 : i32
            %add3A_772 = arith.constant 2 : i32
            %add3A_773 = arith.addi %mul3A_771, %add3A_772 : i32
            %get3A_774 = arith.constant 1 : i32
            %get3A_775 = arith.index_cast %get3A_774 : i32 to index
            %get3A_776 = arith.index_cast %add3A_773 : i32 to index
            %get3A_777 = arith.constant 112 : index
            %get3A_778 = tpu.vector_load %arg12[%get3A_775, %get3A_776, %get3A_777] {strides = array<i32>} : memref<2x50x128xf32, #tpu.memory_space<vmem>>, vector<1x1x16xf32>,
            %get3A_779 = vector.shape_cast %get3A_778 : vector<1x1x16xf32> to vector<16xf32>
            %sub3A_780 = arith.subf %get3A_769, %get3A_779 : vector<16xf32>
            %swap3A_781 = arith.constant 1 : i32
            %swap3A_782 = arith.index_cast %swap3A_781 : i32 to index
            %swap3A_783 = arith.index_cast %add3A_595 : i32 to index
            %swap3A_784 = arith.constant 112 : index
            %swap3A_785 = tpu.vector_load %arg11[%swap3A_782, %swap3A_783, %swap3A_784] {strides = array<i32>} : memref<2x100x128xf32, #tpu.memory_space<vmem>>, vector<1x1x16xf32>,
            %swap3A_786 = vector.shape_cast %swap3A_785 : vector<1x1x16xf32> to vector<16xf32>
            %swap3A_787 = vector.shape_cast %sub3A_780 : vector<16xf32> to vector<1x1x16xf32>
            tpu.vector_store %arg11[%swap3A_782, %swap3A_783, %swap3A_784], %swap3A_787 {strides = array<i32>} : memref<2x100x128xf32, #tpu.memory_space<vmem>>, vector<1x1x16xf32>,
            %mul3A_788 = arith.constant 5 : i32
            %mul3A_789 = arith.muli %scan3A_194, %mul3A_788 : i32
            %add3A_790 = arith.constant 50 : i32
            %add3A_791 = arith.addi %add3A_790, %mul3A_789 : i32
            %add3A_792 = arith.constant 3 : i32
            %add3A_793 = arith.addi %add3A_791, %add3A_792 : i32
            %get3A_794 = arith.constant 1 : i32
            %get3A_795 = arith.index_cast %get3A_794 : i32 to index
            %get3A_796 = arith.index_cast %add3A_793 : i32 to index
            %get3A_797 = arith.constant 0 : index
            %get3A_798 = tpu.vector_load %arg11[%get3A_795, %get3A_796, %get3A_797] {strides = array<i32>} : memref<2x100x128xf32, #tpu.memory_space<vmem>>, vector<1x1x16xf32>,
            %get3A_799 = vector.shape_cast %get3A_798 : vector<1x1x16xf32> to vector<16xf32>
            %mul3A_800 = arith.constant 5 : i32
            %mul3A_801 = arith.muli %scan3A_194, %mul3A_800 : i32
            %add3A_802 = arith.constant 3 : i32
            %add3A_803 = arith.addi %mul3A_801, %add3A_802 : i32
            %get3A_804 = arith.constant 1 : i32
            %get3A_805 = arith.index_cast %get3A_804 : i32 to index
            %get3A_806 = arith.index_cast %add3A_803 : i32 to index
            %get3A_807 = arith.constant 0 : index
            %get3A_808 = tpu.vector_load %arg12[%get3A_805, %get3A_806, %get3A_807] {strides = array<i32>} : memref<2x50x128xf32, #tpu.memory_space<vmem>>, vector<1x1x16xf32>,
            %get3A_809 = vector.shape_cast %get3A_808 : vector<1x1x16xf32> to vector<16xf32>
            %sub3A_810 = arith.subf %get3A_799, %get3A_809 : vector<16xf32>
            %swap3A_811 = arith.constant 1 : i32
            %swap3A_812 = arith.index_cast %swap3A_811 : i32 to index
            %swap3A_813 = arith.index_cast %add3A_793 : i32 to index
            %swap3A_814 = arith.constant 0 : index
            %swap3A_815 = tpu.vector_load %arg11[%swap3A_812, %swap3A_813, %swap3A_814] {strides = array<i32>} : memref<2x100x128xf32, #tpu.memory_space<vmem>>, vector<1x1x16xf32>,
            %swap3A_816 = vector.shape_cast %swap3A_815 : vector<1x1x16xf32> to vector<16xf32>
            %swap3A_817 = vector.shape_cast %sub3A_810 : vector<16xf32> to vector<1x1x16xf32>
            tpu.vector_store %arg11[%swap3A_812, %swap3A_813, %swap3A_814], %swap3A_817 {strides = array<i32>} : memref<2x100x128xf32, #tpu.memory_space<vmem>>, vector<1x1x16xf32>,
            %get3A_818 = arith.constant 1 : i32
            %get3A_819 = arith.index_cast %get3A_818 : i32 to index
            %get3A_820 = arith.index_cast %add3A_793 : i32 to index
            %get3A_821 = arith.constant 16 : index
            %get3A_822 = tpu.vector_load %arg11[%get3A_819, %get3A_820, %get3A_821] {strides = array<i32>} : memref<2x100x128xf32, #tpu.memory_space<vmem>>, vector<1x1x16xf32>,
            %get3A_823 = vector.shape_cast %get3A_822 : vector<1x1x16xf32> to vector<16xf32>
            %mul3A_824 = arith.constant 5 : i32
            %mul3A_825 = arith.muli %scan3A_194, %mul3A_824 : i32
            %add3A_826 = arith.constant 3 : i32
            %add3A_827 = arith.addi %mul3A_825, %add3A_826 : i32
            %get3A_828 = arith.constant 1 : i32
            %get3A_829 = arith.index_cast %get3A_828 : i32 to index
            %get3A_830 = arith.index_cast %add3A_827 : i32 to index
            %get3A_831 = arith.constant 16 : index
            %get3A_832 = tpu.vector_load %arg12[%get3A_829, %get3A_830, %get3A_831] {strides = array<i32>} : memref<2x50x128xf32, #tpu.memory_space<vmem>>, vector<1x1x16xf32>,
            %get3A_833 = vector.shape_cast %get3A_832 : vector<1x1x16xf32> to vector<16xf32>
            %sub3A_834 = arith.subf %get3A_823, %get3A_833 : vector<16xf32>
            %swap3A_835 = arith.constant 1 : i32
            %swap3A_836 = arith.index_cast %swap3A_835 : i32 to index
            %swap3A_837 = arith.index_cast %add3A_793 : i32 to index
            %swap3A_838 = arith.constant 16 : index
            %swap3A_839 = tpu.vector_load %arg11[%swap3A_836, %swap3A_837, %swap3A_838] {strides = array<i32>} : memref<2x100x128xf32, #tpu.memory_space<vmem>>, vector<1x1x16xf32>,
            %swap3A_840 = vector.shape_cast %swap3A_839 : vector<1x1x16xf32> to vector<16xf32>
            %swap3A_841 = vector.shape_cast %sub3A_834 : vector<16xf32> to vector<1x1x16xf32>
            tpu.vector_store %arg11[%swap3A_836, %swap3A_837, %swap3A_838], %swap3A_841 {strides = array<i32>} : memref<2x100x128xf32, #tpu.memory_space<vmem>>, vector<1x1x16xf32>,
            %get3A_842 = arith.constant 1 : i32
            %get3A_843 = arith.index_cast %get3A_842 : i32 to index
            %get3A_844 = arith.index_cast %add3A_793 : i32 to index
            %get3A_845 = arith.constant 32 : index
            %get3A_846 = tpu.vector_load %arg11[%get3A_843, %get3A_844, %get3A_845] {strides = array<i32>} : memref<2x100x128xf32, #tpu.memory_space<vmem>>, vector<1x1x16xf32>,
            %get3A_847 = vector.shape_cast %get3A_846 : vector<1x1x16xf32> to vector<16xf32>
            %mul3A_848 = arith.constant 5 : i32
            %mul3A_849 = arith.muli %scan3A_194, %mul3A_848 : i32
            %add3A_850 = arith.constant 3 : i32
            %add3A_851 = arith.addi %mul3A_849, %add3A_850 : i32
            %get3A_852 = arith.constant 1 : i32
            %get3A_853 = arith.index_cast %get3A_852 : i32 to index
            %get3A_854 = arith.index_cast %add3A_851 : i32 to index
            %get3A_855 = arith.constant 32 : index
            %get3A_856 = tpu.vector_load %arg12[%get3A_853, %get3A_854, %get3A_855] {strides = array<i32>} : memref<2x50x128xf32, #tpu.memory_space<vmem>>, vector<1x1x16xf32>,
            %get3A_857 = vector.shape_cast %get3A_856 : vector<1x1x16xf32> to vector<16xf32>
            %sub3A_858 = arith.subf %get3A_847, %get3A_857 : vector<16xf32>
            %swap3A_859 = arith.constant 1 : i32
            %swap3A_860 = arith.index_cast %swap3A_859 : i32 to index
            %swap3A_861 = arith.index_cast %add3A_793 : i32 to index
            %swap3A_862 = arith.constant 32 : index
            %swap3A_863 = tpu.vector_load %arg11[%swap3A_860, %swap3A_861, %swap3A_862] {strides = array<i32>} : memref<2x100x128xf32, #tpu.memory_space<vmem>>, vector<1x1x16xf32>,
            %swap3A_864 = vector.shape_cast %swap3A_863 : vector<1x1x16xf32> to vector<16xf32>
            %swap3A_865 = vector.shape_cast %sub3A_858 : vector<16xf32> to vector<1x1x16xf32>
            tpu.vector_store %arg11[%swap3A_860, %swap3A_861, %swap3A_862], %swap3A_865 {strides = array<i32>} : memref<2x100x128xf32, #tpu.memory_space<vmem>>, vector<1x1x16xf32>,
            %get3A_866 = arith.constant 1 : i32
            %get3A_867 = arith.index_cast %get3A_866 : i32 to index
            %get3A_868 = arith.index_cast %add3A_793 : i32 to index
            %get3A_869 = arith.constant 48 : index
            %get3A_870 = tpu.vector_load %arg11[%get3A_867, %get3A_868, %get3A_869] {strides = array<i32>} : memref<2x100x128xf32, #tpu.memory_space<vmem>>, vector<1x1x16xf32>,
            %get3A_871 = vector.shape_cast %get3A_870 : vector<1x1x16xf32> to vector<16xf32>
            %mul3A_872 = arith.constant 5 : i32
            %mul3A_873 = arith.muli %scan3A_194, %mul3A_872 : i32
            %add3A_874 = arith.constant 3 : i32
            %add3A_875 = arith.addi %mul3A_873, %add3A_874 : i32
            %get3A_876 = arith.constant 1 : i32
            %get3A_877 = arith.index_cast %get3A_876 : i32 to index
            %get3A_878 = arith.index_cast %add3A_875 : i32 to index
            %get3A_879 = arith.constant 48 : index
            %get3A_880 = tpu.vector_load %arg12[%get3A_877, %get3A_878, %get3A_879] {strides = array<i32>} : memref<2x50x128xf32, #tpu.memory_space<vmem>>, vector<1x1x16xf32>,
            %get3A_881 = vector.shape_cast %get3A_880 : vector<1x1x16xf32> to vector<16xf32>
            %sub3A_882 = arith.subf %get3A_871, %get3A_881 : vector<16xf32>
            %swap3A_883 = arith.constant 1 : i32
            %swap3A_884 = arith.index_cast %swap3A_883 : i32 to index
            %swap3A_885 = arith.index_cast %add3A_793 : i32 to index
            %swap3A_886 = arith.constant 48 : index
            %swap3A_887 = tpu.vector_load %arg11[%swap3A_884, %swap3A_885, %swap3A_886] {strides = array<i32>} : memref<2x100x128xf32, #tpu.memory_space<vmem>>, vector<1x1x16xf32>,
            %swap3A_888 = vector.shape_cast %swap3A_887 : vector<1x1x16xf32> to vector<16xf32>
            %swap3A_889 = vector.shape_cast %sub3A_882 : vector<16xf32> to vector<1x1x16xf32>
            tpu.vector_store %arg11[%swap3A_884, %swap3A_885, %swap3A_886], %swap3A_889 {strides = array<i32>} : memref<2x100x128xf32, #tpu.memory_space<vmem>>, vector<1x1x16xf32>,
            %get3A_890 = arith.constant 1 : i32
            %get3A_891 = arith.index_cast %get3A_890 : i32 to index
            %get3A_892 = arith.index_cast %add3A_793 : i32 to index
            %get3A_893 = arith.constant 64 : index
            %get3A_894 = tpu.vector_load %arg11[%get3A_891, %get3A_892, %get3A_893] {strides = array<i32>} : memref<2x100x128xf32, #tpu.memory_space<vmem>>, vector<1x1x16xf32>,
            %get3A_895 = vector.shape_cast %get3A_894 : vector<1x1x16xf32> to vector<16xf32>
            %mul3A_896 = arith.constant 5 : i32
            %mul3A_897 = arith.muli %scan3A_194, %mul3A_896 : i32
            %add3A_898 = arith.constant 3 : i32
            %add3A_899 = arith.addi %mul3A_897, %add3A_898 : i32
            %get3A_900 = arith.constant 1 : i32
            %get3A_901 = arith.index_cast %get3A_900 : i32 to index
            %get3A_902 = arith.index_cast %add3A_899 : i32 to index
            %get3A_903 = arith.constant 64 : index
            %get3A_904 = tpu.vector_load %arg12[%get3A_901, %get3A_902, %get3A_903] {strides = array<i32>} : memref<2x50x128xf32, #tpu.memory_space<vmem>>, vector<1x1x16xf32>,
            %get3A_905 = vector.shape_cast %get3A_904 : vector<1x1x16xf32> to vector<16xf32>
            %sub3A_906 = arith.subf %get3A_895, %get3A_905 : vector<16xf32>
            %swap3A_907 = arith.constant 1 : i32
            %swap3A_908 = arith.index_cast %swap3A_907 : i32 to index
            %swap3A_909 = arith.index_cast %add3A_793 : i32 to index
            %swap3A_910 = arith.constant 64 : index
            %swap3A_911 = tpu.vector_load %arg11[%swap3A_908, %swap3A_909, %swap3A_910] {strides = array<i32>} : memref<2x100x128xf32, #tpu.memory_space<vmem>>, vector<1x1x16xf32>,
            %swap3A_912 = vector.shape_cast %swap3A_911 : vector<1x1x16xf32> to vector<16xf32>
            %swap3A_913 = vector.shape_cast %sub3A_906 : vector<16xf32> to vector<1x1x16xf32>
            tpu.vector_store %arg11[%swap3A_908, %swap3A_909, %swap3A_910], %swap3A_913 {strides = array<i32>} : memref<2x100x128xf32, #tpu.memory_space<vmem>>, vector<1x1x16xf32>,
            %get3A_914 = arith.constant 1 : i32
            %get3A_915 = arith.index_cast %get3A_914 : i32 to index
            %get3A_916 = arith.index_cast %add3A_793 : i32 to index
            %get3A_917 = arith.constant 80 : index
            %get3A_918 = tpu.vector_load %arg11[%get3A_915, %get3A_916, %get3A_917] {strides = array<i32>} : memref<2x100x128xf32, #tpu.memory_space<vmem>>, vector<1x1x16xf32>,
            %get3A_919 = vector.shape_cast %get3A_918 : vector<1x1x16xf32> to vector<16xf32>
            %mul3A_920 = arith.constant 5 : i32
            %mul3A_921 = arith.muli %scan3A_194, %mul3A_920 : i32
            %add3A_922 = arith.constant 3 : i32
            %add3A_923 = arith.addi %mul3A_921, %add3A_922 : i32
            %get3A_924 = arith.constant 1 : i32
            %get3A_925 = arith.index_cast %get3A_924 : i32 to index
            %get3A_926 = arith.index_cast %add3A_923 : i32 to index
            %get3A_927 = arith.constant 80 : index
            %get3A_928 = tpu.vector_load %arg12[%get3A_925, %get3A_926, %get3A_927] {strides = array<i32>} : memref<2x50x128xf32, #tpu.memory_space<vmem>>, vector<1x1x16xf32>,
            %get3A_929 = vector.shape_cast %get3A_928 : vector<1x1x16xf32> to vector<16xf32>
            %sub3A_930 = arith.subf %get3A_919, %get3A_929 : vector<16xf32>
            %swap3A_931 = arith.constant 1 : i32
            %swap3A_932 = arith.index_cast %swap3A_931 : i32 to index
            %swap3A_933 = arith.index_cast %add3A_793 : i32 to index
            %swap3A_934 = arith.constant 80 : index
            %swap3A_935 = tpu.vector_load %arg11[%swap3A_932, %swap3A_933, %swap3A_934] {strides = array<i32>} : memref<2x100x128xf32, #tpu.memory_space<vmem>>, vector<1x1x16xf32>,
            %swap3A_936 = vector.shape_cast %swap3A_935 : vector<1x1x16xf32> to vector<16xf32>
            %swap3A_937 = vector.shape_cast %sub3A_930 : vector<16xf32> to vector<1x1x16xf32>
            tpu.vector_store %arg11[%swap3A_932, %swap3A_933, %swap3A_934], %swap3A_937 {strides = array<i32>} : memref<2x100x128xf32, #tpu.memory_space<vmem>>, vector<1x1x16xf32>,
            %get3A_938 = arith.constant 1 : i32
            %get3A_939 = arith.index_cast %get3A_938 : i32 to index
            %get3A_940 = arith.index_cast %add3A_793 : i32 to index
            %get3A_941 = arith.constant 96 : index
            %get3A_942 = tpu.vector_load %arg11[%get3A_939, %get3A_940, %get3A_941] {strides = array<i32>} : memref<2x100x128xf32, #tpu.memory_space<vmem>>, vector<1x1x16xf32>,
            %get3A_943 = vector.shape_cast %get3A_942 : vector<1x1x16xf32> to vector<16xf32>
            %mul3A_944 = arith.constant 5 : i32
            %mul3A_945 = arith.muli %scan3A_194, %mul3A_944 : i32
            %add3A_946 = arith.constant 3 : i32
            %add3A_947 = arith.addi %mul3A_945, %add3A_946 : i32
            %get3A_948 = arith.constant 1 : i32
            %get3A_949 = arith.index_cast %get3A_948 : i32 to index
            %get3A_950 = arith.index_cast %add3A_947 : i32 to index
            %get3A_951 = arith.constant 96 : index
            %get3A_952 = tpu.vector_load %arg12[%get3A_949, %get3A_950, %get3A_951] {strides = array<i32>} : memref<2x50x128xf32, #tpu.memory_space<vmem>>, vector<1x1x16xf32>,
            %get3A_953 = vector.shape_cast %get3A_952 : vector<1x1x16xf32> to vector<16xf32>
            %sub3A_954 = arith.subf %get3A_943, %get3A_953 : vector<16xf32>
            %swap3A_955 = arith.constant 1 : i32
            %swap3A_956 = arith.index_cast %swap3A_955 : i32 to index
            %swap3A_957 = arith.index_cast %add3A_793 : i32 to index
            %swap3A_958 = arith.constant 96 : index
            %swap3A_959 = tpu.vector_load %arg11[%swap3A_956, %swap3A_957, %swap3A_958] {strides = array<i32>} : memref<2x100x128xf32, #tpu.memory_space<vmem>>, vector<1x1x16xf32>,
            %swap3A_960 = vector.shape_cast %swap3A_959 : vector<1x1x16xf32> to vector<16xf32>
            %swap3A_961 = vector.shape_cast %sub3A_954 : vector<16xf32> to vector<1x1x16xf32>
            tpu.vector_store %arg11[%swap3A_956, %swap3A_957, %swap3A_958], %swap3A_961 {strides = array<i32>} : memref<2x100x128xf32, #tpu.memory_space<vmem>>, vector<1x1x16xf32>,
            %get3A_962 = arith.constant 1 : i32
            %get3A_963 = arith.index_cast %get3A_962 : i32 to index
            %get3A_964 = arith.index_cast %add3A_793 : i32 to index
            %get3A_965 = arith.constant 112 : index
            %get3A_966 = tpu.vector_load %arg11[%get3A_963, %get3A_964, %get3A_965] {strides = array<i32>} : memref<2x100x128xf32, #tpu.memory_space<vmem>>, vector<1x1x16xf32>,
            %get3A_967 = vector.shape_cast %get3A_966 : vector<1x1x16xf32> to vector<16xf32>
            %mul3A_968 = arith.constant 5 : i32
            %mul3A_969 = arith.muli %scan3A_194, %mul3A_968 : i32
            %add3A_970 = arith.constant 3 : i32
            %add3A_971 = arith.addi %mul3A_969, %add3A_970 : i32
            %get3A_972 = arith.constant 1 : i32
            %get3A_973 = arith.index_cast %get3A_972 : i32 to index
            %get3A_974 = arith.index_cast %add3A_971 : i32 to index
            %get3A_975 = arith.constant 112 : index
            %get3A_976 = tpu.vector_load %arg12[%get3A_973, %get3A_974, %get3A_975] {strides = array<i32>} : memref<2x50x128xf32, #tpu.memory_space<vmem>>, vector<1x1x16xf32>,
            %get3A_977 = vector.shape_cast %get3A_976 : vector<1x1x16xf32> to vector<16xf32>
            %sub3A_978 = arith.subf %get3A_967, %get3A_977 : vector<16xf32>
            %swap3A_979 = arith.constant 1 : i32
            %swap3A_980 = arith.index_cast %swap3A_979 : i32 to index
            %swap3A_981 = arith.index_cast %add3A_793 : i32 to index
            %swap3A_982 = arith.constant 112 : index
            %swap3A_983 = tpu.vector_load %arg11[%swap3A_980, %swap3A_981, %swap3A_982] {strides = array<i32>} : memref<2x100x128xf32, #tpu.memory_space<vmem>>, vector<1x1x16xf32>,
            %swap3A_984 = vector.shape_cast %swap3A_983 : vector<1x1x16xf32> to vector<16xf32>
            %swap3A_985 = vector.shape_cast %sub3A_978 : vector<16xf32> to vector<1x1x16xf32>
            tpu.vector_store %arg11[%swap3A_980, %swap3A_981, %swap3A_982], %swap3A_985 {strides = array<i32>} : memref<2x100x128xf32, #tpu.memory_space<vmem>>, vector<1x1x16xf32>,
            %mul3A_986 = arith.constant 5 : i32
            %mul3A_987 = arith.muli %scan3A_194, %mul3A_986 : i32
            %add3A_988 = arith.constant 50 : i32
            %add3A_989 = arith.addi %add3A_988, %mul3A_987 : i32
            %add3A_990 = arith.constant 4 : i32
            %add3A_991 = arith.addi %add3A_989, %add3A_990 : i32
            %get3A_992 = arith.constant 1 : i32
            %get3A_993 = arith.index_cast %get3A_992 : i32 to index
            %get3A_994 = arith.index_cast %add3A_991 : i32 to index
            %get3A_995 = arith.constant 0 : index
            %get3A_996 = tpu.vector_load %arg11[%get3A_993, %get3A_994, %get3A_995] {strides = array<i32>} : memref<2x100x128xf32, #tpu.memory_space<vmem>>, vector<1x1x16xf32>,
            %get3A_997 = vector.shape_cast %get3A_996 : vector<1x1x16xf32> to vector<16xf32>
            %mul3A_998 = arith.constant 5 : i32
            %mul3A_999 = arith.muli %scan3A_194, %mul3A_998 : i32
            %add3A_1000 = arith.constant 4 : i32
            %add3A_1001 = arith.addi %mul3A_999, %add3A_1000 : i32
            %get3A_1002 = arith.constant 1 : i32
            %get3A_1003 = arith.index_cast %get3A_1002 : i32 to index
            %get3A_1004 = arith.index_cast %add3A_1001 : i32 to index
            %get3A_1005 = arith.constant 0 : index
            %get3A_1006 = tpu.vector_load %arg12[%get3A_1003, %get3A_1004, %get3A_1005] {strides = array<i32>} : memref<2x50x128xf32, #tpu.memory_space<vmem>>, vector<1x1x16xf32>,
            %get3A_1007 = vector.shape_cast %get3A_1006 : vector<1x1x16xf32> to vector<16xf32>
            %sub3A_1008 = arith.subf %get3A_997, %get3A_1007 : vector<16xf32>
            %swap3A_1009 = arith.constant 1 : i32
            %swap3A_1010 = arith.index_cast %swap3A_1009 : i32 to index
            %swap3A_1011 = arith.index_cast %add3A_991 : i32 to index
            %swap3A_1012 = arith.constant 0 : index
            %swap3A_1013 = tpu.vector_load %arg11[%swap3A_1010, %swap3A_1011, %swap3A_1012] {strides = array<i32>} : memref<2x100x128xf32, #tpu.memory_space<vmem>>, vector<1x1x16xf32>,
            %swap3A_1014 = vector.shape_cast %swap3A_1013 : vector<1x1x16xf32> to vector<16xf32>
            %swap3A_1015 = vector.shape_cast %sub3A_1008 : vector<16xf32> to vector<1x1x16xf32>
            tpu.vector_store %arg11[%swap3A_1010, %swap3A_1011, %swap3A_1012], %swap3A_1015 {strides = array<i32>} : memref<2x100x128xf32, #tpu.memory_space<vmem>>, vector<1x1x16xf32>,
            %get3A_1016 = arith.constant 1 : i32
            %get3A_1017 = arith.index_cast %get3A_1016 : i32 to index
            %get3A_1018 = arith.index_cast %add3A_991 : i32 to index
            %get3A_1019 = arith.constant 16 : index
            %get3A_1020 = tpu.vector_load %arg11[%get3A_1017, %get3A_1018, %get3A_1019] {strides = array<i32>} : memref<2x100x128xf32, #tpu.memory_space<vmem>>, vector<1x1x16xf32>,
            %get3A_1021 = vector.shape_cast %get3A_1020 : vector<1x1x16xf32> to vector<16xf32>
            %mul3A_1022 = arith.constant 5 : i32
            %mul3A_1023 = arith.muli %scan3A_194, %mul3A_1022 : i32
            %add3A_1024 = arith.constant 4 : i32
            %add3A_1025 = arith.addi %mul3A_1023, %add3A_1024 : i32
            %get3A_1026 = arith.constant 1 : i32
            %get3A_1027 = arith.index_cast %get3A_1026 : i32 to index
            %get3A_1028 = arith.index_cast %add3A_1025 : i32 to index
            %get3A_1029 = arith.constant 16 : index
            %get3A_1030 = tpu.vector_load %arg12[%get3A_1027, %get3A_1028, %get3A_1029] {strides = array<i32>} : memref<2x50x128xf32, #tpu.memory_space<vmem>>, vector<1x1x16xf32>,
            %get3A_1031 = vector.shape_cast %get3A_1030 : vector<1x1x16xf32> to vector<16xf32>
            %sub3A_1032 = arith.subf %get3A_1021, %get3A_1031 : vector<16xf32>
            %swap3A_1033 = arith.constant 1 : i32
            %swap3A_1034 = arith.index_cast %swap3A_1033 : i32 to index
            %swap3A_1035 = arith.index_cast %add3A_991 : i32 to index
            %swap3A_1036 = arith.constant 16 : index
            %swap3A_1037 = tpu.vector_load %arg11[%swap3A_1034, %swap3A_1035, %swap3A_1036] {strides = array<i32>} : memref<2x100x128xf32, #tpu.memory_space<vmem>>, vector<1x1x16xf32>,
            %swap3A_1038 = vector.shape_cast %swap3A_1037 : vector<1x1x16xf32> to vector<16xf32>
            %swap3A_1039 = vector.shape_cast %sub3A_1032 : vector<16xf32> to vector<1x1x16xf32>
            tpu.vector_store %arg11[%swap3A_1034, %swap3A_1035, %swap3A_1036], %swap3A_1039 {strides = array<i32>} : memref<2x100x128xf32, #tpu.memory_space<vmem>>, vector<1x1x16xf32>,
            %get3A_1040 = arith.constant 1 : i32
            %get3A_1041 = arith.index_cast %get3A_1040 : i32 to index
            %get3A_1042 = arith.index_cast %add3A_991 : i32 to index
            %get3A_1043 = arith.constant 32 : index
            %get3A_1044 = tpu.vector_load %arg11[%get3A_1041, %get3A_1042, %get3A_1043] {strides = array<i32>} : memref<2x100x128xf32, #tpu.memory_space<vmem>>, vector<1x1x16xf32>,
            %get3A_1045 = vector.shape_cast %get3A_1044 : vector<1x1x16xf32> to vector<16xf32>
            %mul3A_1046 = arith.constant 5 : i32
            %mul3A_1047 = arith.muli %scan3A_194, %mul3A_1046 : i32
            %add3A_1048 = arith.constant 4 : i32
            %add3A_1049 = arith.addi %mul3A_1047, %add3A_1048 : i32
            %get3A_1050 = arith.constant 1 : i32
            %get3A_1051 = arith.index_cast %get3A_1050 : i32 to index
            %get3A_1052 = arith.index_cast %add3A_1049 : i32 to index
            %get3A_1053 = arith.constant 32 : index
            %get3A_1054 = tpu.vector_load %arg12[%get3A_1051, %get3A_1052, %get3A_1053] {strides = array<i32>} : memref<2x50x128xf32, #tpu.memory_space<vmem>>, vector<1x1x16xf32>,
            %get3A_1055 = vector.shape_cast %get3A_1054 : vector<1x1x16xf32> to vector<16xf32>
            %sub3A_1056 = arith.subf %get3A_1045, %get3A_1055 : vector<16xf32>
            %swap3A_1057 = arith.constant 1 : i32
            %swap3A_1058 = arith.index_cast %swap3A_1057 : i32 to index
            %swap3A_1059 = arith.index_cast %add3A_991 : i32 to index
            %swap3A_1060 = arith.constant 32 : index
            %swap3A_1061 = tpu.vector_load %arg11[%swap3A_1058, %swap3A_1059, %swap3A_1060] {strides = array<i32>} : memref<2x100x128xf32, #tpu.memory_space<vmem>>, vector<1x1x16xf32>,
            %swap3A_1062 = vector.shape_cast %swap3A_1061 : vector<1x1x16xf32> to vector<16xf32>
            %swap3A_1063 = vector.shape_cast %sub3A_1056 : vector<16xf32> to vector<1x1x16xf32>
            tpu.vector_store %arg11[%swap3A_1058, %swap3A_1059, %swap3A_1060], %swap3A_1063 {strides = array<i32>} : memref<2x100x128xf32, #tpu.memory_space<vmem>>, vector<1x1x16xf32>,
            %get3A_1064 = arith.constant 1 : i32
            %get3A_1065 = arith.index_cast %get3A_1064 : i32 to index
            %get3A_1066 = arith.index_cast %add3A_991 : i32 to index
            %get3A_1067 = arith.constant 48 : index
            %get3A_1068 = tpu.vector_load %arg11[%get3A_1065, %get3A_1066, %get3A_1067] {strides = array<i32>} : memref<2x100x128xf32, #tpu.memory_space<vmem>>, vector<1x1x16xf32>,
            %get3A_1069 = vector.shape_cast %get3A_1068 : vector<1x1x16xf32> to vector<16xf32>
            %mul3A_1070 = arith.constant 5 : i32
            %mul3A_1071 = arith.muli %scan3A_194, %mul3A_1070 : i32
            %add3A_1072 = arith.constant 4 : i32
            %add3A_1073 = arith.addi %mul3A_1071, %add3A_1072 : i32
            %get3A_1074 = arith.constant 1 : i32
            %get3A_1075 = arith.index_cast %get3A_1074 : i32 to index
            %get3A_1076 = arith.index_cast %add3A_1073 : i32 to index
            %get3A_1077 = arith.constant 48 : index
            %get3A_1078 = tpu.vector_load %arg12[%get3A_1075, %get3A_1076, %get3A_1077] {strides = array<i32>} : memref<2x50x128xf32, #tpu.memory_space<vmem>>, vector<1x1x16xf32>,
            %get3A_1079 = vector.shape_cast %get3A_1078 : vector<1x1x16xf32> to vector<16xf32>
            %sub3A_1080 = arith.subf %get3A_1069, %get3A_1079 : vector<16xf32>
            %swap3A_1081 = arith.constant 1 : i32
            %swap3A_1082 = arith.index_cast %swap3A_1081 : i32 to index
            %swap3A_1083 = arith.index_cast %add3A_991 : i32 to index
            %swap3A_1084 = arith.constant 48 : index
            %swap3A_1085 = tpu.vector_load %arg11[%swap3A_1082, %swap3A_1083, %swap3A_1084] {strides = array<i32>} : memref<2x100x128xf32, #tpu.memory_space<vmem>>, vector<1x1x16xf32>,
            %swap3A_1086 = vector.shape_cast %swap3A_1085 : vector<1x1x16xf32> to vector<16xf32>
            %swap3A_1087 = vector.shape_cast %sub3A_1080 : vector<16xf32> to vector<1x1x16xf32>
            tpu.vector_store %arg11[%swap3A_1082, %swap3A_1083, %swap3A_1084], %swap3A_1087 {strides = array<i32>} : memref<2x100x128xf32, #tpu.memory_space<vmem>>, vector<1x1x16xf32>,
            %get3A_1088 = arith.constant 1 : i32
            %get3A_1089 = arith.index_cast %get3A_1088 : i32 to index
            %get3A_1090 = arith.index_cast %add3A_991 : i32 to index
            %get3A_1091 = arith.constant 64 : index
            %get3A_1092 = tpu.vector_load %arg11[%get3A_1089, %get3A_1090, %get3A_1091] {strides = array<i32>} : memref<2x100x128xf32, #tpu.memory_space<vmem>>, vector<1x1x16xf32>,
            %get3A_1093 = vector.shape_cast %get3A_1092 : vector<1x1x16xf32> to vector<16xf32>
            %mul3A_1094 = arith.constant 5 : i32
            %mul3A_1095 = arith.muli %scan3A_194, %mul3A_1094 : i32
            %add3A_1096 = arith.constant 4 : i32
            %add3A_1097 = arith.addi %mul3A_1095, %add3A_1096 : i32
            %get3A_1098 = arith.constant 1 : i32
            %get3A_1099 = arith.index_cast %get3A_1098 : i32 to index
            %get3A_1100 = arith.index_cast %add3A_1097 : i32 to index
            %get3A_1101 = arith.constant 64 : index
            %get3A_1102 = tpu.vector_load %arg12[%get3A_1099, %get3A_1100, %get3A_1101] {strides = array<i32>} : memref<2x50x128xf32, #tpu.memory_space<vmem>>, vector<1x1x16xf32>,
            %get3A_1103 = vector.shape_cast %get3A_1102 : vector<1x1x16xf32> to vector<16xf32>
            %sub3A_1104 = arith.subf %get3A_1093, %get3A_1103 : vector<16xf32>
            %swap3A_1105 = arith.constant 1 : i32
            %swap3A_1106 = arith.index_cast %swap3A_1105 : i32 to index
            %swap3A_1107 = arith.index_cast %add3A_991 : i32 to index
            %swap3A_1108 = arith.constant 64 : index
            %swap3A_1109 = tpu.vector_load %arg11[%swap3A_1106, %swap3A_1107, %swap3A_1108] {strides = array<i32>} : memref<2x100x128xf32, #tpu.memory_space<vmem>>, vector<1x1x16xf32>,
            %swap3A_1110 = vector.shape_cast %swap3A_1109 : vector<1x1x16xf32> to vector<16xf32>
            %swap3A_1111 = vector.shape_cast %sub3A_1104 : vector<16xf32> to vector<1x1x16xf32>
            tpu.vector_store %arg11[%swap3A_1106, %swap3A_1107, %swap3A_1108], %swap3A_1111 {strides = array<i32>} : memref<2x100x128xf32, #tpu.memory_space<vmem>>, vector<1x1x16xf32>,
            %get3A_1112 = arith.constant 1 : i32
            %get3A_1113 = arith.index_cast %get3A_1112 : i32 to index
            %get3A_1114 = arith.index_cast %add3A_991 : i32 to index
            %get3A_1115 = arith.constant 80 : index
            %get3A_1116 = tpu.vector_load %arg11[%get3A_1113, %get3A_1114, %get3A_1115] {strides = array<i32>} : memref<2x100x128xf32, #tpu.memory_space<vmem>>, vector<1x1x16xf32>,
            %get3A_1117 = vector.shape_cast %get3A_1116 : vector<1x1x16xf32> to vector<16xf32>
            %mul3A_1118 = arith.constant 5 : i32
            %mul3A_1119 = arith.muli %scan3A_194, %mul3A_1118 : i32
            %add3A_1120 = arith.constant 4 : i32
            %add3A_1121 = arith.addi %mul3A_1119, %add3A_1120 : i32
            %get3A_1122 = arith.constant 1 : i32
            %get3A_1123 = arith.index_cast %get3A_1122 : i32 to index
            %get3A_1124 = arith.index_cast %add3A_1121 : i32 to index
            %get3A_1125 = arith.constant 80 : index
            %get3A_1126 = tpu.vector_load %arg12[%get3A_1123, %get3A_1124, %get3A_1125] {strides = array<i32>} : memref<2x50x128xf32, #tpu.memory_space<vmem>>, vector<1x1x16xf32>,
            %get3A_1127 = vector.shape_cast %get3A_1126 : vector<1x1x16xf32> to vector<16xf32>
            %sub3A_1128 = arith.subf %get3A_1117, %get3A_1127 : vector<16xf32>
            %swap3A_1129 = arith.constant 1 : i32
            %swap3A_1130 = arith.index_cast %swap3A_1129 : i32 to index
            %swap3A_1131 = arith.index_cast %add3A_991 : i32 to index
            %swap3A_1132 = arith.constant 80 : index
            %swap3A_1133 = tpu.vector_load %arg11[%swap3A_1130, %swap3A_1131, %swap3A_1132] {strides = array<i32>} : memref<2x100x128xf32, #tpu.memory_space<vmem>>, vector<1x1x16xf32>,
            %swap3A_1134 = vector.shape_cast %swap3A_1133 : vector<1x1x16xf32> to vector<16xf32>
            %swap3A_1135 = vector.shape_cast %sub3A_1128 : vector<16xf32> to vector<1x1x16xf32>
            tpu.vector_store %arg11[%swap3A_1130, %swap3A_1131, %swap3A_1132], %swap3A_1135 {strides = array<i32>} : memref<2x100x128xf32, #tpu.memory_space<vmem>>, vector<1x1x16xf32>,
            %get3A_1136 = arith.constant 1 : i32
            %get3A_1137 = arith.index_cast %get3A_1136 : i32 to index
            %get3A_1138 = arith.index_cast %add3A_991 : i32 to index
            %get3A_1139 = arith.constant 96 : index
            %get3A_1140 = tpu.vector_load %arg11[%get3A_1137, %get3A_1138, %get3A_1139] {strides = array<i32>} : memref<2x100x128xf32, #tpu.memory_space<vmem>>, vector<1x1x16xf32>,
            %get3A_1141 = vector.shape_cast %get3A_1140 : vector<1x1x16xf32> to vector<16xf32>
            %mul3A_1142 = arith.constant 5 : i32
            %mul3A_1143 = arith.muli %scan3A_194, %mul3A_1142 : i32
            %add3A_1144 = arith.constant 4 : i32
            %add3A_1145 = arith.addi %mul3A_1143, %add3A_1144 : i32
            %get3A_1146 = arith.constant 1 : i32
            %get3A_1147 = arith.index_cast %get3A_1146 : i32 to index
            %get3A_1148 = arith.index_cast %add3A_1145 : i32 to index
            %get3A_1149 = arith.constant 96 : index
            %get3A_1150 = tpu.vector_load %arg12[%get3A_1147, %get3A_1148, %get3A_1149] {strides = array<i32>} : memref<2x50x128xf32, #tpu.memory_space<vmem>>, vector<1x1x16xf32>,
            %get3A_1151 = vector.shape_cast %get3A_1150 : vector<1x1x16xf32> to vector<16xf32>
            %sub3A_1152 = arith.subf %get3A_1141, %get3A_1151 : vector<16xf32>
            %swap3A_1153 = arith.constant 1 : i32
            %swap3A_1154 = arith.index_cast %swap3A_1153 : i32 to index
            %swap3A_1155 = arith.index_cast %add3A_991 : i32 to index
            %swap3A_1156 = arith.constant 96 : index
            %swap3A_1157 = tpu.vector_load %arg11[%swap3A_1154, %swap3A_1155, %swap3A_1156] {strides = array<i32>} : memref<2x100x128xf32, #tpu.memory_space<vmem>>, vector<1x1x16xf32>,
            %swap3A_1158 = vector.shape_cast %swap3A_1157 : vector<1x1x16xf32> to vector<16xf32>
            %swap3A_1159 = vector.shape_cast %sub3A_1152 : vector<16xf32> to vector<1x1x16xf32>
            tpu.vector_store %arg11[%swap3A_1154, %swap3A_1155, %swap3A_1156], %swap3A_1159 {strides = array<i32>} : memref<2x100x128xf32, #tpu.memory_space<vmem>>, vector<1x1x16xf32>,
            %get3A_1160 = arith.constant 1 : i32
            %get3A_1161 = arith.index_cast %get3A_1160 : i32 to index
            %get3A_1162 = arith.index_cast %add3A_991 : i32 to index
            %get3A_1163 = arith.constant 112 : index
            %get3A_1164 = tpu.vector_load %arg11[%get3A_1161, %get3A_1162, %get3A_1163] {strides = array<i32>} : memref<2x100x128xf32, #tpu.memory_space<vmem>>, vector<1x1x16xf32>,
            %get3A_1165 = vector.shape_cast %get3A_1164 : vector<1x1x16xf32> to vector<16xf32>
            %mul3A_1166 = arith.constant 5 : i32
            %mul3A_1167 = arith.muli %scan3A_194, %mul3A_1166 : i32
            %add3A_1168 = arith.constant 4 : i32
            %add3A_1169 = arith.addi %mul3A_1167, %add3A_1168 : i32
            %get3A_1170 = arith.constant 1 : i32
            %get3A_1171 = arith.index_cast %get3A_1170 : i32 to index
            %get3A_1172 = arith.index_cast %add3A_1169 : i32 to index
            %get3A_1173 = arith.constant 112 : index
            %get3A_1174 = tpu.vector_load %arg12[%get3A_1171, %get3A_1172, %get3A_1173] {strides = array<i32>} : memref<2x50x128xf32, #tpu.memory_space<vmem>>, vector<1x1x16xf32>,
            %get3A_1175 = vector.shape_cast %get3A_1174 : vector<1x1x16xf32> to vector<16xf32>
            %sub3A_1176 = arith.subf %get3A_1165, %get3A_1175 : vector<16xf32>
            %swap3A_1177 = arith.constant 1 : i32
            %swap3A_1178 = arith.index_cast %swap3A_1177 : i32 to index
            %swap3A_1179 = arith.index_cast %add3A_991 : i32 to index
            %swap3A_1180 = arith.constant 112 : index
            %swap3A_1181 = tpu.vector_load %arg11[%swap3A_1178, %swap3A_1179, %swap3A_1180] {strides = array<i32>} : memref<2x100x128xf32, #tpu.memory_space<vmem>>, vector<1x1x16xf32>,
            %swap3A_1182 = vector.shape_cast %swap3A_1181 : vector<1x1x16xf32> to vector<16xf32>
            %swap3A_1183 = vector.shape_cast %sub3A_1176 : vector<16xf32> to vector<1x1x16xf32>
            tpu.vector_store %arg11[%swap3A_1178, %swap3A_1179, %swap3A_1180], %swap3A_1183 {strides = array<i32>} : memref<2x100x128xf32, #tpu.memory_space<vmem>>, vector<1x1x16xf32>,
            %scan3A_1184 = arith.constant 0 : i32
            scf.yield %scan3A_1184 : i32
          }
          %scan3A_193 = arith.constant 10 : i32
        } else {
        }
        %dma_start3A_174 = arith.constant 0 : i32
        %dma_start3A_175 = arith.constant 0 : i32
        %dma_start3A_176 = tpu.memref_slice %arg11[%rem3A_75, %dma_start3A_174, %dma_start3A_175] : memref<2x100x128xf32, #tpu.memory_space<vmem>> -> memref<1x100x128xf32, #tpu.memory_space<vmem>>
        %dma_start3A_177 = tpu.memref_squeeze %dma_start3A_176 : memref<1x100x128xf32, #tpu.memory_space<vmem>> -> memref<100x128xf32, #tpu.memory_space<vmem>>
        %dma_start3A_178 = arith.constant 0 : i32
        %dma_start3A_179 = tpu.memref_slice %arg10[%scan3A_73, %dma_start3A_178] : memref<10x100xi32, #tpu.memory_space<vmem>> -> memref<1x100xi32, #tpu.memory_space<vmem>>
        %dma_start3A_180 = tpu.memref_squeeze %dma_start3A_179 : memref<1x100xi32, #tpu.memory_space<vmem>> -> memref<100xi32, #tpu.memory_space<vmem>>
        %dma_start3A_181 = arith.constant 0 : i32
        %dma_start3A_182 = arith.constant 0 : i32
        %dma_start3A_183 = tpu.memref_slice %arg13[%dma_start3A_181, %dma_start3A_182] : memref<10000x128xf32, #tpu.memory_space<vmem_shared>> -> memref<10000x128xf32, #tpu.memory_space<vmem_shared>>
        %dma_start3A_184 = tpu.memref_slice %arg16[%rem3A_75] : memref<2x!tpu.dma_semaphore, #tpu.memory_space<semaphore_mem>> -> memref<1x!tpu.dma_semaphore, #tpu.memory_space<semaphore_mem>>
        %dma_start3A_185 = tpu.memref_squeeze %dma_start3A_184 : memref<1x!tpu.dma_semaphore, #tpu.memory_space<semaphore_mem>> -> memref<!tpu.dma_semaphore, #tpu.memory_space<semaphore_mem>>
        tpu.enqueue_indirect_dma source(%dma_start3A_177 : memref<100x128xf32, #tpu.memory_space<vmem>>) target(%dma_start3A_183 : memref<10000x128xf32, #tpu.memory_space<vmem_shared>>) offsets(%dma_start3A_180 : memref<100xi32, #tpu.memory_space<vmem>>) semaphore(%dma_start3A_185 : memref<!tpu.dma_semaphore, #tpu.memory_space<semaphore_mem>>) {add = true}
        %scan3A_186 = arith.constant 0 : i32
        scf.yield %scan3A_186 : i32
      }
      %scan3A_57 = arith.constant 10 : i32
      %dma_wait3A = arith.constant 1 : i32
      %dma_wait3A_58 = arith.constant 9 : i32
      %dma_wait3A_59 = arith.constant 1 : i32
      %dma_wait3A_60 = arith.constant 0 : i32
      %dma_wait3A_61 = arith.constant 0 : i32
      %dma_wait3A_62 = tpu.memref_slice %arg11[%dma_wait3A, %dma_wait3A_60, %dma_wait3A_61] : memref<2x100x128xf32, #tpu.memory_space<vmem>> -> memref<1x100x128xf32, #tpu.memory_space<vmem>>
      %dma_wait3A_63 = tpu.memref_squeeze %dma_wait3A_62 : memref<1x100x128xf32, #tpu.memory_space<vmem>> -> memref<100x128xf32, #tpu.memory_space<vmem>>
      %dma_wait3A_64 = arith.constant 0 : i32
      %dma_wait3A_65 = tpu.memref_slice %arg10[%dma_wait3A_58, %dma_wait3A_64] : memref<10x100xi32, #tpu.memory_space<vmem>> -> memref<1x100xi32, #tpu.memory_space<vmem>>
      %dma_wait3A_66 = tpu.memref_squeeze %dma_wait3A_65 : memref<1x100xi32, #tpu.memory_space<vmem>> -> memref<100xi32, #tpu.memory_space<vmem>>
      %dma_wait3A_67 = arith.constant 0 : i32
      %dma_wait3A_68 = arith.constant 0 : i32
      %dma_wait3A_69 = tpu.memref_slice %arg13[%dma_wait3A_67, %dma_wait3A_68] : memref<10000x128xf32, #tpu.memory_space<vmem_shared>> -> memref<10000x128xf32, #tpu.memory_space<vmem_shared>>
      %dma_wait3A_70 = tpu.memref_slice %arg16[%dma_wait3A_59] : memref<2x!tpu.dma_semaphore, #tpu.memory_space<semaphore_mem>> -> memref<1x!tpu.dma_semaphore, #tpu.memory_space<semaphore_mem>>
      %dma_wait3A_71 = tpu.memref_squeeze %dma_wait3A_70 : memref<1x!tpu.dma_semaphore, #tpu.memory_space<semaphore_mem>> -> memref<!tpu.dma_semaphore, #tpu.memory_space<semaphore_mem>>
      tpu.wait_indirect_dma semaphore(%dma_wait3A_71 : memref<!tpu.dma_semaphore, #tpu.memory_space<semaphore_mem>>) src(%dma_wait3A_63 : memref<100x128xf32, #tpu.memory_space<vmem>>) dst(%dma_wait3A_69 : memref<10000x128xf32, #tpu.memory_space<vmem_shared>>)
      %scan3A_72 = arith.constant 0 : i32
      scf.yield %scan3A_72 : i32
    }
    %scan3A_23 = arith.constant 10 : i32
    %barrier3A_24 = arith.constant 0 : index
    tpu.barrier barrier_id(%barrier3A_24)
    %lt3A_25 = arith.constant 15 : i32
    %lt3A_26 = arith.cmpi slt, %arg1, %lt3A_25 : i32
    %convert_element_type3A_27 = arith.extui %lt3A_26 : i1 to i32
    %cond3A_28 = arith.constant 0 : i32
    %cond3A_29 = arith.cmpi ne, %convert_element_type3A_27, %cond3A_28 : i32
    scf.if %cond3A_29 {
      %mul3A_35 = arith.constant 640 : i32
      %mul3A_36 = arith.muli %arg1, %mul3A_35 : i32
      %multiple_of3A_37 = tpu.assume_multiple %mul3A_36, 8 : i32
      "tpu.region"() ({
        %run_scoped3A = tpu.sem_alloc : memref<!tpu.dma_semaphore, #tpu.memory_space<semaphore_mem>>
        %dma_start3A = arith.constant 0 : i32
        %dma_start3A_38 = tpu.memref_slice %arg7[%arg0, %multiple_of3A_37, %dma_start3A] : memref<2x10000x128xf32, #tpu.memory_space<hbm>> -> memref<1x640x128xf32, #tpu.memory_space<hbm>>
        %dma_start3A_39 = tpu.memref_squeeze %dma_start3A_38 : memref<1x640x128xf32, #tpu.memory_space<hbm>> -> memref<640x128xf32, #tpu.memory_space<hbm>>
        %dma_start3A_40 = arith.constant 0 : i32
        %dma_start3A_41 = tpu.memref_slice %arg13[%multiple_of3A_37, %dma_start3A_40] : memref<10000x128xf32, #tpu.memory_space<vmem_shared>> -> memref<640x128xf32, #tpu.memory_space<vmem_shared>>
        tpu.enqueue_dma source(%dma_start3A_41 : memref<640x128xf32, #tpu.memory_space<vmem_shared>>) target(%dma_start3A_39 : memref<640x128xf32, #tpu.memory_space<hbm>>) target_semaphore(%run_scoped3A : memref<!tpu.dma_semaphore, #tpu.memory_space<semaphore_mem>>)
        %dma_wait3A = arith.constant 0 : i32
        %dma_wait3A_42 = tpu.memref_slice %arg7[%arg0, %multiple_of3A_37, %dma_wait3A] : memref<2x10000x128xf32, #tpu.memory_space<hbm>> -> memref<1x640x128xf32, #tpu.memory_space<hbm>>
        %dma_wait3A_43 = tpu.memref_squeeze %dma_wait3A_42 : memref<1x640x128xf32, #tpu.memory_space<hbm>> -> memref<640x128xf32, #tpu.memory_space<hbm>>
        %dma_wait3A_44 = arith.constant 0 : i32
        %dma_wait3A_45 = tpu.memref_slice %arg13[%multiple_of3A_37, %dma_wait3A_44] : memref<10000x128xf32, #tpu.memory_space<vmem_shared>> -> memref<640x128xf32, #tpu.memory_space<vmem_shared>>
        tpu.wait_dma2 semaphore(%run_scoped3A : memref<!tpu.dma_semaphore, #tpu.memory_space<semaphore_mem>>) src(%dma_wait3A_45 : memref<640x128xf32, #tpu.memory_space<vmem_shared>>) dst(%dma_wait3A_43 : memref<640x128xf32, #tpu.memory_space<hbm>>)
        tpu.yield
      }) : () -> ()
    } else {
    }
    %eq3A_30 = arith.constant 15 : i32
    %eq3A_31 = arith.cmpi eq, %arg1, %eq3A_30 : i32
    %convert_element_type3A_32 = arith.extui %eq3A_31 : i1 to i32
    %cond3A_33 = arith.constant 0 : i32
    %cond3A_34 = arith.cmpi ne, %convert_element_type3A_32, %cond3A_33 : i32
    scf.if %cond3A_34 {
      "tpu.region"() ({
        %run_scoped3A = tpu.sem_alloc : memref<!tpu.dma_semaphore, #tpu.memory_space<semaphore_mem>>
        %dma_start3A = arith.constant 9600 : i32
        %dma_start3A_35 = arith.constant 0 : i32
        %dma_start3A_36 = tpu.memref_slice %arg7[%arg0, %dma_start3A, %dma_start3A_35] : memref<2x10000x128xf32, #tpu.memory_space<hbm>> -> memref<1x400x128xf32, #tpu.memory_space<hbm>>
        %dma_start3A_37 = tpu.memref_squeeze %dma_start3A_36 : memref<1x400x128xf32, #tpu.memory_space<hbm>> -> memref<400x128xf32, #tpu.memory_space<hbm>>
        %dma_start3A_38 = arith.constant 9600 : i32
        %dma_start3A_39 = arith.constant 0 : i32
        %dma_start3A_40 = tpu.memref_slice %arg13[%dma_start3A_38, %dma_start3A_39] : memref<10000x128xf32, #tpu.memory_space<vmem_shared>> -> memref<400x128xf32, #tpu.memory_space<vmem_shared>>
        tpu.enqueue_dma source(%dma_start3A_40 : memref<400x128xf32, #tpu.memory_space<vmem_shared>>) target(%dma_start3A_37 : memref<400x128xf32, #tpu.memory_space<hbm>>) target_semaphore(%run_scoped3A : memref<!tpu.dma_semaphore, #tpu.memory_space<semaphore_mem>>)
        %dma_wait3A = arith.constant 9600 : i32
        %dma_wait3A_41 = arith.constant 0 : i32
        %dma_wait3A_42 = tpu.memref_slice %arg7[%arg0, %dma_wait3A, %dma_wait3A_41] : memref<2x10000x128xf32, #tpu.memory_space<hbm>> -> memref<1x400x128xf32, #tpu.memory_space<hbm>>
        %dma_wait3A_43 = tpu.memref_squeeze %dma_wait3A_42 : memref<1x400x128xf32, #tpu.memory_space<hbm>> -> memref<400x128xf32, #tpu.memory_space<hbm>>
        %dma_wait3A_44 = arith.constant 9600 : i32
        %dma_wait3A_45 = arith.constant 0 : i32
        %dma_wait3A_46 = tpu.memref_slice %arg13[%dma_wait3A_44, %dma_wait3A_45] : memref<10000x128xf32, #tpu.memory_space<vmem_shared>> -> memref<400x128xf32, #tpu.memory_space<vmem_shared>>
        tpu.wait_dma2 semaphore(%run_scoped3A : memref<!tpu.dma_semaphore, #tpu.memory_space<semaphore_mem>>) src(%dma_wait3A_46 : memref<400x128xf32, #tpu.memory_space<vmem_shared>>) dst(%dma_wait3A_43 : memref<400x128xf32, #tpu.memory_space<hbm>>)
        tpu.yield
      }) : () -> ()
    } else {
    }
    return
  }
}

module attributes {stable_mosaic.version = 14 : i64} {
  func.func @_tc2_body(%arg0: i32, %arg1: memref<2000x128xf32, #tpu.memory_space<vmem>>, %arg2: memref<2x2000x128xf32, #tpu.memory_space<vmem>>, %arg3: memref<128x128xf32, #tpu.memory_space<vmem>>, %arg4: memref<2000x128xf32, #tpu.memory_space<vmem>>) attributes {dimension_semantics = [#tpu.dimension_semantics<arbitrary>], iteration_bounds = array<i64: 5>, scalar_prefetch = 0 : i64, scratch_operands = 0 : i64, tpu.core_type = #tpu.core_type<tc>, window_params = [{transform_indices = @transform_0, window_bounds = array<i64: 2000, 128>}, {transform_indices = @transform_1, window_bounds = array<i64: 2, 2000, 128>}, {pipeline_mode = #tpu.pipeline_mode<synchronous>, transform_indices = @transform_2, window_bounds = array<i64: 128, 128>}, {transform_indices = @transform_3, window_bounds = array<i64: 2000, 128>}]} {
    %get3A = arith.constant 0 : index
    %get3A_0 = arith.constant 0 : index
    %get3A_1 = arith.constant 0 : index
    %get3A_2 = vector.load %arg2[%get3A, %get3A_0, %get3A_1] : memref<2x2000x128xf32, #tpu.memory_space<vmem>>, vector<1x2000x128xf32>
    %get3A_3 = vector.shape_cast %get3A_2 : vector<1x2000x128xf32> to vector<2000x128xf32>
    %get3A_4 = arith.constant 1 : index
    %get3A_5 = arith.constant 0 : index
    %get3A_6 = arith.constant 0 : index
    %get3A_7 = vector.load %arg2[%get3A_4, %get3A_5, %get3A_6] : memref<2x2000x128xf32, #tpu.memory_space<vmem>>, vector<1x2000x128xf32>
    %get3A_8 = vector.shape_cast %get3A_7 : vector<1x2000x128xf32> to vector<2000x128xf32>
    %add3A = arith.addf %get3A_3, %get3A_8 : vector<2000x128xf32>
    %get3A_9 = arith.constant 0 : index
    %get3A_10 = arith.constant 0 : index
    %get3A_11 = vector.load %arg1[%get3A_9, %get3A_10] : memref<2000x128xf32, #tpu.memory_space<vmem>>, vector<2000x128xf32>
    %get3A_12 = arith.constant 0 : index
    %get3A_13 = arith.constant 0 : index
    %get3A_14 = vector.load %arg3[%get3A_12, %get3A_13] : memref<128x128xf32, #tpu.memory_space<vmem>>, vector<128x128xf32>
    %dot_general3A = arith.constant dense<0.000000e+00> : vector<2000x128xf32>
    %dot_general3A_15 = tpu.matmul %add3A, %get3A_14, %dot_general3A {dimension_numbers = #tpu.dot_dimension_numbers<[1], [1], [0], [0], [0, 0, 1, 0], [], []>, transpose_lhs_hint = false} : vector<2000x128xf32>, vector<128x128xf32>, vector<2000x128xf32> -> vector<2000x128xf32>
    %add3A_16 = arith.addf %get3A_11, %dot_general3A_15 : vector<2000x128xf32>
    %swap3A = arith.constant 0 : index
    %swap3A_17 = arith.constant 0 : index
    %swap3A_18 = vector.load %arg4[%swap3A, %swap3A_17] : memref<2000x128xf32, #tpu.memory_space<vmem>>, vector<2000x128xf32>
    tpu.vector_store %arg4[%swap3A, %swap3A_17], %add3A_16 {strides = array<i32>} : memref<2000x128xf32, #tpu.memory_space<vmem>>, vector<2000x128xf32>,
    return
  }
  func.func @transform_0(%arg0: i32) -> (i32, i32) {
    %c0_i32 = arith.constant 0 : i32
    %c0_i32_0 = arith.constant 0 : i32
    return %arg0, %c0_i32 : i32, i32
  }
  func.func @transform_1(%arg0: i32) -> (i32, i32, i32) {
    %c0_i32 = arith.constant 0 : i32
    %c0_i32_0 = arith.constant 0 : i32
    %c0_i32_1 = arith.constant 0 : i32
    return %c0_i32, %arg0, %c0_i32_0 : i32, i32, i32
  }
  func.func @transform_2(%arg0: i32) -> (i32, i32) {
    %c0_i32 = arith.constant 0 : i32
    %c0_i32_0 = arith.constant 0 : i32
    %c0_i32_1 = arith.constant 0 : i32
    return %c0_i32, %c0_i32_0 : i32, i32
  }
  func.func @transform_3(%arg0: i32) -> (i32, i32) {
    %c0_i32 = arith.constant 0 : i32
    %c0_i32_0 = arith.constant 0 : i32
    return %arg0, %c0_i32 : i32, i32
  }
}

module attributes {stable_mosaic.version = 14 : i64} {
  func.func @_tc1_body(%arg0: i32, %arg1: memref<2000x128xf32, #tpu.memory_space<vmem>>, %arg2: memref<256x128xf32, #tpu.memory_space<vmem>>, %arg3: memref<128x128xf32, #tpu.memory_space<vmem>>, %arg4: memref<128x128xf32, #tpu.memory_space<vmem>>, %arg5: memref<1x128xf32, #tpu.memory_space<vmem>>, %arg6: memref<2000x128xf32, #tpu.memory_space<vmem>>, %arg7: memref<256x128xf32, #tpu.memory_space<vmem>>) attributes {dimension_semantics = [#tpu.dimension_semantics<arbitrary>], iteration_bounds = array<i64: 5>, scalar_prefetch = 0 : i64, scratch_operands = 0 : i64, tpu.core_type = #tpu.core_type<tc>, window_params = [{transform_indices = @transform_0, window_bounds = array<i64: 2000, 128>}, {pipeline_mode = #tpu.pipeline_mode<synchronous>, transform_indices = @transform_1, window_bounds = array<i64: 256, 128>}, {pipeline_mode = #tpu.pipeline_mode<synchronous>, transform_indices = @transform_2, window_bounds = array<i64: 128, 128>}, {pipeline_mode = #tpu.pipeline_mode<synchronous>, transform_indices = @transform_3, window_bounds = array<i64: 128, 128>}, {pipeline_mode = #tpu.pipeline_mode<synchronous>, transform_indices = @transform_4, window_bounds = array<i64: 1, 128>}, {transform_indices = @transform_5, window_bounds = array<i64: 2000, 128>}, {pipeline_mode = #tpu.pipeline_mode<synchronous>, transform_indices = @transform_6, window_bounds = array<i64: 256, 128>}]} {
    %get3A = arith.constant 0 : index
    %get3A_0 = arith.constant 0 : index
    %get3A_1 = vector.load %arg1[%get3A, %get3A_0] : memref<2000x128xf32, #tpu.memory_space<vmem>>, vector<2000x128xf32>
    %get3A_2 = arith.constant 0 : index
    %get3A_3 = arith.constant 0 : index
    %get3A_4 = vector.load %arg3[%get3A_2, %get3A_3] : memref<128x128xf32, #tpu.memory_space<vmem>>, vector<128x128xf32>
    %dot_general3A = arith.constant dense<0.000000e+00> : vector<2000x128xf32>
    %dot_general3A_5 = tpu.matmul %get3A_1, %get3A_4, %dot_general3A {dimension_numbers = #tpu.dot_dimension_numbers<[1], [1], [0], [0], [0, 0, 1, 0], [], []>, transpose_lhs_hint = false} : vector<2000x128xf32>, vector<128x128xf32>, vector<2000x128xf32> -> vector<2000x128xf32>
    %get3A_6 = arith.constant 0 : index
    %get3A_7 = arith.constant 0 : index
    %get3A_8 = vector.load %arg5[%get3A_6, %get3A_7] : memref<1x128xf32, #tpu.memory_space<vmem>>, vector<1x128xf32>
    %add3A = vector.broadcast %get3A_8 : vector<1x128xf32> to vector<2000x128xf32>
    %add3A_9 = arith.addf %dot_general3A_5, %add3A : vector<2000x128xf32>
    %swap3A = arith.constant 0 : index
    %swap3A_10 = arith.constant 0 : index
    %swap3A_11 = vector.load %arg6[%swap3A, %swap3A_10] : memref<2000x128xf32, #tpu.memory_space<vmem>>, vector<2000x128xf32>
    tpu.vector_store %arg6[%swap3A, %swap3A_10], %add3A_9 {strides = array<i32>} : memref<2000x128xf32, #tpu.memory_space<vmem>>, vector<2000x128xf32>,
    %eq3A = arith.constant 0 : i32
    %eq3A_12 = arith.cmpi eq, %arg0, %eq3A : i32
    %convert_element_type3A = arith.extui %eq3A_12 : i1 to i32
    %cond3A = arith.constant 0 : i32
    %cond3A_13 = arith.cmpi ne, %convert_element_type3A, %cond3A : i32
    scf.if %cond3A_13 {
      %get3A_14 = arith.constant 0 : index
      %get3A_15 = arith.constant 0 : index
      %get3A_16 = vector.load %arg2[%get3A_14, %get3A_15] : memref<256x128xf32, #tpu.memory_space<vmem>>, vector<256x128xf32>
      %get3A_17 = arith.constant 0 : index
      %get3A_18 = arith.constant 0 : index
      %get3A_19 = vector.load %arg4[%get3A_17, %get3A_18] : memref<128x128xf32, #tpu.memory_space<vmem>>, vector<128x128xf32>
      %dot_general3A_20 = arith.constant dense<0.000000e+00> : vector<256x128xf32>
      %dot_general3A_21 = tpu.matmul %get3A_16, %get3A_19, %dot_general3A_20 {dimension_numbers = #tpu.dot_dimension_numbers<[1], [1], [0], [0], [0, 0, 1, 0], [], []>, transpose_lhs_hint = false} : vector<256x128xf32>, vector<128x128xf32>, vector<256x128xf32> -> vector<256x128xf32>
      %swap3A_22 = arith.constant 0 : index
      %swap3A_23 = arith.constant 0 : index
      %swap3A_24 = vector.load %arg7[%swap3A_22, %swap3A_23] : memref<256x128xf32, #tpu.memory_space<vmem>>, vector<256x128xf32>
      tpu.vector_store %arg7[%swap3A_22, %swap3A_23], %dot_general3A_21 {strides = array<i32>} : memref<256x128xf32, #tpu.memory_space<vmem>>, vector<256x128xf32>,
    } else {
    }
    return
  }
  func.func @transform_0(%arg0: i32) -> (i32, i32) {
    %c0_i32 = arith.constant 0 : i32
    %c0_i32_0 = arith.constant 0 : i32
    return %arg0, %c0_i32 : i32, i32
  }
  func.func @transform_1(%arg0: i32) -> (i32, i32) {
    %c0_i32 = arith.constant 0 : i32
    %c0_i32_0 = arith.constant 0 : i32
    %c0_i32_1 = arith.constant 0 : i32
    return %c0_i32, %c0_i32_0 : i32, i32
  }
  func.func @transform_2(%arg0: i32) -> (i32, i32) {
    %c0_i32 = arith.constant 0 : i32
    %c0_i32_0 = arith.constant 0 : i32
    %c0_i32_1 = arith.constant 0 : i32
    return %c0_i32, %c0_i32_0 : i32, i32
  }
  func.func @transform_3(%arg0: i32) -> (i32, i32) {
    %c0_i32 = arith.constant 0 : i32
    %c0_i32_0 = arith.constant 0 : i32
    %c0_i32_1 = arith.constant 0 : i32
    return %c0_i32, %c0_i32_0 : i32, i32
  }
  func.func @transform_4(%arg0: i32) -> (i32, i32) {
    %c0_i32 = arith.constant 0 : i32
    %c0_i32_0 = arith.constant 0 : i32
    %c0_i32_1 = arith.constant 0 : i32
    return %c0_i32, %c0_i32_0 : i32, i32
  }
  func.func @transform_5(%arg0: i32) -> (i32, i32) {
    %c0_i32 = arith.constant 0 : i32
    %c0_i32_0 = arith.constant 0 : i32
    return %arg0, %c0_i32 : i32, i32
  }
  func.func @transform_6(%arg0: i32) -> (i32, i32) {
    %c0_i32 = arith.constant 0 : i32
    %c0_i32_0 = arith.constant 0 : i32
    %c0_i32_1 = arith.constant 0 : i32
    return %c0_i32, %c0_i32_0 : i32, i32
  }
}

</mosaic_0001>

<sc_bundles>
// kernel: kernel.5.cloned.1.call-start
scs
__scs_entry_jumppad:
0x0: {  	(pc) =	sbr.rel $0x88, $3  }
0x1: {  	(tag) =	ssettag $0x0;
	lr =	simm.s32 $0x1  }
0x2: {  	[smem:$0x3F99] =	sst lr;
	_ =	strace $0xD0000000  }
0x3: {  	_ = 	snop  }
0x4: {  	_ = 	snop  }
0x5: {  	_ = 	snop  }
0x6: {  	_ = 	snop  }
0x7: {  	_ = 	snop  }
__scs_overlays_trampoline_lowered:
0x8: {  	[smem:$0x3FA8] =	sst s0  }
0x9: {  	[smem:$0x3FA9] =	sst s1  }
0xa: {  	[smem:$0x3FAA] =	sst s2  }
0xb: {  	[smem:$0x3FAB] =	sst s3  }
0xc: {  	[smem:$0x3FAC] =	sst s4  }
0xd: {  	[smem:$0x3FAD] =	sst s5  }
0xe: {  	[smem:$0x3FAE] =	sst s6  }
0xf: {  	[smem:$0x3FAF] =	sst s7  }
0x10: {  	[smem:$0x3FB0] =	sst s8  }
0x11: {  	[smem:$0x3FB1] =	sst s9;
	s0 =	simm.s32 @!p0 $0x0  }
0x12: {  	s1 =	sld [smem:$0x3F97];
	s0 =	simm.s32 @p0 $0x1  }
0x13: {  	[smem:$0x3FB2] =	sst s0;
	s0 =	simm.s32 @!p1 $0x0  }
0x14: {  	s2 =	sld [smem:$0x3F96];
	s0 =	simm.s32 @p1 $0x1  }
0x15: {  	[smem:$0x3FB3] =	sst s0;
	s0 =	simm.s32 @!p2 $0x0  }
0x16: {  	s3 =	sld [smem:$0x3FDB];
	s0 =	simm.s32 @p2 $0x1  }
0x17: {  	s4 =	simm.s32 $0x1BF5;
	[smem:$0x3FB5] =	sst s0  }
0x18: {  	s0 =	sld [smem:$0x3F98];
	_ =	swait.ge [sflag:s4], $0x0  }
0x19: {  	s7 =	sld [smem:$0x3F99]  }
0x1a: {  	s8 =	sadd.s32 $0xFFFFE003, lr  }
0x1b: {  	s9 =	sadd.s32 $0xFFFFFEF7, lr;
	s5 =	simm.s32 $0xFFFFFFFF;
	p2 =	slt.u32 s8, $0xFFFFF086  }
0x1c: {  	p1 =	slt.u32 s9, $0xF7A;
	s5 =	simm.s32 @!p2 $0x0  }
0x1d: {  	s5 =	simm.s32 @p1 $0x1;
	p0 =	seq.s32 s7, s2  }
0x1e: {  	s7 =	smul.u32 @!p0 $0xF7A, s2;
	p2 =	seq.s32 @!p0 s5, $0x0  }
0x1f: {  	s9 =	smul.u32 $0xF7A, s1;
	s8 =	simm.s32 @!p0 $0x1BF5;
	p2 =	por !p2, p0  }
0x20: {  	[sflag:s8] =	ssyncset.s32 @!p0 $0xFFFFF086;
	s6 =	sadd.s32 @!p0 s3, s7;
	s7 =	simm.s32 @!p0 $0x108  }
0x21: {  	s3 =	sadd.s32 s3, s9;
	s6 =	sadd.s32 @!p0 $0x88, s6;
	s7 =	simm.s32 @p2 $0x1082  }
0x22: {  	[simem:s7], [sflag:s8] =	dma.local @!p0 [hbm:s6], $0xF7A  }
0x23: {  	s9 =	sor.u32 $0xD0000000, s2;
	s6 =	simm.s32 $0x108;
	_ =	swait.ge @!p0 [sflag:s8], $0x0  }
0x24: {  	s3 =	sadd.s32 $0x88, s3;
	s6 =	simm.s32 @!p1 $0x1082;
	[sflag:s4] =	ssyncset.s32 $0xFFFFF086  }
0x25: {  	[simem:s6], [sflag:s4] =	dma.local [hbm:s3], $0xF7A  }
0x26: {  	[smem:$0x3F99] =	sst s1;
	(tag) =	ssettag s2;
	_ =	strace s9  }
0x27: {  	s1 =	sld [smem:$0x3FA9]  }
0x28: {  	s2 =	sld [smem:$0x3FAA]  }
0x29: {  	s4 =	sld [smem:$0x3FAC]  }
0x2a: {  	p0 =	seq.s32 s5, $0x0;
	s5 =	sld [smem:$0x3FAD]  }
0x2b: {  	s6 =	sld [smem:$0x3FAE]  }
0x2c: {  	s7 =	sld [smem:$0x3FAF]  }
0x2d: {  	s3 =	simm.s32 $0x108;
	s8 =	sld [smem:$0x3FB0]  }
0x2e: {  	s3 =	simm.s32 @!p0 $0x1082;
	s9 =	sld [smem:$0x3FB1]  }
0x2f: {  	lr =	sadd.s32 s0, s3;
	s0 =	sld [smem:$0x3FA8]  }
0x30: {  	s3 =	sld [smem:$0x3FAB]  }
0x31: {  	[smem:$0x3FB4] =	sst s10  }
0x32: {  	s10 =	sld [smem:$0x3FB2];
	_ =	sdelay $0x3  }
0x33: {  	p0 =	seq.s32 s10, $0x1;
	s10 =	sld [smem:$0x3FB4];
	_ =	sdelay $0x3  }
0x34: {  	[smem:$0x3FB4] =	sst s10  }
0x35: {  	s10 =	sld [smem:$0x3FB3];
	_ =	sdelay $0x3  }
0x36: {  	p1 =	seq.s32 s10, $0x1;
	s10 =	sld [smem:$0x3FB4];
	_ =	sdelay $0x3  }
0x37: {  	[smem:$0x3FB4] =	sst s10  }
0x38: {  	s10 =	sld [smem:$0x3FB5]  }
0x39: {  	_ = 	snop;
	(pc) =	sbr.ind lr, $3  }
0x3a: {  	_ = 	snop  }
0x3b: {  	_ = 	snop  }
0x3c: {  	p2 =	seq.s32 s10, $0x1;
	s10 =	sld [smem:$0x3FB4]  }
0x3d: {  	_ =	shalt  }
0x3e: {  	_ =	shalt  }
0x3f: {  	_ =	shalt  }
0x40: {  	_ =	shalt  }
0x41: {  	_ =	shalt  }
0x42: {  	_ =	shalt  }
0x43: {  	_ =	shalt  }
0x44: {  	_ =	shalt  }
0x45: {  	_ =	shalt  }
0x46: {  	_ =	shalt  }
0x47: {  	_ =	shalt  }
0x48: {  	_ =	shalt  }
0x49: {  	_ =	shalt  }
0x4a: {  	_ =	shalt  }
0x4b: {  	_ =	shalt  }
0x4c: {  	_ =	shalt  }
0x4d: {  	_ =	shalt  }
0x4e: {  	_ =	shalt  }
0x4f: {  	_ =	shalt  }
0x50: {  	_ =	shalt  }
0x51: {  	_ =	shalt  }
0x52: {  	_ =	shalt  }
0x53: {  	_ =	shalt  }
0x54: {  	_ =	shalt  }
0x55: {  	_ =	shalt  }
0x56: {  	_ =	shalt  }
0x57: {  	_ =	shalt  }
0x58: {  	_ =	shalt  }
0x59: {  	_ =	shalt  }
0x5a: {  	_ =	shalt  }
0x5b: {  	_ =	shalt  }
0x5c: {  	_ =	shalt  }
0x5d: {  	_ =	shalt  }
0x5e: {  	_ =	shalt  }
0x5f: {  	_ =	shalt  }
0x60: {  	_ =	shalt  }
0x61: {  	_ =	shalt  }
0x62: {  	_ =	shalt  }
0x63: {  	_ =	shalt  }
0x64: {  	_ =	shalt  }
0x65: {  	_ =	shalt  }
0x66: {  	_ =	shalt  }
0x67: {  	_ =	shalt  }
0x68: {  	_ =	shalt  }
0x69: {  	_ =	shalt  }
0x6a: {  	_ =	shalt  }
0x6b: {  	_ =	shalt  }
0x6c: {  	_ =	shalt  }
0x6d: {  	_ =	shalt  }
0x6e: {  	_ =	shalt  }
0x6f: {  	_ =	shalt  }
0x70: {  	_ =	shalt  }
0x71: {  	_ =	shalt  }
0x72: {  	_ =	shalt  }
0x73: {  	_ =	shalt  }
0x74: {  	_ =	shalt  }
0x75: {  	_ =	shalt  }
0x76: {  	_ =	shalt  }
0x77: {  	_ =	shalt  }
0x78: {  	_ =	shalt  }
0x79: {  	_ =	shalt  }
0x7a: {  	_ =	shalt  }
0x7b: {  	_ =	shalt  }
0x7c: {  	_ =	shalt  }
0x7d: {  	_ =	shalt  }
0x7e: {  	_ =	shalt  }
0x7f: {  	_ =	shalt  }
0x80: {  	_ =	shalt  }
0x81: {  	_ =	shalt  }
0x82: {  	_ =	shalt  }
0x83: {  	_ =	shalt  }
0x84: {  	_ =	shalt  }
0x85: {  	_ =	shalt  }
0x86: {  	_ =	shalt  }
0x87: {  	_ =	shalt  }
.Lfunc_end0:
.L_simem_size_0:
called_computation_lowered:
.L_overlay_start_0:
0x88: {  	s2 =	sld [smem:$0x3FD9]  }
0x89: {  	s3 =	sld [smem:$0x3FFE];
	_ =	sdelay $0x1  }
0x8a: {  	s1 =	srdreg.scid  }
0x8b: {  	s0 =	sand.u32 $0x1, s1  }
0x8c: {  	s14 =	sshll.u32 s0, $0xA;
	s2 =	sadd.s32 s3, s2  }
0x8d: {  	s2 =	sadd.s32 s2, s14  }
0x8e: {  	[smem:$0x3FC0] =	sst s2  }
0x8f: {  	_ = 	snop  }
0x90: {  	s2 =	sld [smem:$0x3FD0];
	_ =	sdelay $0x1  }
0x91: {  	s15 =	sld [smem:$0x3FC9]  }
0x92: {  	s5 =	simm.s32 $0xA;
	s6 =	simm.s32 $0x10;
	s4 =	sld [smem:$0x3FC6]  }
0x93: {  	[smem:s6], [sflag:s5] =	dma.local [hbm:s2], $0x1  }
0x94: {  	_ =	swait.eq [sflag:s5], $0x1  }
0x95: {  	[sflag:s5] =	ssyncset.done $0x0  }
0x96: {  	[sflag:s5] =	ssyncadd.s32 $0xFFFFFFFF  }
0x97: {  	s16 =	sld [smem:$0x10];
	(tm) =	ssettm $0x1  }
0x98: {  	s17 =	sld [smem:$0x3FFB];
	_ =	sdelay $0x3  }
0x99: {  	_ =	strace s17  }
0x9a: {  	s5 =	sld [smem:$0x3FFC];
	_ =	sdelay $0x3  }
0x9b: {  	_ =	strace s5  }
0x9c: {  	s5 =	sld [smem:$0x3FFD];
	_ =	sdelay $0x3  }
0x9d: {  	_ =	strace s5  }
0x9e: {  	_ =	strace $0x8FFFFFFF  }
0x9f: {  	s18 =	sld [smem:$0x3FDB];
	_ =	sdelay $0x1  }
0xa0: {  	s19 =	simm.s32 $_scs_section_size  }
0xa1: {  	s7 =	simm.s32 $_size__tile_overlayer_lowered;
	s8 =	simm.s32 $_tile_overlayer_lowered  }
0xa2: {  	s22 =	simm.s32 $0x1BFF;
	s21 =	sshll.u32 s8, $0x1;
	s5 =	sadd.s32 s19, s18  }
0xa3: {  	s9 =	simm.s32 $0x0;
	s20 =	sshll.u32 s7, $0x1;
	s7 =	sadd.s32 s21, s5  }
0xa4: {  	[timem:s9], [sflag:s22] =	dma.local [hbm:s7], s20  }
0xa5: {  	_ =	swait.ge [sflag:s22], s20  }
0xa6: {  	s6 =	ssub.s32 $0x0, s20;
	[sflag:s22] =	ssyncset.done $0x0  }
0xa7: {  	[sflag:s22] =	ssyncadd.s32 s6;
	_ =	sdelay $0x1  }
0xa8: {  	s23 =	simm.s32 $0x1B8B  }
0xa9: {  	_ =	swait.ge [sflag:s23], $0x1  }
0xaa: {  	[sflag:s23] =	ssyncset.done $0x0  }
0xab: {  	s25 =	simm.s32 $0x1B8E;
	s24 =	sld [smem:$0x3FFE];
	[sflag:s23] =	ssyncadd.s32 $0xFFFFFFFF  }
0xac: {  	s26 =	simm.s32 $execute0_lowered;
	[smem:$0x3FD2] =	sst s25  }
0xad: {  	s7 =	sshll.u32 s26, $0x1;
	_ =	strace $0x80000046;
	[dreg:$0x1] =	wrdreg $0xFFFFFFFF  }
0xae: {  	s28 =	simm.s32 $_size_execute0_lowered;
	s5 =	sadd.s32 s5, s7;
	[dreg:$0x0] =	wrdreg $0x0  }
0xaf: {  	s7 =	sshll.u32 s28, $0x1;
	[dreg:$0x2] =	wrdreg s5  }
0xb0: {  	[dreg:$0x3] =	wrdreg s7  }
0xb1: {  	[dreg:$0x4] =	wrdreg $0xC0  }
0xb2: {  	_ =	task [dreg:s9], $0x5FFFF  }
0xb3: {  	[dreg:$0x1] =	wrdreg $0xFFFFFFFF  }
0xb4: {  	[dreg:$0x0] =	wrdreg $0x60  }
0xb5: {  	[dreg:$0x2] =	wrdreg s15  }
0xb6: {  	[dreg:$0x3] =	wrdreg s16  }
0xb7: {  	[dreg:$0x4] =	wrdreg s24  }
0xb8: {  	[dreg:$0x5] =	wrdreg s4  }
0xb9: {  	[dreg:$0x6] =	wrdreg $0xB8000  }
0xba: {  	[dreg:$0x7] =	wrdreg $0x1F0800  }
0xbb: {  	[dreg:$0x8] =	wrdreg $0x9  }
0xbc: {  	_ =	task.clear_ibuf [dreg:s9], $0x9FFFF;
	_ =	strace $0x90000046  }
0xbd: {  	s29 =	simm.s32 $0x9;
	_ =	strace $0x80000048  }
0xbe: {  	_ =	swait.ge [sflag:s29], $0x1  }
0xbf: {  	[sflag:s29] =	ssyncadd.s32 $0xFFFFFFFF  }
0xc0: {  	_ =	strace $0x90000048  }
0xc1: {  	_ =	sfence  }
0xc2: {  	s30 =	sld [smem:$0x0];
	_ =	sdelay $0x2  }
0xc3: {  	s31 =	sshll.u32 s1, $0xD;
	s1 =	sshrl.u32 s1, $0x2  }
0xc4: {  	s3 =	sand.u32 $0x4000, s31;
	s1 =	sadd.s32 s1, s30  }
0xc5: {  	s0 =	sor.u32 s3, s0;
	s1 =	sshll.u32 s1, $0x11  }
0xc6: {  	s0 =	sor.u32 s1, s0  }
0xc7: {  	s0 =	sadd.s32 $0x8F2B, s0  }
0xc8: {  	[sflag:s0] =	ssyncadd.remote.s32 $0x1  }
0xc9: {  	_ =	sfence.sel $0xFFFF  }
0xca: {  	[dreg:$0x0] =	wrdreg $0xFFFFFFFF;
	(pc) =	sbr.abs _section_cstart, $3  }
0xcb: {  	[dreg:$0x1] =	wrdreg $0xFFFFFFFF  }
0xcc: {  	_ =	task.clear_ibuf [dreg:s9], $0x2FFFF;
	_ =	strace $0x9FFFFFFF  }
0xcd: {  	(tm) =	ssettm $0x7FFFFFFF  }
tec
execute0_lowered:
.L_overlay_start_1:
0x0: {  	(tag) =	ssettag $0x1  }
0x1: {  	s1 =	rddreg [dreg:$0x0]  }
0x2: {  	s2 =	rddreg [dreg:$0x1]  }
0x3: {  	s0 =	rddreg [dreg:$0x2]  }
0x4: {  	s5 =	rddreg [dreg:$0x3]  }
0x5: {  	s3 =	rddreg [dreg:$0x4]  }
0x6: {  	s4 =	rddreg [dreg:$0x5];
	s6 =	simm.s32 $0x0;
	s7 =	srdreg.scid  }
0x7: {  	s14 =	stileid.u32;
	s28 =	simm.s32 $0x800;
	s29 =	simm.s32 $0x64  }
0x8: {  	s30 =	simm.s32 $0x32;
	s31 =	simm.s32 $0x8000;
	[smem:$0x7FF] =	sst s6  }
0x9: {  	s10 =	sand.u32 $0x1, s7;
	s9 =	smul.u32 $0x50000, s14;
	s7 =	sadd.s32 $0x1400, s0  }
0xa: {  	s8 =	sadd.s32 $0x15400, s0;
	s0 =	sadd.s32 $0x29400, s0;
	s26 =	smul.u32 $0x14000, s14  }
0xb: {  	s22 =	sadd.s32 $0x12C000, s3;
	s17 =	sshll.u32 s14, $0x8;
	s18 =	sadd.s32 $0x12E800, s3  }
0xc: {  	p0 =	seq.s32 s14, $0xF;
	_ =	strace $0x80000047;
	s11 =	ssub.s32 $0x2, s10  }
0xd: {  	s24 =	sshll.u32 s10, $0x4;
	s10 =	smul.u32 $0x138800, s10;
	s5 =	sadd.s32 s5, s17  }
0xe: {  	[dreg:$0xc] =	wrdreg s22;
	s12 =	sshrl.u32 s11, $0x1;
	s9 =	sshrl.u32 s9, $0x2  }
0xf: {  	[dreg:$0xd] =	wrdreg s5;
	s11 =	ssub.s32 s11, s12;
	s9 =	sadd.s32 s9, s3  }
0x10: {  	s12 =	sor.u32 s14, s24;
	s23 =	sadd.s32 s26, s10;
	s10 =	sshrl.u32 s10, $0x3  }
0x11: {  	s24 =	sshll.u32 s14, $0xB;
	s13 =	sadd.s32 $0x2800, s9;
	s25 =	sadd.s32 $0x5000, s9  }
0x12: {  	s19 =	sadd.s32 $0x7800, s9;
	s20 =	sadd.s32 $0xA000, s9;
	s21 =	sadd.s32 $0xC800, s9  }
0x13: {  	s15 =	sadd.s32 $0xF000, s9;
	s16 =	sadd.s32 $0x11800, s9;
	[dreg:$0x7] =	wrdreg s13  }
0x14: {  	s5 =	sshrl.u32 s23, $0x3;
	s23 =	simm.s32 $0x1800;
	[dreg:$0x8] =	wrdreg s25  }
0x15: {  	s13 =	sadd.s32 $0x131000, s3;
	s5 =	sadd.s32 s0, s5;
	s0 =	sadd.s32 s0, s10  }
0x16: {  	s20 =	smov.u32 @p0 s18;
	s10 =	sadd.s32 s24, s4;
	s19 =	smov.u32 @p0 s22  }
0x17: {  	s25 =	smax.u32 s11, $0x1;
	s24 =	simm.s32 $0x7;
	[dreg:$0xe] =	wrdreg s5  }
0x18: {  	s11 =	simm.s32 $0x4;
	s5 =	sadd.s32 $0x133800, s3;
	[dreg:$0xa] =	wrdreg s20  }
0x19: {  	s21 =	smov.u32 @p0 s13;
	s20 =	smul.u32 $0x5000, s12;
	[dreg:$0x9] =	wrdreg s19  }
.Ltmp0:
0x1a: {  	s13 =	sadd.s32 $0x136000, s3;
	[dreg:$0x10] =	wrdreg s25;
	(pc) =	sbr.rel .LBB2_1-.Ltmp0, $4  }
0x1b: {  	s0 =	sadd.s32 $0x25800, s0;
	s26 =	sshrl.u32 s10, $0x3;
	[dreg:$0xb] =	wrdreg s21  }
0x1c: {  	s10 =	simm.s32 $0x6;
	s19 =	simm.s32 $0x0;
	[dreg:$0xf] =	wrdreg s0  }
0x1d: {  	s15 =	smov.u32 @p0 s5;
	s16 =	smov.u32 @p0 s13;
	[dreg:$0x11] =	wrdreg s26  }
0x1e: {  	v0 =	vimm.f32 $0.0e+00;
	s26 =	simm.s32 $0x1000;
	s0 =	simm.s32 $0x9C00;
	s5 =	simm.s32 $0x5  }
.LBB2_18:
0x1f: {  	[bflag:$0x0] =	sbarrier.arrive $0xFFFF  }
0x20: {  	s12 =	rddreg [dreg:$0xc]  }
0x21: {  	s13 =	rddreg [dreg:$0xf];
	s12 =	sshrl.u32 @p0 s12, $0x3  }
0x22: {  	[hbm:s13], [sflag:s18] =	dma.local @p0 [spmem:s12], $0x1900  }
0x23: {  	s12 =	simm.s32 @p0 $0x7  }
0x24: {  	_ =	swait.ge @p0 [sflag:s12], $0x1900  }
0x25: {  	[sflag:s12] =	ssyncset.done @p0 $0x0  }
0x26: {  	s13 =	rddreg [dreg:$0xe];
	[sflag:s12] =	ssyncadd.s32 @p0 $0xFFFFE700;
	s12 =	sshrl.u32 @!p0 s9, $0x3  }
0x27: {  	[hbm:s13], [sflag:s18] =	dma.local @!p0 [spmem:s12], $0x2800  }
0x28: {  	s12 =	simm.s32 @!p0 $0x7  }
0x29: {  	_ =	swait.ge @!p0 [sflag:s12], $0x2800  }
0x2a: {  	s6 =	sadd.s32 $0x1, s6;
	s25 =	rddreg [dreg:$0x10]  }
0x2b: {  	p1 =	sne.s32 s6, s25  }
.Ltmp1:
0x2c: {  	_ = 	snop;
	(pc) =	sbr.rel @!p1 .LBB2_19-.Ltmp1, $3  }
0x2d: {  	_ =	sdelay $0x1  }
0x2e: {  	[sflag:s12] =	ssyncset.done @!p0 $0x0  }
0x2f: {  	[sflag:s12] =	ssyncadd.s32 @!p0 $0xFFFFD800  }
.LBB2_1:
0x30: {  	s12 =	simm.s32 $0x0;
	s13 =	simm.s32 $0x200  }
.LBB2_2:
0x31: {  	p1 =	sne.s32 s13, $0x9E00;
	[tilespmem:s12+$0x1870] =	vst v0  }
0x32: {  	[tilespmem:s12+$0x1800] =	vst v0  }
0x33: {  	[tilespmem:s12+$0x1810] =	vst v0  }
.Ltmp2:
0x34: {  	[tilespmem:s12+$0x1820] =	vst v0;
	(pc) =	sbr.rel @p1 .LBB2_2-.Ltmp2, $4  }
0x35: {  	[tilespmem:s12+$0x1830] =	vst v0  }
0x36: {  	[tilespmem:s12+$0x1840] =	vst v0  }
0x37: {  	[tilespmem:s12+$0x1850] =	vst v0  }
0x38: {  	[tilespmem:s12+$0x1860] =	vst v0;
	s12 =	sshra.s32 s13, $0x2;
	s13 =	sadd.s32 $0x200, s13  }
0x39: {  	[tilespmem:s12+$0x1870] =	vst v0  }
0x3a: {  	[tilespmem:s12+$0x1800] =	vst v0  }
0x3b: {  	[tilespmem:s12+$0x1810] =	vst v0  }
0x3c: {  	[tilespmem:s12+$0x1820] =	vst v0  }
0x3d: {  	[tilespmem:s12+$0x1830] =	vst v0  }
0x3e: {  	[tilespmem:s12+$0x1840] =	vst v0  }
0x3f: {  	[tilespmem:s12+$0x1850] =	vst v0  }
0x40: {  	[tilespmem:s12+$0x1860] =	vst v0;
	s12 =	simm.s32 @!p0 $0x1800;
	s13 =	simm.s32 @!p0 $0x7  }
0x41: {  	[spmem:s9] =	stream.linear.scatter @!p0 [tilespmem:s12], [sflag:$0x7], $0x2800, $0x38;
	[tilespmem:$0x1F880] =	vst v63  }
0x42: {  	_ =	swait.ge @!p0 [sflag:s13], $0x2800  }
0x43: {  	[sflag:s13] =	ssyncset.done @!p0 $0x0  }
0x44: {  	s14 =	rddreg [dreg:$0x7];
	[sflag:s13] =	ssyncadd.s32 @!p0 $0xFFFFD800  }
0x45: {  	[spmem:s14] =	stream.linear.scatter @!p0 [tilespmem:s12], [sflag:$0x7], $0x2800, $0x38;
	[tilespmem:$0x1F880] =	vst v63  }
0x46: {  	_ =	swait.ge @!p0 [sflag:s13], $0x2800  }
0x47: {  	[sflag:s13] =	ssyncset.done @!p0 $0x0  }
0x48: {  	s14 =	rddreg [dreg:$0x8];
	[sflag:s13] =	ssyncadd.s32 @!p0 $0xFFFFD800  }
0x49: {  	[spmem:s14] =	stream.linear.scatter @!p0 [tilespmem:s12], [sflag:$0x7], $0x2800, $0x38;
	[tilespmem:$0x1F880] =	vst v63  }
0x4a: {  	_ =	swait.ge @!p0 [sflag:s13], $0x2800  }
0x4b: {  	[sflag:s13] =	ssyncset.done @!p0 $0x0  }
0x4c: {  	s14 =	rddreg [dreg:$0x9];
	[sflag:s13] =	ssyncadd.s32 @!p0 $0xFFFFD800  }
0x4d: {  	[spmem:s14] =	stream.linear.scatter [tilespmem:s23], [sflag:$0x7], $0x2800, $0x38;
	[tilespmem:$0x1F880] =	vst v63  }
0x4e: {  	_ =	swait.ge [sflag:s24], $0x2800  }
0x4f: {  	[sflag:s24] =	ssyncset.done $0x0  }
0x50: {  	s17 =	rddreg [dreg:$0xa];
	[sflag:s24] =	ssyncadd.s32 $0xFFFFD800  }
0x51: {  	[spmem:s17] =	stream.linear.scatter [tilespmem:s23], [sflag:$0x7], $0x2800, $0x38;
	[tilespmem:$0x1F880] =	vst v63  }
0x52: {  	_ =	swait.ge [sflag:s24], $0x2800  }
0x53: {  	[sflag:s24] =	ssyncset.done $0x0  }
0x54: {  	s18 =	rddreg [dreg:$0xb];
	[sflag:s24] =	ssyncadd.s32 $0xFFFFD800  }
0x55: {  	[spmem:s18] =	stream.linear.scatter [tilespmem:s23], [sflag:$0x7], $0x2800, $0x38;
	[tilespmem:$0x1F880] =	vst v63  }
0x56: {  	_ =	swait.ge [sflag:s24], $0x2800  }
0x57: {  	[sflag:s24] =	ssyncset.done $0x0  }
0x58: {  	[sflag:s24] =	ssyncadd.s32 $0xFFFFD800  }
0x59: {  	[spmem:s15] =	stream.linear.scatter [tilespmem:s23], [sflag:$0x7], $0x2800, $0x38;
	[tilespmem:$0x1F880] =	vst v63  }
0x5a: {  	_ =	swait.ge [sflag:s24], $0x2800  }
0x5b: {  	[sflag:s24] =	ssyncset.done $0x0  }
0x5c: {  	[sflag:s24] =	ssyncadd.s32 $0xFFFFD800  }
0x5d: {  	[spmem:s16] =	stream.linear.scatter [tilespmem:s23], [sflag:$0x7], $0x2800, $0x38;
	[tilespmem:$0x1F880] =	vst v63  }
0x5e: {  	s21 =	stileid.u32;
	_ =	swait.ge [sflag:s24], $0x2800  }
0x5f: {  	s12 =	sshll.u32 s21, $0x6;
	[sflag:s24] =	ssyncset.done $0x0;
	s22 =	rddreg [dreg:$0xd]  }
0x60: {  	s18 =	sor.u32 $0x1C07, s12;
	s25 =	rddreg [dreg:$0x11];
	[sflag:s24] =	ssyncadd.s32 $0xFFFFD800  }
0x61: {  	[spmem:s25], [sflag:s18] =	dma.local [hbm:s22], $0x100  }
.Ltmp3:
0x62: {  	_ =	swait.ge [sflag:s24], $0x100;
	(pc) =	sbr.rel .LBB2_4-.Ltmp3, $4  }
0x63: {  	[sflag:s24] =	ssyncset.done $0x0  }
0x64: {  	[sflag:s24] =	ssyncadd.s32 $0xFFFFFF00  }
0x65: {  	[bflag:$0x0] =	sbarrier.arrive $0xFFFF  }
0x66: {  	s21 =	simm.s32 $0x0  }
.LBB2_17:
0x67: {  	s21 =	sadd.s32 $0x1, s21  }
0x68: {  	p1 =	sne.s32 s21, $0xA  }
.Ltmp4:
0x69: {  	_ = 	snop;
	(pc) =	sbr.rel @!p1 .LBB2_18-.Ltmp4, $4  }
0x6a: {  	_ = 	snop  }
0x6b: {  	_ =	swait.ge [sflag:s11], $0x3200  }
0x6c: {  	[sflag:s11] =	ssyncset.done $0x0  }
0x6d: {  	[sflag:s11] =	ssyncadd.s32 $0xFFFFCE00  }
.LBB2_4:
0x6e: {  	s12 =	sshll.u32 s21, $0xB  }
0x6f: {  	s12 =	sadd.s32 s20, s12  }
0x70: {  	s12 =	sshrl.u32 s12, $0x3  }
0x71: {  	s13 =	sadd.s32 s2, s12  }
0x72: {  	[tilespmem:s19], [sflag:$0x7] =	stream.linear.gather [hbm4b:s13+s19], $0x500, $0x38;
	[tilespmem:$0x1F880] =	vst v63  }
0x73: {  	_ =	swait.ge [sflag:s24], $0x500  }
0x74: {  	[sflag:s24] =	ssyncset.done $0x0  }
0x75: {  	s25 =	sadd.s32 s7, s12;
	[sflag:s24] =	ssyncadd.s32 $0xFFFFFB00  }
0x76: {  	[tilespmem:s26], [sflag:$0x7] =	stream.linear.gather [hbm4b:s25+s19], $0x500, $0x38;
	[tilespmem:$0x1F880] =	vst v63  }
0x77: {  	_ =	swait.ge [sflag:s24], $0x500  }
0x78: {  	[sflag:s24] =	ssyncset.done $0x0  }
0x79: {  	s12 =	sadd.s32 s8, s12;
	[sflag:s24] =	ssyncadd.s32 $0xFFFFFB00  }
0x7a: {  	[tilespmem:s28], [sflag:$0x7] =	stream.linear.gather [hbm4b:s12+s19], $0x500, $0x38;
	[tilespmem:$0x1F880] =	vst v63  }
.Ltmp5:
0x7b: {  	_ = 	snop;
	(pc) =	sbr.rel .LBB2_5-.Ltmp5, $4  }
0x7c: {  	_ =	swait.ge [sflag:s24], $0x500  }
0x7d: {  	[sflag:s24] =	ssyncset.done $0x0  }
0x7e: {  	s22 =	simm.s32 $0x0;
	[sflag:s24] =	ssyncadd.s32 $0xFFFFFB00  }
0x7f: {  	[tilespmem:s23], [sflag:$0x1] =	stream.indirect.gather [hbm4b:s1+s29], $0x80, s19, s29, $0xb8;
	[tilespmem:$0x1F880] =	vst v63  }
.LBB2_15:
0x80: {  	[tilespmem:s12+$0x6700] =	vst v13;
	v6 =	vsub.f32 v11, v6;
	v63 =	vld [tilespmem:s12+$0x6770]  }
0x81: {  	[tilespmem:s12+$0x6710] =	vst v12;
	v5 =	vsub.f32 v10, v5  }
0x82: {  	v4 =	vsub.f32 v9, v4;
	[tilespmem:s12+$0x6720] =	vst v6  }
0x83: {  	v3 =	vsub.f32 v8, v3;
	[tilespmem:s12+$0x6730] =	vst v5  }
0x84: {  	v2 =	vsub.f32 v7, v2;
	[tilespmem:s12+$0x6740] =	vst v4  }
0x85: {  	[tilespmem:s12+$0x6750] =	vst v3;
	v1 =	vsub.f32 v63, v1  }
0x86: {  	[tilespmem:s12+$0x6760] =	vst v2  }
0x87: {  	[tilespmem:s12+$0x6770] =	vst v1  }
.LBB2_16:
0x88: {  	s22 =	sadd.s32 $0x1, s22  }
0x89: {  	s12 =	smul.u32 $0xD000, s17;
	p1 =	sne.s32 s22, $0xA  }
.Ltmp6:
0x8a: {  	_ = 	snop;
	(pc) =	sbr.rel @!p1 .LBB2_17-.Ltmp6, $4  }
0x8b: {  	_ = 	snop  }
0x8c: {  	s12 =	sshrl.u32 s12, $0x2  }
0x8d: {  	s13 =	sadd.s32 $0x1000, s25;
	s14 =	sadd.s32 $0x3, s17;
	s12 =	sadd.s32 $0x1800, s12  }
0x8e: {  	[spmem:s3] =	stream.indirect.scatter.add.f32 [tilespmem:s12], [sflag:s14], $0x80, s13, s29, $0xb8;
	[tilespmem:$0x1F880] =	vst v63  }
.LBB2_5:
0x8f: {  	s25 =	sshll.u32 s22, $0x7  }
0x90: {  	s17 =	sand.u32 $0x1, s22;
	s12 =	sadd.s32 $0x800, s25  }
0x91: {  	[tilespmem:s31], [sflag:$0x5] =	stream.indirect.gather [spmem:s4], $0x80, s12, s30, $0xb8;
	[tilespmem:$0x1F880] =	vst v63  }
0x92: {  	p1 =	seq.s32 s22, $0x0;
	s13 =	sadd.s32 $0x832, s25;
	s12 =	sxor.u32 $0x1, s17  }
0x93: {  	[tilespmem:s0], [sflag:$0x6] =	stream.indirect.gather [spmem:s4], $0x80, s13, s30, $0xb8;
	[tilespmem:$0x1F880] =	vst v63  }
0x94: {  	s13 =	sadd.s32 @!p1 $0x3, s12  }
0x95: {  	p2 =	seq.s32 @!p1 s22, $0x9;
	_ =	swait.ge @!p1 [sflag:s13], $0x3200  }
0x96: {  	p2 =	por p1, !p2;
	[sflag:s13] =	ssyncset.done @!p1 $0x0  }
0x97: {  	[sflag:s13] =	ssyncadd.s32 @!p1 $0xFFFFCE00;
	s13 =	smul.u32 @p2 $0xD000, s12;
	_ =	sdelay $0x1  }
0x98: {  	s14 =	sand.u32 @p2 $0x3FFFFF80, s25;
	s13 =	sshrl.u32 @p2 s13, $0x2  }
0x99: {  	s14 =	sadd.s32 @p2 $0x80, s14;
	s12 =	sadd.s32 @p2 $0x1, s12;
	s13 =	sadd.s32 @p2 $0x1800, s13  }
0x9a: {  	[tilespmem:s13], [sflag:s12] =	stream.indirect.gather @p2 [hbm4b:s1+s29], $0x80, s14, s29, $0xb8;
	[tilespmem:$0x1F880] =	vst v63  }
0x9b: {  	s14 =	sadd.s32 $0x1, s17  }
0x9c: {  	p1 =	sne.s32 s17, $0x0;
	_ =	swait.ge [sflag:s14], $0x3200  }
.Ltmp7:
0x9d: {  	[sflag:s14] =	ssyncset.done $0x0;
	(pc) =	sbr.rel @p1 .LBB2_11-.Ltmp7, $4  }
0x9e: {  	[sflag:s14] =	ssyncadd.s32 $0xFFFFCE00  }
0x9f: {  	_ =	swait.ge [sflag:s5], $0x1900  }
0xa0: {  	[sflag:s5] =	ssyncset.done $0x0  }
0xa1: {  	[sflag:s5] =	ssyncadd.s32 $0xFFFFE700  }
0xa2: {  	s12 =	simm.s32 $0x270  }
0xa3: {  	v7 =	vld [tilespmem:s12+$0x7D90]  }
0xa4: {  	v8 =	vld [tilespmem:s12+$0x7DA0]  }
0xa5: {  	v9 =	vld [tilespmem:s12+$0x7DB0]  }
0xa6: {  	v10 =	vld [tilespmem:s12+$0x7DC0]  }
0xa7: {  	v11 =	vld [tilespmem:s12+$0x7DD0]  }
0xa8: {  	v12 =	vld [tilespmem:s12+$0x7DE0]  }
0xa9: {  	v13 =	vld [tilespmem:s12+$0x7DF0]  }
0xaa: {  	v14 =	vld [tilespmem:s12+$0x7E00]  }
0xab: {  	v15 =	vld [tilespmem:s12+$0x7E10]  }
0xac: {  	v16 =	vld [tilespmem:s12+$0x7E20]  }
0xad: {  	v17 =	vld [tilespmem:s12+$0x7E30]  }
0xae: {  	v18 =	vld [tilespmem:s12+$0x7E40]  }
0xaf: {  	v19 =	vld [tilespmem:s12+$0x7E50]  }
0xb0: {  	v20 =	vld [tilespmem:s12+$0x7E60]  }
0xb1: {  	v21 =	vld [tilespmem:s12+$0x7E70]  }
0xb2: {  	v22 =	vld [tilespmem:s12+$0x7E80]  }
0xb3: {  	v23 =	vld [tilespmem:s12+$0x7E90]  }
0xb4: {  	v24 =	vld [tilespmem:s12+$0x7EA0]  }
0xb5: {  	v25 =	vld [tilespmem:s12+$0x7EB0]  }
0xb6: {  	v26 =	vld [tilespmem:s12+$0x7EC0]  }
0xb7: {  	v27 =	vld [tilespmem:s12+$0x7ED0]  }
0xb8: {  	v28 =	vld [tilespmem:s12+$0x7EE0]  }
0xb9: {  	v29 =	vld [tilespmem:s12+$0x7EF0]  }
0xba: {  	v30 =	vld [tilespmem:s12+$0x7F00]  }
0xbb: {  	v31 =	vld [tilespmem:s12+$0x7F10]  }
0xbc: {  	v32 =	vld [tilespmem:s12+$0x7F20]  }
0xbd: {  	v33 =	vld [tilespmem:s12+$0x7F30]  }
0xbe: {  	v34 =	vld [tilespmem:s12+$0x7F40]  }
0xbf: {  	v35 =	vld [tilespmem:s12+$0x7F50]  }
0xc0: {  	v36 =	vld [tilespmem:s12+$0x7F60]  }
0xc1: {  	v37 =	vld [tilespmem:s12+$0x7F70]  }
0xc2: {  	v38 =	vld [tilespmem:s12+$0x7F80]  }
0xc3: {  	v39 =	vld [tilespmem:s12+$0x7F90]  }
0xc4: {  	v40 =	vld [tilespmem:s12+$0x7FA0]  }
0xc5: {  	v6 =	vld [tilespmem:s12+$0x7FB0]  }
0xc6: {  	v5 =	vld [tilespmem:s12+$0x7FC0]  }
0xc7: {  	v4 =	vld [tilespmem:s12+$0x7FD0]  }
0xc8: {  	v3 =	vld [tilespmem:s12+$0x7FE0]  }
0xc9: {  	v2 =	vld [tilespmem:s12+$0x7FF0]  }
0xca: {  	v1 =	vld [tilespmem:s12+$0x8000]  }
0xcb: {  	v41 =	vld [tilespmem:s12+$0x1590]  }
0xcc: {  	v42 =	vld [tilespmem:s12+$0x15A0]  }
0xcd: {  	v43 =	vld [tilespmem:s12+$0x15B0]  }
0xce: {  	v44 =	vld [tilespmem:s12+$0x15C0]  }
0xcf: {  	v45 =	vld [tilespmem:s12+$0x15D0]  }
0xd0: {  	v63 =	vld [tilespmem:s12+$0x15E0];
	v7 =	vsub.f32 v41, v7  }
0xd1: {  	v46 =	vld [tilespmem:s12+$0x15F0];
	v8 =	vsub.f32 v42, v8  }
0xd2: {  	v9 =	vsub.f32 v43, v9;
	[tilespmem:s12+$0x1590] =	vst v7;
	v7 =	vld [tilespmem:s12+$0x1600]  }
0xd3: {  	v10 =	vsub.f32 v44, v10;
	[tilespmem:s12+$0x15A0] =	vst v8;
	v8 =	vld [tilespmem:s12+$0x1610]  }
0xd4: {  	v11 =	vsub.f32 v45, v11;
	[tilespmem:s12+$0x15B0] =	vst v9;
	v9 =	vld [tilespmem:s12+$0x1620]  }
0xd5: {  	v12 =	vsub.f32 v63, v12;
	[tilespmem:s12+$0x15C0] =	vst v10;
	v10 =	vld [tilespmem:s12+$0x1630]  }
0xd6: {  	v13 =	vsub.f32 v46, v13;
	[tilespmem:s12+$0x15D0] =	vst v11;
	v11 =	vld [tilespmem:s12+$0x1640]  }
0xd7: {  	[tilespmem:s12+$0x15E0] =	vst v12;
	v12 =	vld [tilespmem:s12+$0x1650];
	v7 =	vsub.f32 v7, v14  }
0xd8: {  	[tilespmem:s12+$0x15F0] =	vst v13;
	v13 =	vld [tilespmem:s12+$0x1660];
	v8 =	vsub.f32 v8, v15  }
0xd9: {  	v9 =	vsub.f32 v9, v16;
	[tilespmem:s12+$0x1600] =	vst v7;
	v7 =	vld [tilespmem:s12+$0x1670]  }
0xda: {  	v10 =	vsub.f32 v10, v17;
	[tilespmem:s12+$0x1610] =	vst v8;
	v8 =	vld [tilespmem:s12+$0x1680]  }
0xdb: {  	v11 =	vsub.f32 v11, v18;
	[tilespmem:s12+$0x1620] =	vst v9;
	v9 =	vld [tilespmem:s12+$0x1690]  }
0xdc: {  	v12 =	vsub.f32 v12, v19;
	[tilespmem:s12+$0x1630] =	vst v10;
	v10 =	vld [tilespmem:s12+$0x16A0]  }
0xdd: {  	v13 =	vsub.f32 v13, v20;
	[tilespmem:s12+$0x1640] =	vst v11;
	v11 =	vld [tilespmem:s12+$0x16B0]  }
0xde: {  	[tilespmem:s12+$0x1650] =	vst v12;
	v12 =	vld [tilespmem:s12+$0x16C0];
	v7 =	vsub.f32 v7, v21  }
0xdf: {  	[tilespmem:s12+$0x1660] =	vst v13;
	v13 =	vld [tilespmem:s12+$0x16D0];
	v8 =	vsub.f32 v8, v22  }
0xe0: {  	v9 =	vsub.f32 v9, v23;
	[tilespmem:s12+$0x1670] =	vst v7;
	v7 =	vld [tilespmem:s12+$0x16E0]  }
0xe1: {  	v10 =	vsub.f32 v10, v24;
	[tilespmem:s12+$0x1680] =	vst v8;
	v8 =	vld [tilespmem:s12+$0x16F0]  }
0xe2: {  	v11 =	vsub.f32 v11, v25;
	[tilespmem:s12+$0x1690] =	vst v9;
	v9 =	vld [tilespmem:s12+$0x1700]  }
0xe3: {  	v12 =	vsub.f32 v12, v26;
	[tilespmem:s12+$0x16A0] =	vst v10;
	v10 =	vld [tilespmem:s12+$0x1710]  }
0xe4: {  	v13 =	vsub.f32 v13, v27;
	[tilespmem:s12+$0x16B0] =	vst v11;
	v11 =	vld [tilespmem:s12+$0x1720]  }
0xe5: {  	[tilespmem:s12+$0x16C0] =	vst v12;
	v12 =	vld [tilespmem:s12+$0x1730];
	v7 =	vsub.f32 v7, v28  }
0xe6: {  	[tilespmem:s12+$0x16D0] =	vst v13;
	v13 =	vld [tilespmem:s12+$0x1740];
	v8 =	vsub.f32 v8, v29  }
0xe7: {  	v14 =	vld [tilespmem:s12+$0x1780];
	v9 =	vsub.f32 v9, v30;
	[tilespmem:s12+$0x16E0] =	vst v7  }
0xe8: {  	v10 =	vsub.f32 v10, v31;
	v7 =	vld [tilespmem:s12+$0x1750];
	[tilespmem:s12+$0x16F0] =	vst v8  }
0xe9: {  	v11 =	vsub.f32 v11, v32;
	v8 =	vld [tilespmem:s12+$0x1760];
	[tilespmem:s12+$0x1700] =	vst v9  }
0xea: {  	v9 =	vld [tilespmem:s12+$0x1770];
	[tilespmem:s12+$0x1710] =	vst v10;
	v10 =	vsub.f32 v12, v33  }
0xeb: {  	[tilespmem:s12+$0x1720] =	vst v11;
	v12 =	vld [tilespmem:s12+$0x1790];
	v11 =	vsub.f32 v13, v34  }
0xec: {  	v15 =	vld [tilespmem:s12+$0x17A0];
	v13 =	vsub.f32 v14, v38;
	[tilespmem:s12+$0x1730] =	vst v10  }
0xed: {  	[tilespmem:s12+$0x1740] =	vst v11;
	v11 =	vld [tilespmem:s12+$0x17B0];
	v7 =	vsub.f32 v7, v35  }
0xee: {  	v10 =	vld [tilespmem:s12+$0x17C0];
	[tilespmem:s12+$0x1780] =	vst v13;
	v8 =	vsub.f32 v8, v36  }
0xef: {  	[tilespmem:s12+$0x1750] =	vst v7;
	v7 =	vsub.f32 v9, v37;
	v9 =	vld [tilespmem:s12+$0x17D0]  }
0xf0: {  	v13 =	vsub.f32 v12, v39;
	[tilespmem:s12+$0x1760] =	vst v8;
	v8 =	vld [tilespmem:s12+$0x17E0]  }
0xf1: {  	s13 =	simm.s32 $0x13C0;
	v12 =	vsub.f32 v15, v40;
	[tilespmem:s12+$0x1770] =	vst v7;
	v7 =	vld [tilespmem:s12+$0x17F0]  }
.LBB2_7:
0xf2: {  	s14 =	sshra.s32 s13, $0x2;
	p1 =	seq.s32 s13, $0x63C0;
	[tilespmem:s12+$0x1790] =	vst v13;
	v6 =	vsub.f32 v11, v6;
	v11 =	vld [tilespmem:s12+$0x1800]  }
0xf3: {  	v21 =	vld [tilespmem:s14+$0x7D90];
	[tilespmem:s12+$0x17A0] =	vst v12;
	v5 =	vsub.f32 v10, v5  }
0xf4: {  	v22 =	vld [tilespmem:s14+$0x7DA0];
	[tilespmem:s12+$0x17B0] =	vst v6;
	v4 =	vsub.f32 v9, v4  }
0xf5: {  	v23 =	vld [tilespmem:s14+$0x7DB0];
	[tilespmem:s12+$0x17C0] =	vst v5;
	v3 =	vsub.f32 v8, v3  }
0xf6: {  	v24 =	vld [tilespmem:s14+$0x7DC0];
	[tilespmem:s12+$0x17D0] =	vst v4;
	v2 =	vsub.f32 v7, v2  }
0xf7: {  	v25 =	vld [tilespmem:s14+$0x7DD0];
	[tilespmem:s12+$0x17E0] =	vst v3;
	v1 =	vsub.f32 v11, v1  }
0xf8: {  	v26 =	vld [tilespmem:s14+$0x7DE0];
	[tilespmem:s12+$0x17F0] =	vst v2  }
0xf9: {  	v27 =	vld [tilespmem:s14+$0x7DF0];
	[tilespmem:s12+$0x1800] =	vst v1;
	s12 =	smov.u32 s14  }
0xfa: {  	v28 =	vld [tilespmem:s12+$0x7E00]  }
0xfb: {  	v29 =	vld [tilespmem:s12+$0x7E10]  }
0xfc: {  	v30 =	vld [tilespmem:s12+$0x7E20]  }
0xfd: {  	v31 =	vld [tilespmem:s12+$0x7E30]  }
0xfe: {  	v32 =	vld [tilespmem:s12+$0x7E40]  }
0xff: {  	v33 =	vld [tilespmem:s12+$0x7E50]  }
0x100: {  	v34 =	vld [tilespmem:s12+$0x7E60]  }
0x101: {  	v35 =	vld [tilespmem:s12+$0x7E70]  }
0x102: {  	v36 =	vld [tilespmem:s12+$0x7E80]  }
0x103: {  	v37 =	vld [tilespmem:s12+$0x7E90]  }
0x104: {  	v38 =	vld [tilespmem:s12+$0x7EA0]  }
0x105: {  	v39 =	vld [tilespmem:s12+$0x7EB0]  }
0x106: {  	v40 =	vld [tilespmem:s12+$0x7EC0]  }
0x107: {  	v20 =	vld [tilespmem:s12+$0x7ED0]  }
0x108: {  	v19 =	vld [tilespmem:s12+$0x7EE0]  }
0x109: {  	v18 =	vld [tilespmem:s12+$0x7EF0]  }
0x10a: {  	v17 =	vld [tilespmem:s12+$0x7F00]  }
0x10b: {  	v16 =	vld [tilespmem:s12+$0x7F10]  }
0x10c: {  	v15 =	vld [tilespmem:s12+$0x7F20]  }
0x10d: {  	v14 =	vld [tilespmem:s12+$0x7F30]  }
0x10e: {  	v13 =	vld [tilespmem:s12+$0x7F40]  }
0x10f: {  	v12 =	vld [tilespmem:s12+$0x7F50]  }
0x110: {  	v11 =	vld [tilespmem:s12+$0x7F60]  }
0x111: {  	v10 =	vld [tilespmem:s12+$0x7F70]  }
0x112: {  	v9 =	vld [tilespmem:s12+$0x7F80]  }
0x113: {  	v8 =	vld [tilespmem:s12+$0x7F90]  }
0x114: {  	v7 =	vld [tilespmem:s12+$0x7FA0]  }
0x115: {  	v6 =	vld [tilespmem:s12+$0x7FB0]  }
0x116: {  	v5 =	vld [tilespmem:s12+$0x7FC0]  }
0x117: {  	v4 =	vld [tilespmem:s12+$0x7FD0]  }
0x118: {  	v3 =	vld [tilespmem:s12+$0x7FE0]  }
0x119: {  	v2 =	vld [tilespmem:s12+$0x7FF0]  }
0x11a: {  	v1 =	vld [tilespmem:s12+$0x8000]  }
0x11b: {  	v41 =	vld [tilespmem:s12+$0x1590]  }
0x11c: {  	v42 =	vld [tilespmem:s12+$0x15A0]  }
0x11d: {  	v43 =	vld [tilespmem:s12+$0x15B0]  }
0x11e: {  	v44 =	vld [tilespmem:s12+$0x15C0]  }
0x11f: {  	v45 =	vld [tilespmem:s12+$0x15D0]  }
0x120: {  	v21 =	vsub.f32 v41, v21;
	v41 =	vld [tilespmem:s12+$0x15E0]  }
0x121: {  	v22 =	vsub.f32 v42, v22;
	v42 =	vld [tilespmem:s12+$0x15F0]  }
0x122: {  	[tilespmem:s12+$0x1590] =	vst v21;
	v21 =	vsub.f32 v43, v23;
	v23 =	vld [tilespmem:s12+$0x1600]  }
0x123: {  	[tilespmem:s12+$0x15A0] =	vst v22;
	v22 =	vsub.f32 v44, v24;
	v24 =	vld [tilespmem:s12+$0x1610]  }
0x124: {  	[tilespmem:s12+$0x15B0] =	vst v21;
	v21 =	vsub.f32 v45, v25;
	v25 =	vld [tilespmem:s12+$0x1620]  }
0x125: {  	[tilespmem:s12+$0x15C0] =	vst v22;
	v22 =	vsub.f32 v41, v26;
	v26 =	vld [tilespmem:s12+$0x1630]  }
0x126: {  	[tilespmem:s12+$0x15D0] =	vst v21;
	v21 =	vsub.f32 v42, v27;
	v27 =	vld [tilespmem:s12+$0x1640]  }
0x127: {  	[tilespmem:s12+$0x15E0] =	vst v22;
	v22 =	vsub.f32 v23, v28;
	v23 =	vld [tilespmem:s12+$0x1650]  }
0x128: {  	[tilespmem:s12+$0x15F0] =	vst v21;
	v21 =	vsub.f32 v24, v29;
	v24 =	vld [tilespmem:s12+$0x1660]  }
0x129: {  	[tilespmem:s12+$0x1600] =	vst v22;
	v22 =	vsub.f32 v25, v30;
	v25 =	vld [tilespmem:s12+$0x1670]  }
0x12a: {  	[tilespmem:s12+$0x1610] =	vst v21;
	v21 =	vsub.f32 v26, v31;
	v26 =	vld [tilespmem:s12+$0x1680]  }
0x12b: {  	[tilespmem:s12+$0x1620] =	vst v22;
	v22 =	vsub.f32 v27, v32;
	v27 =	vld [tilespmem:s12+$0x1690]  }
0x12c: {  	[tilespmem:s12+$0x1630] =	vst v21;
	v21 =	vsub.f32 v23, v33;
	v23 =	vld [tilespmem:s12+$0x16A0]  }
0x12d: {  	[tilespmem:s12+$0x1640] =	vst v22;
	v22 =	vsub.f32 v24, v34;
	v24 =	vld [tilespmem:s12+$0x16B0]  }
0x12e: {  	[tilespmem:s12+$0x1650] =	vst v21;
	v21 =	vsub.f32 v25, v35;
	v25 =	vld [tilespmem:s12+$0x16C0]  }
0x12f: {  	[tilespmem:s12+$0x1660] =	vst v22;
	v22 =	vsub.f32 v26, v36;
	v26 =	vld [tilespmem:s12+$0x16D0]  }
0x130: {  	[tilespmem:s12+$0x1670] =	vst v21;
	v21 =	vsub.f32 v27, v37;
	v27 =	vld [tilespmem:s12+$0x16E0]  }
0x131: {  	[tilespmem:s12+$0x1680] =	vst v22;
	v22 =	vsub.f32 v23, v38;
	v23 =	vld [tilespmem:s12+$0x16F0]  }
0x132: {  	[tilespmem:s12+$0x1690] =	vst v21;
	v21 =	vsub.f32 v24, v39;
	v24 =	vld [tilespmem:s12+$0x1700]  }
0x133: {  	[tilespmem:s12+$0x16A0] =	vst v22;
	v22 =	vsub.f32 v25, v40;
	v25 =	vld [tilespmem:s12+$0x1710]  }
0x134: {  	[tilespmem:s12+$0x16B0] =	vst v21;
	v20 =	vsub.f32 v26, v20;
	v21 =	vld [tilespmem:s12+$0x1720]  }
0x135: {  	[tilespmem:s12+$0x16C0] =	vst v22;
	v19 =	vsub.f32 v27, v19;
	v22 =	vld [tilespmem:s12+$0x1730]  }
0x136: {  	[tilespmem:s12+$0x16D0] =	vst v20;
	v18 =	vsub.f32 v23, v18;
	v20 =	vld [tilespmem:s12+$0x1740]  }
0x137: {  	[tilespmem:s12+$0x16E0] =	vst v19;
	v17 =	vsub.f32 v24, v17;
	v19 =	vld [tilespmem:s12+$0x1750]  }
0x138: {  	[tilespmem:s12+$0x16F0] =	vst v18;
	v16 =	vsub.f32 v25, v16;
	v18 =	vld [tilespmem:s12+$0x1760]  }
0x139: {  	[tilespmem:s12+$0x1700] =	vst v17;
	v15 =	vsub.f32 v21, v15;
	v17 =	vld [tilespmem:s12+$0x1770]  }
0x13a: {  	[tilespmem:s12+$0x1710] =	vst v16;
	v14 =	vsub.f32 v22, v14;
	v16 =	vld [tilespmem:s12+$0x1780]  }
0x13b: {  	[tilespmem:s12+$0x1720] =	vst v15;
	v13 =	vsub.f32 v20, v13;
	v15 =	vld [tilespmem:s12+$0x1790]  }
0x13c: {  	[tilespmem:s12+$0x1730] =	vst v14;
	v12 =	vsub.f32 v19, v12;
	v14 =	vld [tilespmem:s12+$0x17A0]  }
.Ltmp8:
0x13d: {  	[tilespmem:s12+$0x1740] =	vst v13;
	v13 =	vsub.f32 v18, v11;
	v11 =	vld [tilespmem:s12+$0x17B0];
	(pc) =	sbr.rel @!p1 .LBB2_7-.Ltmp8, $4  }
0x13e: {  	[tilespmem:s12+$0x1750] =	vst v12;
	v12 =	vsub.f32 v17, v10;
	v10 =	vld [tilespmem:s12+$0x17C0]  }
0x13f: {  	[tilespmem:s12+$0x1760] =	vst v13;
	v16 =	vsub.f32 v16, v9;
	v9 =	vld [tilespmem:s12+$0x17D0]  }
0x140: {  	[tilespmem:s12+$0x1770] =	vst v12;
	v13 =	vsub.f32 v15, v8;
	v8 =	vld [tilespmem:s12+$0x17E0]  }
0x141: {  	s13 =	sadd.s32 $0xA00, s13;
	[tilespmem:s12+$0x1780] =	vst v16;
	v12 =	vsub.f32 v14, v7;
	v7 =	vld [tilespmem:s12+$0x17F0]  }
0x142: {  	[tilespmem:s12+$0x1790] =	vst v13;
	v6 =	vsub.f32 v11, v6;
	v11 =	vld [tilespmem:s12+$0x1800]  }
0x143: {  	[tilespmem:s12+$0x17A0] =	vst v12;
	v5 =	vsub.f32 v10, v5  }
0x144: {  	[tilespmem:s12+$0x17B0] =	vst v6;
	v4 =	vsub.f32 v9, v4  }
0x145: {  	[tilespmem:s12+$0x17C0] =	vst v5;
	v3 =	vsub.f32 v8, v3  }
0x146: {  	[tilespmem:s12+$0x17D0] =	vst v4;
	v2 =	vsub.f32 v7, v2  }
0x147: {  	[tilespmem:s12+$0x17E0] =	vst v3;
	v1 =	vsub.f32 v11, v1  }
0x148: {  	[tilespmem:s12+$0x17F0] =	vst v2  }
0x149: {  	[tilespmem:s12+$0x1800] =	vst v1  }
0x14a: {  	_ =	swait.ge [sflag:s10], $0x1900  }
0x14b: {  	[sflag:s10] =	ssyncset.done $0x0  }
0x14c: {  	s12 =	simm.s32 $0x0;
	[sflag:s10] =	ssyncadd.s32 $0xFFFFE700  }
0x14d: {  	v7 =	vld [tilespmem:s12+$0x9C00]  }
0x14e: {  	v8 =	vld [tilespmem:s12+$0x9C10]  }
0x14f: {  	v9 =	vld [tilespmem:s12+$0x9C20]  }
0x150: {  	v10 =	vld [tilespmem:s12+$0x9C30]  }
0x151: {  	v11 =	vld [tilespmem:s12+$0x9C40]  }
0x152: {  	v12 =	vld [tilespmem:s12+$0x9C50]  }
0x153: {  	v13 =	vld [tilespmem:s12+$0x9C60]  }
0x154: {  	v14 =	vld [tilespmem:s12+$0x9C70]  }
0x155: {  	v15 =	vld [tilespmem:s12+$0x9C80]  }
0x156: {  	v16 =	vld [tilespmem:s12+$0x9C90]  }
0x157: {  	v17 =	vld [tilespmem:s12+$0x9CA0]  }
0x158: {  	v18 =	vld [tilespmem:s12+$0x9CB0]  }
0x159: {  	v19 =	vld [tilespmem:s12+$0x9CC0]  }
0x15a: {  	v20 =	vld [tilespmem:s12+$0x9CD0]  }
0x15b: {  	v21 =	vld [tilespmem:s12+$0x9CE0]  }
0x15c: {  	v22 =	vld [tilespmem:s12+$0x9CF0]  }
0x15d: {  	v23 =	vld [tilespmem:s12+$0x9D00]  }
0x15e: {  	v24 =	vld [tilespmem:s12+$0x9D10]  }
0x15f: {  	v25 =	vld [tilespmem:s12+$0x9D20]  }
0x160: {  	v26 =	vld [tilespmem:s12+$0x9D30]  }
0x161: {  	v27 =	vld [tilespmem:s12+$0x9D40]  }
0x162: {  	v28 =	vld [tilespmem:s12+$0x9D50]  }
0x163: {  	v29 =	vld [tilespmem:s12+$0x9D60]  }
0x164: {  	v30 =	vld [tilespmem:s12+$0x9D70]  }
0x165: {  	v31 =	vld [tilespmem:s12+$0x9D80]  }
0x166: {  	v32 =	vld [tilespmem:s12+$0x9D90]  }
0x167: {  	v33 =	vld [tilespmem:s12+$0x9DA0]  }
0x168: {  	v34 =	vld [tilespmem:s12+$0x9DB0]  }
0x169: {  	v35 =	vld [tilespmem:s12+$0x9DC0]  }
0x16a: {  	v36 =	vld [tilespmem:s12+$0x9DD0]  }
0x16b: {  	v37 =	vld [tilespmem:s12+$0x9DE0]  }
0x16c: {  	v38 =	vld [tilespmem:s12+$0x9DF0]  }
0x16d: {  	v39 =	vld [tilespmem:s12+$0x9E00]  }
0x16e: {  	v40 =	vld [tilespmem:s12+$0x9E10]  }
0x16f: {  	v6 =	vld [tilespmem:s12+$0x9E20]  }
0x170: {  	v5 =	vld [tilespmem:s12+$0x9E30]  }
0x171: {  	v4 =	vld [tilespmem:s12+$0x9E40]  }
0x172: {  	v3 =	vld [tilespmem:s12+$0x9E50]  }
0x173: {  	v2 =	vld [tilespmem:s12+$0x9E60]  }
0x174: {  	v1 =	vld [tilespmem:s12+$0x9E70]  }
0x175: {  	v41 =	vld [tilespmem:s12+$0x3100]  }
0x176: {  	v42 =	vld [tilespmem:s12+$0x3110]  }
0x177: {  	v43 =	vld [tilespmem:s12+$0x3120]  }
0x178: {  	v44 =	vld [tilespmem:s12+$0x3130]  }
0x179: {  	v45 =	vld [tilespmem:s12+$0x3140]  }
0x17a: {  	v63 =	vld [tilespmem:s12+$0x3150];
	v7 =	vsub.f32 v41, v7  }
0x17b: {  	v46 =	vld [tilespmem:s12+$0x3160];
	v8 =	vsub.f32 v42, v8  }
0x17c: {  	v9 =	vsub.f32 v43, v9;
	[tilespmem:s12+$0x3100] =	vst v7;
	v7 =	vld [tilespmem:s12+$0x3170]  }
0x17d: {  	v10 =	vsub.f32 v44, v10;
	[tilespmem:s12+$0x3110] =	vst v8;
	v8 =	vld [tilespmem:s12+$0x3180]  }
0x17e: {  	v11 =	vsub.f32 v45, v11;
	[tilespmem:s12+$0x3120] =	vst v9;
	v9 =	vld [tilespmem:s12+$0x3190]  }
0x17f: {  	v12 =	vsub.f32 v63, v12;
	[tilespmem:s12+$0x3130] =	vst v10;
	v10 =	vld [tilespmem:s12+$0x31A0]  }
0x180: {  	v13 =	vsub.f32 v46, v13;
	[tilespmem:s12+$0x3140] =	vst v11;
	v11 =	vld [tilespmem:s12+$0x31B0]  }
0x181: {  	[tilespmem:s12+$0x3150] =	vst v12;
	v12 =	vld [tilespmem:s12+$0x31C0];
	v7 =	vsub.f32 v7, v14  }
0x182: {  	[tilespmem:s12+$0x3160] =	vst v13;
	v13 =	vld [tilespmem:s12+$0x31D0];
	v8 =	vsub.f32 v8, v15  }
0x183: {  	v9 =	vsub.f32 v9, v16;
	[tilespmem:s12+$0x3170] =	vst v7;
	v7 =	vld [tilespmem:s12+$0x31E0]  }
0x184: {  	v10 =	vsub.f32 v10, v17;
	[tilespmem:s12+$0x3180] =	vst v8;
	v8 =	vld [tilespmem:s12+$0x31F0]  }
0x185: {  	v11 =	vsub.f32 v11, v18;
	[tilespmem:s12+$0x3190] =	vst v9;
	v9 =	vld [tilespmem:s12+$0x3200]  }
0x186: {  	v12 =	vsub.f32 v12, v19;
	[tilespmem:s12+$0x31A0] =	vst v10;
	v10 =	vld [tilespmem:s12+$0x3210]  }
0x187: {  	v13 =	vsub.f32 v13, v20;
	[tilespmem:s12+$0x31B0] =	vst v11;
	v11 =	vld [tilespmem:s12+$0x3220]  }
0x188: {  	[tilespmem:s12+$0x31C0] =	vst v12;
	v12 =	vld [tilespmem:s12+$0x3230];
	v7 =	vsub.f32 v7, v21  }
0x189: {  	[tilespmem:s12+$0x31D0] =	vst v13;
	v13 =	vld [tilespmem:s12+$0x3240];
	v8 =	vsub.f32 v8, v22  }
0x18a: {  	v9 =	vsub.f32 v9, v23;
	[tilespmem:s12+$0x31E0] =	vst v7;
	v7 =	vld [tilespmem:s12+$0x3250]  }
0x18b: {  	v10 =	vsub.f32 v10, v24;
	[tilespmem:s12+$0x31F0] =	vst v8;
	v8 =	vld [tilespmem:s12+$0x3260]  }
0x18c: {  	v11 =	vsub.f32 v11, v25;
	[tilespmem:s12+$0x3200] =	vst v9;
	v9 =	vld [tilespmem:s12+$0x3270]  }
0x18d: {  	v12 =	vsub.f32 v12, v26;
	[tilespmem:s12+$0x3210] =	vst v10;
	v10 =	vld [tilespmem:s12+$0x3280]  }
0x18e: {  	v13 =	vsub.f32 v13, v27;
	[tilespmem:s12+$0x3220] =	vst v11;
	v11 =	vld [tilespmem:s12+$0x3290]  }
0x18f: {  	[tilespmem:s12+$0x3230] =	vst v12;
	v12 =	vld [tilespmem:s12+$0x32A0];
	v7 =	vsub.f32 v7, v28  }
0x190: {  	[tilespmem:s12+$0x3240] =	vst v13;
	v13 =	vld [tilespmem:s12+$0x32B0];
	v8 =	vsub.f32 v8, v29  }
0x191: {  	v14 =	vld [tilespmem:s12+$0x32F0];
	v9 =	vsub.f32 v9, v30;
	[tilespmem:s12+$0x3250] =	vst v7  }
0x192: {  	v10 =	vsub.f32 v10, v31;
	v7 =	vld [tilespmem:s12+$0x32C0];
	[tilespmem:s12+$0x3260] =	vst v8  }
0x193: {  	v11 =	vsub.f32 v11, v32;
	v8 =	vld [tilespmem:s12+$0x32D0];
	[tilespmem:s12+$0x3270] =	vst v9  }
0x194: {  	v9 =	vld [tilespmem:s12+$0x32E0];
	[tilespmem:s12+$0x3280] =	vst v10;
	v10 =	vsub.f32 v12, v33  }
0x195: {  	[tilespmem:s12+$0x3290] =	vst v11;
	v12 =	vld [tilespmem:s12+$0x3300];
	v11 =	vsub.f32 v13, v34  }
0x196: {  	v15 =	vld [tilespmem:s12+$0x3310];
	v13 =	vsub.f32 v14, v38;
	[tilespmem:s12+$0x32A0] =	vst v10  }
0x197: {  	[tilespmem:s12+$0x32B0] =	vst v11;
	v11 =	vld [tilespmem:s12+$0x3320];
	v7 =	vsub.f32 v7, v35  }
0x198: {  	v10 =	vld [tilespmem:s12+$0x3330];
	[tilespmem:s12+$0x32F0] =	vst v13;
	v8 =	vsub.f32 v8, v36  }
0x199: {  	[tilespmem:s12+$0x32C0] =	vst v7;
	v7 =	vsub.f32 v9, v37;
	v9 =	vld [tilespmem:s12+$0x3340]  }
0x19a: {  	v13 =	vsub.f32 v12, v39;
	[tilespmem:s12+$0x32D0] =	vst v8;
	v8 =	vld [tilespmem:s12+$0x3350]  }
0x19b: {  	s13 =	simm.s32 $0xA00;
	v12 =	vsub.f32 v15, v40;
	[tilespmem:s12+$0x32E0] =	vst v7;
	v7 =	vld [tilespmem:s12+$0x3360]  }
.LBB2_9:
0x19c: {  	s14 =	sshra.s32 s13, $0x2;
	p1 =	seq.s32 s13, $0x5A00;
	[tilespmem:s12+$0x3300] =	vst v13;
	v6 =	vsub.f32 v11, v6;
	v11 =	vld [tilespmem:s12+$0x3370]  }
0x19d: {  	v21 =	vld [tilespmem:s14+$0x9C00];
	[tilespmem:s12+$0x3310] =	vst v12;
	v5 =	vsub.f32 v10, v5  }
0x19e: {  	v22 =	vld [tilespmem:s14+$0x9C10];
	[tilespmem:s12+$0x3320] =	vst v6;
	v4 =	vsub.f32 v9, v4  }
0x19f: {  	v23 =	vld [tilespmem:s14+$0x9C20];
	[tilespmem:s12+$0x3330] =	vst v5;
	v3 =	vsub.f32 v8, v3  }
0x1a0: {  	v24 =	vld [tilespmem:s14+$0x9C30];
	[tilespmem:s12+$0x3340] =	vst v4;
	v2 =	vsub.f32 v7, v2  }
0x1a1: {  	v25 =	vld [tilespmem:s14+$0x9C40];
	[tilespmem:s12+$0x3350] =	vst v3;
	v1 =	vsub.f32 v11, v1  }
0x1a2: {  	v26 =	vld [tilespmem:s14+$0x9C50];
	[tilespmem:s12+$0x3360] =	vst v2  }
0x1a3: {  	v27 =	vld [tilespmem:s14+$0x9C60];
	[tilespmem:s12+$0x3370] =	vst v1;
	s12 =	smov.u32 s14  }
0x1a4: {  	v28 =	vld [tilespmem:s12+$0x9C70]  }
0x1a5: {  	v29 =	vld [tilespmem:s12+$0x9C80]  }
0x1a6: {  	v30 =	vld [tilespmem:s12+$0x9C90]  }
0x1a7: {  	v31 =	vld [tilespmem:s12+$0x9CA0]  }
0x1a8: {  	v32 =	vld [tilespmem:s12+$0x9CB0]  }
0x1a9: {  	v33 =	vld [tilespmem:s12+$0x9CC0]  }
0x1aa: {  	v34 =	vld [tilespmem:s12+$0x9CD0]  }
0x1ab: {  	v35 =	vld [tilespmem:s12+$0x9CE0]  }
0x1ac: {  	v36 =	vld [tilespmem:s12+$0x9CF0]  }
0x1ad: {  	v37 =	vld [tilespmem:s12+$0x9D00]  }
0x1ae: {  	v38 =	vld [tilespmem:s12+$0x9D10]  }
0x1af: {  	v39 =	vld [tilespmem:s12+$0x9D20]  }
0x1b0: {  	v40 =	vld [tilespmem:s12+$0x9D30]  }
0x1b1: {  	v20 =	vld [tilespmem:s12+$0x9D40]  }
0x1b2: {  	v19 =	vld [tilespmem:s12+$0x9D50]  }
0x1b3: {  	v18 =	vld [tilespmem:s12+$0x9D60]  }
0x1b4: {  	v17 =	vld [tilespmem:s12+$0x9D70]  }
0x1b5: {  	v16 =	vld [tilespmem:s12+$0x9D80]  }
0x1b6: {  	v15 =	vld [tilespmem:s12+$0x9D90]  }
0x1b7: {  	v14 =	vld [tilespmem:s12+$0x9DA0]  }
0x1b8: {  	v13 =	vld [tilespmem:s12+$0x9DB0]  }
0x1b9: {  	v12 =	vld [tilespmem:s12+$0x9DC0]  }
0x1ba: {  	v11 =	vld [tilespmem:s12+$0x9DD0]  }
0x1bb: {  	v10 =	vld [tilespmem:s12+$0x9DE0]  }
0x1bc: {  	v9 =	vld [tilespmem:s12+$0x9DF0]  }
0x1bd: {  	v8 =	vld [tilespmem:s12+$0x9E00]  }
0x1be: {  	v7 =	vld [tilespmem:s12+$0x9E10]  }
0x1bf: {  	v6 =	vld [tilespmem:s12+$0x9E20]  }
0x1c0: {  	v5 =	vld [tilespmem:s12+$0x9E30]  }
0x1c1: {  	v4 =	vld [tilespmem:s12+$0x9E40]  }
0x1c2: {  	v3 =	vld [tilespmem:s12+$0x9E50]  }
0x1c3: {  	v2 =	vld [tilespmem:s12+$0x9E60]  }
0x1c4: {  	v1 =	vld [tilespmem:s12+$0x9E70]  }
0x1c5: {  	v41 =	vld [tilespmem:s12+$0x3100]  }
0x1c6: {  	v42 =	vld [tilespmem:s12+$0x3110]  }
0x1c7: {  	v43 =	vld [tilespmem:s12+$0x3120]  }
0x1c8: {  	v44 =	vld [tilespmem:s12+$0x3130]  }
0x1c9: {  	v45 =	vld [tilespmem:s12+$0x3140]  }
0x1ca: {  	v21 =	vsub.f32 v41, v21;
	v41 =	vld [tilespmem:s12+$0x3150]  }
0x1cb: {  	v22 =	vsub.f32 v42, v22;
	v42 =	vld [tilespmem:s12+$0x3160]  }
0x1cc: {  	[tilespmem:s12+$0x3100] =	vst v21;
	v21 =	vsub.f32 v43, v23;
	v23 =	vld [tilespmem:s12+$0x3170]  }
0x1cd: {  	[tilespmem:s12+$0x3110] =	vst v22;
	v22 =	vsub.f32 v44, v24;
	v24 =	vld [tilespmem:s12+$0x3180]  }
0x1ce: {  	[tilespmem:s12+$0x3120] =	vst v21;
	v21 =	vsub.f32 v45, v25;
	v25 =	vld [tilespmem:s12+$0x3190]  }
0x1cf: {  	[tilespmem:s12+$0x3130] =	vst v22;
	v22 =	vsub.f32 v41, v26;
	v26 =	vld [tilespmem:s12+$0x31A0]  }
0x1d0: {  	[tilespmem:s12+$0x3140] =	vst v21;
	v21 =	vsub.f32 v42, v27;
	v27 =	vld [tilespmem:s12+$0x31B0]  }
0x1d1: {  	[tilespmem:s12+$0x3150] =	vst v22;
	v22 =	vsub.f32 v23, v28;
	v23 =	vld [tilespmem:s12+$0x31C0]  }
0x1d2: {  	[tilespmem:s12+$0x3160] =	vst v21;
	v21 =	vsub.f32 v24, v29;
	v24 =	vld [tilespmem:s12+$0x31D0]  }
0x1d3: {  	[tilespmem:s12+$0x3170] =	vst v22;
	v22 =	vsub.f32 v25, v30;
	v25 =	vld [tilespmem:s12+$0x31E0]  }
0x1d4: {  	[tilespmem:s12+$0x3180] =	vst v21;
	v21 =	vsub.f32 v26, v31;
	v26 =	vld [tilespmem:s12+$0x31F0]  }
0x1d5: {  	[tilespmem:s12+$0x3190] =	vst v22;
	v22 =	vsub.f32 v27, v32;
	v27 =	vld [tilespmem:s12+$0x3200]  }
0x1d6: {  	[tilespmem:s12+$0x31A0] =	vst v21;
	v21 =	vsub.f32 v23, v33;
	v23 =	vld [tilespmem:s12+$0x3210]  }
0x1d7: {  	[tilespmem:s12+$0x31B0] =	vst v22;
	v22 =	vsub.f32 v24, v34;
	v24 =	vld [tilespmem:s12+$0x3220]  }
0x1d8: {  	[tilespmem:s12+$0x31C0] =	vst v21;
	v21 =	vsub.f32 v25, v35;
	v25 =	vld [tilespmem:s12+$0x3230]  }
0x1d9: {  	[tilespmem:s12+$0x31D0] =	vst v22;
	v22 =	vsub.f32 v26, v36;
	v26 =	vld [tilespmem:s12+$0x3240]  }
0x1da: {  	[tilespmem:s12+$0x31E0] =	vst v21;
	v21 =	vsub.f32 v27, v37;
	v27 =	vld [tilespmem:s12+$0x3250]  }
0x1db: {  	[tilespmem:s12+$0x31F0] =	vst v22;
	v22 =	vsub.f32 v23, v38;
	v23 =	vld [tilespmem:s12+$0x3260]  }
0x1dc: {  	[tilespmem:s12+$0x3200] =	vst v21;
	v21 =	vsub.f32 v24, v39;
	v24 =	vld [tilespmem:s12+$0x3270]  }
0x1dd: {  	[tilespmem:s12+$0x3210] =	vst v22;
	v22 =	vsub.f32 v25, v40;
	v25 =	vld [tilespmem:s12+$0x3280]  }
0x1de: {  	[tilespmem:s12+$0x3220] =	vst v21;
	v20 =	vsub.f32 v26, v20;
	v21 =	vld [tilespmem:s12+$0x3290]  }
0x1df: {  	[tilespmem:s12+$0x3230] =	vst v22;
	v19 =	vsub.f32 v27, v19;
	v22 =	vld [tilespmem:s12+$0x32A0]  }
0x1e0: {  	[tilespmem:s12+$0x3240] =	vst v20;
	v18 =	vsub.f32 v23, v18;
	v20 =	vld [tilespmem:s12+$0x32B0]  }
0x1e1: {  	[tilespmem:s12+$0x3250] =	vst v19;
	v17 =	vsub.f32 v24, v17;
	v19 =	vld [tilespmem:s12+$0x32C0]  }
0x1e2: {  	[tilespmem:s12+$0x3260] =	vst v18;
	v16 =	vsub.f32 v25, v16;
	v18 =	vld [tilespmem:s12+$0x32D0]  }
0x1e3: {  	[tilespmem:s12+$0x3270] =	vst v17;
	v15 =	vsub.f32 v21, v15;
	v17 =	vld [tilespmem:s12+$0x32E0]  }
0x1e4: {  	[tilespmem:s12+$0x3280] =	vst v16;
	v14 =	vsub.f32 v22, v14;
	v16 =	vld [tilespmem:s12+$0x32F0]  }
0x1e5: {  	[tilespmem:s12+$0x3290] =	vst v15;
	v13 =	vsub.f32 v20, v13;
	v15 =	vld [tilespmem:s12+$0x3300]  }
0x1e6: {  	[tilespmem:s12+$0x32A0] =	vst v14;
	v12 =	vsub.f32 v19, v12;
	v14 =	vld [tilespmem:s12+$0x3310]  }
.Ltmp9:
0x1e7: {  	[tilespmem:s12+$0x32B0] =	vst v13;
	v13 =	vsub.f32 v18, v11;
	v11 =	vld [tilespmem:s12+$0x3320];
	(pc) =	sbr.rel @!p1 .LBB2_9-.Ltmp9, $4  }
0x1e8: {  	[tilespmem:s12+$0x32C0] =	vst v12;
	v12 =	vsub.f32 v17, v10;
	v10 =	vld [tilespmem:s12+$0x3330]  }
0x1e9: {  	[tilespmem:s12+$0x32D0] =	vst v13;
	v16 =	vsub.f32 v16, v9;
	v9 =	vld [tilespmem:s12+$0x3340]  }
0x1ea: {  	[tilespmem:s12+$0x32E0] =	vst v12;
	v13 =	vsub.f32 v15, v8;
	v8 =	vld [tilespmem:s12+$0x3350]  }
0x1eb: {  	s13 =	sadd.s32 $0xA00, s13;
	[tilespmem:s12+$0x32F0] =	vst v16;
	v12 =	vsub.f32 v14, v7;
	v7 =	vld [tilespmem:s12+$0x3360]  }
0x1ec: {  	[tilespmem:s12+$0x3300] =	vst v13;
	v6 =	vsub.f32 v11, v6;
	v63 =	vld [tilespmem:s12+$0x3370]  }
0x1ed: {  	[tilespmem:s12+$0x3310] =	vst v12;
	v5 =	vsub.f32 v10, v5  }
0x1ee: {  	[tilespmem:s12+$0x3320] =	vst v6;
	v4 =	vsub.f32 v9, v4  }
.Ltmp10:
0x1ef: {  	[tilespmem:s12+$0x3330] =	vst v5;
	v3 =	vsub.f32 v8, v3;
	(pc) =	sbr.rel .LBB2_16-.Ltmp10, $4  }
0x1f0: {  	[tilespmem:s12+$0x3340] =	vst v4;
	v2 =	vsub.f32 v7, v2  }
0x1f1: {  	[tilespmem:s12+$0x3350] =	vst v3;
	v1 =	vsub.f32 v63, v1  }
0x1f2: {  	[tilespmem:s12+$0x3360] =	vst v2  }
0x1f3: {  	[tilespmem:s12+$0x3370] =	vst v1  }
.LBB2_11:
0x1f4: {  	s12 =	simm.s32 $0x0  }
0x1f5: {  	v7 =	vld [tilespmem:s12+$0x8000]  }
0x1f6: {  	v8 =	vld [tilespmem:s12+$0x8010]  }
0x1f7: {  	v9 =	vld [tilespmem:s12+$0x8020]  }
0x1f8: {  	v10 =	vld [tilespmem:s12+$0x8030]  }
0x1f9: {  	v11 =	vld [tilespmem:s12+$0x8040]  }
0x1fa: {  	v12 =	vld [tilespmem:s12+$0x8050]  }
0x1fb: {  	v13 =	vld [tilespmem:s12+$0x8060]  }
0x1fc: {  	v14 =	vld [tilespmem:s12+$0x8070]  }
0x1fd: {  	v15 =	vld [tilespmem:s12+$0x8080]  }
0x1fe: {  	v16 =	vld [tilespmem:s12+$0x8090]  }
0x1ff: {  	v17 =	vld [tilespmem:s12+$0x80A0]  }
0x200: {  	v18 =	vld [tilespmem:s12+$0x80B0]  }
0x201: {  	v19 =	vld [tilespmem:s12+$0x80C0]  }
0x202: {  	v20 =	vld [tilespmem:s12+$0x80D0]  }
0x203: {  	v21 =	vld [tilespmem:s12+$0x80E0]  }
0x204: {  	v22 =	vld [tilespmem:s12+$0x80F0]  }
0x205: {  	v23 =	vld [tilespmem:s12+$0x8100]  }
0x206: {  	v24 =	vld [tilespmem:s12+$0x8110]  }
0x207: {  	v25 =	vld [tilespmem:s12+$0x8120]  }
0x208: {  	v26 =	vld [tilespmem:s12+$0x8130]  }
0x209: {  	v27 =	vld [tilespmem:s12+$0x8140]  }
0x20a: {  	v28 =	vld [tilespmem:s12+$0x8150]  }
0x20b: {  	v29 =	vld [tilespmem:s12+$0x8160]  }
0x20c: {  	v30 =	vld [tilespmem:s12+$0x8170]  }
0x20d: {  	v31 =	vld [tilespmem:s12+$0x8180]  }
0x20e: {  	v32 =	vld [tilespmem:s12+$0x8190]  }
0x20f: {  	v33 =	vld [tilespmem:s12+$0x81A0]  }
0x210: {  	v34 =	vld [tilespmem:s12+$0x81B0]  }
0x211: {  	v35 =	vld [tilespmem:s12+$0x81C0]  }
0x212: {  	v36 =	vld [tilespmem:s12+$0x81D0]  }
0x213: {  	v37 =	vld [tilespmem:s12+$0x81E0]  }
0x214: {  	v38 =	vld [tilespmem:s12+$0x81F0]  }
0x215: {  	v39 =	vld [tilespmem:s12+$0x8200]  }
0x216: {  	v40 =	vld [tilespmem:s12+$0x8210]  }
0x217: {  	v6 =	vld [tilespmem:s12+$0x8220]  }
0x218: {  	v5 =	vld [tilespmem:s12+$0x8230]  }
0x219: {  	v4 =	vld [tilespmem:s12+$0x8240]  }
0x21a: {  	v3 =	vld [tilespmem:s12+$0x8250]  }
0x21b: {  	v2 =	vld [tilespmem:s12+$0x8260]  }
0x21c: {  	v1 =	vld [tilespmem:s12+$0x8270]  }
0x21d: {  	v41 =	vld [tilespmem:s12+$0x4C00]  }
0x21e: {  	v42 =	vld [tilespmem:s12+$0x4C10]  }
0x21f: {  	v43 =	vld [tilespmem:s12+$0x4C20]  }
0x220: {  	v44 =	vld [tilespmem:s12+$0x4C30]  }
0x221: {  	v45 =	vld [tilespmem:s12+$0x4C40]  }
0x222: {  	v63 =	vld [tilespmem:s12+$0x4C50];
	v7 =	vsub.f32 v41, v7  }
0x223: {  	v46 =	vld [tilespmem:s12+$0x4C60];
	v8 =	vsub.f32 v42, v8  }
0x224: {  	v9 =	vsub.f32 v43, v9;
	[tilespmem:s12+$0x4C00] =	vst v7;
	v7 =	vld [tilespmem:s12+$0x4C70]  }
0x225: {  	v10 =	vsub.f32 v44, v10;
	[tilespmem:s12+$0x4C10] =	vst v8;
	v8 =	vld [tilespmem:s12+$0x4C80]  }
0x226: {  	v11 =	vsub.f32 v45, v11;
	[tilespmem:s12+$0x4C20] =	vst v9;
	v9 =	vld [tilespmem:s12+$0x4C90]  }
0x227: {  	v12 =	vsub.f32 v63, v12;
	[tilespmem:s12+$0x4C30] =	vst v10;
	v10 =	vld [tilespmem:s12+$0x4CA0]  }
0x228: {  	v13 =	vsub.f32 v46, v13;
	[tilespmem:s12+$0x4C40] =	vst v11;
	v11 =	vld [tilespmem:s12+$0x4CB0]  }
0x229: {  	[tilespmem:s12+$0x4C50] =	vst v12;
	v12 =	vld [tilespmem:s12+$0x4CC0];
	v7 =	vsub.f32 v7, v14  }
0x22a: {  	[tilespmem:s12+$0x4C60] =	vst v13;
	v13 =	vld [tilespmem:s12+$0x4CD0];
	v8 =	vsub.f32 v8, v15  }
0x22b: {  	v9 =	vsub.f32 v9, v16;
	[tilespmem:s12+$0x4C70] =	vst v7;
	v7 =	vld [tilespmem:s12+$0x4CE0]  }
0x22c: {  	v10 =	vsub.f32 v10, v17;
	[tilespmem:s12+$0x4C80] =	vst v8;
	v8 =	vld [tilespmem:s12+$0x4CF0]  }
0x22d: {  	v11 =	vsub.f32 v11, v18;
	[tilespmem:s12+$0x4C90] =	vst v9;
	v9 =	vld [tilespmem:s12+$0x4D00]  }
0x22e: {  	v12 =	vsub.f32 v12, v19;
	[tilespmem:s12+$0x4CA0] =	vst v10;
	v10 =	vld [tilespmem:s12+$0x4D10]  }
0x22f: {  	v13 =	vsub.f32 v13, v20;
	[tilespmem:s12+$0x4CB0] =	vst v11;
	v11 =	vld [tilespmem:s12+$0x4D20]  }
0x230: {  	[tilespmem:s12+$0x4CC0] =	vst v12;
	v12 =	vld [tilespmem:s12+$0x4D30];
	v7 =	vsub.f32 v7, v21  }
0x231: {  	[tilespmem:s12+$0x4CD0] =	vst v13;
	v13 =	vld [tilespmem:s12+$0x4D40];
	v8 =	vsub.f32 v8, v22  }
0x232: {  	v9 =	vsub.f32 v9, v23;
	[tilespmem:s12+$0x4CE0] =	vst v7;
	v7 =	vld [tilespmem:s12+$0x4D50]  }
0x233: {  	v10 =	vsub.f32 v10, v24;
	[tilespmem:s12+$0x4CF0] =	vst v8;
	v8 =	vld [tilespmem:s12+$0x4D60]  }
0x234: {  	v11 =	vsub.f32 v11, v25;
	[tilespmem:s12+$0x4D00] =	vst v9;
	v9 =	vld [tilespmem:s12+$0x4D70]  }
0x235: {  	v12 =	vsub.f32 v12, v26;
	[tilespmem:s12+$0x4D10] =	vst v10;
	v10 =	vld [tilespmem:s12+$0x4D80]  }
0x236: {  	v13 =	vsub.f32 v13, v27;
	[tilespmem:s12+$0x4D20] =	vst v11;
	v11 =	vld [tilespmem:s12+$0x4D90]  }
0x237: {  	[tilespmem:s12+$0x4D30] =	vst v12;
	v12 =	vld [tilespmem:s12+$0x4DA0];
	v7 =	vsub.f32 v7, v28  }
0x238: {  	[tilespmem:s12+$0x4D40] =	vst v13;
	v13 =	vld [tilespmem:s12+$0x4DB0];
	v8 =	vsub.f32 v8, v29  }
0x239: {  	v14 =	vld [tilespmem:s12+$0x4DF0];
	v9 =	vsub.f32 v9, v30;
	[tilespmem:s12+$0x4D50] =	vst v7  }
0x23a: {  	v10 =	vsub.f32 v10, v31;
	v7 =	vld [tilespmem:s12+$0x4DC0];
	[tilespmem:s12+$0x4D60] =	vst v8  }
0x23b: {  	v11 =	vsub.f32 v11, v32;
	v8 =	vld [tilespmem:s12+$0x4DD0];
	[tilespmem:s12+$0x4D70] =	vst v9  }
0x23c: {  	v9 =	vld [tilespmem:s12+$0x4DE0];
	[tilespmem:s12+$0x4D80] =	vst v10;
	v10 =	vsub.f32 v12, v33  }
0x23d: {  	[tilespmem:s12+$0x4D90] =	vst v11;
	v12 =	vld [tilespmem:s12+$0x4E00];
	v11 =	vsub.f32 v13, v34  }
0x23e: {  	v15 =	vld [tilespmem:s12+$0x4E10];
	v13 =	vsub.f32 v14, v38;
	[tilespmem:s12+$0x4DA0] =	vst v10  }
0x23f: {  	[tilespmem:s12+$0x4DB0] =	vst v11;
	v11 =	vld [tilespmem:s12+$0x4E20];
	v7 =	vsub.f32 v7, v35  }
0x240: {  	v10 =	vld [tilespmem:s12+$0x4E30];
	[tilespmem:s12+$0x4DF0] =	vst v13;
	v8 =	vsub.f32 v8, v36  }
0x241: {  	[tilespmem:s12+$0x4DC0] =	vst v7;
	v7 =	vsub.f32 v9, v37;
	v9 =	vld [tilespmem:s12+$0x4E40]  }
0x242: {  	v13 =	vsub.f32 v12, v39;
	[tilespmem:s12+$0x4DD0] =	vst v8;
	v8 =	vld [tilespmem:s12+$0x4E50]  }
0x243: {  	s13 =	simm.s32 $0xA00;
	v12 =	vsub.f32 v15, v40;
	[tilespmem:s12+$0x4DE0] =	vst v7;
	v7 =	vld [tilespmem:s12+$0x4E60]  }
.LBB2_12:
0x244: {  	s14 =	sshra.s32 s13, $0x2;
	p1 =	seq.s32 s13, $0x5A00;
	[tilespmem:s12+$0x4E00] =	vst v13;
	v6 =	vsub.f32 v11, v6;
	v11 =	vld [tilespmem:s12+$0x4E70]  }
0x245: {  	v21 =	vld [tilespmem:s14+$0x8000];
	[tilespmem:s12+$0x4E10] =	vst v12;
	v5 =	vsub.f32 v10, v5  }
0x246: {  	v22 =	vld [tilespmem:s14+$0x8010];
	[tilespmem:s12+$0x4E20] =	vst v6;
	v4 =	vsub.f32 v9, v4  }
0x247: {  	v23 =	vld [tilespmem:s14+$0x8020];
	[tilespmem:s12+$0x4E30] =	vst v5;
	v3 =	vsub.f32 v8, v3  }
0x248: {  	v24 =	vld [tilespmem:s14+$0x8030];
	[tilespmem:s12+$0x4E40] =	vst v4;
	v2 =	vsub.f32 v7, v2  }
0x249: {  	v25 =	vld [tilespmem:s14+$0x8040];
	[tilespmem:s12+$0x4E50] =	vst v3;
	v1 =	vsub.f32 v11, v1  }
0x24a: {  	v26 =	vld [tilespmem:s14+$0x8050];
	[tilespmem:s12+$0x4E60] =	vst v2  }
0x24b: {  	v27 =	vld [tilespmem:s14+$0x8060];
	[tilespmem:s12+$0x4E70] =	vst v1;
	s12 =	smov.u32 s14  }
0x24c: {  	v28 =	vld [tilespmem:s12+$0x8070]  }
0x24d: {  	v29 =	vld [tilespmem:s12+$0x8080]  }
0x24e: {  	v30 =	vld [tilespmem:s12+$0x8090]  }
0x24f: {  	v31 =	vld [tilespmem:s12+$0x80A0]  }
0x250: {  	v32 =	vld [tilespmem:s12+$0x80B0]  }
0x251: {  	v33 =	vld [tilespmem:s12+$0x80C0]  }
0x252: {  	v34 =	vld [tilespmem:s12+$0x80D0]  }
0x253: {  	v35 =	vld [tilespmem:s12+$0x80E0]  }
0x254: {  	v36 =	vld [tilespmem:s12+$0x80F0]  }
0x255: {  	v37 =	vld [tilespmem:s12+$0x8100]  }
0x256: {  	v38 =	vld [tilespmem:s12+$0x8110]  }
0x257: {  	v39 =	vld [tilespmem:s12+$0x8120]  }
0x258: {  	v40 =	vld [tilespmem:s12+$0x8130]  }
0x259: {  	v20 =	vld [tilespmem:s12+$0x8140]  }
0x25a: {  	v19 =	vld [tilespmem:s12+$0x8150]  }
0x25b: {  	v18 =	vld [tilespmem:s12+$0x8160]  }
0x25c: {  	v17 =	vld [tilespmem:s12+$0x8170]  }
0x25d: {  	v16 =	vld [tilespmem:s12+$0x8180]  }
0x25e: {  	v15 =	vld [tilespmem:s12+$0x8190]  }
0x25f: {  	v14 =	vld [tilespmem:s12+$0x81A0]  }
0x260: {  	v13 =	vld [tilespmem:s12+$0x81B0]  }
0x261: {  	v12 =	vld [tilespmem:s12+$0x81C0]  }
0x262: {  	v11 =	vld [tilespmem:s12+$0x81D0]  }
0x263: {  	v10 =	vld [tilespmem:s12+$0x81E0]  }
0x264: {  	v9 =	vld [tilespmem:s12+$0x81F0]  }
0x265: {  	v8 =	vld [tilespmem:s12+$0x8200]  }
0x266: {  	v7 =	vld [tilespmem:s12+$0x8210]  }
0x267: {  	v6 =	vld [tilespmem:s12+$0x8220]  }
0x268: {  	v5 =	vld [tilespmem:s12+$0x8230]  }
0x269: {  	v4 =	vld [tilespmem:s12+$0x8240]  }
0x26a: {  	v3 =	vld [tilespmem:s12+$0x8250]  }
0x26b: {  	v2 =	vld [tilespmem:s12+$0x8260]  }
0x26c: {  	v1 =	vld [tilespmem:s12+$0x8270]  }
0x26d: {  	v41 =	vld [tilespmem:s12+$0x4C00]  }
0x26e: {  	v42 =	vld [tilespmem:s12+$0x4C10]  }
0x26f: {  	v43 =	vld [tilespmem:s12+$0x4C20]  }
0x270: {  	v44 =	vld [tilespmem:s12+$0x4C30]  }
0x271: {  	v45 =	vld [tilespmem:s12+$0x4C40]  }
0x272: {  	v21 =	vsub.f32 v41, v21;
	v41 =	vld [tilespmem:s12+$0x4C50]  }
0x273: {  	v22 =	vsub.f32 v42, v22;
	v42 =	vld [tilespmem:s12+$0x4C60]  }
0x274: {  	[tilespmem:s12+$0x4C00] =	vst v21;
	v21 =	vsub.f32 v43, v23;
	v23 =	vld [tilespmem:s12+$0x4C70]  }
0x275: {  	[tilespmem:s12+$0x4C10] =	vst v22;
	v22 =	vsub.f32 v44, v24;
	v24 =	vld [tilespmem:s12+$0x4C80]  }
0x276: {  	[tilespmem:s12+$0x4C20] =	vst v21;
	v21 =	vsub.f32 v45, v25;
	v25 =	vld [tilespmem:s12+$0x4C90]  }
0x277: {  	[tilespmem:s12+$0x4C30] =	vst v22;
	v22 =	vsub.f32 v41, v26;
	v26 =	vld [tilespmem:s12+$0x4CA0]  }
0x278: {  	[tilespmem:s12+$0x4C40] =	vst v21;
	v21 =	vsub.f32 v42, v27;
	v27 =	vld [tilespmem:s12+$0x4CB0]  }
0x279: {  	[tilespmem:s12+$0x4C50] =	vst v22;
	v22 =	vsub.f32 v23, v28;
	v23 =	vld [tilespmem:s12+$0x4CC0]  }
0x27a: {  	[tilespmem:s12+$0x4C60] =	vst v21;
	v21 =	vsub.f32 v24, v29;
	v24 =	vld [tilespmem:s12+$0x4CD0]  }
0x27b: {  	[tilespmem:s12+$0x4C70] =	vst v22;
	v22 =	vsub.f32 v25, v30;
	v25 =	vld [tilespmem:s12+$0x4CE0]  }
0x27c: {  	[tilespmem:s12+$0x4C80] =	vst v21;
	v21 =	vsub.f32 v26, v31;
	v26 =	vld [tilespmem:s12+$0x4CF0]  }
0x27d: {  	[tilespmem:s12+$0x4C90] =	vst v22;
	v22 =	vsub.f32 v27, v32;
	v27 =	vld [tilespmem:s12+$0x4D00]  }
0x27e: {  	[tilespmem:s12+$0x4CA0] =	vst v21;
	v21 =	vsub.f32 v23, v33;
	v23 =	vld [tilespmem:s12+$0x4D10]  }
0x27f: {  	[tilespmem:s12+$0x4CB0] =	vst v22;
	v22 =	vsub.f32 v24, v34;
	v24 =	vld [tilespmem:s12+$0x4D20]  }
0x280: {  	[tilespmem:s12+$0x4CC0] =	vst v21;
	v21 =	vsub.f32 v25, v35;
	v25 =	vld [tilespmem:s12+$0x4D30]  }
0x281: {  	[tilespmem:s12+$0x4CD0] =	vst v22;
	v22 =	vsub.f32 v26, v36;
	v26 =	vld [tilespmem:s12+$0x4D40]  }
0x282: {  	[tilespmem:s12+$0x4CE0] =	vst v21;
	v21 =	vsub.f32 v27, v37;
	v27 =	vld [tilespmem:s12+$0x4D50]  }
0x283: {  	[tilespmem:s12+$0x4CF0] =	vst v22;
	v22 =	vsub.f32 v23, v38;
	v23 =	vld [tilespmem:s12+$0x4D60]  }
0x284: {  	[tilespmem:s12+$0x4D00] =	vst v21;
	v21 =	vsub.f32 v24, v39;
	v24 =	vld [tilespmem:s12+$0x4D70]  }
0x285: {  	[tilespmem:s12+$0x4D10] =	vst v22;
	v22 =	vsub.f32 v25, v40;
	v25 =	vld [tilespmem:s12+$0x4D80]  }
0x286: {  	[tilespmem:s12+$0x4D20] =	vst v21;
	v20 =	vsub.f32 v26, v20;
	v21 =	vld [tilespmem:s12+$0x4D90]  }
0x287: {  	[tilespmem:s12+$0x4D30] =	vst v22;
	v19 =	vsub.f32 v27, v19;
	v22 =	vld [tilespmem:s12+$0x4DA0]  }
0x288: {  	[tilespmem:s12+$0x4D40] =	vst v20;
	v18 =	vsub.f32 v23, v18;
	v20 =	vld [tilespmem:s12+$0x4DB0]  }
0x289: {  	[tilespmem:s12+$0x4D50] =	vst v19;
	v17 =	vsub.f32 v24, v17;
	v19 =	vld [tilespmem:s12+$0x4DC0]  }
0x28a: {  	[tilespmem:s12+$0x4D60] =	vst v18;
	v16 =	vsub.f32 v25, v16;
	v18 =	vld [tilespmem:s12+$0x4DD0]  }
0x28b: {  	[tilespmem:s12+$0x4D70] =	vst v17;
	v15 =	vsub.f32 v21, v15;
	v17 =	vld [tilespmem:s12+$0x4DE0]  }
0x28c: {  	[tilespmem:s12+$0x4D80] =	vst v16;
	v14 =	vsub.f32 v22, v14;
	v16 =	vld [tilespmem:s12+$0x4DF0]  }
0x28d: {  	[tilespmem:s12+$0x4D90] =	vst v15;
	v13 =	vsub.f32 v20, v13;
	v15 =	vld [tilespmem:s12+$0x4E00]  }
0x28e: {  	[tilespmem:s12+$0x4DA0] =	vst v14;
	v12 =	vsub.f32 v19, v12;
	v14 =	vld [tilespmem:s12+$0x4E10]  }
.Ltmp11:
0x28f: {  	[tilespmem:s12+$0x4DB0] =	vst v13;
	v13 =	vsub.f32 v18, v11;
	v11 =	vld [tilespmem:s12+$0x4E20];
	(pc) =	sbr.rel @!p1 .LBB2_12-.Ltmp11, $4  }
0x290: {  	[tilespmem:s12+$0x4DC0] =	vst v12;
	v12 =	vsub.f32 v17, v10;
	v10 =	vld [tilespmem:s12+$0x4E30]  }
0x291: {  	[tilespmem:s12+$0x4DD0] =	vst v13;
	v16 =	vsub.f32 v16, v9;
	v9 =	vld [tilespmem:s12+$0x4E40]  }
0x292: {  	[tilespmem:s12+$0x4DE0] =	vst v12;
	v13 =	vsub.f32 v15, v8;
	v8 =	vld [tilespmem:s12+$0x4E50]  }
0x293: {  	s13 =	sadd.s32 $0xA00, s13;
	[tilespmem:s12+$0x4DF0] =	vst v16;
	v12 =	vsub.f32 v14, v7;
	v7 =	vld [tilespmem:s12+$0x4E60]  }
0x294: {  	[tilespmem:s12+$0x4E00] =	vst v13;
	v6 =	vsub.f32 v11, v6;
	v11 =	vld [tilespmem:s12+$0x4E70]  }
0x295: {  	[tilespmem:s12+$0x4E10] =	vst v12;
	v5 =	vsub.f32 v10, v5  }
0x296: {  	[tilespmem:s12+$0x4E20] =	vst v6;
	v4 =	vsub.f32 v9, v4  }
0x297: {  	[tilespmem:s12+$0x4E30] =	vst v5;
	v3 =	vsub.f32 v8, v3  }
0x298: {  	[tilespmem:s12+$0x4E40] =	vst v4;
	v2 =	vsub.f32 v7, v2  }
0x299: {  	[tilespmem:s12+$0x4E50] =	vst v3;
	v1 =	vsub.f32 v11, v1  }
0x29a: {  	[tilespmem:s12+$0x4E60] =	vst v2  }
0x29b: {  	[tilespmem:s12+$0x4E70] =	vst v1  }
0x29c: {  	_ =	swait.ge [sflag:s10], $0x1900  }
0x29d: {  	[sflag:s10] =	ssyncset.done $0x0  }
0x29e: {  	s12 =	simm.s32 $0x0;
	[sflag:s10] =	ssyncadd.s32 $0xFFFFE700  }
0x29f: {  	v7 =	vld [tilespmem:s12+$0x9C00]  }
0x2a0: {  	v8 =	vld [tilespmem:s12+$0x9C10]  }
0x2a1: {  	v9 =	vld [tilespmem:s12+$0x9C20]  }
0x2a2: {  	v10 =	vld [tilespmem:s12+$0x9C30]  }
0x2a3: {  	v11 =	vld [tilespmem:s12+$0x9C40]  }
0x2a4: {  	v12 =	vld [tilespmem:s12+$0x9C50]  }
0x2a5: {  	v13 =	vld [tilespmem:s12+$0x9C60]  }
0x2a6: {  	v14 =	vld [tilespmem:s12+$0x9C70]  }
0x2a7: {  	v15 =	vld [tilespmem:s12+$0x9C80]  }
0x2a8: {  	v16 =	vld [tilespmem:s12+$0x9C90]  }
0x2a9: {  	v17 =	vld [tilespmem:s12+$0x9CA0]  }
0x2aa: {  	v18 =	vld [tilespmem:s12+$0x9CB0]  }
0x2ab: {  	v19 =	vld [tilespmem:s12+$0x9CC0]  }
0x2ac: {  	v20 =	vld [tilespmem:s12+$0x9CD0]  }
0x2ad: {  	v21 =	vld [tilespmem:s12+$0x9CE0]  }
0x2ae: {  	v22 =	vld [tilespmem:s12+$0x9CF0]  }
0x2af: {  	v23 =	vld [tilespmem:s12+$0x9D00]  }
0x2b0: {  	v24 =	vld [tilespmem:s12+$0x9D10]  }
0x2b1: {  	v25 =	vld [tilespmem:s12+$0x9D20]  }
0x2b2: {  	v26 =	vld [tilespmem:s12+$0x9D30]  }
0x2b3: {  	v27 =	vld [tilespmem:s12+$0x9D40]  }
0x2b4: {  	v28 =	vld [tilespmem:s12+$0x9D50]  }
0x2b5: {  	v29 =	vld [tilespmem:s12+$0x9D60]  }
0x2b6: {  	v30 =	vld [tilespmem:s12+$0x9D70]  }
0x2b7: {  	v31 =	vld [tilespmem:s12+$0x9D80]  }
0x2b8: {  	v32 =	vld [tilespmem:s12+$0x9D90]  }
0x2b9: {  	v33 =	vld [tilespmem:s12+$0x9DA0]  }
0x2ba: {  	v34 =	vld [tilespmem:s12+$0x9DB0]  }
0x2bb: {  	v35 =	vld [tilespmem:s12+$0x9DC0]  }
0x2bc: {  	v36 =	vld [tilespmem:s12+$0x9DD0]  }
0x2bd: {  	v37 =	vld [tilespmem:s12+$0x9DE0]  }
0x2be: {  	v38 =	vld [tilespmem:s12+$0x9DF0]  }
0x2bf: {  	v39 =	vld [tilespmem:s12+$0x9E00]  }
0x2c0: {  	v40 =	vld [tilespmem:s12+$0x9E10]  }
0x2c1: {  	v6 =	vld [tilespmem:s12+$0x9E20]  }
0x2c2: {  	v5 =	vld [tilespmem:s12+$0x9E30]  }
0x2c3: {  	v4 =	vld [tilespmem:s12+$0x9E40]  }
0x2c4: {  	v3 =	vld [tilespmem:s12+$0x9E50]  }
0x2c5: {  	v2 =	vld [tilespmem:s12+$0x9E60]  }
0x2c6: {  	v1 =	vld [tilespmem:s12+$0x9E70]  }
0x2c7: {  	v41 =	vld [tilespmem:s12+$0x6500]  }
0x2c8: {  	v42 =	vld [tilespmem:s12+$0x6510]  }
0x2c9: {  	v43 =	vld [tilespmem:s12+$0x6520]  }
0x2ca: {  	v44 =	vld [tilespmem:s12+$0x6530]  }
0x2cb: {  	v45 =	vld [tilespmem:s12+$0x6540]  }
0x2cc: {  	v63 =	vld [tilespmem:s12+$0x6550];
	v7 =	vsub.f32 v41, v7  }
0x2cd: {  	v46 =	vld [tilespmem:s12+$0x6560];
	v8 =	vsub.f32 v42, v8  }
0x2ce: {  	v9 =	vsub.f32 v43, v9;
	[tilespmem:s12+$0x6500] =	vst v7;
	v7 =	vld [tilespmem:s12+$0x6570]  }
0x2cf: {  	v10 =	vsub.f32 v44, v10;
	[tilespmem:s12+$0x6510] =	vst v8;
	v8 =	vld [tilespmem:s12+$0x6580]  }
0x2d0: {  	v11 =	vsub.f32 v45, v11;
	[tilespmem:s12+$0x6520] =	vst v9;
	v9 =	vld [tilespmem:s12+$0x6590]  }
0x2d1: {  	v12 =	vsub.f32 v63, v12;
	[tilespmem:s12+$0x6530] =	vst v10;
	v10 =	vld [tilespmem:s12+$0x65A0]  }
0x2d2: {  	v13 =	vsub.f32 v46, v13;
	[tilespmem:s12+$0x6540] =	vst v11;
	v11 =	vld [tilespmem:s12+$0x65B0]  }
0x2d3: {  	[tilespmem:s12+$0x6550] =	vst v12;
	v12 =	vld [tilespmem:s12+$0x65C0];
	v7 =	vsub.f32 v7, v14  }
0x2d4: {  	[tilespmem:s12+$0x6560] =	vst v13;
	v13 =	vld [tilespmem:s12+$0x65D0];
	v8 =	vsub.f32 v8, v15  }
0x2d5: {  	v9 =	vsub.f32 v9, v16;
	[tilespmem:s12+$0x6570] =	vst v7;
	v7 =	vld [tilespmem:s12+$0x65E0]  }
0x2d6: {  	v10 =	vsub.f32 v10, v17;
	[tilespmem:s12+$0x6580] =	vst v8;
	v8 =	vld [tilespmem:s12+$0x65F0]  }
0x2d7: {  	v11 =	vsub.f32 v11, v18;
	[tilespmem:s12+$0x6590] =	vst v9;
	v9 =	vld [tilespmem:s12+$0x6600]  }
0x2d8: {  	v12 =	vsub.f32 v12, v19;
	[tilespmem:s12+$0x65A0] =	vst v10;
	v10 =	vld [tilespmem:s12+$0x6610]  }
0x2d9: {  	v13 =	vsub.f32 v13, v20;
	[tilespmem:s12+$0x65B0] =	vst v11;
	v11 =	vld [tilespmem:s12+$0x6620]  }
0x2da: {  	[tilespmem:s12+$0x65C0] =	vst v12;
	v12 =	vld [tilespmem:s12+$0x6630];
	v7 =	vsub.f32 v7, v21  }
0x2db: {  	[tilespmem:s12+$0x65D0] =	vst v13;
	v13 =	vld [tilespmem:s12+$0x6640];
	v8 =	vsub.f32 v8, v22  }
0x2dc: {  	v9 =	vsub.f32 v9, v23;
	[tilespmem:s12+$0x65E0] =	vst v7;
	v7 =	vld [tilespmem:s12+$0x6650]  }
0x2dd: {  	v10 =	vsub.f32 v10, v24;
	[tilespmem:s12+$0x65F0] =	vst v8;
	v8 =	vld [tilespmem:s12+$0x6660]  }
0x2de: {  	v11 =	vsub.f32 v11, v25;
	[tilespmem:s12+$0x6600] =	vst v9;
	v9 =	vld [tilespmem:s12+$0x6670]  }
0x2df: {  	v12 =	vsub.f32 v12, v26;
	[tilespmem:s12+$0x6610] =	vst v10;
	v10 =	vld [tilespmem:s12+$0x6680]  }
0x2e0: {  	v13 =	vsub.f32 v13, v27;
	[tilespmem:s12+$0x6620] =	vst v11;
	v11 =	vld [tilespmem:s12+$0x6690]  }
0x2e1: {  	[tilespmem:s12+$0x6630] =	vst v12;
	v12 =	vld [tilespmem:s12+$0x66A0];
	v7 =	vsub.f32 v7, v28  }
0x2e2: {  	[tilespmem:s12+$0x6640] =	vst v13;
	v13 =	vld [tilespmem:s12+$0x66B0];
	v8 =	vsub.f32 v8, v29  }
0x2e3: {  	v14 =	vld [tilespmem:s12+$0x66F0];
	v9 =	vsub.f32 v9, v30;
	[tilespmem:s12+$0x6650] =	vst v7  }
0x2e4: {  	v10 =	vsub.f32 v10, v31;
	v7 =	vld [tilespmem:s12+$0x66C0];
	[tilespmem:s12+$0x6660] =	vst v8  }
0x2e5: {  	v11 =	vsub.f32 v11, v32;
	v8 =	vld [tilespmem:s12+$0x66D0];
	[tilespmem:s12+$0x6670] =	vst v9  }
0x2e6: {  	v9 =	vld [tilespmem:s12+$0x66E0];
	[tilespmem:s12+$0x6680] =	vst v10;
	v10 =	vsub.f32 v12, v33  }
0x2e7: {  	[tilespmem:s12+$0x6690] =	vst v11;
	v12 =	vld [tilespmem:s12+$0x6700];
	v11 =	vsub.f32 v13, v34  }
0x2e8: {  	v15 =	vld [tilespmem:s12+$0x6710];
	v13 =	vsub.f32 v14, v38;
	[tilespmem:s12+$0x66A0] =	vst v10  }
0x2e9: {  	[tilespmem:s12+$0x66B0] =	vst v11;
	v11 =	vld [tilespmem:s12+$0x6720];
	v7 =	vsub.f32 v7, v35  }
0x2ea: {  	v10 =	vld [tilespmem:s12+$0x6730];
	[tilespmem:s12+$0x66F0] =	vst v13;
	v8 =	vsub.f32 v8, v36  }
0x2eb: {  	[tilespmem:s12+$0x66C0] =	vst v7;
	v7 =	vsub.f32 v9, v37;
	v9 =	vld [tilespmem:s12+$0x6740]  }
0x2ec: {  	v13 =	vsub.f32 v12, v39;
	[tilespmem:s12+$0x66D0] =	vst v8;
	v8 =	vld [tilespmem:s12+$0x6750]  }
0x2ed: {  	s13 =	simm.s32 $0xA00;
	v12 =	vsub.f32 v15, v40;
	[tilespmem:s12+$0x66E0] =	vst v7;
	v7 =	vld [tilespmem:s12+$0x6760]  }
.LBB2_14:
0x2ee: {  	s14 =	sshra.s32 s13, $0x2;
	p1 =	sne.s32 s13, $0x5A00;
	[tilespmem:s12+$0x6700] =	vst v13;
	v6 =	vsub.f32 v11, v6;
	v11 =	vld [tilespmem:s12+$0x6770]  }
0x2ef: {  	v5 =	vsub.f32 v10, v5;
	v21 =	vld [tilespmem:s14+$0x9C00];
	[tilespmem:s12+$0x6710] =	vst v12  }
0x2f0: {  	v4 =	vsub.f32 v9, v4;
	v22 =	vld [tilespmem:s14+$0x9C10];
	[tilespmem:s12+$0x6720] =	vst v6  }
0x2f1: {  	v3 =	vsub.f32 v8, v3;
	v23 =	vld [tilespmem:s14+$0x9C20];
	[tilespmem:s12+$0x6730] =	vst v5  }
0x2f2: {  	v2 =	vsub.f32 v7, v2;
	v24 =	vld [tilespmem:s14+$0x9C30];
	[tilespmem:s12+$0x6740] =	vst v4  }
0x2f3: {  	v25 =	vld [tilespmem:s14+$0x9C40];
	[tilespmem:s12+$0x6750] =	vst v3;
	v1 =	vsub.f32 v11, v1  }
0x2f4: {  	v26 =	vld [tilespmem:s14+$0x9C50];
	[tilespmem:s12+$0x6760] =	vst v2  }
0x2f5: {  	v27 =	vld [tilespmem:s14+$0x9C60];
	[tilespmem:s12+$0x6770] =	vst v1;
	s12 =	smov.u32 s14  }
0x2f6: {  	v28 =	vld [tilespmem:s12+$0x9C70]  }
0x2f7: {  	v29 =	vld [tilespmem:s12+$0x9C80]  }
0x2f8: {  	v30 =	vld [tilespmem:s12+$0x9C90]  }
0x2f9: {  	v31 =	vld [tilespmem:s12+$0x9CA0]  }
0x2fa: {  	v32 =	vld [tilespmem:s12+$0x9CB0]  }
0x2fb: {  	v33 =	vld [tilespmem:s12+$0x9CC0]  }
0x2fc: {  	v34 =	vld [tilespmem:s12+$0x9CD0]  }
0x2fd: {  	v35 =	vld [tilespmem:s12+$0x9CE0]  }
0x2fe: {  	v36 =	vld [tilespmem:s12+$0x9CF0]  }
0x2ff: {  	v37 =	vld [tilespmem:s12+$0x9D00]  }
0x300: {  	v38 =	vld [tilespmem:s12+$0x9D10]  }
0x301: {  	v39 =	vld [tilespmem:s12+$0x9D20]  }
0x302: {  	v40 =	vld [tilespmem:s12+$0x9D30]  }
0x303: {  	v20 =	vld [tilespmem:s12+$0x9D40]  }
0x304: {  	v19 =	vld [tilespmem:s12+$0x9D50]  }
0x305: {  	v18 =	vld [tilespmem:s12+$0x9D60]  }
0x306: {  	v17 =	vld [tilespmem:s12+$0x9D70]  }
0x307: {  	v16 =	vld [tilespmem:s12+$0x9D80]  }
0x308: {  	v15 =	vld [tilespmem:s12+$0x9D90]  }
0x309: {  	v14 =	vld [tilespmem:s12+$0x9DA0]  }
0x30a: {  	v13 =	vld [tilespmem:s12+$0x9DB0]  }
0x30b: {  	v12 =	vld [tilespmem:s12+$0x9DC0]  }
0x30c: {  	v11 =	vld [tilespmem:s12+$0x9DD0]  }
0x30d: {  	v10 =	vld [tilespmem:s12+$0x9DE0]  }
0x30e: {  	v9 =	vld [tilespmem:s12+$0x9DF0]  }
0x30f: {  	v8 =	vld [tilespmem:s12+$0x9E00]  }
0x310: {  	v7 =	vld [tilespmem:s12+$0x9E10]  }
0x311: {  	v6 =	vld [tilespmem:s12+$0x9E20]  }
0x312: {  	v5 =	vld [tilespmem:s12+$0x9E30]  }
0x313: {  	v4 =	vld [tilespmem:s12+$0x9E40]  }
0x314: {  	v3 =	vld [tilespmem:s12+$0x9E50]  }
0x315: {  	v2 =	vld [tilespmem:s12+$0x9E60]  }
0x316: {  	v1 =	vld [tilespmem:s12+$0x9E70]  }
0x317: {  	v41 =	vld [tilespmem:s12+$0x6500]  }
0x318: {  	v42 =	vld [tilespmem:s12+$0x6510]  }
0x319: {  	v43 =	vld [tilespmem:s12+$0x6520]  }
0x31a: {  	v44 =	vld [tilespmem:s12+$0x6530]  }
0x31b: {  	v45 =	vld [tilespmem:s12+$0x6540]  }
0x31c: {  	v21 =	vsub.f32 v41, v21;
	v41 =	vld [tilespmem:s12+$0x6550]  }
0x31d: {  	v22 =	vsub.f32 v42, v22;
	v42 =	vld [tilespmem:s12+$0x6560]  }
0x31e: {  	[tilespmem:s12+$0x6500] =	vst v21;
	v21 =	vsub.f32 v43, v23;
	v23 =	vld [tilespmem:s12+$0x6570]  }
0x31f: {  	[tilespmem:s12+$0x6510] =	vst v22;
	v22 =	vsub.f32 v44, v24;
	v24 =	vld [tilespmem:s12+$0x6580]  }
0x320: {  	[tilespmem:s12+$0x6520] =	vst v21;
	v21 =	vsub.f32 v45, v25;
	v25 =	vld [tilespmem:s12+$0x6590]  }
0x321: {  	[tilespmem:s12+$0x6530] =	vst v22;
	v22 =	vsub.f32 v41, v26;
	v26 =	vld [tilespmem:s12+$0x65A0]  }
0x322: {  	[tilespmem:s12+$0x6540] =	vst v21;
	v21 =	vsub.f32 v42, v27;
	v27 =	vld [tilespmem:s12+$0x65B0]  }
0x323: {  	[tilespmem:s12+$0x6550] =	vst v22;
	v22 =	vsub.f32 v23, v28;
	v23 =	vld [tilespmem:s12+$0x65C0]  }
0x324: {  	[tilespmem:s12+$0x6560] =	vst v21;
	v21 =	vsub.f32 v24, v29;
	v24 =	vld [tilespmem:s12+$0x65D0]  }
0x325: {  	[tilespmem:s12+$0x6570] =	vst v22;
	v22 =	vsub.f32 v25, v30;
	v25 =	vld [tilespmem:s12+$0x65E0]  }
0x326: {  	[tilespmem:s12+$0x6580] =	vst v21;
	v21 =	vsub.f32 v26, v31;
	v26 =	vld [tilespmem:s12+$0x65F0]  }
0x327: {  	[tilespmem:s12+$0x6590] =	vst v22;
	v22 =	vsub.f32 v27, v32;
	v27 =	vld [tilespmem:s12+$0x6600]  }
0x328: {  	[tilespmem:s12+$0x65A0] =	vst v21;
	v21 =	vsub.f32 v23, v33;
	v23 =	vld [tilespmem:s12+$0x6610]  }
0x329: {  	[tilespmem:s12+$0x65B0] =	vst v22;
	v22 =	vsub.f32 v24, v34;
	v24 =	vld [tilespmem:s12+$0x6620]  }
0x32a: {  	[tilespmem:s12+$0x65C0] =	vst v21;
	v21 =	vsub.f32 v25, v35;
	v25 =	vld [tilespmem:s12+$0x6630]  }
0x32b: {  	[tilespmem:s12+$0x65D0] =	vst v22;
	v22 =	vsub.f32 v26, v36;
	v26 =	vld [tilespmem:s12+$0x6640]  }
0x32c: {  	[tilespmem:s12+$0x65E0] =	vst v21;
	v21 =	vsub.f32 v27, v37;
	v27 =	vld [tilespmem:s12+$0x6650]  }
0x32d: {  	[tilespmem:s12+$0x65F0] =	vst v22;
	v22 =	vsub.f32 v23, v38;
	v23 =	vld [tilespmem:s12+$0x6660]  }
0x32e: {  	[tilespmem:s12+$0x6600] =	vst v21;
	v21 =	vsub.f32 v24, v39;
	v24 =	vld [tilespmem:s12+$0x6670]  }
0x32f: {  	[tilespmem:s12+$0x6610] =	vst v22;
	v22 =	vsub.f32 v25, v40;
	v25 =	vld [tilespmem:s12+$0x6680]  }
0x330: {  	[tilespmem:s12+$0x6620] =	vst v21;
	v20 =	vsub.f32 v26, v20;
	v21 =	vld [tilespmem:s12+$0x6690]  }
0x331: {  	[tilespmem:s12+$0x6630] =	vst v22;
	v19 =	vsub.f32 v27, v19;
	v22 =	vld [tilespmem:s12+$0x66A0]  }
0x332: {  	[tilespmem:s12+$0x6640] =	vst v20;
	v18 =	vsub.f32 v23, v18;
	v20 =	vld [tilespmem:s12+$0x66B0]  }
0x333: {  	[tilespmem:s12+$0x6650] =	vst v19;
	v17 =	vsub.f32 v24, v17;
	v19 =	vld [tilespmem:s12+$0x66C0]  }
0x334: {  	[tilespmem:s12+$0x6660] =	vst v18;
	v16 =	vsub.f32 v25, v16;
	v18 =	vld [tilespmem:s12+$0x66D0]  }
0x335: {  	[tilespmem:s12+$0x6670] =	vst v17;
	v15 =	vsub.f32 v21, v15;
	v17 =	vld [tilespmem:s12+$0x66E0]  }
0x336: {  	[tilespmem:s12+$0x6680] =	vst v16;
	v14 =	vsub.f32 v22, v14;
	v16 =	vld [tilespmem:s12+$0x66F0]  }
0x337: {  	[tilespmem:s12+$0x6690] =	vst v15;
	v13 =	vsub.f32 v20, v13;
	v15 =	vld [tilespmem:s12+$0x6700]  }
0x338: {  	[tilespmem:s12+$0x66A0] =	vst v14;
	v12 =	vsub.f32 v19, v12;
	v14 =	vld [tilespmem:s12+$0x6710]  }
.Ltmp12:
0x339: {  	[tilespmem:s12+$0x66B0] =	vst v13;
	v13 =	vsub.f32 v18, v11;
	v11 =	vld [tilespmem:s12+$0x6720];
	(pc) =	sbr.rel @p1 .LBB2_14-.Ltmp12, $4  }
0x33a: {  	[tilespmem:s12+$0x66C0] =	vst v12;
	v12 =	vsub.f32 v17, v10;
	v10 =	vld [tilespmem:s12+$0x6730]  }
0x33b: {  	[tilespmem:s12+$0x66D0] =	vst v13;
	v16 =	vsub.f32 v16, v9;
	v9 =	vld [tilespmem:s12+$0x6740]  }
0x33c: {  	[tilespmem:s12+$0x66E0] =	vst v12;
	v13 =	vsub.f32 v15, v8;
	v8 =	vld [tilespmem:s12+$0x6750]  }
0x33d: {  	s13 =	sadd.s32 $0xA00, s13;
	[tilespmem:s12+$0x66F0] =	vst v16;
	v12 =	vsub.f32 v14, v7;
	v7 =	vld [tilespmem:s12+$0x6760]  }
.Ltmp13:
0x33e: {  	_ = 	snop;
	(pc) =	sbr.rel .LBB2_15-.Ltmp13, $1  }
0x33f: {  	_ =	sdelay $0x3  }
.LBB2_19:
0x340: {  	_ =	sfence.sel $0x180000  }
0x341: {  	[bflag:$0x0] =	sbarrier.arrive $0xFFFF  }
0x342: {  	_ =	strace $0x90000047  }
0x343: {  	s0 =	stileid.u32;
	[bflag:$0x2] =	sbarrier.arrive $0xFFFF  }
0x344: {  	p0 =	sne.s32 s0, $0x0;
	s0 =	rddreg [dreg:$0x6]  }
0x345: {  	s0 =	sadd.s32 @!p0 $0x100000, s0  }
0x346: {  	[sflag:s0] =	ssyncadd.tile.s32 @!p0 $0x1;
	_ =	shalt  }
.Lfunc_end2:
_tile_overlayer_lowered:
.L_overlay_start_2:
0x347: {  	(tag) =	ssettag $0x2  }
0x348: {  	s0 =	rddreg [dreg:$0x0];
	s2 =	stileid.u32  }
0x349: {  	s1 =	rddreg [dreg:$0x1];
	p0 =	sne.s32 s2, $0x0  }
0x34a: {  	s3 =	rddreg [dreg:$0x2];
	[bflag:$0x3] =	sbarrier.arrive $0xFFFF;
	s2 =	simm.s32 @!p0 $0x1C07  }
0x34b: {  	[timem:s3], [sflag:s2] =	dma.local @!p0 [hbm:s0], s1  }
0x34c: {  	s0 =	simm.s32 @!p0 $0x7  }
0x34d: {  	_ =	swait.ge @!p0 [sflag:s0], s1  }
0x34e: {  	s1 =	ssub.s32 @!p0 $0x0, s1;
	[sflag:s0] =	ssyncset.done @!p0 $0x0  }
0x34f: {  	[sflag:s0] =	ssyncadd.s32 @!p0 s1  }
0x350: {  	[bflag:$0x3] =	sbarrier.arrive $0xFFFF  }
0x351: {  	_ =	shalt  }

</sc_bundles>
